<compile_context>
chip_gen: v7x
topology: tpu7x:2x2x1
jax: 0.10.2.dev20260603
libtpu: 0.0.44.dev20260713+nightly
codegen_flags: <defaults>
</compile_context>

<pallas_src>
import functools

import jax
import jax.numpy as jnp
from jax import lax
from jax.experimental import pallas as pl
from jax.experimental.pallas import tpu as pltpu
from jax.experimental.pallas import tpu_sc as plsc

N_NODES = 10000
D = 128
N_INCID = 320000

NR = 10240
DUMMY = N_NODES
NW = 32
K = 128
C0 = 132
C1 = 26
TCH = 16 * (C0 + C1)
NP = TCH * K
RPT = NR // 16

_mesh = plsc.VectorSubcoreMesh(
    core_axis_name="c", subcore_axis_name="s", num_cores=2, num_subcores=16)


def _seg_body(with_counts, *refs):
    if with_counts:
        (x_hbm, hh, zf, zc, ones_hbm,
         part, c0part, c1part,
         idx, r0, r1, ones_v, acc, c0_sh, c1_sh,
         g0s, g1s, s0s, s1s,
         a0, a1, b0_, b1_) = refs
        sem_c0 = (a0, a1)
        sem_c1 = (b0_, b1_)
    else:
        (x_hbm, hh, zf,
         part,
         idx, r0, r1, acc,
         g0s, g1s, s0s, s1s) = refs
    rows = (r0, r1)
    sem_g = (g0s, g1s)
    sem_s = (s0s, s1s)

    cid = lax.axis_index("c")
    sid = lax.axis_index("s")
    row0 = sid * RPT
    start = jnp.where(cid == 0, sid * C0, 16 * C0 + sid * C1)
    cnt = jnp.where(cid == 0, C0, C1)

    pltpu.sync_copy(zf, acc.at[pl.ds(row0, RPT)])
    if with_counts:
        pltpu.sync_copy(zc, c0_sh.at[pl.ds(row0, RPT)])
        pltpu.sync_copy(zc, c1_sh.at[pl.ds(row0, RPT)])
        pltpu.sync_copy(ones_hbm, ones_v)
    plsc.subcore_barrier()

    NB = 2

    def issue(g, b):
        pltpu.sync_copy(hh.at[g], idx.at[b])
        pltpu.async_copy(x_hbm.at[idx.at[b, 0]], rows[b], sem_g[b])

    def drain(b):
        pltpu.make_async_copy(rows[b], acc.at[idx.at[b, 1]],
                              sem_s[b]).wait()
        if with_counts:
            pltpu.make_async_copy(ones_v, c0_sh.at[idx.at[b, 0]],
                                  sem_c0[b]).wait()
            pltpu.make_async_copy(ones_v, c1_sh.at[idx.at[b, 1]],
                                  sem_c1[b]).wait()

    def consume(g, b):
        pltpu.make_async_copy(x_hbm.at[idx.at[b, 0]], rows[b],
                              sem_g[b]).wait()
        pltpu.async_copy(rows[b], acc.at[idx.at[b, 1]], sem_s[b],
                         add=True)
        if with_counts:
            pltpu.async_copy(ones_v, c0_sh.at[idx.at[b, 0]], sem_c0[b],
                             add=True)
            pltpu.async_copy(ones_v, c1_sh.at[idx.at[b, 1]], sem_c1[b],
                             add=True)

    issue(start, 0)
    issue(start + 1, 1)

    def duo(i, carry):
        for b in range(NB):
            g = start + NB * i + b
            consume(g, b)
            gp = g + NB

            @pl.when(gp < start + cnt)
            def _():
                drain(b)
                issue(gp, b)
        return carry

    lax.fori_loop(0, cnt // NB, duo, 0)
    for b in range(NB):
        drain(b)
    plsc.subcore_barrier()

    pltpu.sync_copy(acc.at[pl.ds(row0, RPT)], part.at[cid, pl.ds(row0, RPT)])
    if with_counts:
        pltpu.sync_copy(c0_sh.at[pl.ds(row0, RPT)],
                        c0part.at[cid, pl.ds(row0, RPT)])
        pltpu.sync_copy(c1_sh.at[pl.ds(row0, RPT)],
                        c1part.at[cid, pl.ds(row0, RPT)])


_seg_counts = functools.partial(
    pl.kernel,
    mesh=_mesh,
    out_type=(
        jax.ShapeDtypeStruct((2, NR, D), jnp.float32),
        jax.ShapeDtypeStruct((2, NR), jnp.float32),
        jax.ShapeDtypeStruct((2, NR), jnp.float32),
    ),
    scratch_types=(
        [pltpu.VMEM((2, 2, K), jnp.int32)]
        + [pltpu.VMEM((K, D), jnp.float32)] * 2
        + [pltpu.VMEM((K,), jnp.float32)]
        + [pltpu.VMEM_SHARED((NR, D), jnp.float32),
           pltpu.VMEM_SHARED((NR,), jnp.float32),
           pltpu.VMEM_SHARED((NR,), jnp.float32)]
        + [pltpu.SemaphoreType.DMA] * 8
    ),
)(functools.partial(_seg_body, True))

_seg_nc = functools.partial(
    pl.kernel,
    mesh=_mesh,
    out_type=jax.ShapeDtypeStruct((2, NR, D), jnp.float32),
    scratch_types=(
        [pltpu.VMEM((2, 2, K), jnp.int32)]
        + [pltpu.VMEM((K, D), jnp.float32)] * 2
        + [pltpu.VMEM_SHARED((NR, D), jnp.float32)]
        + [pltpu.SemaphoreType.DMA] * 4
    ),
)(functools.partial(_seg_body, False))



_BR = 1024
_GRID = NR // _BR


def _mm_body(x_ref, w_ref, o_ref):
    o_ref[...] = lax.dot_general(
        x_ref[...], w_ref[...], (((1,), (1,)), ((), ())),
        preferred_element_type=jnp.float32)


_mm = pl.pallas_call(
    _mm_body,
    grid=(_GRID,),
    in_specs=[
        pl.BlockSpec((_BR, D), lambda i: (i, 0)),
        pl.BlockSpec((D, D), lambda i: (0, 0)),
    ],
    out_specs=pl.BlockSpec((_BR, D), lambda i: (i, 0)),
    out_shape=jax.ShapeDtypeStruct((NR, D), jnp.float32),
)


def _inv(c):
    return jnp.where(c > 0.0, 1.0 / jnp.maximum(c, 1e-30), 0.0)


def _mid_body(e_ref, c_ref, o_ref):
    e = e_ref[...]
    c = c_ref[...]
    o_ref[...] = (e[0] + e[1]) * _inv(c[0] + c[1])[:, None]


_mid = pl.pallas_call(
    _mid_body,
    grid=(_GRID,),
    in_specs=[
        pl.BlockSpec((2, _BR, D), lambda i: (0, i, 0)),
        pl.BlockSpec((2, _BR), lambda i: (0, i)),
    ],
    out_specs=pl.BlockSpec((_BR, D), lambda i: (i, 0)),
    out_shape=jax.ShapeDtypeStruct((NR, D), jnp.float32),
)


def _post0_body(s_ref, c_ref, b_ref, x0_ref, w1_ref, X1_ref, res_ref, x1_ref):
    s = s_ref[...]
    c = c_ref[...]
    h = (s[0] + s[1]) * _inv(c[0] + c[1])[:, None] + b_ref[...]
    h = jnp.where(h > 0.0, h, 0.01 * h)
    X1 = h + x0_ref[...]
    X1_ref[...] = X1
    res_ref[...] = x0_ref[...] + 0.5 * X1
    x1_ref[...] = lax.dot_general(
        X1, w1_ref[...], (((1,), (1,)), ((), ())),
        preferred_element_type=jnp.float32)


_post0 = pl.pallas_call(
    _post0_body,
    grid=(_GRID,),
    in_specs=[
        pl.BlockSpec((2, _BR, D), lambda i: (0, i, 0)),
        pl.BlockSpec((2, _BR), lambda i: (0, i)),
        pl.BlockSpec((1, D), lambda i: (0, 0)),
        pl.BlockSpec((_BR, D), lambda i: (i, 0)),
        pl.BlockSpec((D, D), lambda i: (0, 0)),
    ],
    out_specs=[
        pl.BlockSpec((_BR, D), lambda i: (i, 0)),
        pl.BlockSpec((_BR, D), lambda i: (i, 0)),
        pl.BlockSpec((_BR, D), lambda i: (i, 0)),
    ],
    out_shape=[
        jax.ShapeDtypeStruct((NR, D), jnp.float32),
        jax.ShapeDtypeStruct((NR, D), jnp.float32),
        jax.ShapeDtypeStruct((NR, D), jnp.float32),
    ],
)


def _post1_body(s_ref, c_ref, b_ref, x1_ref, resin_ref, o_ref):
    s = s_ref[...]
    c = c_ref[...]
    h = (s[0] + s[1]) * _inv(c[0] + c[1])[:, None] + b_ref[...]
    h = jnp.where(h > 0.0, h, 0.01 * h)
    X2 = h + x1_ref[...]
    o_ref[...] = resin_ref[...] + X2 * (1.0 / 3.0)


_post1 = pl.pallas_call(
    _post1_body,
    grid=(_GRID,),
    in_specs=[
        pl.BlockSpec((2, _BR, D), lambda i: (0, i, 0)),
        pl.BlockSpec((2, _BR), lambda i: (0, i)),
        pl.BlockSpec((1, D), lambda i: (0, 0)),
        pl.BlockSpec((_BR, D), lambda i: (i, 0)),
        pl.BlockSpec((_BR, D), lambda i: (i, 0)),
    ],
    out_specs=pl.BlockSpec((_BR, D), lambda i: (i, 0)),
    out_shape=jax.ShapeDtypeStruct((NR, D), jnp.float32),
)


def kernel(X, adj_indices, W0, b0, W1, b1):
    Xp = jnp.zeros((NR, D), jnp.float32).at[:N_NODES].set(X)
    h0 = adj_indices[0].astype(jnp.int32)
    h1 = adj_indices[1].astype(jnp.int32)
    pad = jnp.full((NP - N_INCID,), DUMMY, jnp.int32)
    h0p = jnp.concatenate([h0, pad]).reshape(TCH, K)
    h1p = jnp.concatenate([h1, pad]).reshape(TCH, K)
    h01 = jnp.stack([h0p, h1p], axis=1)
    h10 = jnp.stack([h1p, h0p], axis=1)
    zf = jnp.zeros((RPT, D), jnp.float32)
    zc = jnp.zeros((RPT,), jnp.float32)
    ones = jnp.ones((K,), jnp.float32)
    b0r = b0.reshape(1, D)
    b1r = b1.reshape(1, D)

    x0 = _mm(Xp, W0)
    E, c0p, c1p = _seg_counts(x0, h01, zf, zc, ones)
    oute = _mid(E, c1p)
    S = _seg_nc(oute, h10, zf)
    X1, res1, x1 = _post0(S, c0p, b0r, Xp, W1)
    E1 = _seg_nc(x1, h01, zf)
    oute1 = _mid(E1, c1p)
    S1 = _seg_nc(oute1, h10, zf)
    res = _post1(S1, c0p, b1r, X1, res1)
    return res[:N_NODES]

# --- scband reference (transcript-rebuilt; emitter-appended) ---
"""Pipeline reference for scband-hgat-73031623901534 (READ-ONLY COPY).

The authoritative reference and input builder live on the scoring server;
editing this copy changes nothing except your own understanding.
"""

import jax, jax.numpy as jnp
import numpy as np

N_NODES = 10000
N_INCID = 320000
D = 128
N_LAYERS = 2


def setup_inputs(seed: int = 0) -> dict:
    key = jax.random.key(seed)
    ks = jax.random.split(key, 4)
    X = jax.random.normal(ks[0], (N_NODES, D), dtype=jnp.float32)
    adj_indices = jax.random.randint(ks[1], (2, N_INCID), 0, N_NODES)
    W0 = jax.random.normal(ks[2], (D, D), dtype=jnp.float32) * (1.0 / np.sqrt(D))
    W1 = jax.random.normal(ks[3], (D, D), dtype=jnp.float32) * (1.0 / np.sqrt(D))
    b0 = jnp.zeros((D,), jnp.float32)
    b1 = jnp.zeros((D,), jnp.float32)
    return {"X": X, "adj_indices": adj_indices, "W0": W0, "b0": b0, "W1": W1, "b1": b1}


def _hypergraph_conv(X, hidx, W, b):
    # PyG HypergraphConv with use_attention=False (heads forced to 1, concat=True)
    num_nodes = X.shape[0]
    num_edges = X.shape[0]
    hyperedge_weight = jnp.ones((num_edges,), jnp.float32)
    x = X @ W.T  # lin (bias=False)
    # D = scatter_sum(hyperedge_weight[hidx[1]], hidx[0], dim_size=num_nodes); D = 1/D; inf -> 0
    Dn = jnp.zeros((num_nodes,), jnp.float32).at[hidx[0]].add(hyperedge_weight[hidx[1]])
    Dn = jnp.where(Dn == 0.0, 0.0, 1.0 / Dn)
    # B = scatter_sum(ones, hidx[1], dim_size=num_edges); B = 1/B; inf -> 0
    Bv = jnp.zeros((num_edges,), jnp.float32).at[hidx[1]].add(jnp.ones((hidx.shape[1],), jnp.float32))
    Bv = jnp.where(Bv == 0.0, 0.0, 1.0 / Bv)
    # propagate 1: nodes (src=row0) -> hyperedges (dst=row1), message = B[i] * x_j
    m1 = Bv[hidx[1]][:, None] * x[hidx[0]]
    out_e = jnp.zeros((num_edges, x.shape[1]), jnp.float32).at[hidx[1]].add(m1)
    # propagate 2 (flipped): hyperedges (src=row1) -> nodes (dst=row0), message = D[i] * e_j
    m2 = Dn[hidx[0]][:, None] * out_e[hidx[1]]
    out = jnp.zeros((num_nodes, x.shape[1]), jnp.float32).at[hidx[0]].add(m2)
    return out + b


def reference(X, adj_indices, W0, b0, W1, b1):
    Ws = [W0, W1]
    bs = [b0, b1]
    res_embed = X
    for i in range(N_LAYERS):
        X = jax.nn.leaky_relu(_hypergraph_conv(X, adj_indices, Ws[i], bs[i]), negative_slope=0.01) + X
        res_embed = res_embed + X * (1.0 / (i + 2))
    return res_embed

if __name__ == "__main__":
    import jax
    _d = setup_inputs()
    print(jax.jit(kernel)(*tuple(_d.values())))

</pallas_src>

<mosaic_0001>
#map = affine_map<(d0, d1) -> (0, 0)>
#map1 = affine_map<(d0, d1) -> (0, 0, 0)>
module attributes {stable_mosaic.version = 14 : i64} {
  func.func @_seg_body(%arg0: i32, %arg1: i32, %arg2: memref<10240x128xf32, #tpu.memory_space<hbm>>, %arg3: memref<2528x2x128xi32, #tpu.memory_space<hbm>>, %arg4: memref<640x128xf32, #tpu.memory_space<hbm>>, %arg5: memref<2x10240x128xf32, #tpu.memory_space<hbm>>, %arg6: memref<2x2x128xi32, #tpu.memory_space<vmem>>, %arg7: memref<128x128xf32, #tpu.memory_space<vmem>>, %arg8: memref<128x128xf32, #tpu.memory_space<vmem>>, %arg9: memref<10240x128xf32, #tpu.memory_space<vmem_shared>>, %arg10: memref<!tpu.dma_semaphore, #tpu.memory_space<semaphore_mem>>, %arg11: memref<!tpu.dma_semaphore, #tpu.memory_space<semaphore_mem>>, %arg12: memref<!tpu.dma_semaphore, #tpu.memory_space<semaphore_mem>>, %arg13: memref<!tpu.dma_semaphore, #tpu.memory_space<semaphore_mem>>) attributes {dimension_semantics = [#tpu.dimension_semantics<core_parallel>, #tpu.dimension_semantics<subcore_parallel>], iteration_bounds = array<i64: 2, 16>, scalar_prefetch = 0 : i64, scratch_operands = 8 : i64, tpu.core_type = #tpu.core_type<sc_vector_subcore>, window_params = [{transform_indices = #map}, {transform_indices = #map1}, {transform_indices = #map}, {transform_indices = #map1}]} {
    %mul3A = arith.constant 640 : i32
    %mul3A_0 = arith.muli %arg1, %mul3A : i32
    %eq3A = arith.constant 0 : i32
    %eq3A_1 = arith.cmpi eq, %arg0, %eq3A : i32
    %mul3A_2 = arith.constant 132 : i32
    %mul3A_3 = arith.muli %arg1, %mul3A_2 : i32
    %mul3A_4 = arith.constant 26 : i32
    %mul3A_5 = arith.muli %arg1, %mul3A_4 : i32
    %add3A = arith.constant 2112 : i32
    %add3A_6 = arith.addi %add3A, %mul3A_5 : i32
    %select_n3A = arith.select %eq3A_1, %mul3A_3, %add3A_6 : i32
    %eq3A_7 = arith.constant 0 : i32
    %eq3A_8 = arith.cmpi eq, %arg0, %eq3A_7 : i32
    %jit3A = arith.constant 132 : i32
    %jit3A_9 = arith.constant 26 : i32
    %select_n3A_10 = arith.select %eq3A_8, %jit3A, %jit3A_9 : i32
    "tpu.region"() ({
      %run_scoped3A_72 = tpu.sem_alloc : memref<!tpu.dma_semaphore, #tpu.memory_space<semaphore_mem>>
      %dma_start3A_73 = arith.constant 0 : i32
      %dma_start3A_74 = tpu.memref_slice %arg9[%mul3A_0, %dma_start3A_73] : memref<10240x128xf32, #tpu.memory_space<vmem_shared>> -> memref<640x128xf32, #tpu.memory_space<vmem_shared>>
      tpu.enqueue_dma source(%arg4 : memref<640x128xf32, #tpu.memory_space<hbm>>) target(%dma_start3A_74 : memref<640x128xf32, #tpu.memory_space<vmem_shared>>) target_semaphore(%run_scoped3A_72 : memref<!tpu.dma_semaphore, #tpu.memory_space<semaphore_mem>>)
      %dma_wait3A_75 = arith.constant 0 : i32
      %dma_wait3A_76 = tpu.memref_slice %arg9[%mul3A_0, %dma_wait3A_75] : memref<10240x128xf32, #tpu.memory_space<vmem_shared>> -> memref<640x128xf32, #tpu.memory_space<vmem_shared>>
      tpu.wait_dma2 semaphore(%run_scoped3A_72 : memref<!tpu.dma_semaphore, #tpu.memory_space<semaphore_mem>>) src(%arg4 : memref<640x128xf32, #tpu.memory_space<hbm>>) dst(%dma_wait3A_76 : memref<640x128xf32, #tpu.memory_space<vmem_shared>>)
      tpu.yield
    }) : () -> ()
    %barrier3A = arith.constant 0 : index
    tpu.barrier barrier_id(%barrier3A)
    %run_scoped3A = arith.constant 0 : i32
    "tpu.region"() ({
      %run_scoped3A_72 = tpu.sem_alloc : memref<!tpu.dma_semaphore, #tpu.memory_space<semaphore_mem>>
      %dma_start3A_73 = arith.constant 0 : i32
      %dma_start3A_74 = arith.constant 0 : i32
      %dma_start3A_75 = tpu.memref_slice %arg6[%run_scoped3A, %dma_start3A_73, %dma_start3A_74] : memref<2x2x128xi32, #tpu.memory_space<vmem>> -> memref<1x2x128xi32, #tpu.memory_space<vmem>>
      %dma_start3A_76 = tpu.memref_squeeze %dma_start3A_75 : memref<1x2x128xi32, #tpu.memory_space<vmem>> -> memref<2x128xi32, #tpu.memory_space<vmem>>
      %dma_start3A_77 = arith.constant 0 : i32
      %dma_start3A_78 = arith.constant 0 : i32
      %dma_start3A_79 = tpu.memref_slice %arg3[%select_n3A, %dma_start3A_77, %dma_start3A_78] : memref<2528x2x128xi32, #tpu.memory_space<hbm>> -> memref<1x2x128xi32, #tpu.memory_space<hbm>>
      %dma_start3A_80 = tpu.memref_squeeze %dma_start3A_79 : memref<1x2x128xi32, #tpu.memory_space<hbm>> -> memref<2x128xi32, #tpu.memory_space<hbm>>
      %dma_start3A_81 = arith.constant 0 : i32
      %dma_start3A_82 = arith.constant 0 : i32
      %dma_start3A_83 = tpu.memref_slice %arg6[%run_scoped3A, %dma_start3A_81, %dma_start3A_82] : memref<2x2x128xi32, #tpu.memory_space<vmem>> -> memref<1x2x128xi32, #tpu.memory_space<vmem>>
      %dma_start3A_84 = tpu.memref_squeeze %dma_start3A_83 : memref<1x2x128xi32, #tpu.memory_space<vmem>> -> memref<2x128xi32, #tpu.memory_space<vmem>>
      %dma_start3A_85 = arith.constant 0 : i32
      %dma_start3A_86 = arith.constant 0 : i32
      %dma_start3A_87 = tpu.memref_slice %arg3[%select_n3A, %dma_start3A_85, %dma_start3A_86] : memref<2528x2x128xi32, #tpu.memory_space<hbm>> -> memref<1x2x128xi32, #tpu.memory_space<hbm>>
      %dma_start3A_88 = tpu.memref_squeeze %dma_start3A_87 : memref<1x2x128xi32, #tpu.memory_space<hbm>> -> memref<2x128xi32, #tpu.memory_space<hbm>>
      tpu.enqueue_dma source(%dma_start3A_88 : memref<2x128xi32, #tpu.memory_space<hbm>>) target(%dma_start3A_84 : memref<2x128xi32, #tpu.memory_space<vmem>>) target_semaphore(%run_scoped3A_72 : memref<!tpu.dma_semaphore, #tpu.memory_space<semaphore_mem>>)
      %dma_wait3A_89 = arith.constant 0 : i32
      %dma_wait3A_90 = arith.constant 0 : i32
      %dma_wait3A_91 = tpu.memref_slice %arg6[%run_scoped3A, %dma_wait3A_89, %dma_wait3A_90] : memref<2x2x128xi32, #tpu.memory_space<vmem>> -> memref<1x2x128xi32, #tpu.memory_space<vmem>>
      %dma_wait3A_92 = tpu.memref_squeeze %dma_wait3A_91 : memref<1x2x128xi32, #tpu.memory_space<vmem>> -> memref<2x128xi32, #tpu.memory_space<vmem>>
      %dma_wait3A_93 = arith.constant 0 : i32
      %dma_wait3A_94 = arith.constant 0 : i32
      %dma_wait3A_95 = tpu.memref_slice %arg3[%select_n3A, %dma_wait3A_93, %dma_wait3A_94] : memref<2528x2x128xi32, #tpu.memory_space<hbm>> -> memref<1x2x128xi32, #tpu.memory_space<hbm>>
      %dma_wait3A_96 = tpu.memref_squeeze %dma_wait3A_95 : memref<1x2x128xi32, #tpu.memory_space<hbm>> -> memref<2x128xi32, #tpu.memory_space<hbm>>
      %dma_wait3A_97 = arith.constant 0 : i32
      %dma_wait3A_98 = arith.constant 0 : i32
      %dma_wait3A_99 = tpu.memref_slice %arg6[%run_scoped3A, %dma_wait3A_97, %dma_wait3A_98] : memref<2x2x128xi32, #tpu.memory_space<vmem>> -> memref<1x2x128xi32, #tpu.memory_space<vmem>>
      %dma_wait3A_100 = tpu.memref_squeeze %dma_wait3A_99 : memref<1x2x128xi32, #tpu.memory_space<vmem>> -> memref<2x128xi32, #tpu.memory_space<vmem>>
      %dma_wait3A_101 = arith.constant 0 : i32
      %dma_wait3A_102 = arith.constant 0 : i32
      %dma_wait3A_103 = tpu.memref_slice %arg3[%select_n3A, %dma_wait3A_101, %dma_wait3A_102] : memref<2528x2x128xi32, #tpu.memory_space<hbm>> -> memref<1x2x128xi32, #tpu.memory_space<hbm>>
      %dma_wait3A_104 = tpu.memref_squeeze %dma_wait3A_103 : memref<1x2x128xi32, #tpu.memory_space<hbm>> -> memref<2x128xi32, #tpu.memory_space<hbm>>
      tpu.wait_dma2 semaphore(%run_scoped3A_72 : memref<!tpu.dma_semaphore, #tpu.memory_space<semaphore_mem>>) src(%dma_wait3A_104 : memref<2x128xi32, #tpu.memory_space<hbm>>) dst(%dma_wait3A_100 : memref<2x128xi32, #tpu.memory_space<vmem>>)
      tpu.yield
    }) : () -> ()
    %dma_start3A = arith.constant 0 : i32
    %dma_start3A_11 = arith.constant 0 : i32
    %dma_start3A_12 = arith.constant 0 : i32
    %dma_start3A_13 = tpu.memref_slice %arg6[%dma_start3A, %dma_start3A_11, %dma_start3A_12] : memref<2x2x128xi32, #tpu.memory_space<vmem>> -> memref<1x1x128xi32, #tpu.memory_space<vmem>>
    %dma_start3A_14 = tpu.memref_squeeze %dma_start3A_13 : memref<1x1x128xi32, #tpu.memory_space<vmem>> -> memref<128xi32, #tpu.memory_space<vmem>>
    %dma_start3A_15 = arith.constant 0 : i32
    %dma_start3A_16 = arith.constant 0 : i32
    %dma_start3A_17 = tpu.memref_slice %arg2[%dma_start3A_15, %dma_start3A_16] : memref<10240x128xf32, #tpu.memory_space<hbm>> -> memref<10240x128xf32, #tpu.memory_space<hbm>>
    tpu.enqueue_indirect_dma source(%dma_start3A_17 : memref<10240x128xf32, #tpu.memory_space<hbm>>) target(%arg7 : memref<128x128xf32, #tpu.memory_space<vmem>>) offsets(%dma_start3A_14 : memref<128xi32, #tpu.memory_space<vmem>>) semaphore(%arg10 : memref<!tpu.dma_semaphore, #tpu.memory_space<semaphore_mem>>)
    %add3A_18 = arith.constant 1 : i32
    %add3A_19 = arith.addi %select_n3A, %add3A_18 : i32
    %run_scoped3A_20 = arith.constant 1 : i32
    "tpu.region"() ({
      %run_scoped3A_72 = tpu.sem_alloc : memref<!tpu.dma_semaphore, #tpu.memory_space<semaphore_mem>>
      %dma_start3A_73 = arith.constant 0 : i32
      %dma_start3A_74 = arith.constant 0 : i32
      %dma_start3A_75 = tpu.memref_slice %arg6[%run_scoped3A_20, %dma_start3A_73, %dma_start3A_74] : memref<2x2x128xi32, #tpu.memory_space<vmem>> -> memref<1x2x128xi32, #tpu.memory_space<vmem>>
      %dma_start3A_76 = tpu.memref_squeeze %dma_start3A_75 : memref<1x2x128xi32, #tpu.memory_space<vmem>> -> memref<2x128xi32, #tpu.memory_space<vmem>>
      %dma_start3A_77 = arith.constant 0 : i32
      %dma_start3A_78 = arith.constant 0 : i32
      %dma_start3A_79 = tpu.memref_slice %arg3[%add3A_19, %dma_start3A_77, %dma_start3A_78] : memref<2528x2x128xi32, #tpu.memory_space<hbm>> -> memref<1x2x128xi32, #tpu.memory_space<hbm>>
      %dma_start3A_80 = tpu.memref_squeeze %dma_start3A_79 : memref<1x2x128xi32, #tpu.memory_space<hbm>> -> memref<2x128xi32, #tpu.memory_space<hbm>>
      %dma_start3A_81 = arith.constant 0 : i32
      %dma_start3A_82 = arith.constant 0 : i32
      %dma_start3A_83 = tpu.memref_slice %arg6[%run_scoped3A_20, %dma_start3A_81, %dma_start3A_82] : memref<2x2x128xi32, #tpu.memory_space<vmem>> -> memref<1x2x128xi32, #tpu.memory_space<vmem>>
      %dma_start3A_84 = tpu.memref_squeeze %dma_start3A_83 : memref<1x2x128xi32, #tpu.memory_space<vmem>> -> memref<2x128xi32, #tpu.memory_space<vmem>>
      %dma_start3A_85 = arith.constant 0 : i32
      %dma_start3A_86 = arith.constant 0 : i32
      %dma_start3A_87 = tpu.memref_slice %arg3[%add3A_19, %dma_start3A_85, %dma_start3A_86] : memref<2528x2x128xi32, #tpu.memory_space<hbm>> -> memref<1x2x128xi32, #tpu.memory_space<hbm>>
      %dma_start3A_88 = tpu.memref_squeeze %dma_start3A_87 : memref<1x2x128xi32, #tpu.memory_space<hbm>> -> memref<2x128xi32, #tpu.memory_space<hbm>>
      tpu.enqueue_dma source(%dma_start3A_88 : memref<2x128xi32, #tpu.memory_space<hbm>>) target(%dma_start3A_84 : memref<2x128xi32, #tpu.memory_space<vmem>>) target_semaphore(%run_scoped3A_72 : memref<!tpu.dma_semaphore, #tpu.memory_space<semaphore_mem>>)
      %dma_wait3A_89 = arith.constant 0 : i32
      %dma_wait3A_90 = arith.constant 0 : i32
      %dma_wait3A_91 = tpu.memref_slice %arg6[%run_scoped3A_20, %dma_wait3A_89, %dma_wait3A_90] : memref<2x2x128xi32, #tpu.memory_space<vmem>> -> memref<1x2x128xi32, #tpu.memory_space<vmem>>
      %dma_wait3A_92 = tpu.memref_squeeze %dma_wait3A_91 : memref<1x2x128xi32, #tpu.memory_space<vmem>> -> memref<2x128xi32, #tpu.memory_space<vmem>>
      %dma_wait3A_93 = arith.constant 0 : i32
      %dma_wait3A_94 = arith.constant 0 : i32
      %dma_wait3A_95 = tpu.memref_slice %arg3[%add3A_19, %dma_wait3A_93, %dma_wait3A_94] : memref<2528x2x128xi32, #tpu.memory_space<hbm>> -> memref<1x2x128xi32, #tpu.memory_space<hbm>>
      %dma_wait3A_96 = tpu.memref_squeeze %dma_wait3A_95 : memref<1x2x128xi32, #tpu.memory_space<hbm>> -> memref<2x128xi32, #tpu.memory_space<hbm>>
      %dma_wait3A_97 = arith.constant 0 : i32
      %dma_wait3A_98 = arith.constant 0 : i32
      %dma_wait3A_99 = tpu.memref_slice %arg6[%run_scoped3A_20, %dma_wait3A_97, %dma_wait3A_98] : memref<2x2x128xi32, #tpu.memory_space<vmem>> -> memref<1x2x128xi32, #tpu.memory_space<vmem>>
      %dma_wait3A_100 = tpu.memref_squeeze %dma_wait3A_99 : memref<1x2x128xi32, #tpu.memory_space<vmem>> -> memref<2x128xi32, #tpu.memory_space<vmem>>
      %dma_wait3A_101 = arith.constant 0 : i32
      %dma_wait3A_102 = arith.constant 0 : i32
      %dma_wait3A_103 = tpu.memref_slice %arg3[%add3A_19, %dma_wait3A_101, %dma_wait3A_102] : memref<2528x2x128xi32, #tpu.memory_space<hbm>> -> memref<1x2x128xi32, #tpu.memory_space<hbm>>
      %dma_wait3A_104 = tpu.memref_squeeze %dma_wait3A_103 : memref<1x2x128xi32, #tpu.memory_space<hbm>> -> memref<2x128xi32, #tpu.memory_space<hbm>>
      tpu.wait_dma2 semaphore(%run_scoped3A_72 : memref<!tpu.dma_semaphore, #tpu.memory_space<semaphore_mem>>) src(%dma_wait3A_104 : memref<2x128xi32, #tpu.memory_space<hbm>>) dst(%dma_wait3A_100 : memref<2x128xi32, #tpu.memory_space<vmem>>)
      tpu.yield
    }) : () -> ()
    %dma_start3A_21 = arith.constant 1 : i32
    %dma_start3A_22 = arith.constant 0 : i32
    %dma_start3A_23 = arith.constant 0 : i32
    %dma_start3A_24 = tpu.memref_slice %arg6[%dma_start3A_21, %dma_start3A_22, %dma_start3A_23] : memref<2x2x128xi32, #tpu.memory_space<vmem>> -> memref<1x1x128xi32, #tpu.memory_space<vmem>>
    %dma_start3A_25 = tpu.memref_squeeze %dma_start3A_24 : memref<1x1x128xi32, #tpu.memory_space<vmem>> -> memref<128xi32, #tpu.memory_space<vmem>>
    %dma_start3A_26 = arith.constant 0 : i32
    %dma_start3A_27 = arith.constant 0 : i32
    %dma_start3A_28 = tpu.memref_slice %arg2[%dma_start3A_26, %dma_start3A_27] : memref<10240x128xf32, #tpu.memory_space<hbm>> -> memref<10240x128xf32, #tpu.memory_space<hbm>>
    tpu.enqueue_indirect_dma source(%dma_start3A_28 : memref<10240x128xf32, #tpu.memory_space<hbm>>) target(%arg8 : memref<128x128xf32, #tpu.memory_space<vmem>>) offsets(%dma_start3A_25 : memref<128xi32, #tpu.memory_space<vmem>>) semaphore(%arg11 : memref<!tpu.dma_semaphore, #tpu.memory_space<semaphore_mem>>)
    %jit3A_29 = arith.constant 2 : i32
    %div3A = arith.divsi %select_n3A_10, %jit3A_29 : i32
    %sign3A = arith.constant 0 : i32
    %sign3A_30 = arith.cmpi sgt, %select_n3A_10, %sign3A : i32
    %sign3A_31 = arith.extui %sign3A_30 : i1 to i32
    %sign3A_32 = arith.constant 0 : i32
    %sign3A_33 = arith.cmpi slt, %select_n3A_10, %sign3A_32 : i32
    %sign3A_34 = arith.extui %sign3A_33 : i1 to i32
    %sign3A_35 = arith.subi %sign3A_31, %sign3A_34 : i32
    %sign3A_36 = arith.constant 0 : i32
    %sign3A_37 = arith.cmpi sgt, %jit3A_29, %sign3A_36 : i32
    %sign3A_38 = arith.extui %sign3A_37 : i1 to i32
    %sign3A_39 = arith.constant 0 : i32
    %sign3A_40 = arith.cmpi slt, %jit3A_29, %sign3A_39 : i32
    %sign3A_41 = arith.extui %sign3A_40 : i1 to i32
    %sign3A_42 = arith.subi %sign3A_38, %sign3A_41 : i32
    %ne3A = arith.cmpi ne, %sign3A_35, %sign3A_42 : i32
    %rem3A = arith.remsi %select_n3A_10, %jit3A_29 : i32
    %ne3A_43 = arith.constant 0 : i32
    %ne3A_44 = arith.cmpi ne, %rem3A, %ne3A_43 : i32
    %and3A = arith.andi %ne3A, %ne3A_44 : i1
    %sub3A = arith.constant 1 : i32
    %sub3A_45 = arith.subi %div3A, %sub3A : i32
    %select_n3A_46 = arith.select %and3A, %sub3A_45, %div3A : i32
    %while3A = arith.constant 0 : i32
    %while3A_47 = arith.constant 0 : i32
    %while3A_48 = arith.subi %select_n3A_46, %while3A_47 : i32
    %while3A_49 = arith.addi %while3A_47, %while3A_48 : i32
    %while3A_50 = arith.constant 1 : i32
    %while3A_51 = arith.divsi %while3A_48, %while3A_50 : i32
    %while3A_52 = arith.muli %while3A_51, %while3A_50 : i32
    %while3A_53 = arith.addi %while3A_47, %while3A_52 : i32
    %while3A_54 = arith.constant 1 : i32
    scf.for %while3A_72 = %while3A_47 to %while3A_53 step %while3A_54  : i32 {
      %mul3A_73 = arith.constant 2 : i32
      %mul3A_74 = arith.muli %mul3A_73, %while3A_72 : i32
      %add3A_75 = arith.addi %select_n3A, %mul3A_74 : i32
      %add3A_76 = arith.constant 0 : i32
      %add3A_77 = arith.addi %add3A_75, %add3A_76 : i32
      %dma_wait3A_78 = arith.constant 0 : i32
      %dma_wait3A_79 = arith.constant 0 : i32
      %dma_wait3A_80 = arith.constant 0 : i32
      %dma_wait3A_81 = tpu.memref_slice %arg6[%dma_wait3A_78, %dma_wait3A_79, %dma_wait3A_80] : memref<2x2x128xi32, #tpu.memory_space<vmem>> -> memref<1x1x128xi32, #tpu.memory_space<vmem>>
      %dma_wait3A_82 = tpu.memref_squeeze %dma_wait3A_81 : memref<1x1x128xi32, #tpu.memory_space<vmem>> -> memref<128xi32, #tpu.memory_space<vmem>>
      %dma_wait3A_83 = arith.constant 0 : i32
      %dma_wait3A_84 = arith.constant 0 : i32
      %dma_wait3A_85 = tpu.memref_slice %arg2[%dma_wait3A_83, %dma_wait3A_84] : memref<10240x128xf32, #tpu.memory_space<hbm>> -> memref<10240x128xf32, #tpu.memory_space<hbm>>
      tpu.wait_indirect_dma semaphore(%arg10 : memref<!tpu.dma_semaphore, #tpu.memory_space<semaphore_mem>>) src(%dma_wait3A_85 : memref<10240x128xf32, #tpu.memory_space<hbm>>) dst(%arg7 : memref<128x128xf32, #tpu.memory_space<vmem>>)
      %dma_start3A_86 = arith.constant 0 : i32
      %dma_start3A_87 = arith.constant 1 : i32
      %dma_start3A_88 = arith.constant 0 : i32
      %dma_start3A_89 = tpu.memref_slice %arg6[%dma_start3A_86, %dma_start3A_87, %dma_start3A_88] : memref<2x2x128xi32, #tpu.memory_space<vmem>> -> memref<1x1x128xi32, #tpu.memory_space<vmem>>
      %dma_start3A_90 = tpu.memref_squeeze %dma_start3A_89 : memref<1x1x128xi32, #tpu.memory_space<vmem>> -> memref<128xi32, #tpu.memory_space<vmem>>
      %dma_start3A_91 = arith.constant 0 : i32
      %dma_start3A_92 = arith.constant 0 : i32
      %dma_start3A_93 = tpu.memref_slice %arg9[%dma_start3A_91, %dma_start3A_92] : memref<10240x128xf32, #tpu.memory_space<vmem_shared>> -> memref<10240x128xf32, #tpu.memory_space<vmem_shared>>
      tpu.enqueue_indirect_dma source(%arg7 : memref<128x128xf32, #tpu.memory_space<vmem>>) target(%dma_start3A_93 : memref<10240x128xf32, #tpu.memory_space<vmem_shared>>) offsets(%dma_start3A_90 : memref<128xi32, #tpu.memory_space<vmem>>) semaphore(%arg12 : memref<!tpu.dma_semaphore, #tpu.memory_space<semaphore_mem>>) {add = true}
      %add3A_94 = arith.constant 2 : i32
      %add3A_95 = arith.addi %add3A_77, %add3A_94 : i32
      %add3A_96 = arith.addi %select_n3A, %select_n3A_10 : i32
      %lt3A = arith.cmpi slt, %add3A_95, %add3A_96 : i32
      %convert_element_type3A = arith.extui %lt3A : i1 to i32
      %cond3A = arith.constant 0 : i32
      %cond3A_97 = arith.cmpi ne, %convert_element_type3A, %cond3A : i32
      scf.if %cond3A_97 {
        %dma_wait3A_126 = arith.constant 0 : i32
        %dma_wait3A_127 = arith.constant 1 : i32
        %dma_wait3A_128 = arith.constant 0 : i32
        %dma_wait3A_129 = tpu.memref_slice %arg6[%dma_wait3A_126, %dma_wait3A_127, %dma_wait3A_128] : memref<2x2x128xi32, #tpu.memory_space<vmem>> -> memref<1x1x128xi32, #tpu.memory_space<vmem>>
        %dma_wait3A_130 = tpu.memref_squeeze %dma_wait3A_129 : memref<1x1x128xi32, #tpu.memory_space<vmem>> -> memref<128xi32, #tpu.memory_space<vmem>>
        %dma_wait3A_131 = arith.constant 0 : i32
        %dma_wait3A_132 = arith.constant 0 : i32
        %dma_wait3A_133 = tpu.memref_slice %arg9[%dma_wait3A_131, %dma_wait3A_132] : memref<10240x128xf32, #tpu.memory_space<vmem_shared>> -> memref<10240x128xf32, #tpu.memory_space<vmem_shared>>
        tpu.wait_indirect_dma semaphore(%arg12 : memref<!tpu.dma_semaphore, #tpu.memory_space<semaphore_mem>>) src(%arg7 : memref<128x128xf32, #tpu.memory_space<vmem>>) dst(%dma_wait3A_133 : memref<10240x128xf32, #tpu.memory_space<vmem_shared>>)
        %run_scoped3A_134 = arith.constant 0 : i32
        "tpu.region"() ({
          %run_scoped3A_143 = tpu.sem_alloc : memref<!tpu.dma_semaphore, #tpu.memory_space<semaphore_mem>>
          %dma_start3A_144 = arith.constant 0 : i32
          %dma_start3A_145 = arith.constant 0 : i32
          %dma_start3A_146 = tpu.memref_slice %arg6[%run_scoped3A_134, %dma_start3A_144, %dma_start3A_145] : memref<2x2x128xi32, #tpu.memory_space<vmem>> -> memref<1x2x128xi32, #tpu.memory_space<vmem>>
          %dma_start3A_147 = tpu.memref_squeeze %dma_start3A_146 : memref<1x2x128xi32, #tpu.memory_space<vmem>> -> memref<2x128xi32, #tpu.memory_space<vmem>>
          %dma_start3A_148 = arith.constant 0 : i32
          %dma_start3A_149 = arith.constant 0 : i32
          %dma_start3A_150 = tpu.memref_slice %arg3[%add3A_95, %dma_start3A_148, %dma_start3A_149] : memref<2528x2x128xi32, #tpu.memory_space<hbm>> -> memref<1x2x128xi32, #tpu.memory_space<hbm>>
          %dma_start3A_151 = tpu.memref_squeeze %dma_start3A_150 : memref<1x2x128xi32, #tpu.memory_space<hbm>> -> memref<2x128xi32, #tpu.memory_space<hbm>>
          %dma_start3A_152 = arith.constant 0 : i32
          %dma_start3A_153 = arith.constant 0 : i32
          %dma_start3A_154 = tpu.memref_slice %arg6[%run_scoped3A_134, %dma_start3A_152, %dma_start3A_153] : memref<2x2x128xi32, #tpu.memory_space<vmem>> -> memref<1x2x128xi32, #tpu.memory_space<vmem>>
          %dma_start3A_155 = tpu.memref_squeeze %dma_start3A_154 : memref<1x2x128xi32, #tpu.memory_space<vmem>> -> memref<2x128xi32, #tpu.memory_space<vmem>>
          %dma_start3A_156 = arith.constant 0 : i32
          %dma_start3A_157 = arith.constant 0 : i32
          %dma_start3A_158 = tpu.memref_slice %arg3[%add3A_95, %dma_start3A_156, %dma_start3A_157] : memref<2528x2x128xi32, #tpu.memory_space<hbm>> -> memref<1x2x128xi32, #tpu.memory_space<hbm>>
          %dma_start3A_159 = tpu.memref_squeeze %dma_start3A_158 : memref<1x2x128xi32, #tpu.memory_space<hbm>> -> memref<2x128xi32, #tpu.memory_space<hbm>>
          tpu.enqueue_dma source(%dma_start3A_159 : memref<2x128xi32, #tpu.memory_space<hbm>>) target(%dma_start3A_155 : memref<2x128xi32, #tpu.memory_space<vmem>>) target_semaphore(%run_scoped3A_143 : memref<!tpu.dma_semaphore, #tpu.memory_space<semaphore_mem>>)
          %dma_wait3A_160 = arith.constant 0 : i32
          %dma_wait3A_161 = arith.constant 0 : i32
          %dma_wait3A_162 = tpu.memref_slice %arg6[%run_scoped3A_134, %dma_wait3A_160, %dma_wait3A_161] : memref<2x2x128xi32, #tpu.memory_space<vmem>> -> memref<1x2x128xi32, #tpu.memory_space<vmem>>
          %dma_wait3A_163 = tpu.memref_squeeze %dma_wait3A_162 : memref<1x2x128xi32, #tpu.memory_space<vmem>> -> memref<2x128xi32, #tpu.memory_space<vmem>>
          %dma_wait3A_164 = arith.constant 0 : i32
          %dma_wait3A_165 = arith.constant 0 : i32
          %dma_wait3A_166 = tpu.memref_slice %arg3[%add3A_95, %dma_wait3A_164, %dma_wait3A_165] : memref<2528x2x128xi32, #tpu.memory_space<hbm>> -> memref<1x2x128xi32, #tpu.memory_space<hbm>>
          %dma_wait3A_167 = tpu.memref_squeeze %dma_wait3A_166 : memref<1x2x128xi32, #tpu.memory_space<hbm>> -> memref<2x128xi32, #tpu.memory_space<hbm>>
          %dma_wait3A_168 = arith.constant 0 : i32
          %dma_wait3A_169 = arith.constant 0 : i32
          %dma_wait3A_170 = tpu.memref_slice %arg6[%run_scoped3A_134, %dma_wait3A_168, %dma_wait3A_169] : memref<2x2x128xi32, #tpu.memory_space<vmem>> -> memref<1x2x128xi32, #tpu.memory_space<vmem>>
          %dma_wait3A_171 = tpu.memref_squeeze %dma_wait3A_170 : memref<1x2x128xi32, #tpu.memory_space<vmem>> -> memref<2x128xi32, #tpu.memory_space<vmem>>
          %dma_wait3A_172 = arith.constant 0 : i32
          %dma_wait3A_173 = arith.constant 0 : i32
          %dma_wait3A_174 = tpu.memref_slice %arg3[%add3A_95, %dma_wait3A_172, %dma_wait3A_173] : memref<2528x2x128xi32, #tpu.memory_space<hbm>> -> memref<1x2x128xi32, #tpu.memory_space<hbm>>
          %dma_wait3A_175 = tpu.memref_squeeze %dma_wait3A_174 : memref<1x2x128xi32, #tpu.memory_space<hbm>> -> memref<2x128xi32, #tpu.memory_space<hbm>>
          tpu.wait_dma2 semaphore(%run_scoped3A_143 : memref<!tpu.dma_semaphore, #tpu.memory_space<semaphore_mem>>) src(%dma_wait3A_175 : memref<2x128xi32, #tpu.memory_space<hbm>>) dst(%dma_wait3A_171 : memref<2x128xi32, #tpu.memory_space<vmem>>)
          tpu.yield
        }) : () -> ()
        %dma_start3A_135 = arith.constant 0 : i32
        %dma_start3A_136 = arith.constant 0 : i32
        %dma_start3A_137 = arith.constant 0 : i32
        %dma_start3A_138 = tpu.memref_slice %arg6[%dma_start3A_135, %dma_start3A_136, %dma_start3A_137] : memref<2x2x128xi32, #tpu.memory_space<vmem>> -> memref<1x1x128xi32, #tpu.memory_space<vmem>>
        %dma_start3A_139 = tpu.memref_squeeze %dma_start3A_138 : memref<1x1x128xi32, #tpu.memory_space<vmem>> -> memref<128xi32, #tpu.memory_space<vmem>>
        %dma_start3A_140 = arith.constant 0 : i32
        %dma_start3A_141 = arith.constant 0 : i32
        %dma_start3A_142 = tpu.memref_slice %arg2[%dma_start3A_140, %dma_start3A_141] : memref<10240x128xf32, #tpu.memory_space<hbm>> -> memref<10240x128xf32, #tpu.memory_space<hbm>>
        tpu.enqueue_indirect_dma source(%dma_start3A_142 : memref<10240x128xf32, #tpu.memory_space<hbm>>) target(%arg7 : memref<128x128xf32, #tpu.memory_space<vmem>>) offsets(%dma_start3A_139 : memref<128xi32, #tpu.memory_space<vmem>>) semaphore(%arg10 : memref<!tpu.dma_semaphore, #tpu.memory_space<semaphore_mem>>)
      } else {
      }
      %mul3A_98 = arith.constant 2 : i32
      %mul3A_99 = arith.muli %mul3A_98, %while3A_72 : i32
      %add3A_100 = arith.addi %select_n3A, %mul3A_99 : i32
      %add3A_101 = arith.constant 1 : i32
      %add3A_102 = arith.addi %add3A_100, %add3A_101 : i32
      %dma_wait3A_103 = arith.constant 1 : i32
      %dma_wait3A_104 = arith.constant 0 : i32
      %dma_wait3A_105 = arith.constant 0 : i32
      %dma_wait3A_106 = tpu.memref_slice %arg6[%dma_wait3A_103, %dma_wait3A_104, %dma_wait3A_105] : memref<2x2x128xi32, #tpu.memory_space<vmem>> -> memref<1x1x128xi32, #tpu.memory_space<vmem>>
      %dma_wait3A_107 = tpu.memref_squeeze %dma_wait3A_106 : memref<1x1x128xi32, #tpu.memory_space<vmem>> -> memref<128xi32, #tpu.memory_space<vmem>>
      %dma_wait3A_108 = arith.constant 0 : i32
      %dma_wait3A_109 = arith.constant 0 : i32
      %dma_wait3A_110 = tpu.memref_slice %arg2[%dma_wait3A_108, %dma_wait3A_109] : memref<10240x128xf32, #tpu.memory_space<hbm>> -> memref<10240x128xf32, #tpu.memory_space<hbm>>
      tpu.wait_indirect_dma semaphore(%arg11 : memref<!tpu.dma_semaphore, #tpu.memory_space<semaphore_mem>>) src(%dma_wait3A_110 : memref<10240x128xf32, #tpu.memory_space<hbm>>) dst(%arg8 : memref<128x128xf32, #tpu.memory_space<vmem>>)
      %dma_start3A_111 = arith.constant 1 : i32
      %dma_start3A_112 = arith.constant 1 : i32
      %dma_start3A_113 = arith.constant 0 : i32
      %dma_start3A_114 = tpu.memref_slice %arg6[%dma_start3A_111, %dma_start3A_112, %dma_start3A_113] : memref<2x2x128xi32, #tpu.memory_space<vmem>> -> memref<1x1x128xi32, #tpu.memory_space<vmem>>
      %dma_start3A_115 = tpu.memref_squeeze %dma_start3A_114 : memref<1x1x128xi32, #tpu.memory_space<vmem>> -> memref<128xi32, #tpu.memory_space<vmem>>
      %dma_start3A_116 = arith.constant 0 : i32
      %dma_start3A_117 = arith.constant 0 : i32
      %dma_start3A_118 = tpu.memref_slice %arg9[%dma_start3A_116, %dma_start3A_117] : memref<10240x128xf32, #tpu.memory_space<vmem_shared>> -> memref<10240x128xf32, #tpu.memory_space<vmem_shared>>
      tpu.enqueue_indirect_dma source(%arg8 : memref<128x128xf32, #tpu.memory_space<vmem>>) target(%dma_start3A_118 : memref<10240x128xf32, #tpu.memory_space<vmem_shared>>) offsets(%dma_start3A_115 : memref<128xi32, #tpu.memory_space<vmem>>) semaphore(%arg13 : memref<!tpu.dma_semaphore, #tpu.memory_space<semaphore_mem>>) {add = true}
      %add3A_119 = arith.constant 2 : i32
      %add3A_120 = arith.addi %add3A_102, %add3A_119 : i32
      %add3A_121 = arith.addi %select_n3A, %select_n3A_10 : i32
      %lt3A_122 = arith.cmpi slt, %add3A_120, %add3A_121 : i32
      %convert_element_type3A_123 = arith.extui %lt3A_122 : i1 to i32
      %cond3A_124 = arith.constant 0 : i32
      %cond3A_125 = arith.cmpi ne, %convert_element_type3A_123, %cond3A_124 : i32
      scf.if %cond3A_125 {
        %dma_wait3A_126 = arith.constant 1 : i32
        %dma_wait3A_127 = arith.constant 1 : i32
        %dma_wait3A_128 = arith.constant 0 : i32
        %dma_wait3A_129 = tpu.memref_slice %arg6[%dma_wait3A_126, %dma_wait3A_127, %dma_wait3A_128] : memref<2x2x128xi32, #tpu.memory_space<vmem>> -> memref<1x1x128xi32, #tpu.memory_space<vmem>>
        %dma_wait3A_130 = tpu.memref_squeeze %dma_wait3A_129 : memref<1x1x128xi32, #tpu.memory_space<vmem>> -> memref<128xi32, #tpu.memory_space<vmem>>
        %dma_wait3A_131 = arith.constant 0 : i32
        %dma_wait3A_132 = arith.constant 0 : i32
        %dma_wait3A_133 = tpu.memref_slice %arg9[%dma_wait3A_131, %dma_wait3A_132] : memref<10240x128xf32, #tpu.memory_space<vmem_shared>> -> memref<10240x128xf32, #tpu.memory_space<vmem_shared>>
        tpu.wait_indirect_dma semaphore(%arg13 : memref<!tpu.dma_semaphore, #tpu.memory_space<semaphore_mem>>) src(%arg8 : memref<128x128xf32, #tpu.memory_space<vmem>>) dst(%dma_wait3A_133 : memref<10240x128xf32, #tpu.memory_space<vmem_shared>>)
        %run_scoped3A_134 = arith.constant 1 : i32
        "tpu.region"() ({
          %run_scoped3A_143 = tpu.sem_alloc : memref<!tpu.dma_semaphore, #tpu.memory_space<semaphore_mem>>
          %dma_start3A_144 = arith.constant 0 : i32
          %dma_start3A_145 = arith.constant 0 : i32
          %dma_start3A_146 = tpu.memref_slice %arg6[%run_scoped3A_134, %dma_start3A_144, %dma_start3A_145] : memref<2x2x128xi32, #tpu.memory_space<vmem>> -> memref<1x2x128xi32, #tpu.memory_space<vmem>>
          %dma_start3A_147 = tpu.memref_squeeze %dma_start3A_146 : memref<1x2x128xi32, #tpu.memory_space<vmem>> -> memref<2x128xi32, #tpu.memory_space<vmem>>
          %dma_start3A_148 = arith.constant 0 : i32
          %dma_start3A_149 = arith.constant 0 : i32
          %dma_start3A_150 = tpu.memref_slice %arg3[%add3A_120, %dma_start3A_148, %dma_start3A_149] : memref<2528x2x128xi32, #tpu.memory_space<hbm>> -> memref<1x2x128xi32, #tpu.memory_space<hbm>>
          %dma_start3A_151 = tpu.memref_squeeze %dma_start3A_150 : memref<1x2x128xi32, #tpu.memory_space<hbm>> -> memref<2x128xi32, #tpu.memory_space<hbm>>
          %dma_start3A_152 = arith.constant 0 : i32
          %dma_start3A_153 = arith.constant 0 : i32
          %dma_start3A_154 = tpu.memref_slice %arg6[%run_scoped3A_134, %dma_start3A_152, %dma_start3A_153] : memref<2x2x128xi32, #tpu.memory_space<vmem>> -> memref<1x2x128xi32, #tpu.memory_space<vmem>>
          %dma_start3A_155 = tpu.memref_squeeze %dma_start3A_154 : memref<1x2x128xi32, #tpu.memory_space<vmem>> -> memref<2x128xi32, #tpu.memory_space<vmem>>
          %dma_start3A_156 = arith.constant 0 : i32
          %dma_start3A_157 = arith.constant 0 : i32
          %dma_start3A_158 = tpu.memref_slice %arg3[%add3A_120, %dma_start3A_156, %dma_start3A_157] : memref<2528x2x128xi32, #tpu.memory_space<hbm>> -> memref<1x2x128xi32, #tpu.memory_space<hbm>>
          %dma_start3A_159 = tpu.memref_squeeze %dma_start3A_158 : memref<1x2x128xi32, #tpu.memory_space<hbm>> -> memref<2x128xi32, #tpu.memory_space<hbm>>
          tpu.enqueue_dma source(%dma_start3A_159 : memref<2x128xi32, #tpu.memory_space<hbm>>) target(%dma_start3A_155 : memref<2x128xi32, #tpu.memory_space<vmem>>) target_semaphore(%run_scoped3A_143 : memref<!tpu.dma_semaphore, #tpu.memory_space<semaphore_mem>>)
          %dma_wait3A_160 = arith.constant 0 : i32
          %dma_wait3A_161 = arith.constant 0 : i32
          %dma_wait3A_162 = tpu.memref_slice %arg6[%run_scoped3A_134, %dma_wait3A_160, %dma_wait3A_161] : memref<2x2x128xi32, #tpu.memory_space<vmem>> -> memref<1x2x128xi32, #tpu.memory_space<vmem>>
          %dma_wait3A_163 = tpu.memref_squeeze %dma_wait3A_162 : memref<1x2x128xi32, #tpu.memory_space<vmem>> -> memref<2x128xi32, #tpu.memory_space<vmem>>
          %dma_wait3A_164 = arith.constant 0 : i32
          %dma_wait3A_165 = arith.constant 0 : i32
          %dma_wait3A_166 = tpu.memref_slice %arg3[%add3A_120, %dma_wait3A_164, %dma_wait3A_165] : memref<2528x2x128xi32, #tpu.memory_space<hbm>> -> memref<1x2x128xi32, #tpu.memory_space<hbm>>
          %dma_wait3A_167 = tpu.memref_squeeze %dma_wait3A_166 : memref<1x2x128xi32, #tpu.memory_space<hbm>> -> memref<2x128xi32, #tpu.memory_space<hbm>>
          %dma_wait3A_168 = arith.constant 0 : i32
          %dma_wait3A_169 = arith.constant 0 : i32
          %dma_wait3A_170 = tpu.memref_slice %arg6[%run_scoped3A_134, %dma_wait3A_168, %dma_wait3A_169] : memref<2x2x128xi32, #tpu.memory_space<vmem>> -> memref<1x2x128xi32, #tpu.memory_space<vmem>>
          %dma_wait3A_171 = tpu.memref_squeeze %dma_wait3A_170 : memref<1x2x128xi32, #tpu.memory_space<vmem>> -> memref<2x128xi32, #tpu.memory_space<vmem>>
          %dma_wait3A_172 = arith.constant 0 : i32
          %dma_wait3A_173 = arith.constant 0 : i32
          %dma_wait3A_174 = tpu.memref_slice %arg3[%add3A_120, %dma_wait3A_172, %dma_wait3A_173] : memref<2528x2x128xi32, #tpu.memory_space<hbm>> -> memref<1x2x128xi32, #tpu.memory_space<hbm>>
          %dma_wait3A_175 = tpu.memref_squeeze %dma_wait3A_174 : memref<1x2x128xi32, #tpu.memory_space<hbm>> -> memref<2x128xi32, #tpu.memory_space<hbm>>
          tpu.wait_dma2 semaphore(%run_scoped3A_143 : memref<!tpu.dma_semaphore, #tpu.memory_space<semaphore_mem>>) src(%dma_wait3A_175 : memref<2x128xi32, #tpu.memory_space<hbm>>) dst(%dma_wait3A_171 : memref<2x128xi32, #tpu.memory_space<vmem>>)
          tpu.yield
        }) : () -> ()
        %dma_start3A_135 = arith.constant 1 : i32
        %dma_start3A_136 = arith.constant 0 : i32
        %dma_start3A_137 = arith.constant 0 : i32
        %dma_start3A_138 = tpu.memref_slice %arg6[%dma_start3A_135, %dma_start3A_136, %dma_start3A_137] : memref<2x2x128xi32, #tpu.memory_space<vmem>> -> memref<1x1x128xi32, #tpu.memory_space<vmem>>
        %dma_start3A_139 = tpu.memref_squeeze %dma_start3A_138 : memref<1x1x128xi32, #tpu.memory_space<vmem>> -> memref<128xi32, #tpu.memory_space<vmem>>
        %dma_start3A_140 = arith.constant 0 : i32
        %dma_start3A_141 = arith.constant 0 : i32
        %dma_start3A_142 = tpu.memref_slice %arg2[%dma_start3A_140, %dma_start3A_141] : memref<10240x128xf32, #tpu.memory_space<hbm>> -> memref<10240x128xf32, #tpu.memory_space<hbm>>
        tpu.enqueue_indirect_dma source(%dma_start3A_142 : memref<10240x128xf32, #tpu.memory_space<hbm>>) target(%arg8 : memref<128x128xf32, #tpu.memory_space<vmem>>) offsets(%dma_start3A_139 : memref<128xi32, #tpu.memory_space<vmem>>) semaphore(%arg11 : memref<!tpu.dma_semaphore, #tpu.memory_space<semaphore_mem>>)
      } else {
      }
    }
    %while3A_55 = arith.constant 1 : i32
    scf.for %while3A_72 = %while3A_53 to %while3A_49 step %while3A_55  : i32 {
      %mul3A_73 = arith.constant 2 : i32
      %mul3A_74 = arith.muli %mul3A_73, %while3A_72 : i32
      %add3A_75 = arith.addi %select_n3A, %mul3A_74 : i32
      %add3A_76 = arith.constant 0 : i32
      %add3A_77 = arith.addi %add3A_75, %add3A_76 : i32
      %dma_wait3A_78 = arith.constant 0 : i32
      %dma_wait3A_79 = arith.constant 0 : i32
      %dma_wait3A_80 = arith.constant 0 : i32
      %dma_wait3A_81 = tpu.memref_slice %arg6[%dma_wait3A_78, %dma_wait3A_79, %dma_wait3A_80] : memref<2x2x128xi32, #tpu.memory_space<vmem>> -> memref<1x1x128xi32, #tpu.memory_space<vmem>>
      %dma_wait3A_82 = tpu.memref_squeeze %dma_wait3A_81 : memref<1x1x128xi32, #tpu.memory_space<vmem>> -> memref<128xi32, #tpu.memory_space<vmem>>
      %dma_wait3A_83 = arith.constant 0 : i32
      %dma_wait3A_84 = arith.constant 0 : i32
      %dma_wait3A_85 = tpu.memref_slice %arg2[%dma_wait3A_83, %dma_wait3A_84] : memref<10240x128xf32, #tpu.memory_space<hbm>> -> memref<10240x128xf32, #tpu.memory_space<hbm>>
      tpu.wait_indirect_dma semaphore(%arg10 : memref<!tpu.dma_semaphore, #tpu.memory_space<semaphore_mem>>) src(%dma_wait3A_85 : memref<10240x128xf32, #tpu.memory_space<hbm>>) dst(%arg7 : memref<128x128xf32, #tpu.memory_space<vmem>>)
      %dma_start3A_86 = arith.constant 0 : i32
      %dma_start3A_87 = arith.constant 1 : i32
      %dma_start3A_88 = arith.constant 0 : i32
      %dma_start3A_89 = tpu.memref_slice %arg6[%dma_start3A_86, %dma_start3A_87, %dma_start3A_88] : memref<2x2x128xi32, #tpu.memory_space<vmem>> -> memref<1x1x128xi32, #tpu.memory_space<vmem>>
      %dma_start3A_90 = tpu.memref_squeeze %dma_start3A_89 : memref<1x1x128xi32, #tpu.memory_space<vmem>> -> memref<128xi32, #tpu.memory_space<vmem>>
      %dma_start3A_91 = arith.constant 0 : i32
      %dma_start3A_92 = arith.constant 0 : i32
      %dma_start3A_93 = tpu.memref_slice %arg9[%dma_start3A_91, %dma_start3A_92] : memref<10240x128xf32, #tpu.memory_space<vmem_shared>> -> memref<10240x128xf32, #tpu.memory_space<vmem_shared>>
      tpu.enqueue_indirect_dma source(%arg7 : memref<128x128xf32, #tpu.memory_space<vmem>>) target(%dma_start3A_93 : memref<10240x128xf32, #tpu.memory_space<vmem_shared>>) offsets(%dma_start3A_90 : memref<128xi32, #tpu.memory_space<vmem>>) semaphore(%arg12 : memref<!tpu.dma_semaphore, #tpu.memory_space<semaphore_mem>>) {add = true}
      %add3A_94 = arith.constant 2 : i32
      %add3A_95 = arith.addi %add3A_77, %add3A_94 : i32
      %add3A_96 = arith.addi %select_n3A, %select_n3A_10 : i32
      %lt3A = arith.cmpi slt, %add3A_95, %add3A_96 : i32
      %convert_element_type3A = arith.extui %lt3A : i1 to i32
      %cond3A = arith.constant 0 : i32
      %cond3A_97 = arith.cmpi ne, %convert_element_type3A, %cond3A : i32
      scf.if %cond3A_97 {
        %dma_wait3A_126 = arith.constant 0 : i32
        %dma_wait3A_127 = arith.constant 1 : i32
        %dma_wait3A_128 = arith.constant 0 : i32
        %dma_wait3A_129 = tpu.memref_slice %arg6[%dma_wait3A_126, %dma_wait3A_127, %dma_wait3A_128] : memref<2x2x128xi32, #tpu.memory_space<vmem>> -> memref<1x1x128xi32, #tpu.memory_space<vmem>>
        %dma_wait3A_130 = tpu.memref_squeeze %dma_wait3A_129 : memref<1x1x128xi32, #tpu.memory_space<vmem>> -> memref<128xi32, #tpu.memory_space<vmem>>
        %dma_wait3A_131 = arith.constant 0 : i32
        %dma_wait3A_132 = arith.constant 0 : i32
        %dma_wait3A_133 = tpu.memref_slice %arg9[%dma_wait3A_131, %dma_wait3A_132] : memref<10240x128xf32, #tpu.memory_space<vmem_shared>> -> memref<10240x128xf32, #tpu.memory_space<vmem_shared>>
        tpu.wait_indirect_dma semaphore(%arg12 : memref<!tpu.dma_semaphore, #tpu.memory_space<semaphore_mem>>) src(%arg7 : memref<128x128xf32, #tpu.memory_space<vmem>>) dst(%dma_wait3A_133 : memref<10240x128xf32, #tpu.memory_space<vmem_shared>>)
        %run_scoped3A_134 = arith.constant 0 : i32
        "tpu.region"() ({
          %run_scoped3A_143 = tpu.sem_alloc : memref<!tpu.dma_semaphore, #tpu.memory_space<semaphore_mem>>
          %dma_start3A_144 = arith.constant 0 : i32
          %dma_start3A_145 = arith.constant 0 : i32
          %dma_start3A_146 = tpu.memref_slice %arg6[%run_scoped3A_134, %dma_start3A_144, %dma_start3A_145] : memref<2x2x128xi32, #tpu.memory_space<vmem>> -> memref<1x2x128xi32, #tpu.memory_space<vmem>>
          %dma_start3A_147 = tpu.memref_squeeze %dma_start3A_146 : memref<1x2x128xi32, #tpu.memory_space<vmem>> -> memref<2x128xi32, #tpu.memory_space<vmem>>
          %dma_start3A_148 = arith.constant 0 : i32
          %dma_start3A_149 = arith.constant 0 : i32
          %dma_start3A_150 = tpu.memref_slice %arg3[%add3A_95, %dma_start3A_148, %dma_start3A_149] : memref<2528x2x128xi32, #tpu.memory_space<hbm>> -> memref<1x2x128xi32, #tpu.memory_space<hbm>>
          %dma_start3A_151 = tpu.memref_squeeze %dma_start3A_150 : memref<1x2x128xi32, #tpu.memory_space<hbm>> -> memref<2x128xi32, #tpu.memory_space<hbm>>
          %dma_start3A_152 = arith.constant 0 : i32
          %dma_start3A_153 = arith.constant 0 : i32
          %dma_start3A_154 = tpu.memref_slice %arg6[%run_scoped3A_134, %dma_start3A_152, %dma_start3A_153] : memref<2x2x128xi32, #tpu.memory_space<vmem>> -> memref<1x2x128xi32, #tpu.memory_space<vmem>>
          %dma_start3A_155 = tpu.memref_squeeze %dma_start3A_154 : memref<1x2x128xi32, #tpu.memory_space<vmem>> -> memref<2x128xi32, #tpu.memory_space<vmem>>
          %dma_start3A_156 = arith.constant 0 : i32
          %dma_start3A_157 = arith.constant 0 : i32
          %dma_start3A_158 = tpu.memref_slice %arg3[%add3A_95, %dma_start3A_156, %dma_start3A_157] : memref<2528x2x128xi32, #tpu.memory_space<hbm>> -> memref<1x2x128xi32, #tpu.memory_space<hbm>>
          %dma_start3A_159 = tpu.memref_squeeze %dma_start3A_158 : memref<1x2x128xi32, #tpu.memory_space<hbm>> -> memref<2x128xi32, #tpu.memory_space<hbm>>
          tpu.enqueue_dma source(%dma_start3A_159 : memref<2x128xi32, #tpu.memory_space<hbm>>) target(%dma_start3A_155 : memref<2x128xi32, #tpu.memory_space<vmem>>) target_semaphore(%run_scoped3A_143 : memref<!tpu.dma_semaphore, #tpu.memory_space<semaphore_mem>>)
          %dma_wait3A_160 = arith.constant 0 : i32
          %dma_wait3A_161 = arith.constant 0 : i32
          %dma_wait3A_162 = tpu.memref_slice %arg6[%run_scoped3A_134, %dma_wait3A_160, %dma_wait3A_161] : memref<2x2x128xi32, #tpu.memory_space<vmem>> -> memref<1x2x128xi32, #tpu.memory_space<vmem>>
          %dma_wait3A_163 = tpu.memref_squeeze %dma_wait3A_162 : memref<1x2x128xi32, #tpu.memory_space<vmem>> -> memref<2x128xi32, #tpu.memory_space<vmem>>
          %dma_wait3A_164 = arith.constant 0 : i32
          %dma_wait3A_165 = arith.constant 0 : i32
          %dma_wait3A_166 = tpu.memref_slice %arg3[%add3A_95, %dma_wait3A_164, %dma_wait3A_165] : memref<2528x2x128xi32, #tpu.memory_space<hbm>> -> memref<1x2x128xi32, #tpu.memory_space<hbm>>
          %dma_wait3A_167 = tpu.memref_squeeze %dma_wait3A_166 : memref<1x2x128xi32, #tpu.memory_space<hbm>> -> memref<2x128xi32, #tpu.memory_space<hbm>>
          %dma_wait3A_168 = arith.constant 0 : i32
          %dma_wait3A_169 = arith.constant 0 : i32
          %dma_wait3A_170 = tpu.memref_slice %arg6[%run_scoped3A_134, %dma_wait3A_168, %dma_wait3A_169] : memref<2x2x128xi32, #tpu.memory_space<vmem>> -> memref<1x2x128xi32, #tpu.memory_space<vmem>>
          %dma_wait3A_171 = tpu.memref_squeeze %dma_wait3A_170 : memref<1x2x128xi32, #tpu.memory_space<vmem>> -> memref<2x128xi32, #tpu.memory_space<vmem>>
          %dma_wait3A_172 = arith.constant 0 : i32
          %dma_wait3A_173 = arith.constant 0 : i32
          %dma_wait3A_174 = tpu.memref_slice %arg3[%add3A_95, %dma_wait3A_172, %dma_wait3A_173] : memref<2528x2x128xi32, #tpu.memory_space<hbm>> -> memref<1x2x128xi32, #tpu.memory_space<hbm>>
          %dma_wait3A_175 = tpu.memref_squeeze %dma_wait3A_174 : memref<1x2x128xi32, #tpu.memory_space<hbm>> -> memref<2x128xi32, #tpu.memory_space<hbm>>
          tpu.wait_dma2 semaphore(%run_scoped3A_143 : memref<!tpu.dma_semaphore, #tpu.memory_space<semaphore_mem>>) src(%dma_wait3A_175 : memref<2x128xi32, #tpu.memory_space<hbm>>) dst(%dma_wait3A_171 : memref<2x128xi32, #tpu.memory_space<vmem>>)
          tpu.yield
        }) : () -> ()
        %dma_start3A_135 = arith.constant 0 : i32
        %dma_start3A_136 = arith.constant 0 : i32
        %dma_start3A_137 = arith.constant 0 : i32
        %dma_start3A_138 = tpu.memref_slice %arg6[%dma_start3A_135, %dma_start3A_136, %dma_start3A_137] : memref<2x2x128xi32, #tpu.memory_space<vmem>> -> memref<1x1x128xi32, #tpu.memory_space<vmem>>
        %dma_start3A_139 = tpu.memref_squeeze %dma_start3A_138 : memref<1x1x128xi32, #tpu.memory_space<vmem>> -> memref<128xi32, #tpu.memory_space<vmem>>
        %dma_start3A_140 = arith.constant 0 : i32
        %dma_start3A_141 = arith.constant 0 : i32
        %dma_start3A_142 = tpu.memref_slice %arg2[%dma_start3A_140, %dma_start3A_141] : memref<10240x128xf32, #tpu.memory_space<hbm>> -> memref<10240x128xf32, #tpu.memory_space<hbm>>
        tpu.enqueue_indirect_dma source(%dma_start3A_142 : memref<10240x128xf32, #tpu.memory_space<hbm>>) target(%arg7 : memref<128x128xf32, #tpu.memory_space<vmem>>) offsets(%dma_start3A_139 : memref<128xi32, #tpu.memory_space<vmem>>) semaphore(%arg10 : memref<!tpu.dma_semaphore, #tpu.memory_space<semaphore_mem>>)
      } else {
      }
      %mul3A_98 = arith.constant 2 : i32
      %mul3A_99 = arith.muli %mul3A_98, %while3A_72 : i32
      %add3A_100 = arith.addi %select_n3A, %mul3A_99 : i32
      %add3A_101 = arith.constant 1 : i32
      %add3A_102 = arith.addi %add3A_100, %add3A_101 : i32
      %dma_wait3A_103 = arith.constant 1 : i32
      %dma_wait3A_104 = arith.constant 0 : i32
      %dma_wait3A_105 = arith.constant 0 : i32
      %dma_wait3A_106 = tpu.memref_slice %arg6[%dma_wait3A_103, %dma_wait3A_104, %dma_wait3A_105] : memref<2x2x128xi32, #tpu.memory_space<vmem>> -> memref<1x1x128xi32, #tpu.memory_space<vmem>>
      %dma_wait3A_107 = tpu.memref_squeeze %dma_wait3A_106 : memref<1x1x128xi32, #tpu.memory_space<vmem>> -> memref<128xi32, #tpu.memory_space<vmem>>
      %dma_wait3A_108 = arith.constant 0 : i32
      %dma_wait3A_109 = arith.constant 0 : i32
      %dma_wait3A_110 = tpu.memref_slice %arg2[%dma_wait3A_108, %dma_wait3A_109] : memref<10240x128xf32, #tpu.memory_space<hbm>> -> memref<10240x128xf32, #tpu.memory_space<hbm>>
      tpu.wait_indirect_dma semaphore(%arg11 : memref<!tpu.dma_semaphore, #tpu.memory_space<semaphore_mem>>) src(%dma_wait3A_110 : memref<10240x128xf32, #tpu.memory_space<hbm>>) dst(%arg8 : memref<128x128xf32, #tpu.memory_space<vmem>>)
      %dma_start3A_111 = arith.constant 1 : i32
      %dma_start3A_112 = arith.constant 1 : i32
      %dma_start3A_113 = arith.constant 0 : i32
      %dma_start3A_114 = tpu.memref_slice %arg6[%dma_start3A_111, %dma_start3A_112, %dma_start3A_113] : memref<2x2x128xi32, #tpu.memory_space<vmem>> -> memref<1x1x128xi32, #tpu.memory_space<vmem>>
      %dma_start3A_115 = tpu.memref_squeeze %dma_start3A_114 : memref<1x1x128xi32, #tpu.memory_space<vmem>> -> memref<128xi32, #tpu.memory_space<vmem>>
      %dma_start3A_116 = arith.constant 0 : i32
      %dma_start3A_117 = arith.constant 0 : i32
      %dma_start3A_118 = tpu.memref_slice %arg9[%dma_start3A_116, %dma_start3A_117] : memref<10240x128xf32, #tpu.memory_space<vmem_shared>> -> memref<10240x128xf32, #tpu.memory_space<vmem_shared>>
      tpu.enqueue_indirect_dma source(%arg8 : memref<128x128xf32, #tpu.memory_space<vmem>>) target(%dma_start3A_118 : memref<10240x128xf32, #tpu.memory_space<vmem_shared>>) offsets(%dma_start3A_115 : memref<128xi32, #tpu.memory_space<vmem>>) semaphore(%arg13 : memref<!tpu.dma_semaphore, #tpu.memory_space<semaphore_mem>>) {add = true}
      %add3A_119 = arith.constant 2 : i32
      %add3A_120 = arith.addi %add3A_102, %add3A_119 : i32
      %add3A_121 = arith.addi %select_n3A, %select_n3A_10 : i32
      %lt3A_122 = arith.cmpi slt, %add3A_120, %add3A_121 : i32
      %convert_element_type3A_123 = arith.extui %lt3A_122 : i1 to i32
      %cond3A_124 = arith.constant 0 : i32
      %cond3A_125 = arith.cmpi ne, %convert_element_type3A_123, %cond3A_124 : i32
      scf.if %cond3A_125 {
        %dma_wait3A_126 = arith.constant 1 : i32
        %dma_wait3A_127 = arith.constant 1 : i32
        %dma_wait3A_128 = arith.constant 0 : i32
        %dma_wait3A_129 = tpu.memref_slice %arg6[%dma_wait3A_126, %dma_wait3A_127, %dma_wait3A_128] : memref<2x2x128xi32, #tpu.memory_space<vmem>> -> memref<1x1x128xi32, #tpu.memory_space<vmem>>
        %dma_wait3A_130 = tpu.memref_squeeze %dma_wait3A_129 : memref<1x1x128xi32, #tpu.memory_space<vmem>> -> memref<128xi32, #tpu.memory_space<vmem>>
        %dma_wait3A_131 = arith.constant 0 : i32
        %dma_wait3A_132 = arith.constant 0 : i32
        %dma_wait3A_133 = tpu.memref_slice %arg9[%dma_wait3A_131, %dma_wait3A_132] : memref<10240x128xf32, #tpu.memory_space<vmem_shared>> -> memref<10240x128xf32, #tpu.memory_space<vmem_shared>>
        tpu.wait_indirect_dma semaphore(%arg13 : memref<!tpu.dma_semaphore, #tpu.memory_space<semaphore_mem>>) src(%arg8 : memref<128x128xf32, #tpu.memory_space<vmem>>) dst(%dma_wait3A_133 : memref<10240x128xf32, #tpu.memory_space<vmem_shared>>)
        %run_scoped3A_134 = arith.constant 1 : i32
        "tpu.region"() ({
          %run_scoped3A_143 = tpu.sem_alloc : memref<!tpu.dma_semaphore, #tpu.memory_space<semaphore_mem>>
          %dma_start3A_144 = arith.constant 0 : i32
          %dma_start3A_145 = arith.constant 0 : i32
          %dma_start3A_146 = tpu.memref_slice %arg6[%run_scoped3A_134, %dma_start3A_144, %dma_start3A_145] : memref<2x2x128xi32, #tpu.memory_space<vmem>> -> memref<1x2x128xi32, #tpu.memory_space<vmem>>
          %dma_start3A_147 = tpu.memref_squeeze %dma_start3A_146 : memref<1x2x128xi32, #tpu.memory_space<vmem>> -> memref<2x128xi32, #tpu.memory_space<vmem>>
          %dma_start3A_148 = arith.constant 0 : i32
          %dma_start3A_149 = arith.constant 0 : i32
          %dma_start3A_150 = tpu.memref_slice %arg3[%add3A_120, %dma_start3A_148, %dma_start3A_149] : memref<2528x2x128xi32, #tpu.memory_space<hbm>> -> memref<1x2x128xi32, #tpu.memory_space<hbm>>
          %dma_start3A_151 = tpu.memref_squeeze %dma_start3A_150 : memref<1x2x128xi32, #tpu.memory_space<hbm>> -> memref<2x128xi32, #tpu.memory_space<hbm>>
          %dma_start3A_152 = arith.constant 0 : i32
          %dma_start3A_153 = arith.constant 0 : i32
          %dma_start3A_154 = tpu.memref_slice %arg6[%run_scoped3A_134, %dma_start3A_152, %dma_start3A_153] : memref<2x2x128xi32, #tpu.memory_space<vmem>> -> memref<1x2x128xi32, #tpu.memory_space<vmem>>
          %dma_start3A_155 = tpu.memref_squeeze %dma_start3A_154 : memref<1x2x128xi32, #tpu.memory_space<vmem>> -> memref<2x128xi32, #tpu.memory_space<vmem>>
          %dma_start3A_156 = arith.constant 0 : i32
          %dma_start3A_157 = arith.constant 0 : i32
          %dma_start3A_158 = tpu.memref_slice %arg3[%add3A_120, %dma_start3A_156, %dma_start3A_157] : memref<2528x2x128xi32, #tpu.memory_space<hbm>> -> memref<1x2x128xi32, #tpu.memory_space<hbm>>
          %dma_start3A_159 = tpu.memref_squeeze %dma_start3A_158 : memref<1x2x128xi32, #tpu.memory_space<hbm>> -> memref<2x128xi32, #tpu.memory_space<hbm>>
          tpu.enqueue_dma source(%dma_start3A_159 : memref<2x128xi32, #tpu.memory_space<hbm>>) target(%dma_start3A_155 : memref<2x128xi32, #tpu.memory_space<vmem>>) target_semaphore(%run_scoped3A_143 : memref<!tpu.dma_semaphore, #tpu.memory_space<semaphore_mem>>)
          %dma_wait3A_160 = arith.constant 0 : i32
          %dma_wait3A_161 = arith.constant 0 : i32
          %dma_wait3A_162 = tpu.memref_slice %arg6[%run_scoped3A_134, %dma_wait3A_160, %dma_wait3A_161] : memref<2x2x128xi32, #tpu.memory_space<vmem>> -> memref<1x2x128xi32, #tpu.memory_space<vmem>>
          %dma_wait3A_163 = tpu.memref_squeeze %dma_wait3A_162 : memref<1x2x128xi32, #tpu.memory_space<vmem>> -> memref<2x128xi32, #tpu.memory_space<vmem>>
          %dma_wait3A_164 = arith.constant 0 : i32
          %dma_wait3A_165 = arith.constant 0 : i32
          %dma_wait3A_166 = tpu.memref_slice %arg3[%add3A_120, %dma_wait3A_164, %dma_wait3A_165] : memref<2528x2x128xi32, #tpu.memory_space<hbm>> -> memref<1x2x128xi32, #tpu.memory_space<hbm>>
          %dma_wait3A_167 = tpu.memref_squeeze %dma_wait3A_166 : memref<1x2x128xi32, #tpu.memory_space<hbm>> -> memref<2x128xi32, #tpu.memory_space<hbm>>
          %dma_wait3A_168 = arith.constant 0 : i32
          %dma_wait3A_169 = arith.constant 0 : i32
          %dma_wait3A_170 = tpu.memref_slice %arg6[%run_scoped3A_134, %dma_wait3A_168, %dma_wait3A_169] : memref<2x2x128xi32, #tpu.memory_space<vmem>> -> memref<1x2x128xi32, #tpu.memory_space<vmem>>
          %dma_wait3A_171 = tpu.memref_squeeze %dma_wait3A_170 : memref<1x2x128xi32, #tpu.memory_space<vmem>> -> memref<2x128xi32, #tpu.memory_space<vmem>>
          %dma_wait3A_172 = arith.constant 0 : i32
          %dma_wait3A_173 = arith.constant 0 : i32
          %dma_wait3A_174 = tpu.memref_slice %arg3[%add3A_120, %dma_wait3A_172, %dma_wait3A_173] : memref<2528x2x128xi32, #tpu.memory_space<hbm>> -> memref<1x2x128xi32, #tpu.memory_space<hbm>>
          %dma_wait3A_175 = tpu.memref_squeeze %dma_wait3A_174 : memref<1x2x128xi32, #tpu.memory_space<hbm>> -> memref<2x128xi32, #tpu.memory_space<hbm>>
          tpu.wait_dma2 semaphore(%run_scoped3A_143 : memref<!tpu.dma_semaphore, #tpu.memory_space<semaphore_mem>>) src(%dma_wait3A_175 : memref<2x128xi32, #tpu.memory_space<hbm>>) dst(%dma_wait3A_171 : memref<2x128xi32, #tpu.memory_space<vmem>>)
          tpu.yield
        }) : () -> ()
        %dma_start3A_135 = arith.constant 1 : i32
        %dma_start3A_136 = arith.constant 0 : i32
        %dma_start3A_137 = arith.constant 0 : i32
        %dma_start3A_138 = tpu.memref_slice %arg6[%dma_start3A_135, %dma_start3A_136, %dma_start3A_137] : memref<2x2x128xi32, #tpu.memory_space<vmem>> -> memref<1x1x128xi32, #tpu.memory_space<vmem>>
        %dma_start3A_139 = tpu.memref_squeeze %dma_start3A_138 : memref<1x1x128xi32, #tpu.memory_space<vmem>> -> memref<128xi32, #tpu.memory_space<vmem>>
        %dma_start3A_140 = arith.constant 0 : i32
        %dma_start3A_141 = arith.constant 0 : i32
        %dma_start3A_142 = tpu.memref_slice %arg2[%dma_start3A_140, %dma_start3A_141] : memref<10240x128xf32, #tpu.memory_space<hbm>> -> memref<10240x128xf32, #tpu.memory_space<hbm>>
        tpu.enqueue_indirect_dma source(%dma_start3A_142 : memref<10240x128xf32, #tpu.memory_space<hbm>>) target(%arg8 : memref<128x128xf32, #tpu.memory_space<vmem>>) offsets(%dma_start3A_139 : memref<128xi32, #tpu.memory_space<vmem>>) semaphore(%arg11 : memref<!tpu.dma_semaphore, #tpu.memory_space<semaphore_mem>>)
      } else {
      }
    }
    %dma_wait3A = arith.constant 0 : i32
    %dma_wait3A_56 = arith.constant 1 : i32
    %dma_wait3A_57 = arith.constant 0 : i32
    %dma_wait3A_58 = tpu.memref_slice %arg6[%dma_wait3A, %dma_wait3A_56, %dma_wait3A_57] : memref<2x2x128xi32, #tpu.memory_space<vmem>> -> memref<1x1x128xi32, #tpu.memory_space<vmem>>
    %dma_wait3A_59 = tpu.memref_squeeze %dma_wait3A_58 : memref<1x1x128xi32, #tpu.memory_space<vmem>> -> memref<128xi32, #tpu.memory_space<vmem>>
    %dma_wait3A_60 = arith.constant 0 : i32
    %dma_wait3A_61 = arith.constant 0 : i32
    %dma_wait3A_62 = tpu.memref_slice %arg9[%dma_wait3A_60, %dma_wait3A_61] : memref<10240x128xf32, #tpu.memory_space<vmem_shared>> -> memref<10240x128xf32, #tpu.memory_space<vmem_shared>>
    tpu.wait_indirect_dma semaphore(%arg12 : memref<!tpu.dma_semaphore, #tpu.memory_space<semaphore_mem>>) src(%arg7 : memref<128x128xf32, #tpu.memory_space<vmem>>) dst(%dma_wait3A_62 : memref<10240x128xf32, #tpu.memory_space<vmem_shared>>)
    %dma_wait3A_63 = arith.constant 1 : i32
    %dma_wait3A_64 = arith.constant 1 : i32
    %dma_wait3A_65 = arith.constant 0 : i32
    %dma_wait3A_66 = tpu.memref_slice %arg6[%dma_wait3A_63, %dma_wait3A_64, %dma_wait3A_65] : memref<2x2x128xi32, #tpu.memory_space<vmem>> -> memref<1x1x128xi32, #tpu.memory_space<vmem>>
    %dma_wait3A_67 = tpu.memref_squeeze %dma_wait3A_66 : memref<1x1x128xi32, #tpu.memory_space<vmem>> -> memref<128xi32, #tpu.memory_space<vmem>>
    %dma_wait3A_68 = arith.constant 0 : i32
    %dma_wait3A_69 = arith.constant 0 : i32
    %dma_wait3A_70 = tpu.memref_slice %arg9[%dma_wait3A_68, %dma_wait3A_69] : memref<10240x128xf32, #tpu.memory_space<vmem_shared>> -> memref<10240x128xf32, #tpu.memory_space<vmem_shared>>
    tpu.wait_indirect_dma semaphore(%arg13 : memref<!tpu.dma_semaphore, #tpu.memory_space<semaphore_mem>>) src(%arg8 : memref<128x128xf32, #tpu.memory_space<vmem>>) dst(%dma_wait3A_70 : memref<10240x128xf32, #tpu.memory_space<vmem_shared>>)
    %barrier3A_71 = arith.constant 0 : index
    tpu.barrier barrier_id(%barrier3A_71)
    "tpu.region"() ({
      %run_scoped3A_72 = tpu.sem_alloc : memref<!tpu.dma_semaphore, #tpu.memory_space<semaphore_mem>>
      %dma_start3A_73 = arith.constant 0 : i32
      %dma_start3A_74 = tpu.memref_slice %arg5[%arg0, %mul3A_0, %dma_start3A_73] : memref<2x10240x128xf32, #tpu.memory_space<hbm>> -> memref<1x640x128xf32, #tpu.memory_space<hbm>>
      %dma_start3A_75 = tpu.memref_squeeze %dma_start3A_74 : memref<1x640x128xf32, #tpu.memory_space<hbm>> -> memref<640x128xf32, #tpu.memory_space<hbm>>
      %dma_start3A_76 = arith.constant 0 : i32
      %dma_start3A_77 = tpu.memref_slice %arg9[%mul3A_0, %dma_start3A_76] : memref<10240x128xf32, #tpu.memory_space<vmem_shared>> -> memref<640x128xf32, #tpu.memory_space<vmem_shared>>
      tpu.enqueue_dma source(%dma_start3A_77 : memref<640x128xf32, #tpu.memory_space<vmem_shared>>) target(%dma_start3A_75 : memref<640x128xf32, #tpu.memory_space<hbm>>) target_semaphore(%run_scoped3A_72 : memref<!tpu.dma_semaphore, #tpu.memory_space<semaphore_mem>>)
      %dma_wait3A_78 = arith.constant 0 : i32
      %dma_wait3A_79 = tpu.memref_slice %arg5[%arg0, %mul3A_0, %dma_wait3A_78] : memref<2x10240x128xf32, #tpu.memory_space<hbm>> -> memref<1x640x128xf32, #tpu.memory_space<hbm>>
      %dma_wait3A_80 = tpu.memref_squeeze %dma_wait3A_79 : memref<1x640x128xf32, #tpu.memory_space<hbm>> -> memref<640x128xf32, #tpu.memory_space<hbm>>
      %dma_wait3A_81 = arith.constant 0 : i32
      %dma_wait3A_82 = tpu.memref_slice %arg9[%mul3A_0, %dma_wait3A_81] : memref<10240x128xf32, #tpu.memory_space<vmem_shared>> -> memref<640x128xf32, #tpu.memory_space<vmem_shared>>
      tpu.wait_dma2 semaphore(%run_scoped3A_72 : memref<!tpu.dma_semaphore, #tpu.memory_space<semaphore_mem>>) src(%dma_wait3A_82 : memref<640x128xf32, #tpu.memory_space<vmem_shared>>) dst(%dma_wait3A_80 : memref<640x128xf32, #tpu.memory_space<hbm>>)
      tpu.yield
    }) : () -> ()
    return
  }
}

#map = affine_map<(d0, d1) -> (0, 0)>
#map1 = affine_map<(d0, d1) -> (0, 0, 0)>
module attributes {stable_mosaic.version = 14 : i64} {
  func.func @_seg_body(%arg0: i32, %arg1: i32, %arg2: memref<10240x128xf32, #tpu.memory_space<hbm>>, %arg3: memref<2528x2x128xi32, #tpu.memory_space<hbm>>, %arg4: memref<640x128xf32, #tpu.memory_space<hbm>>, %arg5: memref<2x10240x128xf32, #tpu.memory_space<hbm>>, %arg6: memref<2x2x128xi32, #tpu.memory_space<vmem>>, %arg7: memref<128x128xf32, #tpu.memory_space<vmem>>, %arg8: memref<128x128xf32, #tpu.memory_space<vmem>>, %arg9: memref<10240x128xf32, #tpu.memory_space<vmem_shared>>, %arg10: memref<!tpu.dma_semaphore, #tpu.memory_space<semaphore_mem>>, %arg11: memref<!tpu.dma_semaphore, #tpu.memory_space<semaphore_mem>>, %arg12: memref<!tpu.dma_semaphore, #tpu.memory_space<semaphore_mem>>, %arg13: memref<!tpu.dma_semaphore, #tpu.memory_space<semaphore_mem>>) attributes {dimension_semantics = [#tpu.dimension_semantics<core_parallel>, #tpu.dimension_semantics<subcore_parallel>], iteration_bounds = array<i64: 2, 16>, scalar_prefetch = 0 : i64, scratch_operands = 8 : i64, tpu.core_type = #tpu.core_type<sc_vector_subcore>, window_params = [{transform_indices = #map}, {transform_indices = #map1}, {transform_indices = #map}, {transform_indices = #map1}]} {
    %mul3A = arith.constant 640 : i32
    %mul3A_0 = arith.muli %arg1, %mul3A : i32
    %eq3A = arith.constant 0 : i32
    %eq3A_1 = arith.cmpi eq, %arg0, %eq3A : i32
    %mul3A_2 = arith.constant 132 : i32
    %mul3A_3 = arith.muli %arg1, %mul3A_2 : i32
    %mul3A_4 = arith.constant 26 : i32
    %mul3A_5 = arith.muli %arg1, %mul3A_4 : i32
    %add3A = arith.constant 2112 : i32
    %add3A_6 = arith.addi %add3A, %mul3A_5 : i32
    %select_n3A = arith.select %eq3A_1, %mul3A_3, %add3A_6 : i32
    %eq3A_7 = arith.constant 0 : i32
    %eq3A_8 = arith.cmpi eq, %arg0, %eq3A_7 : i32
    %jit3A = arith.constant 132 : i32
    %jit3A_9 = arith.constant 26 : i32
    %select_n3A_10 = arith.select %eq3A_8, %jit3A, %jit3A_9 : i32
    "tpu.region"() ({
      %run_scoped3A_72 = tpu.sem_alloc : memref<!tpu.dma_semaphore, #tpu.memory_space<semaphore_mem>>
      %dma_start3A_73 = arith.constant 0 : i32
      %dma_start3A_74 = tpu.memref_slice %arg9[%mul3A_0, %dma_start3A_73] : memref<10240x128xf32, #tpu.memory_space<vmem_shared>> -> memref<640x128xf32, #tpu.memory_space<vmem_shared>>
      tpu.enqueue_dma source(%arg4 : memref<640x128xf32, #tpu.memory_space<hbm>>) target(%dma_start3A_74 : memref<640x128xf32, #tpu.memory_space<vmem_shared>>) target_semaphore(%run_scoped3A_72 : memref<!tpu.dma_semaphore, #tpu.memory_space<semaphore_mem>>)
      %dma_wait3A_75 = arith.constant 0 : i32
      %dma_wait3A_76 = tpu.memref_slice %arg9[%mul3A_0, %dma_wait3A_75] : memref<10240x128xf32, #tpu.memory_space<vmem_shared>> -> memref<640x128xf32, #tpu.memory_space<vmem_shared>>
      tpu.wait_dma2 semaphore(%run_scoped3A_72 : memref<!tpu.dma_semaphore, #tpu.memory_space<semaphore_mem>>) src(%arg4 : memref<640x128xf32, #tpu.memory_space<hbm>>) dst(%dma_wait3A_76 : memref<640x128xf32, #tpu.memory_space<vmem_shared>>)
      tpu.yield
    }) : () -> ()
    %barrier3A = arith.constant 0 : index
    tpu.barrier barrier_id(%barrier3A)
    %run_scoped3A = arith.constant 0 : i32
    "tpu.region"() ({
      %run_scoped3A_72 = tpu.sem_alloc : memref<!tpu.dma_semaphore, #tpu.memory_space<semaphore_mem>>
      %dma_start3A_73 = arith.constant 0 : i32
      %dma_start3A_74 = arith.constant 0 : i32
      %dma_start3A_75 = tpu.memref_slice %arg6[%run_scoped3A, %dma_start3A_73, %dma_start3A_74] : memref<2x2x128xi32, #tpu.memory_space<vmem>> -> memref<1x2x128xi32, #tpu.memory_space<vmem>>
      %dma_start3A_76 = tpu.memref_squeeze %dma_start3A_75 : memref<1x2x128xi32, #tpu.memory_space<vmem>> -> memref<2x128xi32, #tpu.memory_space<vmem>>
      %dma_start3A_77 = arith.constant 0 : i32
      %dma_start3A_78 = arith.constant 0 : i32
      %dma_start3A_79 = tpu.memref_slice %arg3[%select_n3A, %dma_start3A_77, %dma_start3A_78] : memref<2528x2x128xi32, #tpu.memory_space<hbm>> -> memref<1x2x128xi32, #tpu.memory_space<hbm>>
      %dma_start3A_80 = tpu.memref_squeeze %dma_start3A_79 : memref<1x2x128xi32, #tpu.memory_space<hbm>> -> memref<2x128xi32, #tpu.memory_space<hbm>>
      %dma_start3A_81 = arith.constant 0 : i32
      %dma_start3A_82 = arith.constant 0 : i32
      %dma_start3A_83 = tpu.memref_slice %arg6[%run_scoped3A, %dma_start3A_81, %dma_start3A_82] : memref<2x2x128xi32, #tpu.memory_space<vmem>> -> memref<1x2x128xi32, #tpu.memory_space<vmem>>
      %dma_start3A_84 = tpu.memref_squeeze %dma_start3A_83 : memref<1x2x128xi32, #tpu.memory_space<vmem>> -> memref<2x128xi32, #tpu.memory_space<vmem>>
      %dma_start3A_85 = arith.constant 0 : i32
      %dma_start3A_86 = arith.constant 0 : i32
      %dma_start3A_87 = tpu.memref_slice %arg3[%select_n3A, %dma_start3A_85, %dma_start3A_86] : memref<2528x2x128xi32, #tpu.memory_space<hbm>> -> memref<1x2x128xi32, #tpu.memory_space<hbm>>
      %dma_start3A_88 = tpu.memref_squeeze %dma_start3A_87 : memref<1x2x128xi32, #tpu.memory_space<hbm>> -> memref<2x128xi32, #tpu.memory_space<hbm>>
      tpu.enqueue_dma source(%dma_start3A_88 : memref<2x128xi32, #tpu.memory_space<hbm>>) target(%dma_start3A_84 : memref<2x128xi32, #tpu.memory_space<vmem>>) target_semaphore(%run_scoped3A_72 : memref<!tpu.dma_semaphore, #tpu.memory_space<semaphore_mem>>)
      %dma_wait3A_89 = arith.constant 0 : i32
      %dma_wait3A_90 = arith.constant 0 : i32
      %dma_wait3A_91 = tpu.memref_slice %arg6[%run_scoped3A, %dma_wait3A_89, %dma_wait3A_90] : memref<2x2x128xi32, #tpu.memory_space<vmem>> -> memref<1x2x128xi32, #tpu.memory_space<vmem>>
      %dma_wait3A_92 = tpu.memref_squeeze %dma_wait3A_91 : memref<1x2x128xi32, #tpu.memory_space<vmem>> -> memref<2x128xi32, #tpu.memory_space<vmem>>
      %dma_wait3A_93 = arith.constant 0 : i32
      %dma_wait3A_94 = arith.constant 0 : i32
      %dma_wait3A_95 = tpu.memref_slice %arg3[%select_n3A, %dma_wait3A_93, %dma_wait3A_94] : memref<2528x2x128xi32, #tpu.memory_space<hbm>> -> memref<1x2x128xi32, #tpu.memory_space<hbm>>
      %dma_wait3A_96 = tpu.memref_squeeze %dma_wait3A_95 : memref<1x2x128xi32, #tpu.memory_space<hbm>> -> memref<2x128xi32, #tpu.memory_space<hbm>>
      %dma_wait3A_97 = arith.constant 0 : i32
      %dma_wait3A_98 = arith.constant 0 : i32
      %dma_wait3A_99 = tpu.memref_slice %arg6[%run_scoped3A, %dma_wait3A_97, %dma_wait3A_98] : memref<2x2x128xi32, #tpu.memory_space<vmem>> -> memref<1x2x128xi32, #tpu.memory_space<vmem>>
      %dma_wait3A_100 = tpu.memref_squeeze %dma_wait3A_99 : memref<1x2x128xi32, #tpu.memory_space<vmem>> -> memref<2x128xi32, #tpu.memory_space<vmem>>
      %dma_wait3A_101 = arith.constant 0 : i32
      %dma_wait3A_102 = arith.constant 0 : i32
      %dma_wait3A_103 = tpu.memref_slice %arg3[%select_n3A, %dma_wait3A_101, %dma_wait3A_102] : memref<2528x2x128xi32, #tpu.memory_space<hbm>> -> memref<1x2x128xi32, #tpu.memory_space<hbm>>
      %dma_wait3A_104 = tpu.memref_squeeze %dma_wait3A_103 : memref<1x2x128xi32, #tpu.memory_space<hbm>> -> memref<2x128xi32, #tpu.memory_space<hbm>>
      tpu.wait_dma2 semaphore(%run_scoped3A_72 : memref<!tpu.dma_semaphore, #tpu.memory_space<semaphore_mem>>) src(%dma_wait3A_104 : memref<2x128xi32, #tpu.memory_space<hbm>>) dst(%dma_wait3A_100 : memref<2x128xi32, #tpu.memory_space<vmem>>)
      tpu.yield
    }) : () -> ()
    %dma_start3A = arith.constant 0 : i32
    %dma_start3A_11 = arith.constant 0 : i32
    %dma_start3A_12 = arith.constant 0 : i32
    %dma_start3A_13 = tpu.memref_slice %arg6[%dma_start3A, %dma_start3A_11, %dma_start3A_12] : memref<2x2x128xi32, #tpu.memory_space<vmem>> -> memref<1x1x128xi32, #tpu.memory_space<vmem>>
    %dma_start3A_14 = tpu.memref_squeeze %dma_start3A_13 : memref<1x1x128xi32, #tpu.memory_space<vmem>> -> memref<128xi32, #tpu.memory_space<vmem>>
    %dma_start3A_15 = arith.constant 0 : i32
    %dma_start3A_16 = arith.constant 0 : i32
    %dma_start3A_17 = tpu.memref_slice %arg2[%dma_start3A_15, %dma_start3A_16] : memref<10240x128xf32, #tpu.memory_space<hbm>> -> memref<10240x128xf32, #tpu.memory_space<hbm>>
    tpu.enqueue_indirect_dma source(%dma_start3A_17 : memref<10240x128xf32, #tpu.memory_space<hbm>>) target(%arg7 : memref<128x128xf32, #tpu.memory_space<vmem>>) offsets(%dma_start3A_14 : memref<128xi32, #tpu.memory_space<vmem>>) semaphore(%arg10 : memref<!tpu.dma_semaphore, #tpu.memory_space<semaphore_mem>>)
    %add3A_18 = arith.constant 1 : i32
    %add3A_19 = arith.addi %select_n3A, %add3A_18 : i32
    %run_scoped3A_20 = arith.constant 1 : i32
    "tpu.region"() ({
      %run_scoped3A_72 = tpu.sem_alloc : memref<!tpu.dma_semaphore, #tpu.memory_space<semaphore_mem>>
      %dma_start3A_73 = arith.constant 0 : i32
      %dma_start3A_74 = arith.constant 0 : i32
      %dma_start3A_75 = tpu.memref_slice %arg6[%run_scoped3A_20, %dma_start3A_73, %dma_start3A_74] : memref<2x2x128xi32, #tpu.memory_space<vmem>> -> memref<1x2x128xi32, #tpu.memory_space<vmem>>
      %dma_start3A_76 = tpu.memref_squeeze %dma_start3A_75 : memref<1x2x128xi32, #tpu.memory_space<vmem>> -> memref<2x128xi32, #tpu.memory_space<vmem>>
      %dma_start3A_77 = arith.constant 0 : i32
      %dma_start3A_78 = arith.constant 0 : i32
      %dma_start3A_79 = tpu.memref_slice %arg3[%add3A_19, %dma_start3A_77, %dma_start3A_78] : memref<2528x2x128xi32, #tpu.memory_space<hbm>> -> memref<1x2x128xi32, #tpu.memory_space<hbm>>
      %dma_start3A_80 = tpu.memref_squeeze %dma_start3A_79 : memref<1x2x128xi32, #tpu.memory_space<hbm>> -> memref<2x128xi32, #tpu.memory_space<hbm>>
      %dma_start3A_81 = arith.constant 0 : i32
      %dma_start3A_82 = arith.constant 0 : i32
      %dma_start3A_83 = tpu.memref_slice %arg6[%run_scoped3A_20, %dma_start3A_81, %dma_start3A_82] : memref<2x2x128xi32, #tpu.memory_space<vmem>> -> memref<1x2x128xi32, #tpu.memory_space<vmem>>
      %dma_start3A_84 = tpu.memref_squeeze %dma_start3A_83 : memref<1x2x128xi32, #tpu.memory_space<vmem>> -> memref<2x128xi32, #tpu.memory_space<vmem>>
      %dma_start3A_85 = arith.constant 0 : i32
      %dma_start3A_86 = arith.constant 0 : i32
      %dma_start3A_87 = tpu.memref_slice %arg3[%add3A_19, %dma_start3A_85, %dma_start3A_86] : memref<2528x2x128xi32, #tpu.memory_space<hbm>> -> memref<1x2x128xi32, #tpu.memory_space<hbm>>
      %dma_start3A_88 = tpu.memref_squeeze %dma_start3A_87 : memref<1x2x128xi32, #tpu.memory_space<hbm>> -> memref<2x128xi32, #tpu.memory_space<hbm>>
      tpu.enqueue_dma source(%dma_start3A_88 : memref<2x128xi32, #tpu.memory_space<hbm>>) target(%dma_start3A_84 : memref<2x128xi32, #tpu.memory_space<vmem>>) target_semaphore(%run_scoped3A_72 : memref<!tpu.dma_semaphore, #tpu.memory_space<semaphore_mem>>)
      %dma_wait3A_89 = arith.constant 0 : i32
      %dma_wait3A_90 = arith.constant 0 : i32
      %dma_wait3A_91 = tpu.memref_slice %arg6[%run_scoped3A_20, %dma_wait3A_89, %dma_wait3A_90] : memref<2x2x128xi32, #tpu.memory_space<vmem>> -> memref<1x2x128xi32, #tpu.memory_space<vmem>>
      %dma_wait3A_92 = tpu.memref_squeeze %dma_wait3A_91 : memref<1x2x128xi32, #tpu.memory_space<vmem>> -> memref<2x128xi32, #tpu.memory_space<vmem>>
      %dma_wait3A_93 = arith.constant 0 : i32
      %dma_wait3A_94 = arith.constant 0 : i32
      %dma_wait3A_95 = tpu.memref_slice %arg3[%add3A_19, %dma_wait3A_93, %dma_wait3A_94] : memref<2528x2x128xi32, #tpu.memory_space<hbm>> -> memref<1x2x128xi32, #tpu.memory_space<hbm>>
      %dma_wait3A_96 = tpu.memref_squeeze %dma_wait3A_95 : memref<1x2x128xi32, #tpu.memory_space<hbm>> -> memref<2x128xi32, #tpu.memory_space<hbm>>
      %dma_wait3A_97 = arith.constant 0 : i32
      %dma_wait3A_98 = arith.constant 0 : i32
      %dma_wait3A_99 = tpu.memref_slice %arg6[%run_scoped3A_20, %dma_wait3A_97, %dma_wait3A_98] : memref<2x2x128xi32, #tpu.memory_space<vmem>> -> memref<1x2x128xi32, #tpu.memory_space<vmem>>
      %dma_wait3A_100 = tpu.memref_squeeze %dma_wait3A_99 : memref<1x2x128xi32, #tpu.memory_space<vmem>> -> memref<2x128xi32, #tpu.memory_space<vmem>>
      %dma_wait3A_101 = arith.constant 0 : i32
      %dma_wait3A_102 = arith.constant 0 : i32
      %dma_wait3A_103 = tpu.memref_slice %arg3[%add3A_19, %dma_wait3A_101, %dma_wait3A_102] : memref<2528x2x128xi32, #tpu.memory_space<hbm>> -> memref<1x2x128xi32, #tpu.memory_space<hbm>>
      %dma_wait3A_104 = tpu.memref_squeeze %dma_wait3A_103 : memref<1x2x128xi32, #tpu.memory_space<hbm>> -> memref<2x128xi32, #tpu.memory_space<hbm>>
      tpu.wait_dma2 semaphore(%run_scoped3A_72 : memref<!tpu.dma_semaphore, #tpu.memory_space<semaphore_mem>>) src(%dma_wait3A_104 : memref<2x128xi32, #tpu.memory_space<hbm>>) dst(%dma_wait3A_100 : memref<2x128xi32, #tpu.memory_space<vmem>>)
      tpu.yield
    }) : () -> ()
    %dma_start3A_21 = arith.constant 1 : i32
    %dma_start3A_22 = arith.constant 0 : i32
    %dma_start3A_23 = arith.constant 0 : i32
    %dma_start3A_24 = tpu.memref_slice %arg6[%dma_start3A_21, %dma_start3A_22, %dma_start3A_23] : memref<2x2x128xi32, #tpu.memory_space<vmem>> -> memref<1x1x128xi32, #tpu.memory_space<vmem>>
    %dma_start3A_25 = tpu.memref_squeeze %dma_start3A_24 : memref<1x1x128xi32, #tpu.memory_space<vmem>> -> memref<128xi32, #tpu.memory_space<vmem>>
    %dma_start3A_26 = arith.constant 0 : i32
    %dma_start3A_27 = arith.constant 0 : i32
    %dma_start3A_28 = tpu.memref_slice %arg2[%dma_start3A_26, %dma_start3A_27] : memref<10240x128xf32, #tpu.memory_space<hbm>> -> memref<10240x128xf32, #tpu.memory_space<hbm>>
    tpu.enqueue_indirect_dma source(%dma_start3A_28 : memref<10240x128xf32, #tpu.memory_space<hbm>>) target(%arg8 : memref<128x128xf32, #tpu.memory_space<vmem>>) offsets(%dma_start3A_25 : memref<128xi32, #tpu.memory_space<vmem>>) semaphore(%arg11 : memref<!tpu.dma_semaphore, #tpu.memory_space<semaphore_mem>>)
    %jit3A_29 = arith.constant 2 : i32
    %div3A = arith.divsi %select_n3A_10, %jit3A_29 : i32
    %sign3A = arith.constant 0 : i32
    %sign3A_30 = arith.cmpi sgt, %select_n3A_10, %sign3A : i32
    %sign3A_31 = arith.extui %sign3A_30 : i1 to i32
    %sign3A_32 = arith.constant 0 : i32
    %sign3A_33 = arith.cmpi slt, %select_n3A_10, %sign3A_32 : i32
    %sign3A_34 = arith.extui %sign3A_33 : i1 to i32
    %sign3A_35 = arith.subi %sign3A_31, %sign3A_34 : i32
    %sign3A_36 = arith.constant 0 : i32
    %sign3A_37 = arith.cmpi sgt, %jit3A_29, %sign3A_36 : i32
    %sign3A_38 = arith.extui %sign3A_37 : i1 to i32
    %sign3A_39 = arith.constant 0 : i32
    %sign3A_40 = arith.cmpi slt, %jit3A_29, %sign3A_39 : i32
    %sign3A_41 = arith.extui %sign3A_40 : i1 to i32
    %sign3A_42 = arith.subi %sign3A_38, %sign3A_41 : i32
    %ne3A = arith.cmpi ne, %sign3A_35, %sign3A_42 : i32
    %rem3A = arith.remsi %select_n3A_10, %jit3A_29 : i32
    %ne3A_43 = arith.constant 0 : i32
    %ne3A_44 = arith.cmpi ne, %rem3A, %ne3A_43 : i32
    %and3A = arith.andi %ne3A, %ne3A_44 : i1
    %sub3A = arith.constant 1 : i32
    %sub3A_45 = arith.subi %div3A, %sub3A : i32
    %select_n3A_46 = arith.select %and3A, %sub3A_45, %div3A : i32
    %while3A = arith.constant 0 : i32
    %while3A_47 = arith.constant 0 : i32
    %while3A_48 = arith.subi %select_n3A_46, %while3A_47 : i32
    %while3A_49 = arith.addi %while3A_47, %while3A_48 : i32
    %while3A_50 = arith.constant 1 : i32
    %while3A_51 = arith.divsi %while3A_48, %while3A_50 : i32
    %while3A_52 = arith.muli %while3A_51, %while3A_50 : i32
    %while3A_53 = arith.addi %while3A_47, %while3A_52 : i32
    %while3A_54 = arith.constant 1 : i32
    scf.for %while3A_72 = %while3A_47 to %while3A_53 step %while3A_54  : i32 {
      %mul3A_73 = arith.constant 2 : i32
      %mul3A_74 = arith.muli %mul3A_73, %while3A_72 : i32
      %add3A_75 = arith.addi %select_n3A, %mul3A_74 : i32
      %add3A_76 = arith.constant 0 : i32
      %add3A_77 = arith.addi %add3A_75, %add3A_76 : i32
      %dma_wait3A_78 = arith.constant 0 : i32
      %dma_wait3A_79 = arith.constant 0 : i32
      %dma_wait3A_80 = arith.constant 0 : i32
      %dma_wait3A_81 = tpu.memref_slice %arg6[%dma_wait3A_78, %dma_wait3A_79, %dma_wait3A_80] : memref<2x2x128xi32, #tpu.memory_space<vmem>> -> memref<1x1x128xi32, #tpu.memory_space<vmem>>
      %dma_wait3A_82 = tpu.memref_squeeze %dma_wait3A_81 : memref<1x1x128xi32, #tpu.memory_space<vmem>> -> memref<128xi32, #tpu.memory_space<vmem>>
      %dma_wait3A_83 = arith.constant 0 : i32
      %dma_wait3A_84 = arith.constant 0 : i32
      %dma_wait3A_85 = tpu.memref_slice %arg2[%dma_wait3A_83, %dma_wait3A_84] : memref<10240x128xf32, #tpu.memory_space<hbm>> -> memref<10240x128xf32, #tpu.memory_space<hbm>>
      tpu.wait_indirect_dma semaphore(%arg10 : memref<!tpu.dma_semaphore, #tpu.memory_space<semaphore_mem>>) src(%dma_wait3A_85 : memref<10240x128xf32, #tpu.memory_space<hbm>>) dst(%arg7 : memref<128x128xf32, #tpu.memory_space<vmem>>)
      %dma_start3A_86 = arith.constant 0 : i32
      %dma_start3A_87 = arith.constant 1 : i32
      %dma_start3A_88 = arith.constant 0 : i32
      %dma_start3A_89 = tpu.memref_slice %arg6[%dma_start3A_86, %dma_start3A_87, %dma_start3A_88] : memref<2x2x128xi32, #tpu.memory_space<vmem>> -> memref<1x1x128xi32, #tpu.memory_space<vmem>>
      %dma_start3A_90 = tpu.memref_squeeze %dma_start3A_89 : memref<1x1x128xi32, #tpu.memory_space<vmem>> -> memref<128xi32, #tpu.memory_space<vmem>>
      %dma_start3A_91 = arith.constant 0 : i32
      %dma_start3A_92 = arith.constant 0 : i32
      %dma_start3A_93 = tpu.memref_slice %arg9[%dma_start3A_91, %dma_start3A_92] : memref<10240x128xf32, #tpu.memory_space<vmem_shared>> -> memref<10240x128xf32, #tpu.memory_space<vmem_shared>>
      tpu.enqueue_indirect_dma source(%arg7 : memref<128x128xf32, #tpu.memory_space<vmem>>) target(%dma_start3A_93 : memref<10240x128xf32, #tpu.memory_space<vmem_shared>>) offsets(%dma_start3A_90 : memref<128xi32, #tpu.memory_space<vmem>>) semaphore(%arg12 : memref<!tpu.dma_semaphore, #tpu.memory_space<semaphore_mem>>) {add = true}
      %add3A_94 = arith.constant 2 : i32
      %add3A_95 = arith.addi %add3A_77, %add3A_94 : i32
      %add3A_96 = arith.addi %select_n3A, %select_n3A_10 : i32
      %lt3A = arith.cmpi slt, %add3A_95, %add3A_96 : i32
      %convert_element_type3A = arith.extui %lt3A : i1 to i32
      %cond3A = arith.constant 0 : i32
      %cond3A_97 = arith.cmpi ne, %convert_element_type3A, %cond3A : i32
      scf.if %cond3A_97 {
        %dma_wait3A_126 = arith.constant 0 : i32
        %dma_wait3A_127 = arith.constant 1 : i32
        %dma_wait3A_128 = arith.constant 0 : i32
        %dma_wait3A_129 = tpu.memref_slice %arg6[%dma_wait3A_126, %dma_wait3A_127, %dma_wait3A_128] : memref<2x2x128xi32, #tpu.memory_space<vmem>> -> memref<1x1x128xi32, #tpu.memory_space<vmem>>
        %dma_wait3A_130 = tpu.memref_squeeze %dma_wait3A_129 : memref<1x1x128xi32, #tpu.memory_space<vmem>> -> memref<128xi32, #tpu.memory_space<vmem>>
        %dma_wait3A_131 = arith.constant 0 : i32
        %dma_wait3A_132 = arith.constant 0 : i32
        %dma_wait3A_133 = tpu.memref_slice %arg9[%dma_wait3A_131, %dma_wait3A_132] : memref<10240x128xf32, #tpu.memory_space<vmem_shared>> -> memref<10240x128xf32, #tpu.memory_space<vmem_shared>>
        tpu.wait_indirect_dma semaphore(%arg12 : memref<!tpu.dma_semaphore, #tpu.memory_space<semaphore_mem>>) src(%arg7 : memref<128x128xf32, #tpu.memory_space<vmem>>) dst(%dma_wait3A_133 : memref<10240x128xf32, #tpu.memory_space<vmem_shared>>)
        %run_scoped3A_134 = arith.constant 0 : i32
        "tpu.region"() ({
          %run_scoped3A_143 = tpu.sem_alloc : memref<!tpu.dma_semaphore, #tpu.memory_space<semaphore_mem>>
          %dma_start3A_144 = arith.constant 0 : i32
          %dma_start3A_145 = arith.constant 0 : i32
          %dma_start3A_146 = tpu.memref_slice %arg6[%run_scoped3A_134, %dma_start3A_144, %dma_start3A_145] : memref<2x2x128xi32, #tpu.memory_space<vmem>> -> memref<1x2x128xi32, #tpu.memory_space<vmem>>
          %dma_start3A_147 = tpu.memref_squeeze %dma_start3A_146 : memref<1x2x128xi32, #tpu.memory_space<vmem>> -> memref<2x128xi32, #tpu.memory_space<vmem>>
          %dma_start3A_148 = arith.constant 0 : i32
          %dma_start3A_149 = arith.constant 0 : i32
          %dma_start3A_150 = tpu.memref_slice %arg3[%add3A_95, %dma_start3A_148, %dma_start3A_149] : memref<2528x2x128xi32, #tpu.memory_space<hbm>> -> memref<1x2x128xi32, #tpu.memory_space<hbm>>
          %dma_start3A_151 = tpu.memref_squeeze %dma_start3A_150 : memref<1x2x128xi32, #tpu.memory_space<hbm>> -> memref<2x128xi32, #tpu.memory_space<hbm>>
          %dma_start3A_152 = arith.constant 0 : i32
          %dma_start3A_153 = arith.constant 0 : i32
          %dma_start3A_154 = tpu.memref_slice %arg6[%run_scoped3A_134, %dma_start3A_152, %dma_start3A_153] : memref<2x2x128xi32, #tpu.memory_space<vmem>> -> memref<1x2x128xi32, #tpu.memory_space<vmem>>
          %dma_start3A_155 = tpu.memref_squeeze %dma_start3A_154 : memref<1x2x128xi32, #tpu.memory_space<vmem>> -> memref<2x128xi32, #tpu.memory_space<vmem>>
          %dma_start3A_156 = arith.constant 0 : i32
          %dma_start3A_157 = arith.constant 0 : i32
          %dma_start3A_158 = tpu.memref_slice %arg3[%add3A_95, %dma_start3A_156, %dma_start3A_157] : memref<2528x2x128xi32, #tpu.memory_space<hbm>> -> memref<1x2x128xi32, #tpu.memory_space<hbm>>
          %dma_start3A_159 = tpu.memref_squeeze %dma_start3A_158 : memref<1x2x128xi32, #tpu.memory_space<hbm>> -> memref<2x128xi32, #tpu.memory_space<hbm>>
          tpu.enqueue_dma source(%dma_start3A_159 : memref<2x128xi32, #tpu.memory_space<hbm>>) target(%dma_start3A_155 : memref<2x128xi32, #tpu.memory_space<vmem>>) target_semaphore(%run_scoped3A_143 : memref<!tpu.dma_semaphore, #tpu.memory_space<semaphore_mem>>)
          %dma_wait3A_160 = arith.constant 0 : i32
          %dma_wait3A_161 = arith.constant 0 : i32
          %dma_wait3A_162 = tpu.memref_slice %arg6[%run_scoped3A_134, %dma_wait3A_160, %dma_wait3A_161] : memref<2x2x128xi32, #tpu.memory_space<vmem>> -> memref<1x2x128xi32, #tpu.memory_space<vmem>>
          %dma_wait3A_163 = tpu.memref_squeeze %dma_wait3A_162 : memref<1x2x128xi32, #tpu.memory_space<vmem>> -> memref<2x128xi32, #tpu.memory_space<vmem>>
          %dma_wait3A_164 = arith.constant 0 : i32
          %dma_wait3A_165 = arith.constant 0 : i32
          %dma_wait3A_166 = tpu.memref_slice %arg3[%add3A_95, %dma_wait3A_164, %dma_wait3A_165] : memref<2528x2x128xi32, #tpu.memory_space<hbm>> -> memref<1x2x128xi32, #tpu.memory_space<hbm>>
          %dma_wait3A_167 = tpu.memref_squeeze %dma_wait3A_166 : memref<1x2x128xi32, #tpu.memory_space<hbm>> -> memref<2x128xi32, #tpu.memory_space<hbm>>
          %dma_wait3A_168 = arith.constant 0 : i32
          %dma_wait3A_169 = arith.constant 0 : i32
          %dma_wait3A_170 = tpu.memref_slice %arg6[%run_scoped3A_134, %dma_wait3A_168, %dma_wait3A_169] : memref<2x2x128xi32, #tpu.memory_space<vmem>> -> memref<1x2x128xi32, #tpu.memory_space<vmem>>
          %dma_wait3A_171 = tpu.memref_squeeze %dma_wait3A_170 : memref<1x2x128xi32, #tpu.memory_space<vmem>> -> memref<2x128xi32, #tpu.memory_space<vmem>>
          %dma_wait3A_172 = arith.constant 0 : i32
          %dma_wait3A_173 = arith.constant 0 : i32
          %dma_wait3A_174 = tpu.memref_slice %arg3[%add3A_95, %dma_wait3A_172, %dma_wait3A_173] : memref<2528x2x128xi32, #tpu.memory_space<hbm>> -> memref<1x2x128xi32, #tpu.memory_space<hbm>>
          %dma_wait3A_175 = tpu.memref_squeeze %dma_wait3A_174 : memref<1x2x128xi32, #tpu.memory_space<hbm>> -> memref<2x128xi32, #tpu.memory_space<hbm>>
          tpu.wait_dma2 semaphore(%run_scoped3A_143 : memref<!tpu.dma_semaphore, #tpu.memory_space<semaphore_mem>>) src(%dma_wait3A_175 : memref<2x128xi32, #tpu.memory_space<hbm>>) dst(%dma_wait3A_171 : memref<2x128xi32, #tpu.memory_space<vmem>>)
          tpu.yield
        }) : () -> ()
        %dma_start3A_135 = arith.constant 0 : i32
        %dma_start3A_136 = arith.constant 0 : i32
        %dma_start3A_137 = arith.constant 0 : i32
        %dma_start3A_138 = tpu.memref_slice %arg6[%dma_start3A_135, %dma_start3A_136, %dma_start3A_137] : memref<2x2x128xi32, #tpu.memory_space<vmem>> -> memref<1x1x128xi32, #tpu.memory_space<vmem>>
        %dma_start3A_139 = tpu.memref_squeeze %dma_start3A_138 : memref<1x1x128xi32, #tpu.memory_space<vmem>> -> memref<128xi32, #tpu.memory_space<vmem>>
        %dma_start3A_140 = arith.constant 0 : i32
        %dma_start3A_141 = arith.constant 0 : i32
        %dma_start3A_142 = tpu.memref_slice %arg2[%dma_start3A_140, %dma_start3A_141] : memref<10240x128xf32, #tpu.memory_space<hbm>> -> memref<10240x128xf32, #tpu.memory_space<hbm>>
        tpu.enqueue_indirect_dma source(%dma_start3A_142 : memref<10240x128xf32, #tpu.memory_space<hbm>>) target(%arg7 : memref<128x128xf32, #tpu.memory_space<vmem>>) offsets(%dma_start3A_139 : memref<128xi32, #tpu.memory_space<vmem>>) semaphore(%arg10 : memref<!tpu.dma_semaphore, #tpu.memory_space<semaphore_mem>>)
      } else {
      }
      %mul3A_98 = arith.constant 2 : i32
      %mul3A_99 = arith.muli %mul3A_98, %while3A_72 : i32
      %add3A_100 = arith.addi %select_n3A, %mul3A_99 : i32
      %add3A_101 = arith.constant 1 : i32
      %add3A_102 = arith.addi %add3A_100, %add3A_101 : i32
      %dma_wait3A_103 = arith.constant 1 : i32
      %dma_wait3A_104 = arith.constant 0 : i32
      %dma_wait3A_105 = arith.constant 0 : i32
      %dma_wait3A_106 = tpu.memref_slice %arg6[%dma_wait3A_103, %dma_wait3A_104, %dma_wait3A_105] : memref<2x2x128xi32, #tpu.memory_space<vmem>> -> memref<1x1x128xi32, #tpu.memory_space<vmem>>
      %dma_wait3A_107 = tpu.memref_squeeze %dma_wait3A_106 : memref<1x1x128xi32, #tpu.memory_space<vmem>> -> memref<128xi32, #tpu.memory_space<vmem>>
      %dma_wait3A_108 = arith.constant 0 : i32
      %dma_wait3A_109 = arith.constant 0 : i32
      %dma_wait3A_110 = tpu.memref_slice %arg2[%dma_wait3A_108, %dma_wait3A_109] : memref<10240x128xf32, #tpu.memory_space<hbm>> -> memref<10240x128xf32, #tpu.memory_space<hbm>>
      tpu.wait_indirect_dma semaphore(%arg11 : memref<!tpu.dma_semaphore, #tpu.memory_space<semaphore_mem>>) src(%dma_wait3A_110 : memref<10240x128xf32, #tpu.memory_space<hbm>>) dst(%arg8 : memref<128x128xf32, #tpu.memory_space<vmem>>)
      %dma_start3A_111 = arith.constant 1 : i32
      %dma_start3A_112 = arith.constant 1 : i32
      %dma_start3A_113 = arith.constant 0 : i32
      %dma_start3A_114 = tpu.memref_slice %arg6[%dma_start3A_111, %dma_start3A_112, %dma_start3A_113] : memref<2x2x128xi32, #tpu.memory_space<vmem>> -> memref<1x1x128xi32, #tpu.memory_space<vmem>>
      %dma_start3A_115 = tpu.memref_squeeze %dma_start3A_114 : memref<1x1x128xi32, #tpu.memory_space<vmem>> -> memref<128xi32, #tpu.memory_space<vmem>>
      %dma_start3A_116 = arith.constant 0 : i32
      %dma_start3A_117 = arith.constant 0 : i32
      %dma_start3A_118 = tpu.memref_slice %arg9[%dma_start3A_116, %dma_start3A_117] : memref<10240x128xf32, #tpu.memory_space<vmem_shared>> -> memref<10240x128xf32, #tpu.memory_space<vmem_shared>>
      tpu.enqueue_indirect_dma source(%arg8 : memref<128x128xf32, #tpu.memory_space<vmem>>) target(%dma_start3A_118 : memref<10240x128xf32, #tpu.memory_space<vmem_shared>>) offsets(%dma_start3A_115 : memref<128xi32, #tpu.memory_space<vmem>>) semaphore(%arg13 : memref<!tpu.dma_semaphore, #tpu.memory_space<semaphore_mem>>) {add = true}
      %add3A_119 = arith.constant 2 : i32
      %add3A_120 = arith.addi %add3A_102, %add3A_119 : i32
      %add3A_121 = arith.addi %select_n3A, %select_n3A_10 : i32
      %lt3A_122 = arith.cmpi slt, %add3A_120, %add3A_121 : i32
      %convert_element_type3A_123 = arith.extui %lt3A_122 : i1 to i32
      %cond3A_124 = arith.constant 0 : i32
      %cond3A_125 = arith.cmpi ne, %convert_element_type3A_123, %cond3A_124 : i32
      scf.if %cond3A_125 {
        %dma_wait3A_126 = arith.constant 1 : i32
        %dma_wait3A_127 = arith.constant 1 : i32
        %dma_wait3A_128 = arith.constant 0 : i32
        %dma_wait3A_129 = tpu.memref_slice %arg6[%dma_wait3A_126, %dma_wait3A_127, %dma_wait3A_128] : memref<2x2x128xi32, #tpu.memory_space<vmem>> -> memref<1x1x128xi32, #tpu.memory_space<vmem>>
        %dma_wait3A_130 = tpu.memref_squeeze %dma_wait3A_129 : memref<1x1x128xi32, #tpu.memory_space<vmem>> -> memref<128xi32, #tpu.memory_space<vmem>>
        %dma_wait3A_131 = arith.constant 0 : i32
        %dma_wait3A_132 = arith.constant 0 : i32
        %dma_wait3A_133 = tpu.memref_slice %arg9[%dma_wait3A_131, %dma_wait3A_132] : memref<10240x128xf32, #tpu.memory_space<vmem_shared>> -> memref<10240x128xf32, #tpu.memory_space<vmem_shared>>
        tpu.wait_indirect_dma semaphore(%arg13 : memref<!tpu.dma_semaphore, #tpu.memory_space<semaphore_mem>>) src(%arg8 : memref<128x128xf32, #tpu.memory_space<vmem>>) dst(%dma_wait3A_133 : memref<10240x128xf32, #tpu.memory_space<vmem_shared>>)
        %run_scoped3A_134 = arith.constant 1 : i32
        "tpu.region"() ({
          %run_scoped3A_143 = tpu.sem_alloc : memref<!tpu.dma_semaphore, #tpu.memory_space<semaphore_mem>>
          %dma_start3A_144 = arith.constant 0 : i32
          %dma_start3A_145 = arith.constant 0 : i32
          %dma_start3A_146 = tpu.memref_slice %arg6[%run_scoped3A_134, %dma_start3A_144, %dma_start3A_145] : memref<2x2x128xi32, #tpu.memory_space<vmem>> -> memref<1x2x128xi32, #tpu.memory_space<vmem>>
          %dma_start3A_147 = tpu.memref_squeeze %dma_start3A_146 : memref<1x2x128xi32, #tpu.memory_space<vmem>> -> memref<2x128xi32, #tpu.memory_space<vmem>>
          %dma_start3A_148 = arith.constant 0 : i32
          %dma_start3A_149 = arith.constant 0 : i32
          %dma_start3A_150 = tpu.memref_slice %arg3[%add3A_120, %dma_start3A_148, %dma_start3A_149] : memref<2528x2x128xi32, #tpu.memory_space<hbm>> -> memref<1x2x128xi32, #tpu.memory_space<hbm>>
          %dma_start3A_151 = tpu.memref_squeeze %dma_start3A_150 : memref<1x2x128xi32, #tpu.memory_space<hbm>> -> memref<2x128xi32, #tpu.memory_space<hbm>>
          %dma_start3A_152 = arith.constant 0 : i32
          %dma_start3A_153 = arith.constant 0 : i32
          %dma_start3A_154 = tpu.memref_slice %arg6[%run_scoped3A_134, %dma_start3A_152, %dma_start3A_153] : memref<2x2x128xi32, #tpu.memory_space<vmem>> -> memref<1x2x128xi32, #tpu.memory_space<vmem>>
          %dma_start3A_155 = tpu.memref_squeeze %dma_start3A_154 : memref<1x2x128xi32, #tpu.memory_space<vmem>> -> memref<2x128xi32, #tpu.memory_space<vmem>>
          %dma_start3A_156 = arith.constant 0 : i32
          %dma_start3A_157 = arith.constant 0 : i32
          %dma_start3A_158 = tpu.memref_slice %arg3[%add3A_120, %dma_start3A_156, %dma_start3A_157] : memref<2528x2x128xi32, #tpu.memory_space<hbm>> -> memref<1x2x128xi32, #tpu.memory_space<hbm>>
          %dma_start3A_159 = tpu.memref_squeeze %dma_start3A_158 : memref<1x2x128xi32, #tpu.memory_space<hbm>> -> memref<2x128xi32, #tpu.memory_space<hbm>>
          tpu.enqueue_dma source(%dma_start3A_159 : memref<2x128xi32, #tpu.memory_space<hbm>>) target(%dma_start3A_155 : memref<2x128xi32, #tpu.memory_space<vmem>>) target_semaphore(%run_scoped3A_143 : memref<!tpu.dma_semaphore, #tpu.memory_space<semaphore_mem>>)
          %dma_wait3A_160 = arith.constant 0 : i32
          %dma_wait3A_161 = arith.constant 0 : i32
          %dma_wait3A_162 = tpu.memref_slice %arg6[%run_scoped3A_134, %dma_wait3A_160, %dma_wait3A_161] : memref<2x2x128xi32, #tpu.memory_space<vmem>> -> memref<1x2x128xi32, #tpu.memory_space<vmem>>
          %dma_wait3A_163 = tpu.memref_squeeze %dma_wait3A_162 : memref<1x2x128xi32, #tpu.memory_space<vmem>> -> memref<2x128xi32, #tpu.memory_space<vmem>>
          %dma_wait3A_164 = arith.constant 0 : i32
          %dma_wait3A_165 = arith.constant 0 : i32
          %dma_wait3A_166 = tpu.memref_slice %arg3[%add3A_120, %dma_wait3A_164, %dma_wait3A_165] : memref<2528x2x128xi32, #tpu.memory_space<hbm>> -> memref<1x2x128xi32, #tpu.memory_space<hbm>>
          %dma_wait3A_167 = tpu.memref_squeeze %dma_wait3A_166 : memref<1x2x128xi32, #tpu.memory_space<hbm>> -> memref<2x128xi32, #tpu.memory_space<hbm>>
          %dma_wait3A_168 = arith.constant 0 : i32
          %dma_wait3A_169 = arith.constant 0 : i32
          %dma_wait3A_170 = tpu.memref_slice %arg6[%run_scoped3A_134, %dma_wait3A_168, %dma_wait3A_169] : memref<2x2x128xi32, #tpu.memory_space<vmem>> -> memref<1x2x128xi32, #tpu.memory_space<vmem>>
          %dma_wait3A_171 = tpu.memref_squeeze %dma_wait3A_170 : memref<1x2x128xi32, #tpu.memory_space<vmem>> -> memref<2x128xi32, #tpu.memory_space<vmem>>
          %dma_wait3A_172 = arith.constant 0 : i32
          %dma_wait3A_173 = arith.constant 0 : i32
          %dma_wait3A_174 = tpu.memref_slice %arg3[%add3A_120, %dma_wait3A_172, %dma_wait3A_173] : memref<2528x2x128xi32, #tpu.memory_space<hbm>> -> memref<1x2x128xi32, #tpu.memory_space<hbm>>
          %dma_wait3A_175 = tpu.memref_squeeze %dma_wait3A_174 : memref<1x2x128xi32, #tpu.memory_space<hbm>> -> memref<2x128xi32, #tpu.memory_space<hbm>>
          tpu.wait_dma2 semaphore(%run_scoped3A_143 : memref<!tpu.dma_semaphore, #tpu.memory_space<semaphore_mem>>) src(%dma_wait3A_175 : memref<2x128xi32, #tpu.memory_space<hbm>>) dst(%dma_wait3A_171 : memref<2x128xi32, #tpu.memory_space<vmem>>)
          tpu.yield
        }) : () -> ()
        %dma_start3A_135 = arith.constant 1 : i32
        %dma_start3A_136 = arith.constant 0 : i32
        %dma_start3A_137 = arith.constant 0 : i32
        %dma_start3A_138 = tpu.memref_slice %arg6[%dma_start3A_135, %dma_start3A_136, %dma_start3A_137] : memref<2x2x128xi32, #tpu.memory_space<vmem>> -> memref<1x1x128xi32, #tpu.memory_space<vmem>>
        %dma_start3A_139 = tpu.memref_squeeze %dma_start3A_138 : memref<1x1x128xi32, #tpu.memory_space<vmem>> -> memref<128xi32, #tpu.memory_space<vmem>>
        %dma_start3A_140 = arith.constant 0 : i32
        %dma_start3A_141 = arith.constant 0 : i32
        %dma_start3A_142 = tpu.memref_slice %arg2[%dma_start3A_140, %dma_start3A_141] : memref<10240x128xf32, #tpu.memory_space<hbm>> -> memref<10240x128xf32, #tpu.memory_space<hbm>>
        tpu.enqueue_indirect_dma source(%dma_start3A_142 : memref<10240x128xf32, #tpu.memory_space<hbm>>) target(%arg8 : memref<128x128xf32, #tpu.memory_space<vmem>>) offsets(%dma_start3A_139 : memref<128xi32, #tpu.memory_space<vmem>>) semaphore(%arg11 : memref<!tpu.dma_semaphore, #tpu.memory_space<semaphore_mem>>)
      } else {
      }
    }
    %while3A_55 = arith.constant 1 : i32
    scf.for %while3A_72 = %while3A_53 to %while3A_49 step %while3A_55  : i32 {
      %mul3A_73 = arith.constant 2 : i32
      %mul3A_74 = arith.muli %mul3A_73, %while3A_72 : i32
      %add3A_75 = arith.addi %select_n3A, %mul3A_74 : i32
      %add3A_76 = arith.constant 0 : i32
      %add3A_77 = arith.addi %add3A_75, %add3A_76 : i32
      %dma_wait3A_78 = arith.constant 0 : i32
      %dma_wait3A_79 = arith.constant 0 : i32
      %dma_wait3A_80 = arith.constant 0 : i32
      %dma_wait3A_81 = tpu.memref_slice %arg6[%dma_wait3A_78, %dma_wait3A_79, %dma_wait3A_80] : memref<2x2x128xi32, #tpu.memory_space<vmem>> -> memref<1x1x128xi32, #tpu.memory_space<vmem>>
      %dma_wait3A_82 = tpu.memref_squeeze %dma_wait3A_81 : memref<1x1x128xi32, #tpu.memory_space<vmem>> -> memref<128xi32, #tpu.memory_space<vmem>>
      %dma_wait3A_83 = arith.constant 0 : i32
      %dma_wait3A_84 = arith.constant 0 : i32
      %dma_wait3A_85 = tpu.memref_slice %arg2[%dma_wait3A_83, %dma_wait3A_84] : memref<10240x128xf32, #tpu.memory_space<hbm>> -> memref<10240x128xf32, #tpu.memory_space<hbm>>
      tpu.wait_indirect_dma semaphore(%arg10 : memref<!tpu.dma_semaphore, #tpu.memory_space<semaphore_mem>>) src(%dma_wait3A_85 : memref<10240x128xf32, #tpu.memory_space<hbm>>) dst(%arg7 : memref<128x128xf32, #tpu.memory_space<vmem>>)
      %dma_start3A_86 = arith.constant 0 : i32
      %dma_start3A_87 = arith.constant 1 : i32
      %dma_start3A_88 = arith.constant 0 : i32
      %dma_start3A_89 = tpu.memref_slice %arg6[%dma_start3A_86, %dma_start3A_87, %dma_start3A_88] : memref<2x2x128xi32, #tpu.memory_space<vmem>> -> memref<1x1x128xi32, #tpu.memory_space<vmem>>
      %dma_start3A_90 = tpu.memref_squeeze %dma_start3A_89 : memref<1x1x128xi32, #tpu.memory_space<vmem>> -> memref<128xi32, #tpu.memory_space<vmem>>
      %dma_start3A_91 = arith.constant 0 : i32
      %dma_start3A_92 = arith.constant 0 : i32
      %dma_start3A_93 = tpu.memref_slice %arg9[%dma_start3A_91, %dma_start3A_92] : memref<10240x128xf32, #tpu.memory_space<vmem_shared>> -> memref<10240x128xf32, #tpu.memory_space<vmem_shared>>
      tpu.enqueue_indirect_dma source(%arg7 : memref<128x128xf32, #tpu.memory_space<vmem>>) target(%dma_start3A_93 : memref<10240x128xf32, #tpu.memory_space<vmem_shared>>) offsets(%dma_start3A_90 : memref<128xi32, #tpu.memory_space<vmem>>) semaphore(%arg12 : memref<!tpu.dma_semaphore, #tpu.memory_space<semaphore_mem>>) {add = true}
      %add3A_94 = arith.constant 2 : i32
      %add3A_95 = arith.addi %add3A_77, %add3A_94 : i32
      %add3A_96 = arith.addi %select_n3A, %select_n3A_10 : i32
      %lt3A = arith.cmpi slt, %add3A_95, %add3A_96 : i32
      %convert_element_type3A = arith.extui %lt3A : i1 to i32
      %cond3A = arith.constant 0 : i32
      %cond3A_97 = arith.cmpi ne, %convert_element_type3A, %cond3A : i32
      scf.if %cond3A_97 {
        %dma_wait3A_126 = arith.constant 0 : i32
        %dma_wait3A_127 = arith.constant 1 : i32
        %dma_wait3A_128 = arith.constant 0 : i32
        %dma_wait3A_129 = tpu.memref_slice %arg6[%dma_wait3A_126, %dma_wait3A_127, %dma_wait3A_128] : memref<2x2x128xi32, #tpu.memory_space<vmem>> -> memref<1x1x128xi32, #tpu.memory_space<vmem>>
        %dma_wait3A_130 = tpu.memref_squeeze %dma_wait3A_129 : memref<1x1x128xi32, #tpu.memory_space<vmem>> -> memref<128xi32, #tpu.memory_space<vmem>>
        %dma_wait3A_131 = arith.constant 0 : i32
        %dma_wait3A_132 = arith.constant 0 : i32
        %dma_wait3A_133 = tpu.memref_slice %arg9[%dma_wait3A_131, %dma_wait3A_132] : memref<10240x128xf32, #tpu.memory_space<vmem_shared>> -> memref<10240x128xf32, #tpu.memory_space<vmem_shared>>
        tpu.wait_indirect_dma semaphore(%arg12 : memref<!tpu.dma_semaphore, #tpu.memory_space<semaphore_mem>>) src(%arg7 : memref<128x128xf32, #tpu.memory_space<vmem>>) dst(%dma_wait3A_133 : memref<10240x128xf32, #tpu.memory_space<vmem_shared>>)
        %run_scoped3A_134 = arith.constant 0 : i32
        "tpu.region"() ({
          %run_scoped3A_143 = tpu.sem_alloc : memref<!tpu.dma_semaphore, #tpu.memory_space<semaphore_mem>>
          %dma_start3A_144 = arith.constant 0 : i32
          %dma_start3A_145 = arith.constant 0 : i32
          %dma_start3A_146 = tpu.memref_slice %arg6[%run_scoped3A_134, %dma_start3A_144, %dma_start3A_145] : memref<2x2x128xi32, #tpu.memory_space<vmem>> -> memref<1x2x128xi32, #tpu.memory_space<vmem>>
          %dma_start3A_147 = tpu.memref_squeeze %dma_start3A_146 : memref<1x2x128xi32, #tpu.memory_space<vmem>> -> memref<2x128xi32, #tpu.memory_space<vmem>>
          %dma_start3A_148 = arith.constant 0 : i32
          %dma_start3A_149 = arith.constant 0 : i32
          %dma_start3A_150 = tpu.memref_slice %arg3[%add3A_95, %dma_start3A_148, %dma_start3A_149] : memref<2528x2x128xi32, #tpu.memory_space<hbm>> -> memref<1x2x128xi32, #tpu.memory_space<hbm>>
          %dma_start3A_151 = tpu.memref_squeeze %dma_start3A_150 : memref<1x2x128xi32, #tpu.memory_space<hbm>> -> memref<2x128xi32, #tpu.memory_space<hbm>>
          %dma_start3A_152 = arith.constant 0 : i32
          %dma_start3A_153 = arith.constant 0 : i32
          %dma_start3A_154 = tpu.memref_slice %arg6[%run_scoped3A_134, %dma_start3A_152, %dma_start3A_153] : memref<2x2x128xi32, #tpu.memory_space<vmem>> -> memref<1x2x128xi32, #tpu.memory_space<vmem>>
          %dma_start3A_155 = tpu.memref_squeeze %dma_start3A_154 : memref<1x2x128xi32, #tpu.memory_space<vmem>> -> memref<2x128xi32, #tpu.memory_space<vmem>>
          %dma_start3A_156 = arith.constant 0 : i32
          %dma_start3A_157 = arith.constant 0 : i32
          %dma_start3A_158 = tpu.memref_slice %arg3[%add3A_95, %dma_start3A_156, %dma_start3A_157] : memref<2528x2x128xi32, #tpu.memory_space<hbm>> -> memref<1x2x128xi32, #tpu.memory_space<hbm>>
          %dma_start3A_159 = tpu.memref_squeeze %dma_start3A_158 : memref<1x2x128xi32, #tpu.memory_space<hbm>> -> memref<2x128xi32, #tpu.memory_space<hbm>>
          tpu.enqueue_dma source(%dma_start3A_159 : memref<2x128xi32, #tpu.memory_space<hbm>>) target(%dma_start3A_155 : memref<2x128xi32, #tpu.memory_space<vmem>>) target_semaphore(%run_scoped3A_143 : memref<!tpu.dma_semaphore, #tpu.memory_space<semaphore_mem>>)
          %dma_wait3A_160 = arith.constant 0 : i32
          %dma_wait3A_161 = arith.constant 0 : i32
          %dma_wait3A_162 = tpu.memref_slice %arg6[%run_scoped3A_134, %dma_wait3A_160, %dma_wait3A_161] : memref<2x2x128xi32, #tpu.memory_space<vmem>> -> memref<1x2x128xi32, #tpu.memory_space<vmem>>
          %dma_wait3A_163 = tpu.memref_squeeze %dma_wait3A_162 : memref<1x2x128xi32, #tpu.memory_space<vmem>> -> memref<2x128xi32, #tpu.memory_space<vmem>>
          %dma_wait3A_164 = arith.constant 0 : i32
          %dma_wait3A_165 = arith.constant 0 : i32
          %dma_wait3A_166 = tpu.memref_slice %arg3[%add3A_95, %dma_wait3A_164, %dma_wait3A_165] : memref<2528x2x128xi32, #tpu.memory_space<hbm>> -> memref<1x2x128xi32, #tpu.memory_space<hbm>>
          %dma_wait3A_167 = tpu.memref_squeeze %dma_wait3A_166 : memref<1x2x128xi32, #tpu.memory_space<hbm>> -> memref<2x128xi32, #tpu.memory_space<hbm>>
          %dma_wait3A_168 = arith.constant 0 : i32
          %dma_wait3A_169 = arith.constant 0 : i32
          %dma_wait3A_170 = tpu.memref_slice %arg6[%run_scoped3A_134, %dma_wait3A_168, %dma_wait3A_169] : memref<2x2x128xi32, #tpu.memory_space<vmem>> -> memref<1x2x128xi32, #tpu.memory_space<vmem>>
          %dma_wait3A_171 = tpu.memref_squeeze %dma_wait3A_170 : memref<1x2x128xi32, #tpu.memory_space<vmem>> -> memref<2x128xi32, #tpu.memory_space<vmem>>
          %dma_wait3A_172 = arith.constant 0 : i32
          %dma_wait3A_173 = arith.constant 0 : i32
          %dma_wait3A_174 = tpu.memref_slice %arg3[%add3A_95, %dma_wait3A_172, %dma_wait3A_173] : memref<2528x2x128xi32, #tpu.memory_space<hbm>> -> memref<1x2x128xi32, #tpu.memory_space<hbm>>
          %dma_wait3A_175 = tpu.memref_squeeze %dma_wait3A_174 : memref<1x2x128xi32, #tpu.memory_space<hbm>> -> memref<2x128xi32, #tpu.memory_space<hbm>>
          tpu.wait_dma2 semaphore(%run_scoped3A_143 : memref<!tpu.dma_semaphore, #tpu.memory_space<semaphore_mem>>) src(%dma_wait3A_175 : memref<2x128xi32, #tpu.memory_space<hbm>>) dst(%dma_wait3A_171 : memref<2x128xi32, #tpu.memory_space<vmem>>)
          tpu.yield
        }) : () -> ()
        %dma_start3A_135 = arith.constant 0 : i32
        %dma_start3A_136 = arith.constant 0 : i32
        %dma_start3A_137 = arith.constant 0 : i32
        %dma_start3A_138 = tpu.memref_slice %arg6[%dma_start3A_135, %dma_start3A_136, %dma_start3A_137] : memref<2x2x128xi32, #tpu.memory_space<vmem>> -> memref<1x1x128xi32, #tpu.memory_space<vmem>>
        %dma_start3A_139 = tpu.memref_squeeze %dma_start3A_138 : memref<1x1x128xi32, #tpu.memory_space<vmem>> -> memref<128xi32, #tpu.memory_space<vmem>>
        %dma_start3A_140 = arith.constant 0 : i32
        %dma_start3A_141 = arith.constant 0 : i32
        %dma_start3A_142 = tpu.memref_slice %arg2[%dma_start3A_140, %dma_start3A_141] : memref<10240x128xf32, #tpu.memory_space<hbm>> -> memref<10240x128xf32, #tpu.memory_space<hbm>>
        tpu.enqueue_indirect_dma source(%dma_start3A_142 : memref<10240x128xf32, #tpu.memory_space<hbm>>) target(%arg7 : memref<128x128xf32, #tpu.memory_space<vmem>>) offsets(%dma_start3A_139 : memref<128xi32, #tpu.memory_space<vmem>>) semaphore(%arg10 : memref<!tpu.dma_semaphore, #tpu.memory_space<semaphore_mem>>)
      } else {
      }
      %mul3A_98 = arith.constant 2 : i32
      %mul3A_99 = arith.muli %mul3A_98, %while3A_72 : i32
      %add3A_100 = arith.addi %select_n3A, %mul3A_99 : i32
      %add3A_101 = arith.constant 1 : i32
      %add3A_102 = arith.addi %add3A_100, %add3A_101 : i32
      %dma_wait3A_103 = arith.constant 1 : i32
      %dma_wait3A_104 = arith.constant 0 : i32
      %dma_wait3A_105 = arith.constant 0 : i32
      %dma_wait3A_106 = tpu.memref_slice %arg6[%dma_wait3A_103, %dma_wait3A_104, %dma_wait3A_105] : memref<2x2x128xi32, #tpu.memory_space<vmem>> -> memref<1x1x128xi32, #tpu.memory_space<vmem>>
      %dma_wait3A_107 = tpu.memref_squeeze %dma_wait3A_106 : memref<1x1x128xi32, #tpu.memory_space<vmem>> -> memref<128xi32, #tpu.memory_space<vmem>>
      %dma_wait3A_108 = arith.constant 0 : i32
      %dma_wait3A_109 = arith.constant 0 : i32
      %dma_wait3A_110 = tpu.memref_slice %arg2[%dma_wait3A_108, %dma_wait3A_109] : memref<10240x128xf32, #tpu.memory_space<hbm>> -> memref<10240x128xf32, #tpu.memory_space<hbm>>
      tpu.wait_indirect_dma semaphore(%arg11 : memref<!tpu.dma_semaphore, #tpu.memory_space<semaphore_mem>>) src(%dma_wait3A_110 : memref<10240x128xf32, #tpu.memory_space<hbm>>) dst(%arg8 : memref<128x128xf32, #tpu.memory_space<vmem>>)
      %dma_start3A_111 = arith.constant 1 : i32
      %dma_start3A_112 = arith.constant 1 : i32
      %dma_start3A_113 = arith.constant 0 : i32
      %dma_start3A_114 = tpu.memref_slice %arg6[%dma_start3A_111, %dma_start3A_112, %dma_start3A_113] : memref<2x2x128xi32, #tpu.memory_space<vmem>> -> memref<1x1x128xi32, #tpu.memory_space<vmem>>
      %dma_start3A_115 = tpu.memref_squeeze %dma_start3A_114 : memref<1x1x128xi32, #tpu.memory_space<vmem>> -> memref<128xi32, #tpu.memory_space<vmem>>
      %dma_start3A_116 = arith.constant 0 : i32
      %dma_start3A_117 = arith.constant 0 : i32
      %dma_start3A_118 = tpu.memref_slice %arg9[%dma_start3A_116, %dma_start3A_117] : memref<10240x128xf32, #tpu.memory_space<vmem_shared>> -> memref<10240x128xf32, #tpu.memory_space<vmem_shared>>
      tpu.enqueue_indirect_dma source(%arg8 : memref<128x128xf32, #tpu.memory_space<vmem>>) target(%dma_start3A_118 : memref<10240x128xf32, #tpu.memory_space<vmem_shared>>) offsets(%dma_start3A_115 : memref<128xi32, #tpu.memory_space<vmem>>) semaphore(%arg13 : memref<!tpu.dma_semaphore, #tpu.memory_space<semaphore_mem>>) {add = true}
      %add3A_119 = arith.constant 2 : i32
      %add3A_120 = arith.addi %add3A_102, %add3A_119 : i32
      %add3A_121 = arith.addi %select_n3A, %select_n3A_10 : i32
      %lt3A_122 = arith.cmpi slt, %add3A_120, %add3A_121 : i32
      %convert_element_type3A_123 = arith.extui %lt3A_122 : i1 to i32
      %cond3A_124 = arith.constant 0 : i32
      %cond3A_125 = arith.cmpi ne, %convert_element_type3A_123, %cond3A_124 : i32
      scf.if %cond3A_125 {
        %dma_wait3A_126 = arith.constant 1 : i32
        %dma_wait3A_127 = arith.constant 1 : i32
        %dma_wait3A_128 = arith.constant 0 : i32
        %dma_wait3A_129 = tpu.memref_slice %arg6[%dma_wait3A_126, %dma_wait3A_127, %dma_wait3A_128] : memref<2x2x128xi32, #tpu.memory_space<vmem>> -> memref<1x1x128xi32, #tpu.memory_space<vmem>>
        %dma_wait3A_130 = tpu.memref_squeeze %dma_wait3A_129 : memref<1x1x128xi32, #tpu.memory_space<vmem>> -> memref<128xi32, #tpu.memory_space<vmem>>
        %dma_wait3A_131 = arith.constant 0 : i32
        %dma_wait3A_132 = arith.constant 0 : i32
        %dma_wait3A_133 = tpu.memref_slice %arg9[%dma_wait3A_131, %dma_wait3A_132] : memref<10240x128xf32, #tpu.memory_space<vmem_shared>> -> memref<10240x128xf32, #tpu.memory_space<vmem_shared>>
        tpu.wait_indirect_dma semaphore(%arg13 : memref<!tpu.dma_semaphore, #tpu.memory_space<semaphore_mem>>) src(%arg8 : memref<128x128xf32, #tpu.memory_space<vmem>>) dst(%dma_wait3A_133 : memref<10240x128xf32, #tpu.memory_space<vmem_shared>>)
        %run_scoped3A_134 = arith.constant 1 : i32
        "tpu.region"() ({
          %run_scoped3A_143 = tpu.sem_alloc : memref<!tpu.dma_semaphore, #tpu.memory_space<semaphore_mem>>
          %dma_start3A_144 = arith.constant 0 : i32
          %dma_start3A_145 = arith.constant 0 : i32
          %dma_start3A_146 = tpu.memref_slice %arg6[%run_scoped3A_134, %dma_start3A_144, %dma_start3A_145] : memref<2x2x128xi32, #tpu.memory_space<vmem>> -> memref<1x2x128xi32, #tpu.memory_space<vmem>>
          %dma_start3A_147 = tpu.memref_squeeze %dma_start3A_146 : memref<1x2x128xi32, #tpu.memory_space<vmem>> -> memref<2x128xi32, #tpu.memory_space<vmem>>
          %dma_start3A_148 = arith.constant 0 : i32
          %dma_start3A_149 = arith.constant 0 : i32
          %dma_start3A_150 = tpu.memref_slice %arg3[%add3A_120, %dma_start3A_148, %dma_start3A_149] : memref<2528x2x128xi32, #tpu.memory_space<hbm>> -> memref<1x2x128xi32, #tpu.memory_space<hbm>>
          %dma_start3A_151 = tpu.memref_squeeze %dma_start3A_150 : memref<1x2x128xi32, #tpu.memory_space<hbm>> -> memref<2x128xi32, #tpu.memory_space<hbm>>
          %dma_start3A_152 = arith.constant 0 : i32
          %dma_start3A_153 = arith.constant 0 : i32
          %dma_start3A_154 = tpu.memref_slice %arg6[%run_scoped3A_134, %dma_start3A_152, %dma_start3A_153] : memref<2x2x128xi32, #tpu.memory_space<vmem>> -> memref<1x2x128xi32, #tpu.memory_space<vmem>>
          %dma_start3A_155 = tpu.memref_squeeze %dma_start3A_154 : memref<1x2x128xi32, #tpu.memory_space<vmem>> -> memref<2x128xi32, #tpu.memory_space<vmem>>
          %dma_start3A_156 = arith.constant 0 : i32
          %dma_start3A_157 = arith.constant 0 : i32
          %dma_start3A_158 = tpu.memref_slice %arg3[%add3A_120, %dma_start3A_156, %dma_start3A_157] : memref<2528x2x128xi32, #tpu.memory_space<hbm>> -> memref<1x2x128xi32, #tpu.memory_space<hbm>>
          %dma_start3A_159 = tpu.memref_squeeze %dma_start3A_158 : memref<1x2x128xi32, #tpu.memory_space<hbm>> -> memref<2x128xi32, #tpu.memory_space<hbm>>
          tpu.enqueue_dma source(%dma_start3A_159 : memref<2x128xi32, #tpu.memory_space<hbm>>) target(%dma_start3A_155 : memref<2x128xi32, #tpu.memory_space<vmem>>) target_semaphore(%run_scoped3A_143 : memref<!tpu.dma_semaphore, #tpu.memory_space<semaphore_mem>>)
          %dma_wait3A_160 = arith.constant 0 : i32
          %dma_wait3A_161 = arith.constant 0 : i32
          %dma_wait3A_162 = tpu.memref_slice %arg6[%run_scoped3A_134, %dma_wait3A_160, %dma_wait3A_161] : memref<2x2x128xi32, #tpu.memory_space<vmem>> -> memref<1x2x128xi32, #tpu.memory_space<vmem>>
          %dma_wait3A_163 = tpu.memref_squeeze %dma_wait3A_162 : memref<1x2x128xi32, #tpu.memory_space<vmem>> -> memref<2x128xi32, #tpu.memory_space<vmem>>
          %dma_wait3A_164 = arith.constant 0 : i32
          %dma_wait3A_165 = arith.constant 0 : i32
          %dma_wait3A_166 = tpu.memref_slice %arg3[%add3A_120, %dma_wait3A_164, %dma_wait3A_165] : memref<2528x2x128xi32, #tpu.memory_space<hbm>> -> memref<1x2x128xi32, #tpu.memory_space<hbm>>
          %dma_wait3A_167 = tpu.memref_squeeze %dma_wait3A_166 : memref<1x2x128xi32, #tpu.memory_space<hbm>> -> memref<2x128xi32, #tpu.memory_space<hbm>>
          %dma_wait3A_168 = arith.constant 0 : i32
          %dma_wait3A_169 = arith.constant 0 : i32
          %dma_wait3A_170 = tpu.memref_slice %arg6[%run_scoped3A_134, %dma_wait3A_168, %dma_wait3A_169] : memref<2x2x128xi32, #tpu.memory_space<vmem>> -> memref<1x2x128xi32, #tpu.memory_space<vmem>>
          %dma_wait3A_171 = tpu.memref_squeeze %dma_wait3A_170 : memref<1x2x128xi32, #tpu.memory_space<vmem>> -> memref<2x128xi32, #tpu.memory_space<vmem>>
          %dma_wait3A_172 = arith.constant 0 : i32
          %dma_wait3A_173 = arith.constant 0 : i32
          %dma_wait3A_174 = tpu.memref_slice %arg3[%add3A_120, %dma_wait3A_172, %dma_wait3A_173] : memref<2528x2x128xi32, #tpu.memory_space<hbm>> -> memref<1x2x128xi32, #tpu.memory_space<hbm>>
          %dma_wait3A_175 = tpu.memref_squeeze %dma_wait3A_174 : memref<1x2x128xi32, #tpu.memory_space<hbm>> -> memref<2x128xi32, #tpu.memory_space<hbm>>
          tpu.wait_dma2 semaphore(%run_scoped3A_143 : memref<!tpu.dma_semaphore, #tpu.memory_space<semaphore_mem>>) src(%dma_wait3A_175 : memref<2x128xi32, #tpu.memory_space<hbm>>) dst(%dma_wait3A_171 : memref<2x128xi32, #tpu.memory_space<vmem>>)
          tpu.yield
        }) : () -> ()
        %dma_start3A_135 = arith.constant 1 : i32
        %dma_start3A_136 = arith.constant 0 : i32
        %dma_start3A_137 = arith.constant 0 : i32
        %dma_start3A_138 = tpu.memref_slice %arg6[%dma_start3A_135, %dma_start3A_136, %dma_start3A_137] : memref<2x2x128xi32, #tpu.memory_space<vmem>> -> memref<1x1x128xi32, #tpu.memory_space<vmem>>
        %dma_start3A_139 = tpu.memref_squeeze %dma_start3A_138 : memref<1x1x128xi32, #tpu.memory_space<vmem>> -> memref<128xi32, #tpu.memory_space<vmem>>
        %dma_start3A_140 = arith.constant 0 : i32
        %dma_start3A_141 = arith.constant 0 : i32
        %dma_start3A_142 = tpu.memref_slice %arg2[%dma_start3A_140, %dma_start3A_141] : memref<10240x128xf32, #tpu.memory_space<hbm>> -> memref<10240x128xf32, #tpu.memory_space<hbm>>
        tpu.enqueue_indirect_dma source(%dma_start3A_142 : memref<10240x128xf32, #tpu.memory_space<hbm>>) target(%arg8 : memref<128x128xf32, #tpu.memory_space<vmem>>) offsets(%dma_start3A_139 : memref<128xi32, #tpu.memory_space<vmem>>) semaphore(%arg11 : memref<!tpu.dma_semaphore, #tpu.memory_space<semaphore_mem>>)
      } else {
      }
    }
    %dma_wait3A = arith.constant 0 : i32
    %dma_wait3A_56 = arith.constant 1 : i32
    %dma_wait3A_57 = arith.constant 0 : i32
    %dma_wait3A_58 = tpu.memref_slice %arg6[%dma_wait3A, %dma_wait3A_56, %dma_wait3A_57] : memref<2x2x128xi32, #tpu.memory_space<vmem>> -> memref<1x1x128xi32, #tpu.memory_space<vmem>>
    %dma_wait3A_59 = tpu.memref_squeeze %dma_wait3A_58 : memref<1x1x128xi32, #tpu.memory_space<vmem>> -> memref<128xi32, #tpu.memory_space<vmem>>
    %dma_wait3A_60 = arith.constant 0 : i32
    %dma_wait3A_61 = arith.constant 0 : i32
    %dma_wait3A_62 = tpu.memref_slice %arg9[%dma_wait3A_60, %dma_wait3A_61] : memref<10240x128xf32, #tpu.memory_space<vmem_shared>> -> memref<10240x128xf32, #tpu.memory_space<vmem_shared>>
    tpu.wait_indirect_dma semaphore(%arg12 : memref<!tpu.dma_semaphore, #tpu.memory_space<semaphore_mem>>) src(%arg7 : memref<128x128xf32, #tpu.memory_space<vmem>>) dst(%dma_wait3A_62 : memref<10240x128xf32, #tpu.memory_space<vmem_shared>>)
    %dma_wait3A_63 = arith.constant 1 : i32
    %dma_wait3A_64 = arith.constant 1 : i32
    %dma_wait3A_65 = arith.constant 0 : i32
    %dma_wait3A_66 = tpu.memref_slice %arg6[%dma_wait3A_63, %dma_wait3A_64, %dma_wait3A_65] : memref<2x2x128xi32, #tpu.memory_space<vmem>> -> memref<1x1x128xi32, #tpu.memory_space<vmem>>
    %dma_wait3A_67 = tpu.memref_squeeze %dma_wait3A_66 : memref<1x1x128xi32, #tpu.memory_space<vmem>> -> memref<128xi32, #tpu.memory_space<vmem>>
    %dma_wait3A_68 = arith.constant 0 : i32
    %dma_wait3A_69 = arith.constant 0 : i32
    %dma_wait3A_70 = tpu.memref_slice %arg9[%dma_wait3A_68, %dma_wait3A_69] : memref<10240x128xf32, #tpu.memory_space<vmem_shared>> -> memref<10240x128xf32, #tpu.memory_space<vmem_shared>>
    tpu.wait_indirect_dma semaphore(%arg13 : memref<!tpu.dma_semaphore, #tpu.memory_space<semaphore_mem>>) src(%arg8 : memref<128x128xf32, #tpu.memory_space<vmem>>) dst(%dma_wait3A_70 : memref<10240x128xf32, #tpu.memory_space<vmem_shared>>)
    %barrier3A_71 = arith.constant 0 : index
    tpu.barrier barrier_id(%barrier3A_71)
    "tpu.region"() ({
      %run_scoped3A_72 = tpu.sem_alloc : memref<!tpu.dma_semaphore, #tpu.memory_space<semaphore_mem>>
      %dma_start3A_73 = arith.constant 0 : i32
      %dma_start3A_74 = tpu.memref_slice %arg5[%arg0, %mul3A_0, %dma_start3A_73] : memref<2x10240x128xf32, #tpu.memory_space<hbm>> -> memref<1x640x128xf32, #tpu.memory_space<hbm>>
      %dma_start3A_75 = tpu.memref_squeeze %dma_start3A_74 : memref<1x640x128xf32, #tpu.memory_space<hbm>> -> memref<640x128xf32, #tpu.memory_space<hbm>>
      %dma_start3A_76 = arith.constant 0 : i32
      %dma_start3A_77 = tpu.memref_slice %arg9[%mul3A_0, %dma_start3A_76] : memref<10240x128xf32, #tpu.memory_space<vmem_shared>> -> memref<640x128xf32, #tpu.memory_space<vmem_shared>>
      tpu.enqueue_dma source(%dma_start3A_77 : memref<640x128xf32, #tpu.memory_space<vmem_shared>>) target(%dma_start3A_75 : memref<640x128xf32, #tpu.memory_space<hbm>>) target_semaphore(%run_scoped3A_72 : memref<!tpu.dma_semaphore, #tpu.memory_space<semaphore_mem>>)
      %dma_wait3A_78 = arith.constant 0 : i32
      %dma_wait3A_79 = tpu.memref_slice %arg5[%arg0, %mul3A_0, %dma_wait3A_78] : memref<2x10240x128xf32, #tpu.memory_space<hbm>> -> memref<1x640x128xf32, #tpu.memory_space<hbm>>
      %dma_wait3A_80 = tpu.memref_squeeze %dma_wait3A_79 : memref<1x640x128xf32, #tpu.memory_space<hbm>> -> memref<640x128xf32, #tpu.memory_space<hbm>>
      %dma_wait3A_81 = arith.constant 0 : i32
      %dma_wait3A_82 = tpu.memref_slice %arg9[%mul3A_0, %dma_wait3A_81] : memref<10240x128xf32, #tpu.memory_space<vmem_shared>> -> memref<640x128xf32, #tpu.memory_space<vmem_shared>>
      tpu.wait_dma2 semaphore(%run_scoped3A_72 : memref<!tpu.dma_semaphore, #tpu.memory_space<semaphore_mem>>) src(%dma_wait3A_82 : memref<640x128xf32, #tpu.memory_space<vmem_shared>>) dst(%dma_wait3A_80 : memref<640x128xf32, #tpu.memory_space<hbm>>)
      tpu.yield
    }) : () -> ()
    return
  }
}

#map = affine_map<(d0, d1) -> (0, 0)>
#map1 = affine_map<(d0, d1) -> (0, 0, 0)>
#map2 = affine_map<(d0, d1) -> (0)>
module attributes {stable_mosaic.version = 14 : i64} {
  func.func @_seg_body(%arg0: i32, %arg1: i32, %arg2: memref<10240x128xf32, #tpu.memory_space<hbm>>, %arg3: memref<2528x2x128xi32, #tpu.memory_space<hbm>>, %arg4: memref<640x128xf32, #tpu.memory_space<hbm>>, %arg5: memref<640xf32, #tpu.memory_space<hbm>>, %arg6: memref<128xf32, #tpu.memory_space<hbm>>, %arg7: memref<2x10240x128xf32, #tpu.memory_space<hbm>>, %arg8: memref<2x10240xf32, #tpu.memory_space<hbm>>, %arg9: memref<2x10240xf32, #tpu.memory_space<hbm>>, %arg10: memref<2x2x128xi32, #tpu.memory_space<vmem>>, %arg11: memref<128x128xf32, #tpu.memory_space<vmem>>, %arg12: memref<128x128xf32, #tpu.memory_space<vmem>>, %arg13: memref<128xf32, #tpu.memory_space<vmem>>, %arg14: memref<10240x128xf32, #tpu.memory_space<vmem_shared>>, %arg15: memref<10240xf32, #tpu.memory_space<vmem_shared>>, %arg16: memref<10240xf32, #tpu.memory_space<vmem_shared>>, %arg17: memref<!tpu.dma_semaphore, #tpu.memory_space<semaphore_mem>>, %arg18: memref<!tpu.dma_semaphore, #tpu.memory_space<semaphore_mem>>, %arg19: memref<!tpu.dma_semaphore, #tpu.memory_space<semaphore_mem>>, %arg20: memref<!tpu.dma_semaphore, #tpu.memory_space<semaphore_mem>>, %arg21: memref<!tpu.dma_semaphore, #tpu.memory_space<semaphore_mem>>, %arg22: memref<!tpu.dma_semaphore, #tpu.memory_space<semaphore_mem>>, %arg23: memref<!tpu.dma_semaphore, #tpu.memory_space<semaphore_mem>>, %arg24: memref<!tpu.dma_semaphore, #tpu.memory_space<semaphore_mem>>) attributes {dimension_semantics = [#tpu.dimension_semantics<core_parallel>, #tpu.dimension_semantics<subcore_parallel>], iteration_bounds = array<i64: 2, 16>, scalar_prefetch = 0 : i64, scratch_operands = 15 : i64, tpu.core_type = #tpu.core_type<sc_vector_subcore>, window_params = [{transform_indices = #map}, {transform_indices = #map1}, {transform_indices = #map}, {transform_indices = #map2}, {transform_indices = #map2}, {transform_indices = #map1}, {transform_indices = #map}, {transform_indices = #map}]} {
    %mul3A = arith.constant 640 : i32
    %mul3A_0 = arith.muli %arg1, %mul3A : i32
    %eq3A = arith.constant 0 : i32
    %eq3A_1 = arith.cmpi eq, %arg0, %eq3A : i32
    %mul3A_2 = arith.constant 132 : i32
    %mul3A_3 = arith.muli %arg1, %mul3A_2 : i32
    %mul3A_4 = arith.constant 26 : i32
    %mul3A_5 = arith.muli %arg1, %mul3A_4 : i32
    %add3A = arith.constant 2112 : i32
    %add3A_6 = arith.addi %add3A, %mul3A_5 : i32
    %select_n3A = arith.select %eq3A_1, %mul3A_3, %add3A_6 : i32
    %eq3A_7 = arith.constant 0 : i32
    %eq3A_8 = arith.cmpi eq, %arg0, %eq3A_7 : i32
    %jit3A = arith.constant 132 : i32
    %jit3A_9 = arith.constant 26 : i32
    %select_n3A_10 = arith.select %eq3A_8, %jit3A, %jit3A_9 : i32
    "tpu.region"() ({
      %run_scoped3A_100 = tpu.sem_alloc : memref<!tpu.dma_semaphore, #tpu.memory_space<semaphore_mem>>
      %dma_start3A_101 = arith.constant 0 : i32
      %dma_start3A_102 = tpu.memref_slice %arg14[%mul3A_0, %dma_start3A_101] : memref<10240x128xf32, #tpu.memory_space<vmem_shared>> -> memref<640x128xf32, #tpu.memory_space<vmem_shared>>
      tpu.enqueue_dma source(%arg4 : memref<640x128xf32, #tpu.memory_space<hbm>>) target(%dma_start3A_102 : memref<640x128xf32, #tpu.memory_space<vmem_shared>>) target_semaphore(%run_scoped3A_100 : memref<!tpu.dma_semaphore, #tpu.memory_space<semaphore_mem>>)
      %dma_wait3A_103 = arith.constant 0 : i32
      %dma_wait3A_104 = tpu.memref_slice %arg14[%mul3A_0, %dma_wait3A_103] : memref<10240x128xf32, #tpu.memory_space<vmem_shared>> -> memref<640x128xf32, #tpu.memory_space<vmem_shared>>
      tpu.wait_dma2 semaphore(%run_scoped3A_100 : memref<!tpu.dma_semaphore, #tpu.memory_space<semaphore_mem>>) src(%arg4 : memref<640x128xf32, #tpu.memory_space<hbm>>) dst(%dma_wait3A_104 : memref<640x128xf32, #tpu.memory_space<vmem_shared>>)
      tpu.yield
    }) : () -> ()
    "tpu.region"() ({
      %run_scoped3A_100 = tpu.sem_alloc : memref<!tpu.dma_semaphore, #tpu.memory_space<semaphore_mem>>
      %dma_start3A_101 = tpu.memref_slice %arg15[%mul3A_0] : memref<10240xf32, #tpu.memory_space<vmem_shared>> -> memref<640xf32, #tpu.memory_space<vmem_shared>>
      tpu.enqueue_dma source(%arg5 : memref<640xf32, #tpu.memory_space<hbm>>) target(%dma_start3A_101 : memref<640xf32, #tpu.memory_space<vmem_shared>>) target_semaphore(%run_scoped3A_100 : memref<!tpu.dma_semaphore, #tpu.memory_space<semaphore_mem>>)
      %dma_wait3A_102 = tpu.memref_slice %arg15[%mul3A_0] : memref<10240xf32, #tpu.memory_space<vmem_shared>> -> memref<640xf32, #tpu.memory_space<vmem_shared>>
      tpu.wait_dma2 semaphore(%run_scoped3A_100 : memref<!tpu.dma_semaphore, #tpu.memory_space<semaphore_mem>>) src(%arg5 : memref<640xf32, #tpu.memory_space<hbm>>) dst(%dma_wait3A_102 : memref<640xf32, #tpu.memory_space<vmem_shared>>)
      tpu.yield
    }) : () -> ()
    "tpu.region"() ({
      %run_scoped3A_100 = tpu.sem_alloc : memref<!tpu.dma_semaphore, #tpu.memory_space<semaphore_mem>>
      %dma_start3A_101 = tpu.memref_slice %arg16[%mul3A_0] : memref<10240xf32, #tpu.memory_space<vmem_shared>> -> memref<640xf32, #tpu.memory_space<vmem_shared>>
      tpu.enqueue_dma source(%arg5 : memref<640xf32, #tpu.memory_space<hbm>>) target(%dma_start3A_101 : memref<640xf32, #tpu.memory_space<vmem_shared>>) target_semaphore(%run_scoped3A_100 : memref<!tpu.dma_semaphore, #tpu.memory_space<semaphore_mem>>)
      %dma_wait3A_102 = tpu.memref_slice %arg16[%mul3A_0] : memref<10240xf32, #tpu.memory_space<vmem_shared>> -> memref<640xf32, #tpu.memory_space<vmem_shared>>
      tpu.wait_dma2 semaphore(%run_scoped3A_100 : memref<!tpu.dma_semaphore, #tpu.memory_space<semaphore_mem>>) src(%arg5 : memref<640xf32, #tpu.memory_space<hbm>>) dst(%dma_wait3A_102 : memref<640xf32, #tpu.memory_space<vmem_shared>>)
      tpu.yield
    }) : () -> ()
    "tpu.region"() ({
      %run_scoped3A_100 = tpu.sem_alloc : memref<!tpu.dma_semaphore, #tpu.memory_space<semaphore_mem>>
      tpu.enqueue_dma source(%arg6 : memref<128xf32, #tpu.memory_space<hbm>>) target(%arg13 : memref<128xf32, #tpu.memory_space<vmem>>) target_semaphore(%run_scoped3A_100 : memref<!tpu.dma_semaphore, #tpu.memory_space<semaphore_mem>>)
      tpu.wait_dma2 semaphore(%run_scoped3A_100 : memref<!tpu.dma_semaphore, #tpu.memory_space<semaphore_mem>>) src(%arg6 : memref<128xf32, #tpu.memory_space<hbm>>) dst(%arg13 : memref<128xf32, #tpu.memory_space<vmem>>)
      tpu.yield
    }) : () -> ()
    %barrier3A = arith.constant 0 : index
    tpu.barrier barrier_id(%barrier3A)
    %run_scoped3A = arith.constant 0 : i32
    "tpu.region"() ({
      %run_scoped3A_100 = tpu.sem_alloc : memref<!tpu.dma_semaphore, #tpu.memory_space<semaphore_mem>>
      %dma_start3A_101 = arith.constant 0 : i32
      %dma_start3A_102 = arith.constant 0 : i32
      %dma_start3A_103 = tpu.memref_slice %arg10[%run_scoped3A, %dma_start3A_101, %dma_start3A_102] : memref<2x2x128xi32, #tpu.memory_space<vmem>> -> memref<1x2x128xi32, #tpu.memory_space<vmem>>
      %dma_start3A_104 = tpu.memref_squeeze %dma_start3A_103 : memref<1x2x128xi32, #tpu.memory_space<vmem>> -> memref<2x128xi32, #tpu.memory_space<vmem>>
      %dma_start3A_105 = arith.constant 0 : i32
      %dma_start3A_106 = arith.constant 0 : i32
      %dma_start3A_107 = tpu.memref_slice %arg3[%select_n3A, %dma_start3A_105, %dma_start3A_106] : memref<2528x2x128xi32, #tpu.memory_space<hbm>> -> memref<1x2x128xi32, #tpu.memory_space<hbm>>
      %dma_start3A_108 = tpu.memref_squeeze %dma_start3A_107 : memref<1x2x128xi32, #tpu.memory_space<hbm>> -> memref<2x128xi32, #tpu.memory_space<hbm>>
      %dma_start3A_109 = arith.constant 0 : i32
      %dma_start3A_110 = arith.constant 0 : i32
      %dma_start3A_111 = tpu.memref_slice %arg10[%run_scoped3A, %dma_start3A_109, %dma_start3A_110] : memref<2x2x128xi32, #tpu.memory_space<vmem>> -> memref<1x2x128xi32, #tpu.memory_space<vmem>>
      %dma_start3A_112 = tpu.memref_squeeze %dma_start3A_111 : memref<1x2x128xi32, #tpu.memory_space<vmem>> -> memref<2x128xi32, #tpu.memory_space<vmem>>
      %dma_start3A_113 = arith.constant 0 : i32
      %dma_start3A_114 = arith.constant 0 : i32
      %dma_start3A_115 = tpu.memref_slice %arg3[%select_n3A, %dma_start3A_113, %dma_start3A_114] : memref<2528x2x128xi32, #tpu.memory_space<hbm>> -> memref<1x2x128xi32, #tpu.memory_space<hbm>>
      %dma_start3A_116 = tpu.memref_squeeze %dma_start3A_115 : memref<1x2x128xi32, #tpu.memory_space<hbm>> -> memref<2x128xi32, #tpu.memory_space<hbm>>
      tpu.enqueue_dma source(%dma_start3A_116 : memref<2x128xi32, #tpu.memory_space<hbm>>) target(%dma_start3A_112 : memref<2x128xi32, #tpu.memory_space<vmem>>) target_semaphore(%run_scoped3A_100 : memref<!tpu.dma_semaphore, #tpu.memory_space<semaphore_mem>>)
      %dma_wait3A_117 = arith.constant 0 : i32
      %dma_wait3A_118 = arith.constant 0 : i32
      %dma_wait3A_119 = tpu.memref_slice %arg10[%run_scoped3A, %dma_wait3A_117, %dma_wait3A_118] : memref<2x2x128xi32, #tpu.memory_space<vmem>> -> memref<1x2x128xi32, #tpu.memory_space<vmem>>
      %dma_wait3A_120 = tpu.memref_squeeze %dma_wait3A_119 : memref<1x2x128xi32, #tpu.memory_space<vmem>> -> memref<2x128xi32, #tpu.memory_space<vmem>>
      %dma_wait3A_121 = arith.constant 0 : i32
      %dma_wait3A_122 = arith.constant 0 : i32
      %dma_wait3A_123 = tpu.memref_slice %arg3[%select_n3A, %dma_wait3A_121, %dma_wait3A_122] : memref<2528x2x128xi32, #tpu.memory_space<hbm>> -> memref<1x2x128xi32, #tpu.memory_space<hbm>>
      %dma_wait3A_124 = tpu.memref_squeeze %dma_wait3A_123 : memref<1x2x128xi32, #tpu.memory_space<hbm>> -> memref<2x128xi32, #tpu.memory_space<hbm>>
      %dma_wait3A_125 = arith.constant 0 : i32
      %dma_wait3A_126 = arith.constant 0 : i32
      %dma_wait3A_127 = tpu.memref_slice %arg10[%run_scoped3A, %dma_wait3A_125, %dma_wait3A_126] : memref<2x2x128xi32, #tpu.memory_space<vmem>> -> memref<1x2x128xi32, #tpu.memory_space<vmem>>
      %dma_wait3A_128 = tpu.memref_squeeze %dma_wait3A_127 : memref<1x2x128xi32, #tpu.memory_space<vmem>> -> memref<2x128xi32, #tpu.memory_space<vmem>>
      %dma_wait3A_129 = arith.constant 0 : i32
      %dma_wait3A_130 = arith.constant 0 : i32
      %dma_wait3A_131 = tpu.memref_slice %arg3[%select_n3A, %dma_wait3A_129, %dma_wait3A_130] : memref<2528x2x128xi32, #tpu.memory_space<hbm>> -> memref<1x2x128xi32, #tpu.memory_space<hbm>>
      %dma_wait3A_132 = tpu.memref_squeeze %dma_wait3A_131 : memref<1x2x128xi32, #tpu.memory_space<hbm>> -> memref<2x128xi32, #tpu.memory_space<hbm>>
      tpu.wait_dma2 semaphore(%run_scoped3A_100 : memref<!tpu.dma_semaphore, #tpu.memory_space<semaphore_mem>>) src(%dma_wait3A_132 : memref<2x128xi32, #tpu.memory_space<hbm>>) dst(%dma_wait3A_128 : memref<2x128xi32, #tpu.memory_space<vmem>>)
      tpu.yield
    }) : () -> ()
    %dma_start3A = arith.constant 0 : i32
    %dma_start3A_11 = arith.constant 0 : i32
    %dma_start3A_12 = arith.constant 0 : i32
    %dma_start3A_13 = tpu.memref_slice %arg10[%dma_start3A, %dma_start3A_11, %dma_start3A_12] : memref<2x2x128xi32, #tpu.memory_space<vmem>> -> memref<1x1x128xi32, #tpu.memory_space<vmem>>
    %dma_start3A_14 = tpu.memref_squeeze %dma_start3A_13 : memref<1x1x128xi32, #tpu.memory_space<vmem>> -> memref<128xi32, #tpu.memory_space<vmem>>
    %dma_start3A_15 = arith.constant 0 : i32
    %dma_start3A_16 = arith.constant 0 : i32
    %dma_start3A_17 = tpu.memref_slice %arg2[%dma_start3A_15, %dma_start3A_16] : memref<10240x128xf32, #tpu.memory_space<hbm>> -> memref<10240x128xf32, #tpu.memory_space<hbm>>
    tpu.enqueue_indirect_dma source(%dma_start3A_17 : memref<10240x128xf32, #tpu.memory_space<hbm>>) target(%arg11 : memref<128x128xf32, #tpu.memory_space<vmem>>) offsets(%dma_start3A_14 : memref<128xi32, #tpu.memory_space<vmem>>) semaphore(%arg17 : memref<!tpu.dma_semaphore, #tpu.memory_space<semaphore_mem>>)
    %add3A_18 = arith.constant 1 : i32
    %add3A_19 = arith.addi %select_n3A, %add3A_18 : i32
    %run_scoped3A_20 = arith.constant 1 : i32
    "tpu.region"() ({
      %run_scoped3A_100 = tpu.sem_alloc : memref<!tpu.dma_semaphore, #tpu.memory_space<semaphore_mem>>
      %dma_start3A_101 = arith.constant 0 : i32
      %dma_start3A_102 = arith.constant 0 : i32
      %dma_start3A_103 = tpu.memref_slice %arg10[%run_scoped3A_20, %dma_start3A_101, %dma_start3A_102] : memref<2x2x128xi32, #tpu.memory_space<vmem>> -> memref<1x2x128xi32, #tpu.memory_space<vmem>>
      %dma_start3A_104 = tpu.memref_squeeze %dma_start3A_103 : memref<1x2x128xi32, #tpu.memory_space<vmem>> -> memref<2x128xi32, #tpu.memory_space<vmem>>
      %dma_start3A_105 = arith.constant 0 : i32
      %dma_start3A_106 = arith.constant 0 : i32
      %dma_start3A_107 = tpu.memref_slice %arg3[%add3A_19, %dma_start3A_105, %dma_start3A_106] : memref<2528x2x128xi32, #tpu.memory_space<hbm>> -> memref<1x2x128xi32, #tpu.memory_space<hbm>>
      %dma_start3A_108 = tpu.memref_squeeze %dma_start3A_107 : memref<1x2x128xi32, #tpu.memory_space<hbm>> -> memref<2x128xi32, #tpu.memory_space<hbm>>
      %dma_start3A_109 = arith.constant 0 : i32
      %dma_start3A_110 = arith.constant 0 : i32
      %dma_start3A_111 = tpu.memref_slice %arg10[%run_scoped3A_20, %dma_start3A_109, %dma_start3A_110] : memref<2x2x128xi32, #tpu.memory_space<vmem>> -> memref<1x2x128xi32, #tpu.memory_space<vmem>>
      %dma_start3A_112 = tpu.memref_squeeze %dma_start3A_111 : memref<1x2x128xi32, #tpu.memory_space<vmem>> -> memref<2x128xi32, #tpu.memory_space<vmem>>
      %dma_start3A_113 = arith.constant 0 : i32
      %dma_start3A_114 = arith.constant 0 : i32
      %dma_start3A_115 = tpu.memref_slice %arg3[%add3A_19, %dma_start3A_113, %dma_start3A_114] : memref<2528x2x128xi32, #tpu.memory_space<hbm>> -> memref<1x2x128xi32, #tpu.memory_space<hbm>>
      %dma_start3A_116 = tpu.memref_squeeze %dma_start3A_115 : memref<1x2x128xi32, #tpu.memory_space<hbm>> -> memref<2x128xi32, #tpu.memory_space<hbm>>
      tpu.enqueue_dma source(%dma_start3A_116 : memref<2x128xi32, #tpu.memory_space<hbm>>) target(%dma_start3A_112 : memref<2x128xi32, #tpu.memory_space<vmem>>) target_semaphore(%run_scoped3A_100 : memref<!tpu.dma_semaphore, #tpu.memory_space<semaphore_mem>>)
      %dma_wait3A_117 = arith.constant 0 : i32
      %dma_wait3A_118 = arith.constant 0 : i32
      %dma_wait3A_119 = tpu.memref_slice %arg10[%run_scoped3A_20, %dma_wait3A_117, %dma_wait3A_118] : memref<2x2x128xi32, #tpu.memory_space<vmem>> -> memref<1x2x128xi32, #tpu.memory_space<vmem>>
      %dma_wait3A_120 = tpu.memref_squeeze %dma_wait3A_119 : memref<1x2x128xi32, #tpu.memory_space<vmem>> -> memref<2x128xi32, #tpu.memory_space<vmem>>
      %dma_wait3A_121 = arith.constant 0 : i32
      %dma_wait3A_122 = arith.constant 0 : i32
      %dma_wait3A_123 = tpu.memref_slice %arg3[%add3A_19, %dma_wait3A_121, %dma_wait3A_122] : memref<2528x2x128xi32, #tpu.memory_space<hbm>> -> memref<1x2x128xi32, #tpu.memory_space<hbm>>
      %dma_wait3A_124 = tpu.memref_squeeze %dma_wait3A_123 : memref<1x2x128xi32, #tpu.memory_space<hbm>> -> memref<2x128xi32, #tpu.memory_space<hbm>>
      %dma_wait3A_125 = arith.constant 0 : i32
      %dma_wait3A_126 = arith.constant 0 : i32
      %dma_wait3A_127 = tpu.memref_slice %arg10[%run_scoped3A_20, %dma_wait3A_125, %dma_wait3A_126] : memref<2x2x128xi32, #tpu.memory_space<vmem>> -> memref<1x2x128xi32, #tpu.memory_space<vmem>>
      %dma_wait3A_128 = tpu.memref_squeeze %dma_wait3A_127 : memref<1x2x128xi32, #tpu.memory_space<vmem>> -> memref<2x128xi32, #tpu.memory_space<vmem>>
      %dma_wait3A_129 = arith.constant 0 : i32
      %dma_wait3A_130 = arith.constant 0 : i32
      %dma_wait3A_131 = tpu.memref_slice %arg3[%add3A_19, %dma_wait3A_129, %dma_wait3A_130] : memref<2528x2x128xi32, #tpu.memory_space<hbm>> -> memref<1x2x128xi32, #tpu.memory_space<hbm>>
      %dma_wait3A_132 = tpu.memref_squeeze %dma_wait3A_131 : memref<1x2x128xi32, #tpu.memory_space<hbm>> -> memref<2x128xi32, #tpu.memory_space<hbm>>
      tpu.wait_dma2 semaphore(%run_scoped3A_100 : memref<!tpu.dma_semaphore, #tpu.memory_space<semaphore_mem>>) src(%dma_wait3A_132 : memref<2x128xi32, #tpu.memory_space<hbm>>) dst(%dma_wait3A_128 : memref<2x128xi32, #tpu.memory_space<vmem>>)
      tpu.yield
    }) : () -> ()
    %dma_start3A_21 = arith.constant 1 : i32
    %dma_start3A_22 = arith.constant 0 : i32
    %dma_start3A_23 = arith.constant 0 : i32
    %dma_start3A_24 = tpu.memref_slice %arg10[%dma_start3A_21, %dma_start3A_22, %dma_start3A_23] : memref<2x2x128xi32, #tpu.memory_space<vmem>> -> memref<1x1x128xi32, #tpu.memory_space<vmem>>
    %dma_start3A_25 = tpu.memref_squeeze %dma_start3A_24 : memref<1x1x128xi32, #tpu.memory_space<vmem>> -> memref<128xi32, #tpu.memory_space<vmem>>
    %dma_start3A_26 = arith.constant 0 : i32
    %dma_start3A_27 = arith.constant 0 : i32
    %dma_start3A_28 = tpu.memref_slice %arg2[%dma_start3A_26, %dma_start3A_27] : memref<10240x128xf32, #tpu.memory_space<hbm>> -> memref<10240x128xf32, #tpu.memory_space<hbm>>
    tpu.enqueue_indirect_dma source(%dma_start3A_28 : memref<10240x128xf32, #tpu.memory_space<hbm>>) target(%arg12 : memref<128x128xf32, #tpu.memory_space<vmem>>) offsets(%dma_start3A_25 : memref<128xi32, #tpu.memory_space<vmem>>) semaphore(%arg18 : memref<!tpu.dma_semaphore, #tpu.memory_space<semaphore_mem>>)
    %jit3A_29 = arith.constant 2 : i32
    %div3A = arith.divsi %select_n3A_10, %jit3A_29 : i32
    %sign3A = arith.constant 0 : i32
    %sign3A_30 = arith.cmpi sgt, %select_n3A_10, %sign3A : i32
    %sign3A_31 = arith.extui %sign3A_30 : i1 to i32
    %sign3A_32 = arith.constant 0 : i32
    %sign3A_33 = arith.cmpi slt, %select_n3A_10, %sign3A_32 : i32
    %sign3A_34 = arith.extui %sign3A_33 : i1 to i32
    %sign3A_35 = arith.subi %sign3A_31, %sign3A_34 : i32
    %sign3A_36 = arith.constant 0 : i32
    %sign3A_37 = arith.cmpi sgt, %jit3A_29, %sign3A_36 : i32
    %sign3A_38 = arith.extui %sign3A_37 : i1 to i32
    %sign3A_39 = arith.constant 0 : i32
    %sign3A_40 = arith.cmpi slt, %jit3A_29, %sign3A_39 : i32
    %sign3A_41 = arith.extui %sign3A_40 : i1 to i32
    %sign3A_42 = arith.subi %sign3A_38, %sign3A_41 : i32
    %ne3A = arith.cmpi ne, %sign3A_35, %sign3A_42 : i32
    %rem3A = arith.remsi %select_n3A_10, %jit3A_29 : i32
    %ne3A_43 = arith.constant 0 : i32
    %ne3A_44 = arith.cmpi ne, %rem3A, %ne3A_43 : i32
    %and3A = arith.andi %ne3A, %ne3A_44 : i1
    %sub3A = arith.constant 1 : i32
    %sub3A_45 = arith.subi %div3A, %sub3A : i32
    %select_n3A_46 = arith.select %and3A, %sub3A_45, %div3A : i32
    %while3A = arith.constant 0 : i32
    %while3A_47 = arith.constant 0 : i32
    %while3A_48 = arith.subi %select_n3A_46, %while3A_47 : i32
    %while3A_49 = arith.addi %while3A_47, %while3A_48 : i32
    %while3A_50 = arith.constant 1 : i32
    %while3A_51 = arith.divsi %while3A_48, %while3A_50 : i32
    %while3A_52 = arith.muli %while3A_51, %while3A_50 : i32
    %while3A_53 = arith.addi %while3A_47, %while3A_52 : i32
    %while3A_54 = arith.constant 1 : i32
    scf.for %while3A_100 = %while3A_47 to %while3A_53 step %while3A_54  : i32 {
      %mul3A_101 = arith.constant 2 : i32
      %mul3A_102 = arith.muli %mul3A_101, %while3A_100 : i32
      %add3A_103 = arith.addi %select_n3A, %mul3A_102 : i32
      %add3A_104 = arith.constant 0 : i32
      %add3A_105 = arith.addi %add3A_103, %add3A_104 : i32
      %dma_wait3A_106 = arith.constant 0 : i32
      %dma_wait3A_107 = arith.constant 0 : i32
      %dma_wait3A_108 = arith.constant 0 : i32
      %dma_wait3A_109 = tpu.memref_slice %arg10[%dma_wait3A_106, %dma_wait3A_107, %dma_wait3A_108] : memref<2x2x128xi32, #tpu.memory_space<vmem>> -> memref<1x1x128xi32, #tpu.memory_space<vmem>>
      %dma_wait3A_110 = tpu.memref_squeeze %dma_wait3A_109 : memref<1x1x128xi32, #tpu.memory_space<vmem>> -> memref<128xi32, #tpu.memory_space<vmem>>
      %dma_wait3A_111 = arith.constant 0 : i32
      %dma_wait3A_112 = arith.constant 0 : i32
      %dma_wait3A_113 = tpu.memref_slice %arg2[%dma_wait3A_111, %dma_wait3A_112] : memref<10240x128xf32, #tpu.memory_space<hbm>> -> memref<10240x128xf32, #tpu.memory_space<hbm>>
      tpu.wait_indirect_dma semaphore(%arg17 : memref<!tpu.dma_semaphore, #tpu.memory_space<semaphore_mem>>) src(%dma_wait3A_113 : memref<10240x128xf32, #tpu.memory_space<hbm>>) dst(%arg11 : memref<128x128xf32, #tpu.memory_space<vmem>>)
      %dma_start3A_114 = arith.constant 0 : i32
      %dma_start3A_115 = arith.constant 1 : i32
      %dma_start3A_116 = arith.constant 0 : i32
      %dma_start3A_117 = tpu.memref_slice %arg10[%dma_start3A_114, %dma_start3A_115, %dma_start3A_116] : memref<2x2x128xi32, #tpu.memory_space<vmem>> -> memref<1x1x128xi32, #tpu.memory_space<vmem>>
      %dma_start3A_118 = tpu.memref_squeeze %dma_start3A_117 : memref<1x1x128xi32, #tpu.memory_space<vmem>> -> memref<128xi32, #tpu.memory_space<vmem>>
      %dma_start3A_119 = arith.constant 0 : i32
      %dma_start3A_120 = arith.constant 0 : i32
      %dma_start3A_121 = tpu.memref_slice %arg14[%dma_start3A_119, %dma_start3A_120] : memref<10240x128xf32, #tpu.memory_space<vmem_shared>> -> memref<10240x128xf32, #tpu.memory_space<vmem_shared>>
      tpu.enqueue_indirect_dma source(%arg11 : memref<128x128xf32, #tpu.memory_space<vmem>>) target(%dma_start3A_121 : memref<10240x128xf32, #tpu.memory_space<vmem_shared>>) offsets(%dma_start3A_118 : memref<128xi32, #tpu.memory_space<vmem>>) semaphore(%arg19 : memref<!tpu.dma_semaphore, #tpu.memory_space<semaphore_mem>>) {add = true}
      %dma_start3A_122 = arith.constant 0 : i32
      %dma_start3A_123 = arith.constant 0 : i32
      %dma_start3A_124 = arith.constant 0 : i32
      %dma_start3A_125 = tpu.memref_slice %arg10[%dma_start3A_122, %dma_start3A_123, %dma_start3A_124] : memref<2x2x128xi32, #tpu.memory_space<vmem>> -> memref<1x1x128xi32, #tpu.memory_space<vmem>>
      %dma_start3A_126 = tpu.memref_squeeze %dma_start3A_125 : memref<1x1x128xi32, #tpu.memory_space<vmem>> -> memref<128xi32, #tpu.memory_space<vmem>>
      %dma_start3A_127 = arith.constant 0 : i32
      %dma_start3A_128 = tpu.memref_slice %arg15[%dma_start3A_127] : memref<10240xf32, #tpu.memory_space<vmem_shared>> -> memref<10240xf32, #tpu.memory_space<vmem_shared>>
      tpu.enqueue_indirect_dma source(%arg13 : memref<128xf32, #tpu.memory_space<vmem>>) target(%dma_start3A_128 : memref<10240xf32, #tpu.memory_space<vmem_shared>>) offsets(%dma_start3A_126 : memref<128xi32, #tpu.memory_space<vmem>>) semaphore(%arg21 : memref<!tpu.dma_semaphore, #tpu.memory_space<semaphore_mem>>) {add = true}
      %dma_start3A_129 = arith.constant 0 : i32
      %dma_start3A_130 = arith.constant 1 : i32
      %dma_start3A_131 = arith.constant 0 : i32
      %dma_start3A_132 = tpu.memref_slice %arg10[%dma_start3A_129, %dma_start3A_130, %dma_start3A_131] : memref<2x2x128xi32, #tpu.memory_space<vmem>> -> memref<1x1x128xi32, #tpu.memory_space<vmem>>
      %dma_start3A_133 = tpu.memref_squeeze %dma_start3A_132 : memref<1x1x128xi32, #tpu.memory_space<vmem>> -> memref<128xi32, #tpu.memory_space<vmem>>
      %dma_start3A_134 = arith.constant 0 : i32
      %dma_start3A_135 = tpu.memref_slice %arg16[%dma_start3A_134] : memref<10240xf32, #tpu.memory_space<vmem_shared>> -> memref<10240xf32, #tpu.memory_space<vmem_shared>>
      tpu.enqueue_indirect_dma source(%arg13 : memref<128xf32, #tpu.memory_space<vmem>>) target(%dma_start3A_135 : memref<10240xf32, #tpu.memory_space<vmem_shared>>) offsets(%dma_start3A_133 : memref<128xi32, #tpu.memory_space<vmem>>) semaphore(%arg23 : memref<!tpu.dma_semaphore, #tpu.memory_space<semaphore_mem>>) {add = true}
      %add3A_136 = arith.constant 2 : i32
      %add3A_137 = arith.addi %add3A_105, %add3A_136 : i32
      %add3A_138 = arith.addi %select_n3A, %select_n3A_10 : i32
      %lt3A = arith.cmpi slt, %add3A_137, %add3A_138 : i32
      %convert_element_type3A = arith.extui %lt3A : i1 to i32
      %cond3A = arith.constant 0 : i32
      %cond3A_139 = arith.cmpi ne, %convert_element_type3A, %cond3A : i32
      scf.if %cond3A_139 {
        %dma_wait3A_182 = arith.constant 0 : i32
        %dma_wait3A_183 = arith.constant 1 : i32
        %dma_wait3A_184 = arith.constant 0 : i32
        %dma_wait3A_185 = tpu.memref_slice %arg10[%dma_wait3A_182, %dma_wait3A_183, %dma_wait3A_184] : memref<2x2x128xi32, #tpu.memory_space<vmem>> -> memref<1x1x128xi32, #tpu.memory_space<vmem>>
        %dma_wait3A_186 = tpu.memref_squeeze %dma_wait3A_185 : memref<1x1x128xi32, #tpu.memory_space<vmem>> -> memref<128xi32, #tpu.memory_space<vmem>>
        %dma_wait3A_187 = arith.constant 0 : i32
        %dma_wait3A_188 = arith.constant 0 : i32
        %dma_wait3A_189 = tpu.memref_slice %arg14[%dma_wait3A_187, %dma_wait3A_188] : memref<10240x128xf32, #tpu.memory_space<vmem_shared>> -> memref<10240x128xf32, #tpu.memory_space<vmem_shared>>
        tpu.wait_indirect_dma semaphore(%arg19 : memref<!tpu.dma_semaphore, #tpu.memory_space<semaphore_mem>>) src(%arg11 : memref<128x128xf32, #tpu.memory_space<vmem>>) dst(%dma_wait3A_189 : memref<10240x128xf32, #tpu.memory_space<vmem_shared>>)
        %dma_wait3A_190 = arith.constant 0 : i32
        %dma_wait3A_191 = arith.constant 0 : i32
        %dma_wait3A_192 = arith.constant 0 : i32
        %dma_wait3A_193 = tpu.memref_slice %arg10[%dma_wait3A_190, %dma_wait3A_191, %dma_wait3A_192] : memref<2x2x128xi32, #tpu.memory_space<vmem>> -> memref<1x1x128xi32, #tpu.memory_space<vmem>>
        %dma_wait3A_194 = tpu.memref_squeeze %dma_wait3A_193 : memref<1x1x128xi32, #tpu.memory_space<vmem>> -> memref<128xi32, #tpu.memory_space<vmem>>
        %dma_wait3A_195 = arith.constant 0 : i32
        %dma_wait3A_196 = tpu.memref_slice %arg15[%dma_wait3A_195] : memref<10240xf32, #tpu.memory_space<vmem_shared>> -> memref<10240xf32, #tpu.memory_space<vmem_shared>>
        tpu.wait_indirect_dma semaphore(%arg21 : memref<!tpu.dma_semaphore, #tpu.memory_space<semaphore_mem>>) src(%arg13 : memref<128xf32, #tpu.memory_space<vmem>>) dst(%dma_wait3A_196 : memref<10240xf32, #tpu.memory_space<vmem_shared>>)
        %dma_wait3A_197 = arith.constant 0 : i32
        %dma_wait3A_198 = arith.constant 1 : i32
        %dma_wait3A_199 = arith.constant 0 : i32
        %dma_wait3A_200 = tpu.memref_slice %arg10[%dma_wait3A_197, %dma_wait3A_198, %dma_wait3A_199] : memref<2x2x128xi32, #tpu.memory_space<vmem>> -> memref<1x1x128xi32, #tpu.memory_space<vmem>>
        %dma_wait3A_201 = tpu.memref_squeeze %dma_wait3A_200 : memref<1x1x128xi32, #tpu.memory_space<vmem>> -> memref<128xi32, #tpu.memory_space<vmem>>
        %dma_wait3A_202 = arith.constant 0 : i32
        %dma_wait3A_203 = tpu.memref_slice %arg16[%dma_wait3A_202] : memref<10240xf32, #tpu.memory_space<vmem_shared>> -> memref<10240xf32, #tpu.memory_space<vmem_shared>>
        tpu.wait_indirect_dma semaphore(%arg23 : memref<!tpu.dma_semaphore, #tpu.memory_space<semaphore_mem>>) src(%arg13 : memref<128xf32, #tpu.memory_space<vmem>>) dst(%dma_wait3A_203 : memref<10240xf32, #tpu.memory_space<vmem_shared>>)
        %run_scoped3A_204 = arith.constant 0 : i32
        "tpu.region"() ({
          %run_scoped3A_213 = tpu.sem_alloc : memref<!tpu.dma_semaphore, #tpu.memory_space<semaphore_mem>>
          %dma_start3A_214 = arith.constant 0 : i32
          %dma_start3A_215 = arith.constant 0 : i32
          %dma_start3A_216 = tpu.memref_slice %arg10[%run_scoped3A_204, %dma_start3A_214, %dma_start3A_215] : memref<2x2x128xi32, #tpu.memory_space<vmem>> -> memref<1x2x128xi32, #tpu.memory_space<vmem>>
          %dma_start3A_217 = tpu.memref_squeeze %dma_start3A_216 : memref<1x2x128xi32, #tpu.memory_space<vmem>> -> memref<2x128xi32, #tpu.memory_space<vmem>>
          %dma_start3A_218 = arith.constant 0 : i32
          %dma_start3A_219 = arith.constant 0 : i32
          %dma_start3A_220 = tpu.memref_slice %arg3[%add3A_137, %dma_start3A_218, %dma_start3A_219] : memref<2528x2x128xi32, #tpu.memory_space<hbm>> -> memref<1x2x128xi32, #tpu.memory_space<hbm>>
          %dma_start3A_221 = tpu.memref_squeeze %dma_start3A_220 : memref<1x2x128xi32, #tpu.memory_space<hbm>> -> memref<2x128xi32, #tpu.memory_space<hbm>>
          %dma_start3A_222 = arith.constant 0 : i32
          %dma_start3A_223 = arith.constant 0 : i32
          %dma_start3A_224 = tpu.memref_slice %arg10[%run_scoped3A_204, %dma_start3A_222, %dma_start3A_223] : memref<2x2x128xi32, #tpu.memory_space<vmem>> -> memref<1x2x128xi32, #tpu.memory_space<vmem>>
          %dma_start3A_225 = tpu.memref_squeeze %dma_start3A_224 : memref<1x2x128xi32, #tpu.memory_space<vmem>> -> memref<2x128xi32, #tpu.memory_space<vmem>>
          %dma_start3A_226 = arith.constant 0 : i32
          %dma_start3A_227 = arith.constant 0 : i32
          %dma_start3A_228 = tpu.memref_slice %arg3[%add3A_137, %dma_start3A_226, %dma_start3A_227] : memref<2528x2x128xi32, #tpu.memory_space<hbm>> -> memref<1x2x128xi32, #tpu.memory_space<hbm>>
          %dma_start3A_229 = tpu.memref_squeeze %dma_start3A_228 : memref<1x2x128xi32, #tpu.memory_space<hbm>> -> memref<2x128xi32, #tpu.memory_space<hbm>>
          tpu.enqueue_dma source(%dma_start3A_229 : memref<2x128xi32, #tpu.memory_space<hbm>>) target(%dma_start3A_225 : memref<2x128xi32, #tpu.memory_space<vmem>>) target_semaphore(%run_scoped3A_213 : memref<!tpu.dma_semaphore, #tpu.memory_space<semaphore_mem>>)
          %dma_wait3A_230 = arith.constant 0 : i32
          %dma_wait3A_231 = arith.constant 0 : i32
          %dma_wait3A_232 = tpu.memref_slice %arg10[%run_scoped3A_204, %dma_wait3A_230, %dma_wait3A_231] : memref<2x2x128xi32, #tpu.memory_space<vmem>> -> memref<1x2x128xi32, #tpu.memory_space<vmem>>
          %dma_wait3A_233 = tpu.memref_squeeze %dma_wait3A_232 : memref<1x2x128xi32, #tpu.memory_space<vmem>> -> memref<2x128xi32, #tpu.memory_space<vmem>>
          %dma_wait3A_234 = arith.constant 0 : i32
          %dma_wait3A_235 = arith.constant 0 : i32
          %dma_wait3A_236 = tpu.memref_slice %arg3[%add3A_137, %dma_wait3A_234, %dma_wait3A_235] : memref<2528x2x128xi32, #tpu.memory_space<hbm>> -> memref<1x2x128xi32, #tpu.memory_space<hbm>>
          %dma_wait3A_237 = tpu.memref_squeeze %dma_wait3A_236 : memref<1x2x128xi32, #tpu.memory_space<hbm>> -> memref<2x128xi32, #tpu.memory_space<hbm>>
          %dma_wait3A_238 = arith.constant 0 : i32
          %dma_wait3A_239 = arith.constant 0 : i32
          %dma_wait3A_240 = tpu.memref_slice %arg10[%run_scoped3A_204, %dma_wait3A_238, %dma_wait3A_239] : memref<2x2x128xi32, #tpu.memory_space<vmem>> -> memref<1x2x128xi32, #tpu.memory_space<vmem>>
          %dma_wait3A_241 = tpu.memref_squeeze %dma_wait3A_240 : memref<1x2x128xi32, #tpu.memory_space<vmem>> -> memref<2x128xi32, #tpu.memory_space<vmem>>
          %dma_wait3A_242 = arith.constant 0 : i32
          %dma_wait3A_243 = arith.constant 0 : i32
          %dma_wait3A_244 = tpu.memref_slice %arg3[%add3A_137, %dma_wait3A_242, %dma_wait3A_243] : memref<2528x2x128xi32, #tpu.memory_space<hbm>> -> memref<1x2x128xi32, #tpu.memory_space<hbm>>
          %dma_wait3A_245 = tpu.memref_squeeze %dma_wait3A_244 : memref<1x2x128xi32, #tpu.memory_space<hbm>> -> memref<2x128xi32, #tpu.memory_space<hbm>>
          tpu.wait_dma2 semaphore(%run_scoped3A_213 : memref<!tpu.dma_semaphore, #tpu.memory_space<semaphore_mem>>) src(%dma_wait3A_245 : memref<2x128xi32, #tpu.memory_space<hbm>>) dst(%dma_wait3A_241 : memref<2x128xi32, #tpu.memory_space<vmem>>)
          tpu.yield
        }) : () -> ()
        %dma_start3A_205 = arith.constant 0 : i32
        %dma_start3A_206 = arith.constant 0 : i32
        %dma_start3A_207 = arith.constant 0 : i32
        %dma_start3A_208 = tpu.memref_slice %arg10[%dma_start3A_205, %dma_start3A_206, %dma_start3A_207] : memref<2x2x128xi32, #tpu.memory_space<vmem>> -> memref<1x1x128xi32, #tpu.memory_space<vmem>>
        %dma_start3A_209 = tpu.memref_squeeze %dma_start3A_208 : memref<1x1x128xi32, #tpu.memory_space<vmem>> -> memref<128xi32, #tpu.memory_space<vmem>>
        %dma_start3A_210 = arith.constant 0 : i32
        %dma_start3A_211 = arith.constant 0 : i32
        %dma_start3A_212 = tpu.memref_slice %arg2[%dma_start3A_210, %dma_start3A_211] : memref<10240x128xf32, #tpu.memory_space<hbm>> -> memref<10240x128xf32, #tpu.memory_space<hbm>>
        tpu.enqueue_indirect_dma source(%dma_start3A_212 : memref<10240x128xf32, #tpu.memory_space<hbm>>) target(%arg11 : memref<128x128xf32, #tpu.memory_space<vmem>>) offsets(%dma_start3A_209 : memref<128xi32, #tpu.memory_space<vmem>>) semaphore(%arg17 : memref<!tpu.dma_semaphore, #tpu.memory_space<semaphore_mem>>)
      } else {
      }
      %mul3A_140 = arith.constant 2 : i32
      %mul3A_141 = arith.muli %mul3A_140, %while3A_100 : i32
      %add3A_142 = arith.addi %select_n3A, %mul3A_141 : i32
      %add3A_143 = arith.constant 1 : i32
      %add3A_144 = arith.addi %add3A_142, %add3A_143 : i32
      %dma_wait3A_145 = arith.constant 1 : i32
      %dma_wait3A_146 = arith.constant 0 : i32
      %dma_wait3A_147 = arith.constant 0 : i32
      %dma_wait3A_148 = tpu.memref_slice %arg10[%dma_wait3A_145, %dma_wait3A_146, %dma_wait3A_147] : memref<2x2x128xi32, #tpu.memory_space<vmem>> -> memref<1x1x128xi32, #tpu.memory_space<vmem>>
      %dma_wait3A_149 = tpu.memref_squeeze %dma_wait3A_148 : memref<1x1x128xi32, #tpu.memory_space<vmem>> -> memref<128xi32, #tpu.memory_space<vmem>>
      %dma_wait3A_150 = arith.constant 0 : i32
      %dma_wait3A_151 = arith.constant 0 : i32
      %dma_wait3A_152 = tpu.memref_slice %arg2[%dma_wait3A_150, %dma_wait3A_151] : memref<10240x128xf32, #tpu.memory_space<hbm>> -> memref<10240x128xf32, #tpu.memory_space<hbm>>
      tpu.wait_indirect_dma semaphore(%arg18 : memref<!tpu.dma_semaphore, #tpu.memory_space<semaphore_mem>>) src(%dma_wait3A_152 : memref<10240x128xf32, #tpu.memory_space<hbm>>) dst(%arg12 : memref<128x128xf32, #tpu.memory_space<vmem>>)
      %dma_start3A_153 = arith.constant 1 : i32
      %dma_start3A_154 = arith.constant 1 : i32
      %dma_start3A_155 = arith.constant 0 : i32
      %dma_start3A_156 = tpu.memref_slice %arg10[%dma_start3A_153, %dma_start3A_154, %dma_start3A_155] : memref<2x2x128xi32, #tpu.memory_space<vmem>> -> memref<1x1x128xi32, #tpu.memory_space<vmem>>
      %dma_start3A_157 = tpu.memref_squeeze %dma_start3A_156 : memref<1x1x128xi32, #tpu.memory_space<vmem>> -> memref<128xi32, #tpu.memory_space<vmem>>
      %dma_start3A_158 = arith.constant 0 : i32
      %dma_start3A_159 = arith.constant 0 : i32
      %dma_start3A_160 = tpu.memref_slice %arg14[%dma_start3A_158, %dma_start3A_159] : memref<10240x128xf32, #tpu.memory_space<vmem_shared>> -> memref<10240x128xf32, #tpu.memory_space<vmem_shared>>
      tpu.enqueue_indirect_dma source(%arg12 : memref<128x128xf32, #tpu.memory_space<vmem>>) target(%dma_start3A_160 : memref<10240x128xf32, #tpu.memory_space<vmem_shared>>) offsets(%dma_start3A_157 : memref<128xi32, #tpu.memory_space<vmem>>) semaphore(%arg20 : memref<!tpu.dma_semaphore, #tpu.memory_space<semaphore_mem>>) {add = true}
      %dma_start3A_161 = arith.constant 1 : i32
      %dma_start3A_162 = arith.constant 0 : i32
      %dma_start3A_163 = arith.constant 0 : i32
      %dma_start3A_164 = tpu.memref_slice %arg10[%dma_start3A_161, %dma_start3A_162, %dma_start3A_163] : memref<2x2x128xi32, #tpu.memory_space<vmem>> -> memref<1x1x128xi32, #tpu.memory_space<vmem>>
      %dma_start3A_165 = tpu.memref_squeeze %dma_start3A_164 : memref<1x1x128xi32, #tpu.memory_space<vmem>> -> memref<128xi32, #tpu.memory_space<vmem>>
      %dma_start3A_166 = arith.constant 0 : i32
      %dma_start3A_167 = tpu.memref_slice %arg15[%dma_start3A_166] : memref<10240xf32, #tpu.memory_space<vmem_shared>> -> memref<10240xf32, #tpu.memory_space<vmem_shared>>
      tpu.enqueue_indirect_dma source(%arg13 : memref<128xf32, #tpu.memory_space<vmem>>) target(%dma_start3A_167 : memref<10240xf32, #tpu.memory_space<vmem_shared>>) offsets(%dma_start3A_165 : memref<128xi32, #tpu.memory_space<vmem>>) semaphore(%arg22 : memref<!tpu.dma_semaphore, #tpu.memory_space<semaphore_mem>>) {add = true}
      %dma_start3A_168 = arith.constant 1 : i32
      %dma_start3A_169 = arith.constant 1 : i32
      %dma_start3A_170 = arith.constant 0 : i32
      %dma_start3A_171 = tpu.memref_slice %arg10[%dma_start3A_168, %dma_start3A_169, %dma_start3A_170] : memref<2x2x128xi32, #tpu.memory_space<vmem>> -> memref<1x1x128xi32, #tpu.memory_space<vmem>>
      %dma_start3A_172 = tpu.memref_squeeze %dma_start3A_171 : memref<1x1x128xi32, #tpu.memory_space<vmem>> -> memref<128xi32, #tpu.memory_space<vmem>>
      %dma_start3A_173 = arith.constant 0 : i32
      %dma_start3A_174 = tpu.memref_slice %arg16[%dma_start3A_173] : memref<10240xf32, #tpu.memory_space<vmem_shared>> -> memref<10240xf32, #tpu.memory_space<vmem_shared>>
      tpu.enqueue_indirect_dma source(%arg13 : memref<128xf32, #tpu.memory_space<vmem>>) target(%dma_start3A_174 : memref<10240xf32, #tpu.memory_space<vmem_shared>>) offsets(%dma_start3A_172 : memref<128xi32, #tpu.memory_space<vmem>>) semaphore(%arg24 : memref<!tpu.dma_semaphore, #tpu.memory_space<semaphore_mem>>) {add = true}
      %add3A_175 = arith.constant 2 : i32
      %add3A_176 = arith.addi %add3A_144, %add3A_175 : i32
      %add3A_177 = arith.addi %select_n3A, %select_n3A_10 : i32
      %lt3A_178 = arith.cmpi slt, %add3A_176, %add3A_177 : i32
      %convert_element_type3A_179 = arith.extui %lt3A_178 : i1 to i32
      %cond3A_180 = arith.constant 0 : i32
      %cond3A_181 = arith.cmpi ne, %convert_element_type3A_179, %cond3A_180 : i32
      scf.if %cond3A_181 {
        %dma_wait3A_182 = arith.constant 1 : i32
        %dma_wait3A_183 = arith.constant 1 : i32
        %dma_wait3A_184 = arith.constant 0 : i32
        %dma_wait3A_185 = tpu.memref_slice %arg10[%dma_wait3A_182, %dma_wait3A_183, %dma_wait3A_184] : memref<2x2x128xi32, #tpu.memory_space<vmem>> -> memref<1x1x128xi32, #tpu.memory_space<vmem>>
        %dma_wait3A_186 = tpu.memref_squeeze %dma_wait3A_185 : memref<1x1x128xi32, #tpu.memory_space<vmem>> -> memref<128xi32, #tpu.memory_space<vmem>>
        %dma_wait3A_187 = arith.constant 0 : i32
        %dma_wait3A_188 = arith.constant 0 : i32
        %dma_wait3A_189 = tpu.memref_slice %arg14[%dma_wait3A_187, %dma_wait3A_188] : memref<10240x128xf32, #tpu.memory_space<vmem_shared>> -> memref<10240x128xf32, #tpu.memory_space<vmem_shared>>
        tpu.wait_indirect_dma semaphore(%arg20 : memref<!tpu.dma_semaphore, #tpu.memory_space<semaphore_mem>>) src(%arg12 : memref<128x128xf32, #tpu.memory_space<vmem>>) dst(%dma_wait3A_189 : memref<10240x128xf32, #tpu.memory_space<vmem_shared>>)
        %dma_wait3A_190 = arith.constant 1 : i32
        %dma_wait3A_191 = arith.constant 0 : i32
        %dma_wait3A_192 = arith.constant 0 : i32
        %dma_wait3A_193 = tpu.memref_slice %arg10[%dma_wait3A_190, %dma_wait3A_191, %dma_wait3A_192] : memref<2x2x128xi32, #tpu.memory_space<vmem>> -> memref<1x1x128xi32, #tpu.memory_space<vmem>>
        %dma_wait3A_194 = tpu.memref_squeeze %dma_wait3A_193 : memref<1x1x128xi32, #tpu.memory_space<vmem>> -> memref<128xi32, #tpu.memory_space<vmem>>
        %dma_wait3A_195 = arith.constant 0 : i32
        %dma_wait3A_196 = tpu.memref_slice %arg15[%dma_wait3A_195] : memref<10240xf32, #tpu.memory_space<vmem_shared>> -> memref<10240xf32, #tpu.memory_space<vmem_shared>>
        tpu.wait_indirect_dma semaphore(%arg22 : memref<!tpu.dma_semaphore, #tpu.memory_space<semaphore_mem>>) src(%arg13 : memref<128xf32, #tpu.memory_space<vmem>>) dst(%dma_wait3A_196 : memref<10240xf32, #tpu.memory_space<vmem_shared>>)
        %dma_wait3A_197 = arith.constant 1 : i32
        %dma_wait3A_198 = arith.constant 1 : i32
        %dma_wait3A_199 = arith.constant 0 : i32
        %dma_wait3A_200 = tpu.memref_slice %arg10[%dma_wait3A_197, %dma_wait3A_198, %dma_wait3A_199] : memref<2x2x128xi32, #tpu.memory_space<vmem>> -> memref<1x1x128xi32, #tpu.memory_space<vmem>>
        %dma_wait3A_201 = tpu.memref_squeeze %dma_wait3A_200 : memref<1x1x128xi32, #tpu.memory_space<vmem>> -> memref<128xi32, #tpu.memory_space<vmem>>
        %dma_wait3A_202 = arith.constant 0 : i32
        %dma_wait3A_203 = tpu.memref_slice %arg16[%dma_wait3A_202] : memref<10240xf32, #tpu.memory_space<vmem_shared>> -> memref<10240xf32, #tpu.memory_space<vmem_shared>>
        tpu.wait_indirect_dma semaphore(%arg24 : memref<!tpu.dma_semaphore, #tpu.memory_space<semaphore_mem>>) src(%arg13 : memref<128xf32, #tpu.memory_space<vmem>>) dst(%dma_wait3A_203 : memref<10240xf32, #tpu.memory_space<vmem_shared>>)
        %run_scoped3A_204 = arith.constant 1 : i32
        "tpu.region"() ({
          %run_scoped3A_213 = tpu.sem_alloc : memref<!tpu.dma_semaphore, #tpu.memory_space<semaphore_mem>>
          %dma_start3A_214 = arith.constant 0 : i32
          %dma_start3A_215 = arith.constant 0 : i32
          %dma_start3A_216 = tpu.memref_slice %arg10[%run_scoped3A_204, %dma_start3A_214, %dma_start3A_215] : memref<2x2x128xi32, #tpu.memory_space<vmem>> -> memref<1x2x128xi32, #tpu.memory_space<vmem>>
          %dma_start3A_217 = tpu.memref_squeeze %dma_start3A_216 : memref<1x2x128xi32, #tpu.memory_space<vmem>> -> memref<2x128xi32, #tpu.memory_space<vmem>>
          %dma_start3A_218 = arith.constant 0 : i32
          %dma_start3A_219 = arith.constant 0 : i32
          %dma_start3A_220 = tpu.memref_slice %arg3[%add3A_176, %dma_start3A_218, %dma_start3A_219] : memref<2528x2x128xi32, #tpu.memory_space<hbm>> -> memref<1x2x128xi32, #tpu.memory_space<hbm>>
          %dma_start3A_221 = tpu.memref_squeeze %dma_start3A_220 : memref<1x2x128xi32, #tpu.memory_space<hbm>> -> memref<2x128xi32, #tpu.memory_space<hbm>>
          %dma_start3A_222 = arith.constant 0 : i32
          %dma_start3A_223 = arith.constant 0 : i32
          %dma_start3A_224 = tpu.memref_slice %arg10[%run_scoped3A_204, %dma_start3A_222, %dma_start3A_223] : memref<2x2x128xi32, #tpu.memory_space<vmem>> -> memref<1x2x128xi32, #tpu.memory_space<vmem>>
          %dma_start3A_225 = tpu.memref_squeeze %dma_start3A_224 : memref<1x2x128xi32, #tpu.memory_space<vmem>> -> memref<2x128xi32, #tpu.memory_space<vmem>>
          %dma_start3A_226 = arith.constant 0 : i32
          %dma_start3A_227 = arith.constant 0 : i32
          %dma_start3A_228 = tpu.memref_slice %arg3[%add3A_176, %dma_start3A_226, %dma_start3A_227] : memref<2528x2x128xi32, #tpu.memory_space<hbm>> -> memref<1x2x128xi32, #tpu.memory_space<hbm>>
          %dma_start3A_229 = tpu.memref_squeeze %dma_start3A_228 : memref<1x2x128xi32, #tpu.memory_space<hbm>> -> memref<2x128xi32, #tpu.memory_space<hbm>>
          tpu.enqueue_dma source(%dma_start3A_229 : memref<2x128xi32, #tpu.memory_space<hbm>>) target(%dma_start3A_225 : memref<2x128xi32, #tpu.memory_space<vmem>>) target_semaphore(%run_scoped3A_213 : memref<!tpu.dma_semaphore, #tpu.memory_space<semaphore_mem>>)
          %dma_wait3A_230 = arith.constant 0 : i32
          %dma_wait3A_231 = arith.constant 0 : i32
          %dma_wait3A_232 = tpu.memref_slice %arg10[%run_scoped3A_204, %dma_wait3A_230, %dma_wait3A_231] : memref<2x2x128xi32, #tpu.memory_space<vmem>> -> memref<1x2x128xi32, #tpu.memory_space<vmem>>
          %dma_wait3A_233 = tpu.memref_squeeze %dma_wait3A_232 : memref<1x2x128xi32, #tpu.memory_space<vmem>> -> memref<2x128xi32, #tpu.memory_space<vmem>>
          %dma_wait3A_234 = arith.constant 0 : i32
          %dma_wait3A_235 = arith.constant 0 : i32
          %dma_wait3A_236 = tpu.memref_slice %arg3[%add3A_176, %dma_wait3A_234, %dma_wait3A_235] : memref<2528x2x128xi32, #tpu.memory_space<hbm>> -> memref<1x2x128xi32, #tpu.memory_space<hbm>>
          %dma_wait3A_237 = tpu.memref_squeeze %dma_wait3A_236 : memref<1x2x128xi32, #tpu.memory_space<hbm>> -> memref<2x128xi32, #tpu.memory_space<hbm>>
          %dma_wait3A_238 = arith.constant 0 : i32
          %dma_wait3A_239 = arith.constant 0 : i32
          %dma_wait3A_240 = tpu.memref_slice %arg10[%run_scoped3A_204, %dma_wait3A_238, %dma_wait3A_239] : memref<2x2x128xi32, #tpu.memory_space<vmem>> -> memref<1x2x128xi32, #tpu.memory_space<vmem>>
          %dma_wait3A_241 = tpu.memref_squeeze %dma_wait3A_240 : memref<1x2x128xi32, #tpu.memory_space<vmem>> -> memref<2x128xi32, #tpu.memory_space<vmem>>
          %dma_wait3A_242 = arith.constant 0 : i32
          %dma_wait3A_243 = arith.constant 0 : i32
          %dma_wait3A_244 = tpu.memref_slice %arg3[%add3A_176, %dma_wait3A_242, %dma_wait3A_243] : memref<2528x2x128xi32, #tpu.memory_space<hbm>> -> memref<1x2x128xi32, #tpu.memory_space<hbm>>
          %dma_wait3A_245 = tpu.memref_squeeze %dma_wait3A_244 : memref<1x2x128xi32, #tpu.memory_space<hbm>> -> memref<2x128xi32, #tpu.memory_space<hbm>>
          tpu.wait_dma2 semaphore(%run_scoped3A_213 : memref<!tpu.dma_semaphore, #tpu.memory_space<semaphore_mem>>) src(%dma_wait3A_245 : memref<2x128xi32, #tpu.memory_space<hbm>>) dst(%dma_wait3A_241 : memref<2x128xi32, #tpu.memory_space<vmem>>)
          tpu.yield
        }) : () -> ()
        %dma_start3A_205 = arith.constant 1 : i32
        %dma_start3A_206 = arith.constant 0 : i32
        %dma_start3A_207 = arith.constant 0 : i32
        %dma_start3A_208 = tpu.memref_slice %arg10[%dma_start3A_205, %dma_start3A_206, %dma_start3A_207] : memref<2x2x128xi32, #tpu.memory_space<vmem>> -> memref<1x1x128xi32, #tpu.memory_space<vmem>>
        %dma_start3A_209 = tpu.memref_squeeze %dma_start3A_208 : memref<1x1x128xi32, #tpu.memory_space<vmem>> -> memref<128xi32, #tpu.memory_space<vmem>>
        %dma_start3A_210 = arith.constant 0 : i32
        %dma_start3A_211 = arith.constant 0 : i32
        %dma_start3A_212 = tpu.memref_slice %arg2[%dma_start3A_210, %dma_start3A_211] : memref<10240x128xf32, #tpu.memory_space<hbm>> -> memref<10240x128xf32, #tpu.memory_space<hbm>>
        tpu.enqueue_indirect_dma source(%dma_start3A_212 : memref<10240x128xf32, #tpu.memory_space<hbm>>) target(%arg12 : memref<128x128xf32, #tpu.memory_space<vmem>>) offsets(%dma_start3A_209 : memref<128xi32, #tpu.memory_space<vmem>>) semaphore(%arg18 : memref<!tpu.dma_semaphore, #tpu.memory_space<semaphore_mem>>)
      } else {
      }
    }
    %while3A_55 = arith.constant 1 : i32
    scf.for %while3A_100 = %while3A_53 to %while3A_49 step %while3A_55  : i32 {
      %mul3A_101 = arith.constant 2 : i32
      %mul3A_102 = arith.muli %mul3A_101, %while3A_100 : i32
      %add3A_103 = arith.addi %select_n3A, %mul3A_102 : i32
      %add3A_104 = arith.constant 0 : i32
      %add3A_105 = arith.addi %add3A_103, %add3A_104 : i32
      %dma_wait3A_106 = arith.constant 0 : i32
      %dma_wait3A_107 = arith.constant 0 : i32
      %dma_wait3A_108 = arith.constant 0 : i32
      %dma_wait3A_109 = tpu.memref_slice %arg10[%dma_wait3A_106, %dma_wait3A_107, %dma_wait3A_108] : memref<2x2x128xi32, #tpu.memory_space<vmem>> -> memref<1x1x128xi32, #tpu.memory_space<vmem>>
      %dma_wait3A_110 = tpu.memref_squeeze %dma_wait3A_109 : memref<1x1x128xi32, #tpu.memory_space<vmem>> -> memref<128xi32, #tpu.memory_space<vmem>>
      %dma_wait3A_111 = arith.constant 0 : i32
      %dma_wait3A_112 = arith.constant 0 : i32
      %dma_wait3A_113 = tpu.memref_slice %arg2[%dma_wait3A_111, %dma_wait3A_112] : memref<10240x128xf32, #tpu.memory_space<hbm>> -> memref<10240x128xf32, #tpu.memory_space<hbm>>
      tpu.wait_indirect_dma semaphore(%arg17 : memref<!tpu.dma_semaphore, #tpu.memory_space<semaphore_mem>>) src(%dma_wait3A_113 : memref<10240x128xf32, #tpu.memory_space<hbm>>) dst(%arg11 : memref<128x128xf32, #tpu.memory_space<vmem>>)
      %dma_start3A_114 = arith.constant 0 : i32
      %dma_start3A_115 = arith.constant 1 : i32
      %dma_start3A_116 = arith.constant 0 : i32
      %dma_start3A_117 = tpu.memref_slice %arg10[%dma_start3A_114, %dma_start3A_115, %dma_start3A_116] : memref<2x2x128xi32, #tpu.memory_space<vmem>> -> memref<1x1x128xi32, #tpu.memory_space<vmem>>
      %dma_start3A_118 = tpu.memref_squeeze %dma_start3A_117 : memref<1x1x128xi32, #tpu.memory_space<vmem>> -> memref<128xi32, #tpu.memory_space<vmem>>
      %dma_start3A_119 = arith.constant 0 : i32
      %dma_start3A_120 = arith.constant 0 : i32
      %dma_start3A_121 = tpu.memref_slice %arg14[%dma_start3A_119, %dma_start3A_120] : memref<10240x128xf32, #tpu.memory_space<vmem_shared>> -> memref<10240x128xf32, #tpu.memory_space<vmem_shared>>
      tpu.enqueue_indirect_dma source(%arg11 : memref<128x128xf32, #tpu.memory_space<vmem>>) target(%dma_start3A_121 : memref<10240x128xf32, #tpu.memory_space<vmem_shared>>) offsets(%dma_start3A_118 : memref<128xi32, #tpu.memory_space<vmem>>) semaphore(%arg19 : memref<!tpu.dma_semaphore, #tpu.memory_space<semaphore_mem>>) {add = true}
      %dma_start3A_122 = arith.constant 0 : i32
      %dma_start3A_123 = arith.constant 0 : i32
      %dma_start3A_124 = arith.constant 0 : i32
      %dma_start3A_125 = tpu.memref_slice %arg10[%dma_start3A_122, %dma_start3A_123, %dma_start3A_124] : memref<2x2x128xi32, #tpu.memory_space<vmem>> -> memref<1x1x128xi32, #tpu.memory_space<vmem>>
      %dma_start3A_126 = tpu.memref_squeeze %dma_start3A_125 : memref<1x1x128xi32, #tpu.memory_space<vmem>> -> memref<128xi32, #tpu.memory_space<vmem>>
      %dma_start3A_127 = arith.constant 0 : i32
      %dma_start3A_128 = tpu.memref_slice %arg15[%dma_start3A_127] : memref<10240xf32, #tpu.memory_space<vmem_shared>> -> memref<10240xf32, #tpu.memory_space<vmem_shared>>
      tpu.enqueue_indirect_dma source(%arg13 : memref<128xf32, #tpu.memory_space<vmem>>) target(%dma_start3A_128 : memref<10240xf32, #tpu.memory_space<vmem_shared>>) offsets(%dma_start3A_126 : memref<128xi32, #tpu.memory_space<vmem>>) semaphore(%arg21 : memref<!tpu.dma_semaphore, #tpu.memory_space<semaphore_mem>>) {add = true}
      %dma_start3A_129 = arith.constant 0 : i32
      %dma_start3A_130 = arith.constant 1 : i32
      %dma_start3A_131 = arith.constant 0 : i32
      %dma_start3A_132 = tpu.memref_slice %arg10[%dma_start3A_129, %dma_start3A_130, %dma_start3A_131] : memref<2x2x128xi32, #tpu.memory_space<vmem>> -> memref<1x1x128xi32, #tpu.memory_space<vmem>>
      %dma_start3A_133 = tpu.memref_squeeze %dma_start3A_132 : memref<1x1x128xi32, #tpu.memory_space<vmem>> -> memref<128xi32, #tpu.memory_space<vmem>>
      %dma_start3A_134 = arith.constant 0 : i32
      %dma_start3A_135 = tpu.memref_slice %arg16[%dma_start3A_134] : memref<10240xf32, #tpu.memory_space<vmem_shared>> -> memref<10240xf32, #tpu.memory_space<vmem_shared>>
      tpu.enqueue_indirect_dma source(%arg13 : memref<128xf32, #tpu.memory_space<vmem>>) target(%dma_start3A_135 : memref<10240xf32, #tpu.memory_space<vmem_shared>>) offsets(%dma_start3A_133 : memref<128xi32, #tpu.memory_space<vmem>>) semaphore(%arg23 : memref<!tpu.dma_semaphore, #tpu.memory_space<semaphore_mem>>) {add = true}
      %add3A_136 = arith.constant 2 : i32
      %add3A_137 = arith.addi %add3A_105, %add3A_136 : i32
      %add3A_138 = arith.addi %select_n3A, %select_n3A_10 : i32
      %lt3A = arith.cmpi slt, %add3A_137, %add3A_138 : i32
      %convert_element_type3A = arith.extui %lt3A : i1 to i32
      %cond3A = arith.constant 0 : i32
      %cond3A_139 = arith.cmpi ne, %convert_element_type3A, %cond3A : i32
      scf.if %cond3A_139 {
        %dma_wait3A_182 = arith.constant 0 : i32
        %dma_wait3A_183 = arith.constant 1 : i32
        %dma_wait3A_184 = arith.constant 0 : i32
        %dma_wait3A_185 = tpu.memref_slice %arg10[%dma_wait3A_182, %dma_wait3A_183, %dma_wait3A_184] : memref<2x2x128xi32, #tpu.memory_space<vmem>> -> memref<1x1x128xi32, #tpu.memory_space<vmem>>
        %dma_wait3A_186 = tpu.memref_squeeze %dma_wait3A_185 : memref<1x1x128xi32, #tpu.memory_space<vmem>> -> memref<128xi32, #tpu.memory_space<vmem>>
        %dma_wait3A_187 = arith.constant 0 : i32
        %dma_wait3A_188 = arith.constant 0 : i32
        %dma_wait3A_189 = tpu.memref_slice %arg14[%dma_wait3A_187, %dma_wait3A_188] : memref<10240x128xf32, #tpu.memory_space<vmem_shared>> -> memref<10240x128xf32, #tpu.memory_space<vmem_shared>>
        tpu.wait_indirect_dma semaphore(%arg19 : memref<!tpu.dma_semaphore, #tpu.memory_space<semaphore_mem>>) src(%arg11 : memref<128x128xf32, #tpu.memory_space<vmem>>) dst(%dma_wait3A_189 : memref<10240x128xf32, #tpu.memory_space<vmem_shared>>)
        %dma_wait3A_190 = arith.constant 0 : i32
        %dma_wait3A_191 = arith.constant 0 : i32
        %dma_wait3A_192 = arith.constant 0 : i32
        %dma_wait3A_193 = tpu.memref_slice %arg10[%dma_wait3A_190, %dma_wait3A_191, %dma_wait3A_192] : memref<2x2x128xi32, #tpu.memory_space<vmem>> -> memref<1x1x128xi32, #tpu.memory_space<vmem>>
        %dma_wait3A_194 = tpu.memref_squeeze %dma_wait3A_193 : memref<1x1x128xi32, #tpu.memory_space<vmem>> -> memref<128xi32, #tpu.memory_space<vmem>>
        %dma_wait3A_195 = arith.constant 0 : i32
        %dma_wait3A_196 = tpu.memref_slice %arg15[%dma_wait3A_195] : memref<10240xf32, #tpu.memory_space<vmem_shared>> -> memref<10240xf32, #tpu.memory_space<vmem_shared>>
        tpu.wait_indirect_dma semaphore(%arg21 : memref<!tpu.dma_semaphore, #tpu.memory_space<semaphore_mem>>) src(%arg13 : memref<128xf32, #tpu.memory_space<vmem>>) dst(%dma_wait3A_196 : memref<10240xf32, #tpu.memory_space<vmem_shared>>)
        %dma_wait3A_197 = arith.constant 0 : i32
        %dma_wait3A_198 = arith.constant 1 : i32
        %dma_wait3A_199 = arith.constant 0 : i32
        %dma_wait3A_200 = tpu.memref_slice %arg10[%dma_wait3A_197, %dma_wait3A_198, %dma_wait3A_199] : memref<2x2x128xi32, #tpu.memory_space<vmem>> -> memref<1x1x128xi32, #tpu.memory_space<vmem>>
        %dma_wait3A_201 = tpu.memref_squeeze %dma_wait3A_200 : memref<1x1x128xi32, #tpu.memory_space<vmem>> -> memref<128xi32, #tpu.memory_space<vmem>>
        %dma_wait3A_202 = arith.constant 0 : i32
        %dma_wait3A_203 = tpu.memref_slice %arg16[%dma_wait3A_202] : memref<10240xf32, #tpu.memory_space<vmem_shared>> -> memref<10240xf32, #tpu.memory_space<vmem_shared>>
        tpu.wait_indirect_dma semaphore(%arg23 : memref<!tpu.dma_semaphore, #tpu.memory_space<semaphore_mem>>) src(%arg13 : memref<128xf32, #tpu.memory_space<vmem>>) dst(%dma_wait3A_203 : memref<10240xf32, #tpu.memory_space<vmem_shared>>)
        %run_scoped3A_204 = arith.constant 0 : i32
        "tpu.region"() ({
          %run_scoped3A_213 = tpu.sem_alloc : memref<!tpu.dma_semaphore, #tpu.memory_space<semaphore_mem>>
          %dma_start3A_214 = arith.constant 0 : i32
          %dma_start3A_215 = arith.constant 0 : i32
          %dma_start3A_216 = tpu.memref_slice %arg10[%run_scoped3A_204, %dma_start3A_214, %dma_start3A_215] : memref<2x2x128xi32, #tpu.memory_space<vmem>> -> memref<1x2x128xi32, #tpu.memory_space<vmem>>
          %dma_start3A_217 = tpu.memref_squeeze %dma_start3A_216 : memref<1x2x128xi32, #tpu.memory_space<vmem>> -> memref<2x128xi32, #tpu.memory_space<vmem>>
          %dma_start3A_218 = arith.constant 0 : i32
          %dma_start3A_219 = arith.constant 0 : i32
          %dma_start3A_220 = tpu.memref_slice %arg3[%add3A_137, %dma_start3A_218, %dma_start3A_219] : memref<2528x2x128xi32, #tpu.memory_space<hbm>> -> memref<1x2x128xi32, #tpu.memory_space<hbm>>
          %dma_start3A_221 = tpu.memref_squeeze %dma_start3A_220 : memref<1x2x128xi32, #tpu.memory_space<hbm>> -> memref<2x128xi32, #tpu.memory_space<hbm>>
          %dma_start3A_222 = arith.constant 0 : i32
          %dma_start3A_223 = arith.constant 0 : i32
          %dma_start3A_224 = tpu.memref_slice %arg10[%run_scoped3A_204, %dma_start3A_222, %dma_start3A_223] : memref<2x2x128xi32, #tpu.memory_space<vmem>> -> memref<1x2x128xi32, #tpu.memory_space<vmem>>
          %dma_start3A_225 = tpu.memref_squeeze %dma_start3A_224 : memref<1x2x128xi32, #tpu.memory_space<vmem>> -> memref<2x128xi32, #tpu.memory_space<vmem>>
          %dma_start3A_226 = arith.constant 0 : i32
          %dma_start3A_227 = arith.constant 0 : i32
          %dma_start3A_228 = tpu.memref_slice %arg3[%add3A_137, %dma_start3A_226, %dma_start3A_227] : memref<2528x2x128xi32, #tpu.memory_space<hbm>> -> memref<1x2x128xi32, #tpu.memory_space<hbm>>
          %dma_start3A_229 = tpu.memref_squeeze %dma_start3A_228 : memref<1x2x128xi32, #tpu.memory_space<hbm>> -> memref<2x128xi32, #tpu.memory_space<hbm>>
          tpu.enqueue_dma source(%dma_start3A_229 : memref<2x128xi32, #tpu.memory_space<hbm>>) target(%dma_start3A_225 : memref<2x128xi32, #tpu.memory_space<vmem>>) target_semaphore(%run_scoped3A_213 : memref<!tpu.dma_semaphore, #tpu.memory_space<semaphore_mem>>)
          %dma_wait3A_230 = arith.constant 0 : i32
          %dma_wait3A_231 = arith.constant 0 : i32
          %dma_wait3A_232 = tpu.memref_slice %arg10[%run_scoped3A_204, %dma_wait3A_230, %dma_wait3A_231] : memref<2x2x128xi32, #tpu.memory_space<vmem>> -> memref<1x2x128xi32, #tpu.memory_space<vmem>>
          %dma_wait3A_233 = tpu.memref_squeeze %dma_wait3A_232 : memref<1x2x128xi32, #tpu.memory_space<vmem>> -> memref<2x128xi32, #tpu.memory_space<vmem>>
          %dma_wait3A_234 = arith.constant 0 : i32
          %dma_wait3A_235 = arith.constant 0 : i32
          %dma_wait3A_236 = tpu.memref_slice %arg3[%add3A_137, %dma_wait3A_234, %dma_wait3A_235] : memref<2528x2x128xi32, #tpu.memory_space<hbm>> -> memref<1x2x128xi32, #tpu.memory_space<hbm>>
          %dma_wait3A_237 = tpu.memref_squeeze %dma_wait3A_236 : memref<1x2x128xi32, #tpu.memory_space<hbm>> -> memref<2x128xi32, #tpu.memory_space<hbm>>
          %dma_wait3A_238 = arith.constant 0 : i32
          %dma_wait3A_239 = arith.constant 0 : i32
          %dma_wait3A_240 = tpu.memref_slice %arg10[%run_scoped3A_204, %dma_wait3A_238, %dma_wait3A_239] : memref<2x2x128xi32, #tpu.memory_space<vmem>> -> memref<1x2x128xi32, #tpu.memory_space<vmem>>
          %dma_wait3A_241 = tpu.memref_squeeze %dma_wait3A_240 : memref<1x2x128xi32, #tpu.memory_space<vmem>> -> memref<2x128xi32, #tpu.memory_space<vmem>>
          %dma_wait3A_242 = arith.constant 0 : i32
          %dma_wait3A_243 = arith.constant 0 : i32
          %dma_wait3A_244 = tpu.memref_slice %arg3[%add3A_137, %dma_wait3A_242, %dma_wait3A_243] : memref<2528x2x128xi32, #tpu.memory_space<hbm>> -> memref<1x2x128xi32, #tpu.memory_space<hbm>>
          %dma_wait3A_245 = tpu.memref_squeeze %dma_wait3A_244 : memref<1x2x128xi32, #tpu.memory_space<hbm>> -> memref<2x128xi32, #tpu.memory_space<hbm>>
          tpu.wait_dma2 semaphore(%run_scoped3A_213 : memref<!tpu.dma_semaphore, #tpu.memory_space<semaphore_mem>>) src(%dma_wait3A_245 : memref<2x128xi32, #tpu.memory_space<hbm>>) dst(%dma_wait3A_241 : memref<2x128xi32, #tpu.memory_space<vmem>>)
          tpu.yield
        }) : () -> ()
        %dma_start3A_205 = arith.constant 0 : i32
        %dma_start3A_206 = arith.constant 0 : i32
        %dma_start3A_207 = arith.constant 0 : i32
        %dma_start3A_208 = tpu.memref_slice %arg10[%dma_start3A_205, %dma_start3A_206, %dma_start3A_207] : memref<2x2x128xi32, #tpu.memory_space<vmem>> -> memref<1x1x128xi32, #tpu.memory_space<vmem>>
        %dma_start3A_209 = tpu.memref_squeeze %dma_start3A_208 : memref<1x1x128xi32, #tpu.memory_space<vmem>> -> memref<128xi32, #tpu.memory_space<vmem>>
        %dma_start3A_210 = arith.constant 0 : i32
        %dma_start3A_211 = arith.constant 0 : i32
        %dma_start3A_212 = tpu.memref_slice %arg2[%dma_start3A_210, %dma_start3A_211] : memref<10240x128xf32, #tpu.memory_space<hbm>> -> memref<10240x128xf32, #tpu.memory_space<hbm>>
        tpu.enqueue_indirect_dma source(%dma_start3A_212 : memref<10240x128xf32, #tpu.memory_space<hbm>>) target(%arg11 : memref<128x128xf32, #tpu.memory_space<vmem>>) offsets(%dma_start3A_209 : memref<128xi32, #tpu.memory_space<vmem>>) semaphore(%arg17 : memref<!tpu.dma_semaphore, #tpu.memory_space<semaphore_mem>>)
      } else {
      }
      %mul3A_140 = arith.constant 2 : i32
      %mul3A_141 = arith.muli %mul3A_140, %while3A_100 : i32
      %add3A_142 = arith.addi %select_n3A, %mul3A_141 : i32
      %add3A_143 = arith.constant 1 : i32
      %add3A_144 = arith.addi %add3A_142, %add3A_143 : i32
      %dma_wait3A_145 = arith.constant 1 : i32
      %dma_wait3A_146 = arith.constant 0 : i32
      %dma_wait3A_147 = arith.constant 0 : i32
      %dma_wait3A_148 = tpu.memref_slice %arg10[%dma_wait3A_145, %dma_wait3A_146, %dma_wait3A_147] : memref<2x2x128xi32, #tpu.memory_space<vmem>> -> memref<1x1x128xi32, #tpu.memory_space<vmem>>
      %dma_wait3A_149 = tpu.memref_squeeze %dma_wait3A_148 : memref<1x1x128xi32, #tpu.memory_space<vmem>> -> memref<128xi32, #tpu.memory_space<vmem>>
      %dma_wait3A_150 = arith.constant 0 : i32
      %dma_wait3A_151 = arith.constant 0 : i32
      %dma_wait3A_152 = tpu.memref_slice %arg2[%dma_wait3A_150, %dma_wait3A_151] : memref<10240x128xf32, #tpu.memory_space<hbm>> -> memref<10240x128xf32, #tpu.memory_space<hbm>>
      tpu.wait_indirect_dma semaphore(%arg18 : memref<!tpu.dma_semaphore, #tpu.memory_space<semaphore_mem>>) src(%dma_wait3A_152 : memref<10240x128xf32, #tpu.memory_space<hbm>>) dst(%arg12 : memref<128x128xf32, #tpu.memory_space<vmem>>)
      %dma_start3A_153 = arith.constant 1 : i32
      %dma_start3A_154 = arith.constant 1 : i32
      %dma_start3A_155 = arith.constant 0 : i32
      %dma_start3A_156 = tpu.memref_slice %arg10[%dma_start3A_153, %dma_start3A_154, %dma_start3A_155] : memref<2x2x128xi32, #tpu.memory_space<vmem>> -> memref<1x1x128xi32, #tpu.memory_space<vmem>>
      %dma_start3A_157 = tpu.memref_squeeze %dma_start3A_156 : memref<1x1x128xi32, #tpu.memory_space<vmem>> -> memref<128xi32, #tpu.memory_space<vmem>>
      %dma_start3A_158 = arith.constant 0 : i32
      %dma_start3A_159 = arith.constant 0 : i32
      %dma_start3A_160 = tpu.memref_slice %arg14[%dma_start3A_158, %dma_start3A_159] : memref<10240x128xf32, #tpu.memory_space<vmem_shared>> -> memref<10240x128xf32, #tpu.memory_space<vmem_shared>>
      tpu.enqueue_indirect_dma source(%arg12 : memref<128x128xf32, #tpu.memory_space<vmem>>) target(%dma_start3A_160 : memref<10240x128xf32, #tpu.memory_space<vmem_shared>>) offsets(%dma_start3A_157 : memref<128xi32, #tpu.memory_space<vmem>>) semaphore(%arg20 : memref<!tpu.dma_semaphore, #tpu.memory_space<semaphore_mem>>) {add = true}
      %dma_start3A_161 = arith.constant 1 : i32
      %dma_start3A_162 = arith.constant 0 : i32
      %dma_start3A_163 = arith.constant 0 : i32
      %dma_start3A_164 = tpu.memref_slice %arg10[%dma_start3A_161, %dma_start3A_162, %dma_start3A_163] : memref<2x2x128xi32, #tpu.memory_space<vmem>> -> memref<1x1x128xi32, #tpu.memory_space<vmem>>
      %dma_start3A_165 = tpu.memref_squeeze %dma_start3A_164 : memref<1x1x128xi32, #tpu.memory_space<vmem>> -> memref<128xi32, #tpu.memory_space<vmem>>
      %dma_start3A_166 = arith.constant 0 : i32
      %dma_start3A_167 = tpu.memref_slice %arg15[%dma_start3A_166] : memref<10240xf32, #tpu.memory_space<vmem_shared>> -> memref<10240xf32, #tpu.memory_space<vmem_shared>>
      tpu.enqueue_indirect_dma source(%arg13 : memref<128xf32, #tpu.memory_space<vmem>>) target(%dma_start3A_167 : memref<10240xf32, #tpu.memory_space<vmem_shared>>) offsets(%dma_start3A_165 : memref<128xi32, #tpu.memory_space<vmem>>) semaphore(%arg22 : memref<!tpu.dma_semaphore, #tpu.memory_space<semaphore_mem>>) {add = true}
      %dma_start3A_168 = arith.constant 1 : i32
      %dma_start3A_169 = arith.constant 1 : i32
      %dma_start3A_170 = arith.constant 0 : i32
      %dma_start3A_171 = tpu.memref_slice %arg10[%dma_start3A_168, %dma_start3A_169, %dma_start3A_170] : memref<2x2x128xi32, #tpu.memory_space<vmem>> -> memref<1x1x128xi32, #tpu.memory_space<vmem>>
      %dma_start3A_172 = tpu.memref_squeeze %dma_start3A_171 : memref<1x1x128xi32, #tpu.memory_space<vmem>> -> memref<128xi32, #tpu.memory_space<vmem>>
      %dma_start3A_173 = arith.constant 0 : i32
      %dma_start3A_174 = tpu.memref_slice %arg16[%dma_start3A_173] : memref<10240xf32, #tpu.memory_space<vmem_shared>> -> memref<10240xf32, #tpu.memory_space<vmem_shared>>
      tpu.enqueue_indirect_dma source(%arg13 : memref<128xf32, #tpu.memory_space<vmem>>) target(%dma_start3A_174 : memref<10240xf32, #tpu.memory_space<vmem_shared>>) offsets(%dma_start3A_172 : memref<128xi32, #tpu.memory_space<vmem>>) semaphore(%arg24 : memref<!tpu.dma_semaphore, #tpu.memory_space<semaphore_mem>>) {add = true}
      %add3A_175 = arith.constant 2 : i32
      %add3A_176 = arith.addi %add3A_144, %add3A_175 : i32
      %add3A_177 = arith.addi %select_n3A, %select_n3A_10 : i32
      %lt3A_178 = arith.cmpi slt, %add3A_176, %add3A_177 : i32
      %convert_element_type3A_179 = arith.extui %lt3A_178 : i1 to i32
      %cond3A_180 = arith.constant 0 : i32
      %cond3A_181 = arith.cmpi ne, %convert_element_type3A_179, %cond3A_180 : i32
      scf.if %cond3A_181 {
        %dma_wait3A_182 = arith.constant 1 : i32
        %dma_wait3A_183 = arith.constant 1 : i32
        %dma_wait3A_184 = arith.constant 0 : i32
        %dma_wait3A_185 = tpu.memref_slice %arg10[%dma_wait3A_182, %dma_wait3A_183, %dma_wait3A_184] : memref<2x2x128xi32, #tpu.memory_space<vmem>> -> memref<1x1x128xi32, #tpu.memory_space<vmem>>
        %dma_wait3A_186 = tpu.memref_squeeze %dma_wait3A_185 : memref<1x1x128xi32, #tpu.memory_space<vmem>> -> memref<128xi32, #tpu.memory_space<vmem>>
        %dma_wait3A_187 = arith.constant 0 : i32
        %dma_wait3A_188 = arith.constant 0 : i32
        %dma_wait3A_189 = tpu.memref_slice %arg14[%dma_wait3A_187, %dma_wait3A_188] : memref<10240x128xf32, #tpu.memory_space<vmem_shared>> -> memref<10240x128xf32, #tpu.memory_space<vmem_shared>>
        tpu.wait_indirect_dma semaphore(%arg20 : memref<!tpu.dma_semaphore, #tpu.memory_space<semaphore_mem>>) src(%arg12 : memref<128x128xf32, #tpu.memory_space<vmem>>) dst(%dma_wait3A_189 : memref<10240x128xf32, #tpu.memory_space<vmem_shared>>)
        %dma_wait3A_190 = arith.constant 1 : i32
        %dma_wait3A_191 = arith.constant 0 : i32
        %dma_wait3A_192 = arith.constant 0 : i32
        %dma_wait3A_193 = tpu.memref_slice %arg10[%dma_wait3A_190, %dma_wait3A_191, %dma_wait3A_192] : memref<2x2x128xi32, #tpu.memory_space<vmem>> -> memref<1x1x128xi32, #tpu.memory_space<vmem>>
        %dma_wait3A_194 = tpu.memref_squeeze %dma_wait3A_193 : memref<1x1x128xi32, #tpu.memory_space<vmem>> -> memref<128xi32, #tpu.memory_space<vmem>>
        %dma_wait3A_195 = arith.constant 0 : i32
        %dma_wait3A_196 = tpu.memref_slice %arg15[%dma_wait3A_195] : memref<10240xf32, #tpu.memory_space<vmem_shared>> -> memref<10240xf32, #tpu.memory_space<vmem_shared>>
        tpu.wait_indirect_dma semaphore(%arg22 : memref<!tpu.dma_semaphore, #tpu.memory_space<semaphore_mem>>) src(%arg13 : memref<128xf32, #tpu.memory_space<vmem>>) dst(%dma_wait3A_196 : memref<10240xf32, #tpu.memory_space<vmem_shared>>)
        %dma_wait3A_197 = arith.constant 1 : i32
        %dma_wait3A_198 = arith.constant 1 : i32
        %dma_wait3A_199 = arith.constant 0 : i32
        %dma_wait3A_200 = tpu.memref_slice %arg10[%dma_wait3A_197, %dma_wait3A_198, %dma_wait3A_199] : memref<2x2x128xi32, #tpu.memory_space<vmem>> -> memref<1x1x128xi32, #tpu.memory_space<vmem>>
        %dma_wait3A_201 = tpu.memref_squeeze %dma_wait3A_200 : memref<1x1x128xi32, #tpu.memory_space<vmem>> -> memref<128xi32, #tpu.memory_space<vmem>>
        %dma_wait3A_202 = arith.constant 0 : i32
        %dma_wait3A_203 = tpu.memref_slice %arg16[%dma_wait3A_202] : memref<10240xf32, #tpu.memory_space<vmem_shared>> -> memref<10240xf32, #tpu.memory_space<vmem_shared>>
        tpu.wait_indirect_dma semaphore(%arg24 : memref<!tpu.dma_semaphore, #tpu.memory_space<semaphore_mem>>) src(%arg13 : memref<128xf32, #tpu.memory_space<vmem>>) dst(%dma_wait3A_203 : memref<10240xf32, #tpu.memory_space<vmem_shared>>)
        %run_scoped3A_204 = arith.constant 1 : i32
        "tpu.region"() ({
          %run_scoped3A_213 = tpu.sem_alloc : memref<!tpu.dma_semaphore, #tpu.memory_space<semaphore_mem>>
          %dma_start3A_214 = arith.constant 0 : i32
          %dma_start3A_215 = arith.constant 0 : i32
          %dma_start3A_216 = tpu.memref_slice %arg10[%run_scoped3A_204, %dma_start3A_214, %dma_start3A_215] : memref<2x2x128xi32, #tpu.memory_space<vmem>> -> memref<1x2x128xi32, #tpu.memory_space<vmem>>
          %dma_start3A_217 = tpu.memref_squeeze %dma_start3A_216 : memref<1x2x128xi32, #tpu.memory_space<vmem>> -> memref<2x128xi32, #tpu.memory_space<vmem>>
          %dma_start3A_218 = arith.constant 0 : i32
          %dma_start3A_219 = arith.constant 0 : i32
          %dma_start3A_220 = tpu.memref_slice %arg3[%add3A_176, %dma_start3A_218, %dma_start3A_219] : memref<2528x2x128xi32, #tpu.memory_space<hbm>> -> memref<1x2x128xi32, #tpu.memory_space<hbm>>
          %dma_start3A_221 = tpu.memref_squeeze %dma_start3A_220 : memref<1x2x128xi32, #tpu.memory_space<hbm>> -> memref<2x128xi32, #tpu.memory_space<hbm>>
          %dma_start3A_222 = arith.constant 0 : i32
          %dma_start3A_223 = arith.constant 0 : i32
          %dma_start3A_224 = tpu.memref_slice %arg10[%run_scoped3A_204, %dma_start3A_222, %dma_start3A_223] : memref<2x2x128xi32, #tpu.memory_space<vmem>> -> memref<1x2x128xi32, #tpu.memory_space<vmem>>
          %dma_start3A_225 = tpu.memref_squeeze %dma_start3A_224 : memref<1x2x128xi32, #tpu.memory_space<vmem>> -> memref<2x128xi32, #tpu.memory_space<vmem>>
          %dma_start3A_226 = arith.constant 0 : i32
          %dma_start3A_227 = arith.constant 0 : i32
          %dma_start3A_228 = tpu.memref_slice %arg3[%add3A_176, %dma_start3A_226, %dma_start3A_227] : memref<2528x2x128xi32, #tpu.memory_space<hbm>> -> memref<1x2x128xi32, #tpu.memory_space<hbm>>
          %dma_start3A_229 = tpu.memref_squeeze %dma_start3A_228 : memref<1x2x128xi32, #tpu.memory_space<hbm>> -> memref<2x128xi32, #tpu.memory_space<hbm>>
          tpu.enqueue_dma source(%dma_start3A_229 : memref<2x128xi32, #tpu.memory_space<hbm>>) target(%dma_start3A_225 : memref<2x128xi32, #tpu.memory_space<vmem>>) target_semaphore(%run_scoped3A_213 : memref<!tpu.dma_semaphore, #tpu.memory_space<semaphore_mem>>)
          %dma_wait3A_230 = arith.constant 0 : i32
          %dma_wait3A_231 = arith.constant 0 : i32
          %dma_wait3A_232 = tpu.memref_slice %arg10[%run_scoped3A_204, %dma_wait3A_230, %dma_wait3A_231] : memref<2x2x128xi32, #tpu.memory_space<vmem>> -> memref<1x2x128xi32, #tpu.memory_space<vmem>>
          %dma_wait3A_233 = tpu.memref_squeeze %dma_wait3A_232 : memref<1x2x128xi32, #tpu.memory_space<vmem>> -> memref<2x128xi32, #tpu.memory_space<vmem>>
          %dma_wait3A_234 = arith.constant 0 : i32
          %dma_wait3A_235 = arith.constant 0 : i32
          %dma_wait3A_236 = tpu.memref_slice %arg3[%add3A_176, %dma_wait3A_234, %dma_wait3A_235] : memref<2528x2x128xi32, #tpu.memory_space<hbm>> -> memref<1x2x128xi32, #tpu.memory_space<hbm>>
          %dma_wait3A_237 = tpu.memref_squeeze %dma_wait3A_236 : memref<1x2x128xi32, #tpu.memory_space<hbm>> -> memref<2x128xi32, #tpu.memory_space<hbm>>
          %dma_wait3A_238 = arith.constant 0 : i32
          %dma_wait3A_239 = arith.constant 0 : i32
          %dma_wait3A_240 = tpu.memref_slice %arg10[%run_scoped3A_204, %dma_wait3A_238, %dma_wait3A_239] : memref<2x2x128xi32, #tpu.memory_space<vmem>> -> memref<1x2x128xi32, #tpu.memory_space<vmem>>
          %dma_wait3A_241 = tpu.memref_squeeze %dma_wait3A_240 : memref<1x2x128xi32, #tpu.memory_space<vmem>> -> memref<2x128xi32, #tpu.memory_space<vmem>>
          %dma_wait3A_242 = arith.constant 0 : i32
          %dma_wait3A_243 = arith.constant 0 : i32
          %dma_wait3A_244 = tpu.memref_slice %arg3[%add3A_176, %dma_wait3A_242, %dma_wait3A_243] : memref<2528x2x128xi32, #tpu.memory_space<hbm>> -> memref<1x2x128xi32, #tpu.memory_space<hbm>>
          %dma_wait3A_245 = tpu.memref_squeeze %dma_wait3A_244 : memref<1x2x128xi32, #tpu.memory_space<hbm>> -> memref<2x128xi32, #tpu.memory_space<hbm>>
          tpu.wait_dma2 semaphore(%run_scoped3A_213 : memref<!tpu.dma_semaphore, #tpu.memory_space<semaphore_mem>>) src(%dma_wait3A_245 : memref<2x128xi32, #tpu.memory_space<hbm>>) dst(%dma_wait3A_241 : memref<2x128xi32, #tpu.memory_space<vmem>>)
          tpu.yield
        }) : () -> ()
        %dma_start3A_205 = arith.constant 1 : i32
        %dma_start3A_206 = arith.constant 0 : i32
        %dma_start3A_207 = arith.constant 0 : i32
        %dma_start3A_208 = tpu.memref_slice %arg10[%dma_start3A_205, %dma_start3A_206, %dma_start3A_207] : memref<2x2x128xi32, #tpu.memory_space<vmem>> -> memref<1x1x128xi32, #tpu.memory_space<vmem>>
        %dma_start3A_209 = tpu.memref_squeeze %dma_start3A_208 : memref<1x1x128xi32, #tpu.memory_space<vmem>> -> memref<128xi32, #tpu.memory_space<vmem>>
        %dma_start3A_210 = arith.constant 0 : i32
        %dma_start3A_211 = arith.constant 0 : i32
        %dma_start3A_212 = tpu.memref_slice %arg2[%dma_start3A_210, %dma_start3A_211] : memref<10240x128xf32, #tpu.memory_space<hbm>> -> memref<10240x128xf32, #tpu.memory_space<hbm>>
        tpu.enqueue_indirect_dma source(%dma_start3A_212 : memref<10240x128xf32, #tpu.memory_space<hbm>>) target(%arg12 : memref<128x128xf32, #tpu.memory_space<vmem>>) offsets(%dma_start3A_209 : memref<128xi32, #tpu.memory_space<vmem>>) semaphore(%arg18 : memref<!tpu.dma_semaphore, #tpu.memory_space<semaphore_mem>>)
      } else {
      }
    }
    %dma_wait3A = arith.constant 0 : i32
    %dma_wait3A_56 = arith.constant 1 : i32
    %dma_wait3A_57 = arith.constant 0 : i32
    %dma_wait3A_58 = tpu.memref_slice %arg10[%dma_wait3A, %dma_wait3A_56, %dma_wait3A_57] : memref<2x2x128xi32, #tpu.memory_space<vmem>> -> memref<1x1x128xi32, #tpu.memory_space<vmem>>
    %dma_wait3A_59 = tpu.memref_squeeze %dma_wait3A_58 : memref<1x1x128xi32, #tpu.memory_space<vmem>> -> memref<128xi32, #tpu.memory_space<vmem>>
    %dma_wait3A_60 = arith.constant 0 : i32
    %dma_wait3A_61 = arith.constant 0 : i32
    %dma_wait3A_62 = tpu.memref_slice %arg14[%dma_wait3A_60, %dma_wait3A_61] : memref<10240x128xf32, #tpu.memory_space<vmem_shared>> -> memref<10240x128xf32, #tpu.memory_space<vmem_shared>>
    tpu.wait_indirect_dma semaphore(%arg19 : memref<!tpu.dma_semaphore, #tpu.memory_space<semaphore_mem>>) src(%arg11 : memref<128x128xf32, #tpu.memory_space<vmem>>) dst(%dma_wait3A_62 : memref<10240x128xf32, #tpu.memory_space<vmem_shared>>)
    %dma_wait3A_63 = arith.constant 0 : i32
    %dma_wait3A_64 = arith.constant 0 : i32
    %dma_wait3A_65 = arith.constant 0 : i32
    %dma_wait3A_66 = tpu.memref_slice %arg10[%dma_wait3A_63, %dma_wait3A_64, %dma_wait3A_65] : memref<2x2x128xi32, #tpu.memory_space<vmem>> -> memref<1x1x128xi32, #tpu.memory_space<vmem>>
    %dma_wait3A_67 = tpu.memref_squeeze %dma_wait3A_66 : memref<1x1x128xi32, #tpu.memory_space<vmem>> -> memref<128xi32, #tpu.memory_space<vmem>>
    %dma_wait3A_68 = arith.constant 0 : i32
    %dma_wait3A_69 = tpu.memref_slice %arg15[%dma_wait3A_68] : memref<10240xf32, #tpu.memory_space<vmem_shared>> -> memref<10240xf32, #tpu.memory_space<vmem_shared>>
    tpu.wait_indirect_dma semaphore(%arg21 : memref<!tpu.dma_semaphore, #tpu.memory_space<semaphore_mem>>) src(%arg13 : memref<128xf32, #tpu.memory_space<vmem>>) dst(%dma_wait3A_69 : memref<10240xf32, #tpu.memory_space<vmem_shared>>)
    %dma_wait3A_70 = arith.constant 0 : i32
    %dma_wait3A_71 = arith.constant 1 : i32
    %dma_wait3A_72 = arith.constant 0 : i32
    %dma_wait3A_73 = tpu.memref_slice %arg10[%dma_wait3A_70, %dma_wait3A_71, %dma_wait3A_72] : memref<2x2x128xi32, #tpu.memory_space<vmem>> -> memref<1x1x128xi32, #tpu.memory_space<vmem>>
    %dma_wait3A_74 = tpu.memref_squeeze %dma_wait3A_73 : memref<1x1x128xi32, #tpu.memory_space<vmem>> -> memref<128xi32, #tpu.memory_space<vmem>>
    %dma_wait3A_75 = arith.constant 0 : i32
    %dma_wait3A_76 = tpu.memref_slice %arg16[%dma_wait3A_75] : memref<10240xf32, #tpu.memory_space<vmem_shared>> -> memref<10240xf32, #tpu.memory_space<vmem_shared>>
    tpu.wait_indirect_dma semaphore(%arg23 : memref<!tpu.dma_semaphore, #tpu.memory_space<semaphore_mem>>) src(%arg13 : memref<128xf32, #tpu.memory_space<vmem>>) dst(%dma_wait3A_76 : memref<10240xf32, #tpu.memory_space<vmem_shared>>)
    %dma_wait3A_77 = arith.constant 1 : i32
    %dma_wait3A_78 = arith.constant 1 : i32
    %dma_wait3A_79 = arith.constant 0 : i32
    %dma_wait3A_80 = tpu.memref_slice %arg10[%dma_wait3A_77, %dma_wait3A_78, %dma_wait3A_79] : memref<2x2x128xi32, #tpu.memory_space<vmem>> -> memref<1x1x128xi32, #tpu.memory_space<vmem>>
    %dma_wait3A_81 = tpu.memref_squeeze %dma_wait3A_80 : memref<1x1x128xi32, #tpu.memory_space<vmem>> -> memref<128xi32, #tpu.memory_space<vmem>>
    %dma_wait3A_82 = arith.constant 0 : i32
    %dma_wait3A_83 = arith.constant 0 : i32
    %dma_wait3A_84 = tpu.memref_slice %arg14[%dma_wait3A_82, %dma_wait3A_83] : memref<10240x128xf32, #tpu.memory_space<vmem_shared>> -> memref<10240x128xf32, #tpu.memory_space<vmem_shared>>
    tpu.wait_indirect_dma semaphore(%arg20 : memref<!tpu.dma_semaphore, #tpu.memory_space<semaphore_mem>>) src(%arg12 : memref<128x128xf32, #tpu.memory_space<vmem>>) dst(%dma_wait3A_84 : memref<10240x128xf32, #tpu.memory_space<vmem_shared>>)
    %dma_wait3A_85 = arith.constant 1 : i32
    %dma_wait3A_86 = arith.constant 0 : i32
    %dma_wait3A_87 = arith.constant 0 : i32
    %dma_wait3A_88 = tpu.memref_slice %arg10[%dma_wait3A_85, %dma_wait3A_86, %dma_wait3A_87] : memref<2x2x128xi32, #tpu.memory_space<vmem>> -> memref<1x1x128xi32, #tpu.memory_space<vmem>>
    %dma_wait3A_89 = tpu.memref_squeeze %dma_wait3A_88 : memref<1x1x128xi32, #tpu.memory_space<vmem>> -> memref<128xi32, #tpu.memory_space<vmem>>
    %dma_wait3A_90 = arith.constant 0 : i32
    %dma_wait3A_91 = tpu.memref_slice %arg15[%dma_wait3A_90] : memref<10240xf32, #tpu.memory_space<vmem_shared>> -> memref<10240xf32, #tpu.memory_space<vmem_shared>>
    tpu.wait_indirect_dma semaphore(%arg22 : memref<!tpu.dma_semaphore, #tpu.memory_space<semaphore_mem>>) src(%arg13 : memref<128xf32, #tpu.memory_space<vmem>>) dst(%dma_wait3A_91 : memref<10240xf32, #tpu.memory_space<vmem_shared>>)
    %dma_wait3A_92 = arith.constant 1 : i32
    %dma_wait3A_93 = arith.constant 1 : i32
    %dma_wait3A_94 = arith.constant 0 : i32
    %dma_wait3A_95 = tpu.memref_slice %arg10[%dma_wait3A_92, %dma_wait3A_93, %dma_wait3A_94] : memref<2x2x128xi32, #tpu.memory_space<vmem>> -> memref<1x1x128xi32, #tpu.memory_space<vmem>>
    %dma_wait3A_96 = tpu.memref_squeeze %dma_wait3A_95 : memref<1x1x128xi32, #tpu.memory_space<vmem>> -> memref<128xi32, #tpu.memory_space<vmem>>
    %dma_wait3A_97 = arith.constant 0 : i32
    %dma_wait3A_98 = tpu.memref_slice %arg16[%dma_wait3A_97] : memref<10240xf32, #tpu.memory_space<vmem_shared>> -> memref<10240xf32, #tpu.memory_space<vmem_shared>>
    tpu.wait_indirect_dma semaphore(%arg24 : memref<!tpu.dma_semaphore, #tpu.memory_space<semaphore_mem>>) src(%arg13 : memref<128xf32, #tpu.memory_space<vmem>>) dst(%dma_wait3A_98 : memref<10240xf32, #tpu.memory_space<vmem_shared>>)
    %barrier3A_99 = arith.constant 0 : index
    tpu.barrier barrier_id(%barrier3A_99)
    "tpu.region"() ({
      %run_scoped3A_100 = tpu.sem_alloc : memref<!tpu.dma_semaphore, #tpu.memory_space<semaphore_mem>>
      %dma_start3A_101 = arith.constant 0 : i32
      %dma_start3A_102 = tpu.memref_slice %arg7[%arg0, %mul3A_0, %dma_start3A_101] : memref<2x10240x128xf32, #tpu.memory_space<hbm>> -> memref<1x640x128xf32, #tpu.memory_space<hbm>>
      %dma_start3A_103 = tpu.memref_squeeze %dma_start3A_102 : memref<1x640x128xf32, #tpu.memory_space<hbm>> -> memref<640x128xf32, #tpu.memory_space<hbm>>
      %dma_start3A_104 = arith.constant 0 : i32
      %dma_start3A_105 = tpu.memref_slice %arg14[%mul3A_0, %dma_start3A_104] : memref<10240x128xf32, #tpu.memory_space<vmem_shared>> -> memref<640x128xf32, #tpu.memory_space<vmem_shared>>
      tpu.enqueue_dma source(%dma_start3A_105 : memref<640x128xf32, #tpu.memory_space<vmem_shared>>) target(%dma_start3A_103 : memref<640x128xf32, #tpu.memory_space<hbm>>) target_semaphore(%run_scoped3A_100 : memref<!tpu.dma_semaphore, #tpu.memory_space<semaphore_mem>>)
      %dma_wait3A_106 = arith.constant 0 : i32
      %dma_wait3A_107 = tpu.memref_slice %arg7[%arg0, %mul3A_0, %dma_wait3A_106] : memref<2x10240x128xf32, #tpu.memory_space<hbm>> -> memref<1x640x128xf32, #tpu.memory_space<hbm>>
      %dma_wait3A_108 = tpu.memref_squeeze %dma_wait3A_107 : memref<1x640x128xf32, #tpu.memory_space<hbm>> -> memref<640x128xf32, #tpu.memory_space<hbm>>
      %dma_wait3A_109 = arith.constant 0 : i32
      %dma_wait3A_110 = tpu.memref_slice %arg14[%mul3A_0, %dma_wait3A_109] : memref<10240x128xf32, #tpu.memory_space<vmem_shared>> -> memref<640x128xf32, #tpu.memory_space<vmem_shared>>
      tpu.wait_dma2 semaphore(%run_scoped3A_100 : memref<!tpu.dma_semaphore, #tpu.memory_space<semaphore_mem>>) src(%dma_wait3A_110 : memref<640x128xf32, #tpu.memory_space<vmem_shared>>) dst(%dma_wait3A_108 : memref<640x128xf32, #tpu.memory_space<hbm>>)
      tpu.yield
    }) : () -> ()
    "tpu.region"() ({
      %run_scoped3A_100 = tpu.sem_alloc : memref<!tpu.dma_semaphore, #tpu.memory_space<semaphore_mem>>
      %dma_start3A_101 = tpu.memref_slice %arg8[%arg0, %mul3A_0] : memref<2x10240xf32, #tpu.memory_space<hbm>> -> memref<1x640xf32, #tpu.memory_space<hbm>>
      %dma_start3A_102 = tpu.memref_squeeze %dma_start3A_101 : memref<1x640xf32, #tpu.memory_space<hbm>> -> memref<640xf32, #tpu.memory_space<hbm>>
      %dma_start3A_103 = tpu.memref_slice %arg15[%mul3A_0] : memref<10240xf32, #tpu.memory_space<vmem_shared>> -> memref<640xf32, #tpu.memory_space<vmem_shared>>
      tpu.enqueue_dma source(%dma_start3A_103 : memref<640xf32, #tpu.memory_space<vmem_shared>>) target(%dma_start3A_102 : memref<640xf32, #tpu.memory_space<hbm>>) target_semaphore(%run_scoped3A_100 : memref<!tpu.dma_semaphore, #tpu.memory_space<semaphore_mem>>)
      %dma_wait3A_104 = tpu.memref_slice %arg8[%arg0, %mul3A_0] : memref<2x10240xf32, #tpu.memory_space<hbm>> -> memref<1x640xf32, #tpu.memory_space<hbm>>
      %dma_wait3A_105 = tpu.memref_squeeze %dma_wait3A_104 : memref<1x640xf32, #tpu.memory_space<hbm>> -> memref<640xf32, #tpu.memory_space<hbm>>
      %dma_wait3A_106 = tpu.memref_slice %arg15[%mul3A_0] : memref<10240xf32, #tpu.memory_space<vmem_shared>> -> memref<640xf32, #tpu.memory_space<vmem_shared>>
      tpu.wait_dma2 semaphore(%run_scoped3A_100 : memref<!tpu.dma_semaphore, #tpu.memory_space<semaphore_mem>>) src(%dma_wait3A_106 : memref<640xf32, #tpu.memory_space<vmem_shared>>) dst(%dma_wait3A_105 : memref<640xf32, #tpu.memory_space<hbm>>)
      tpu.yield
    }) : () -> ()
    "tpu.region"() ({
      %run_scoped3A_100 = tpu.sem_alloc : memref<!tpu.dma_semaphore, #tpu.memory_space<semaphore_mem>>
      %dma_start3A_101 = tpu.memref_slice %arg9[%arg0, %mul3A_0] : memref<2x10240xf32, #tpu.memory_space<hbm>> -> memref<1x640xf32, #tpu.memory_space<hbm>>
      %dma_start3A_102 = tpu.memref_squeeze %dma_start3A_101 : memref<1x640xf32, #tpu.memory_space<hbm>> -> memref<640xf32, #tpu.memory_space<hbm>>
      %dma_start3A_103 = tpu.memref_slice %arg16[%mul3A_0] : memref<10240xf32, #tpu.memory_space<vmem_shared>> -> memref<640xf32, #tpu.memory_space<vmem_shared>>
      tpu.enqueue_dma source(%dma_start3A_103 : memref<640xf32, #tpu.memory_space<vmem_shared>>) target(%dma_start3A_102 : memref<640xf32, #tpu.memory_space<hbm>>) target_semaphore(%run_scoped3A_100 : memref<!tpu.dma_semaphore, #tpu.memory_space<semaphore_mem>>)
      %dma_wait3A_104 = tpu.memref_slice %arg9[%arg0, %mul3A_0] : memref<2x10240xf32, #tpu.memory_space<hbm>> -> memref<1x640xf32, #tpu.memory_space<hbm>>
      %dma_wait3A_105 = tpu.memref_squeeze %dma_wait3A_104 : memref<1x640xf32, #tpu.memory_space<hbm>> -> memref<640xf32, #tpu.memory_space<hbm>>
      %dma_wait3A_106 = tpu.memref_slice %arg16[%mul3A_0] : memref<10240xf32, #tpu.memory_space<vmem_shared>> -> memref<640xf32, #tpu.memory_space<vmem_shared>>
      tpu.wait_dma2 semaphore(%run_scoped3A_100 : memref<!tpu.dma_semaphore, #tpu.memory_space<semaphore_mem>>) src(%dma_wait3A_106 : memref<640xf32, #tpu.memory_space<vmem_shared>>) dst(%dma_wait3A_105 : memref<640xf32, #tpu.memory_space<hbm>>)
      tpu.yield
    }) : () -> ()
    return
  }
}

#map = affine_map<(d0, d1) -> (0, 0)>
#map1 = affine_map<(d0, d1) -> (0, 0, 0)>
module attributes {stable_mosaic.version = 14 : i64} {
  func.func @_seg_body(%arg0: i32, %arg1: i32, %arg2: memref<10240x128xf32, #tpu.memory_space<hbm>>, %arg3: memref<2528x2x128xi32, #tpu.memory_space<hbm>>, %arg4: memref<640x128xf32, #tpu.memory_space<hbm>>, %arg5: memref<2x10240x128xf32, #tpu.memory_space<hbm>>, %arg6: memref<2x2x128xi32, #tpu.memory_space<vmem>>, %arg7: memref<128x128xf32, #tpu.memory_space<vmem>>, %arg8: memref<128x128xf32, #tpu.memory_space<vmem>>, %arg9: memref<10240x128xf32, #tpu.memory_space<vmem_shared>>, %arg10: memref<!tpu.dma_semaphore, #tpu.memory_space<semaphore_mem>>, %arg11: memref<!tpu.dma_semaphore, #tpu.memory_space<semaphore_mem>>, %arg12: memref<!tpu.dma_semaphore, #tpu.memory_space<semaphore_mem>>, %arg13: memref<!tpu.dma_semaphore, #tpu.memory_space<semaphore_mem>>) attributes {dimension_semantics = [#tpu.dimension_semantics<core_parallel>, #tpu.dimension_semantics<subcore_parallel>], iteration_bounds = array<i64: 2, 16>, scalar_prefetch = 0 : i64, scratch_operands = 8 : i64, tpu.core_type = #tpu.core_type<sc_vector_subcore>, window_params = [{transform_indices = #map}, {transform_indices = #map1}, {transform_indices = #map}, {transform_indices = #map1}]} {
    %mul3A = arith.constant 640 : i32
    %mul3A_0 = arith.muli %arg1, %mul3A : i32
    %eq3A = arith.constant 0 : i32
    %eq3A_1 = arith.cmpi eq, %arg0, %eq3A : i32
    %mul3A_2 = arith.constant 132 : i32
    %mul3A_3 = arith.muli %arg1, %mul3A_2 : i32
    %mul3A_4 = arith.constant 26 : i32
    %mul3A_5 = arith.muli %arg1, %mul3A_4 : i32
    %add3A = arith.constant 2112 : i32
    %add3A_6 = arith.addi %add3A, %mul3A_5 : i32
    %select_n3A = arith.select %eq3A_1, %mul3A_3, %add3A_6 : i32
    %eq3A_7 = arith.constant 0 : i32
    %eq3A_8 = arith.cmpi eq, %arg0, %eq3A_7 : i32
    %jit3A = arith.constant 132 : i32
    %jit3A_9 = arith.constant 26 : i32
    %select_n3A_10 = arith.select %eq3A_8, %jit3A, %jit3A_9 : i32
    "tpu.region"() ({
      %run_scoped3A_72 = tpu.sem_alloc : memref<!tpu.dma_semaphore, #tpu.memory_space<semaphore_mem>>
      %dma_start3A_73 = arith.constant 0 : i32
      %dma_start3A_74 = tpu.memref_slice %arg9[%mul3A_0, %dma_start3A_73] : memref<10240x128xf32, #tpu.memory_space<vmem_shared>> -> memref<640x128xf32, #tpu.memory_space<vmem_shared>>
      tpu.enqueue_dma source(%arg4 : memref<640x128xf32, #tpu.memory_space<hbm>>) target(%dma_start3A_74 : memref<640x128xf32, #tpu.memory_space<vmem_shared>>) target_semaphore(%run_scoped3A_72 : memref<!tpu.dma_semaphore, #tpu.memory_space<semaphore_mem>>)
      %dma_wait3A_75 = arith.constant 0 : i32
      %dma_wait3A_76 = tpu.memref_slice %arg9[%mul3A_0, %dma_wait3A_75] : memref<10240x128xf32, #tpu.memory_space<vmem_shared>> -> memref<640x128xf32, #tpu.memory_space<vmem_shared>>
      tpu.wait_dma2 semaphore(%run_scoped3A_72 : memref<!tpu.dma_semaphore, #tpu.memory_space<semaphore_mem>>) src(%arg4 : memref<640x128xf32, #tpu.memory_space<hbm>>) dst(%dma_wait3A_76 : memref<640x128xf32, #tpu.memory_space<vmem_shared>>)
      tpu.yield
    }) : () -> ()
    %barrier3A = arith.constant 0 : index
    tpu.barrier barrier_id(%barrier3A)
    %run_scoped3A = arith.constant 0 : i32
    "tpu.region"() ({
      %run_scoped3A_72 = tpu.sem_alloc : memref<!tpu.dma_semaphore, #tpu.memory_space<semaphore_mem>>
      %dma_start3A_73 = arith.constant 0 : i32
      %dma_start3A_74 = arith.constant 0 : i32
      %dma_start3A_75 = tpu.memref_slice %arg6[%run_scoped3A, %dma_start3A_73, %dma_start3A_74] : memref<2x2x128xi32, #tpu.memory_space<vmem>> -> memref<1x2x128xi32, #tpu.memory_space<vmem>>
      %dma_start3A_76 = tpu.memref_squeeze %dma_start3A_75 : memref<1x2x128xi32, #tpu.memory_space<vmem>> -> memref<2x128xi32, #tpu.memory_space<vmem>>
      %dma_start3A_77 = arith.constant 0 : i32
      %dma_start3A_78 = arith.constant 0 : i32
      %dma_start3A_79 = tpu.memref_slice %arg3[%select_n3A, %dma_start3A_77, %dma_start3A_78] : memref<2528x2x128xi32, #tpu.memory_space<hbm>> -> memref<1x2x128xi32, #tpu.memory_space<hbm>>
      %dma_start3A_80 = tpu.memref_squeeze %dma_start3A_79 : memref<1x2x128xi32, #tpu.memory_space<hbm>> -> memref<2x128xi32, #tpu.memory_space<hbm>>
      %dma_start3A_81 = arith.constant 0 : i32
      %dma_start3A_82 = arith.constant 0 : i32
      %dma_start3A_83 = tpu.memref_slice %arg6[%run_scoped3A, %dma_start3A_81, %dma_start3A_82] : memref<2x2x128xi32, #tpu.memory_space<vmem>> -> memref<1x2x128xi32, #tpu.memory_space<vmem>>
      %dma_start3A_84 = tpu.memref_squeeze %dma_start3A_83 : memref<1x2x128xi32, #tpu.memory_space<vmem>> -> memref<2x128xi32, #tpu.memory_space<vmem>>
      %dma_start3A_85 = arith.constant 0 : i32
      %dma_start3A_86 = arith.constant 0 : i32
      %dma_start3A_87 = tpu.memref_slice %arg3[%select_n3A, %dma_start3A_85, %dma_start3A_86] : memref<2528x2x128xi32, #tpu.memory_space<hbm>> -> memref<1x2x128xi32, #tpu.memory_space<hbm>>
      %dma_start3A_88 = tpu.memref_squeeze %dma_start3A_87 : memref<1x2x128xi32, #tpu.memory_space<hbm>> -> memref<2x128xi32, #tpu.memory_space<hbm>>
      tpu.enqueue_dma source(%dma_start3A_88 : memref<2x128xi32, #tpu.memory_space<hbm>>) target(%dma_start3A_84 : memref<2x128xi32, #tpu.memory_space<vmem>>) target_semaphore(%run_scoped3A_72 : memref<!tpu.dma_semaphore, #tpu.memory_space<semaphore_mem>>)
      %dma_wait3A_89 = arith.constant 0 : i32
      %dma_wait3A_90 = arith.constant 0 : i32
      %dma_wait3A_91 = tpu.memref_slice %arg6[%run_scoped3A, %dma_wait3A_89, %dma_wait3A_90] : memref<2x2x128xi32, #tpu.memory_space<vmem>> -> memref<1x2x128xi32, #tpu.memory_space<vmem>>
      %dma_wait3A_92 = tpu.memref_squeeze %dma_wait3A_91 : memref<1x2x128xi32, #tpu.memory_space<vmem>> -> memref<2x128xi32, #tpu.memory_space<vmem>>
      %dma_wait3A_93 = arith.constant 0 : i32
      %dma_wait3A_94 = arith.constant 0 : i32
      %dma_wait3A_95 = tpu.memref_slice %arg3[%select_n3A, %dma_wait3A_93, %dma_wait3A_94] : memref<2528x2x128xi32, #tpu.memory_space<hbm>> -> memref<1x2x128xi32, #tpu.memory_space<hbm>>
      %dma_wait3A_96 = tpu.memref_squeeze %dma_wait3A_95 : memref<1x2x128xi32, #tpu.memory_space<hbm>> -> memref<2x128xi32, #tpu.memory_space<hbm>>
      %dma_wait3A_97 = arith.constant 0 : i32
      %dma_wait3A_98 = arith.constant 0 : i32
      %dma_wait3A_99 = tpu.memref_slice %arg6[%run_scoped3A, %dma_wait3A_97, %dma_wait3A_98] : memref<2x2x128xi32, #tpu.memory_space<vmem>> -> memref<1x2x128xi32, #tpu.memory_space<vmem>>
      %dma_wait3A_100 = tpu.memref_squeeze %dma_wait3A_99 : memref<1x2x128xi32, #tpu.memory_space<vmem>> -> memref<2x128xi32, #tpu.memory_space<vmem>>
      %dma_wait3A_101 = arith.constant 0 : i32
      %dma_wait3A_102 = arith.constant 0 : i32
      %dma_wait3A_103 = tpu.memref_slice %arg3[%select_n3A, %dma_wait3A_101, %dma_wait3A_102] : memref<2528x2x128xi32, #tpu.memory_space<hbm>> -> memref<1x2x128xi32, #tpu.memory_space<hbm>>
      %dma_wait3A_104 = tpu.memref_squeeze %dma_wait3A_103 : memref<1x2x128xi32, #tpu.memory_space<hbm>> -> memref<2x128xi32, #tpu.memory_space<hbm>>
      tpu.wait_dma2 semaphore(%run_scoped3A_72 : memref<!tpu.dma_semaphore, #tpu.memory_space<semaphore_mem>>) src(%dma_wait3A_104 : memref<2x128xi32, #tpu.memory_space<hbm>>) dst(%dma_wait3A_100 : memref<2x128xi32, #tpu.memory_space<vmem>>)
      tpu.yield
    }) : () -> ()
    %dma_start3A = arith.constant 0 : i32
    %dma_start3A_11 = arith.constant 0 : i32
    %dma_start3A_12 = arith.constant 0 : i32
    %dma_start3A_13 = tpu.memref_slice %arg6[%dma_start3A, %dma_start3A_11, %dma_start3A_12] : memref<2x2x128xi32, #tpu.memory_space<vmem>> -> memref<1x1x128xi32, #tpu.memory_space<vmem>>
    %dma_start3A_14 = tpu.memref_squeeze %dma_start3A_13 : memref<1x1x128xi32, #tpu.memory_space<vmem>> -> memref<128xi32, #tpu.memory_space<vmem>>
    %dma_start3A_15 = arith.constant 0 : i32
    %dma_start3A_16 = arith.constant 0 : i32
    %dma_start3A_17 = tpu.memref_slice %arg2[%dma_start3A_15, %dma_start3A_16] : memref<10240x128xf32, #tpu.memory_space<hbm>> -> memref<10240x128xf32, #tpu.memory_space<hbm>>
    tpu.enqueue_indirect_dma source(%dma_start3A_17 : memref<10240x128xf32, #tpu.memory_space<hbm>>) target(%arg7 : memref<128x128xf32, #tpu.memory_space<vmem>>) offsets(%dma_start3A_14 : memref<128xi32, #tpu.memory_space<vmem>>) semaphore(%arg10 : memref<!tpu.dma_semaphore, #tpu.memory_space<semaphore_mem>>)
    %add3A_18 = arith.constant 1 : i32
    %add3A_19 = arith.addi %select_n3A, %add3A_18 : i32
    %run_scoped3A_20 = arith.constant 1 : i32
    "tpu.region"() ({
      %run_scoped3A_72 = tpu.sem_alloc : memref<!tpu.dma_semaphore, #tpu.memory_space<semaphore_mem>>
      %dma_start3A_73 = arith.constant 0 : i32
      %dma_start3A_74 = arith.constant 0 : i32
      %dma_start3A_75 = tpu.memref_slice %arg6[%run_scoped3A_20, %dma_start3A_73, %dma_start3A_74] : memref<2x2x128xi32, #tpu.memory_space<vmem>> -> memref<1x2x128xi32, #tpu.memory_space<vmem>>
      %dma_start3A_76 = tpu.memref_squeeze %dma_start3A_75 : memref<1x2x128xi32, #tpu.memory_space<vmem>> -> memref<2x128xi32, #tpu.memory_space<vmem>>
      %dma_start3A_77 = arith.constant 0 : i32
      %dma_start3A_78 = arith.constant 0 : i32
      %dma_start3A_79 = tpu.memref_slice %arg3[%add3A_19, %dma_start3A_77, %dma_start3A_78] : memref<2528x2x128xi32, #tpu.memory_space<hbm>> -> memref<1x2x128xi32, #tpu.memory_space<hbm>>
      %dma_start3A_80 = tpu.memref_squeeze %dma_start3A_79 : memref<1x2x128xi32, #tpu.memory_space<hbm>> -> memref<2x128xi32, #tpu.memory_space<hbm>>
      %dma_start3A_81 = arith.constant 0 : i32
      %dma_start3A_82 = arith.constant 0 : i32
      %dma_start3A_83 = tpu.memref_slice %arg6[%run_scoped3A_20, %dma_start3A_81, %dma_start3A_82] : memref<2x2x128xi32, #tpu.memory_space<vmem>> -> memref<1x2x128xi32, #tpu.memory_space<vmem>>
      %dma_start3A_84 = tpu.memref_squeeze %dma_start3A_83 : memref<1x2x128xi32, #tpu.memory_space<vmem>> -> memref<2x128xi32, #tpu.memory_space<vmem>>
      %dma_start3A_85 = arith.constant 0 : i32
      %dma_start3A_86 = arith.constant 0 : i32
      %dma_start3A_87 = tpu.memref_slice %arg3[%add3A_19, %dma_start3A_85, %dma_start3A_86] : memref<2528x2x128xi32, #tpu.memory_space<hbm>> -> memref<1x2x128xi32, #tpu.memory_space<hbm>>
      %dma_start3A_88 = tpu.memref_squeeze %dma_start3A_87 : memref<1x2x128xi32, #tpu.memory_space<hbm>> -> memref<2x128xi32, #tpu.memory_space<hbm>>
      tpu.enqueue_dma source(%dma_start3A_88 : memref<2x128xi32, #tpu.memory_space<hbm>>) target(%dma_start3A_84 : memref<2x128xi32, #tpu.memory_space<vmem>>) target_semaphore(%run_scoped3A_72 : memref<!tpu.dma_semaphore, #tpu.memory_space<semaphore_mem>>)
      %dma_wait3A_89 = arith.constant 0 : i32
      %dma_wait3A_90 = arith.constant 0 : i32
      %dma_wait3A_91 = tpu.memref_slice %arg6[%run_scoped3A_20, %dma_wait3A_89, %dma_wait3A_90] : memref<2x2x128xi32, #tpu.memory_space<vmem>> -> memref<1x2x128xi32, #tpu.memory_space<vmem>>
      %dma_wait3A_92 = tpu.memref_squeeze %dma_wait3A_91 : memref<1x2x128xi32, #tpu.memory_space<vmem>> -> memref<2x128xi32, #tpu.memory_space<vmem>>
      %dma_wait3A_93 = arith.constant 0 : i32
      %dma_wait3A_94 = arith.constant 0 : i32
      %dma_wait3A_95 = tpu.memref_slice %arg3[%add3A_19, %dma_wait3A_93, %dma_wait3A_94] : memref<2528x2x128xi32, #tpu.memory_space<hbm>> -> memref<1x2x128xi32, #tpu.memory_space<hbm>>
      %dma_wait3A_96 = tpu.memref_squeeze %dma_wait3A_95 : memref<1x2x128xi32, #tpu.memory_space<hbm>> -> memref<2x128xi32, #tpu.memory_space<hbm>>
      %dma_wait3A_97 = arith.constant 0 : i32
      %dma_wait3A_98 = arith.constant 0 : i32
      %dma_wait3A_99 = tpu.memref_slice %arg6[%run_scoped3A_20, %dma_wait3A_97, %dma_wait3A_98] : memref<2x2x128xi32, #tpu.memory_space<vmem>> -> memref<1x2x128xi32, #tpu.memory_space<vmem>>
      %dma_wait3A_100 = tpu.memref_squeeze %dma_wait3A_99 : memref<1x2x128xi32, #tpu.memory_space<vmem>> -> memref<2x128xi32, #tpu.memory_space<vmem>>
      %dma_wait3A_101 = arith.constant 0 : i32
      %dma_wait3A_102 = arith.constant 0 : i32
      %dma_wait3A_103 = tpu.memref_slice %arg3[%add3A_19, %dma_wait3A_101, %dma_wait3A_102] : memref<2528x2x128xi32, #tpu.memory_space<hbm>> -> memref<1x2x128xi32, #tpu.memory_space<hbm>>
      %dma_wait3A_104 = tpu.memref_squeeze %dma_wait3A_103 : memref<1x2x128xi32, #tpu.memory_space<hbm>> -> memref<2x128xi32, #tpu.memory_space<hbm>>
      tpu.wait_dma2 semaphore(%run_scoped3A_72 : memref<!tpu.dma_semaphore, #tpu.memory_space<semaphore_mem>>) src(%dma_wait3A_104 : memref<2x128xi32, #tpu.memory_space<hbm>>) dst(%dma_wait3A_100 : memref<2x128xi32, #tpu.memory_space<vmem>>)
      tpu.yield
    }) : () -> ()
    %dma_start3A_21 = arith.constant 1 : i32
    %dma_start3A_22 = arith.constant 0 : i32
    %dma_start3A_23 = arith.constant 0 : i32
    %dma_start3A_24 = tpu.memref_slice %arg6[%dma_start3A_21, %dma_start3A_22, %dma_start3A_23] : memref<2x2x128xi32, #tpu.memory_space<vmem>> -> memref<1x1x128xi32, #tpu.memory_space<vmem>>
    %dma_start3A_25 = tpu.memref_squeeze %dma_start3A_24 : memref<1x1x128xi32, #tpu.memory_space<vmem>> -> memref<128xi32, #tpu.memory_space<vmem>>
    %dma_start3A_26 = arith.constant 0 : i32
    %dma_start3A_27 = arith.constant 0 : i32
    %dma_start3A_28 = tpu.memref_slice %arg2[%dma_start3A_26, %dma_start3A_27] : memref<10240x128xf32, #tpu.memory_space<hbm>> -> memref<10240x128xf32, #tpu.memory_space<hbm>>
    tpu.enqueue_indirect_dma source(%dma_start3A_28 : memref<10240x128xf32, #tpu.memory_space<hbm>>) target(%arg8 : memref<128x128xf32, #tpu.memory_space<vmem>>) offsets(%dma_start3A_25 : memref<128xi32, #tpu.memory_space<vmem>>) semaphore(%arg11 : memref<!tpu.dma_semaphore, #tpu.memory_space<semaphore_mem>>)
    %jit3A_29 = arith.constant 2 : i32
    %div3A = arith.divsi %select_n3A_10, %jit3A_29 : i32
    %sign3A = arith.constant 0 : i32
    %sign3A_30 = arith.cmpi sgt, %select_n3A_10, %sign3A : i32
    %sign3A_31 = arith.extui %sign3A_30 : i1 to i32
    %sign3A_32 = arith.constant 0 : i32
    %sign3A_33 = arith.cmpi slt, %select_n3A_10, %sign3A_32 : i32
    %sign3A_34 = arith.extui %sign3A_33 : i1 to i32
    %sign3A_35 = arith.subi %sign3A_31, %sign3A_34 : i32
    %sign3A_36 = arith.constant 0 : i32
    %sign3A_37 = arith.cmpi sgt, %jit3A_29, %sign3A_36 : i32
    %sign3A_38 = arith.extui %sign3A_37 : i1 to i32
    %sign3A_39 = arith.constant 0 : i32
    %sign3A_40 = arith.cmpi slt, %jit3A_29, %sign3A_39 : i32
    %sign3A_41 = arith.extui %sign3A_40 : i1 to i32
    %sign3A_42 = arith.subi %sign3A_38, %sign3A_41 : i32
    %ne3A = arith.cmpi ne, %sign3A_35, %sign3A_42 : i32
    %rem3A = arith.remsi %select_n3A_10, %jit3A_29 : i32
    %ne3A_43 = arith.constant 0 : i32
    %ne3A_44 = arith.cmpi ne, %rem3A, %ne3A_43 : i32
    %and3A = arith.andi %ne3A, %ne3A_44 : i1
    %sub3A = arith.constant 1 : i32
    %sub3A_45 = arith.subi %div3A, %sub3A : i32
    %select_n3A_46 = arith.select %and3A, %sub3A_45, %div3A : i32
    %while3A = arith.constant 0 : i32
    %while3A_47 = arith.constant 0 : i32
    %while3A_48 = arith.subi %select_n3A_46, %while3A_47 : i32
    %while3A_49 = arith.addi %while3A_47, %while3A_48 : i32
    %while3A_50 = arith.constant 1 : i32
    %while3A_51 = arith.divsi %while3A_48, %while3A_50 : i32
    %while3A_52 = arith.muli %while3A_51, %while3A_50 : i32
    %while3A_53 = arith.addi %while3A_47, %while3A_52 : i32
    %while3A_54 = arith.constant 1 : i32
    scf.for %while3A_72 = %while3A_47 to %while3A_53 step %while3A_54  : i32 {
      %mul3A_73 = arith.constant 2 : i32
      %mul3A_74 = arith.muli %mul3A_73, %while3A_72 : i32
      %add3A_75 = arith.addi %select_n3A, %mul3A_74 : i32
      %add3A_76 = arith.constant 0 : i32
      %add3A_77 = arith.addi %add3A_75, %add3A_76 : i32
      %dma_wait3A_78 = arith.constant 0 : i32
      %dma_wait3A_79 = arith.constant 0 : i32
      %dma_wait3A_80 = arith.constant 0 : i32
      %dma_wait3A_81 = tpu.memref_slice %arg6[%dma_wait3A_78, %dma_wait3A_79, %dma_wait3A_80] : memref<2x2x128xi32, #tpu.memory_space<vmem>> -> memref<1x1x128xi32, #tpu.memory_space<vmem>>
      %dma_wait3A_82 = tpu.memref_squeeze %dma_wait3A_81 : memref<1x1x128xi32, #tpu.memory_space<vmem>> -> memref<128xi32, #tpu.memory_space<vmem>>
      %dma_wait3A_83 = arith.constant 0 : i32
      %dma_wait3A_84 = arith.constant 0 : i32
      %dma_wait3A_85 = tpu.memref_slice %arg2[%dma_wait3A_83, %dma_wait3A_84] : memref<10240x128xf32, #tpu.memory_space<hbm>> -> memref<10240x128xf32, #tpu.memory_space<hbm>>
      tpu.wait_indirect_dma semaphore(%arg10 : memref<!tpu.dma_semaphore, #tpu.memory_space<semaphore_mem>>) src(%dma_wait3A_85 : memref<10240x128xf32, #tpu.memory_space<hbm>>) dst(%arg7 : memref<128x128xf32, #tpu.memory_space<vmem>>)
      %dma_start3A_86 = arith.constant 0 : i32
      %dma_start3A_87 = arith.constant 1 : i32
      %dma_start3A_88 = arith.constant 0 : i32
      %dma_start3A_89 = tpu.memref_slice %arg6[%dma_start3A_86, %dma_start3A_87, %dma_start3A_88] : memref<2x2x128xi32, #tpu.memory_space<vmem>> -> memref<1x1x128xi32, #tpu.memory_space<vmem>>
      %dma_start3A_90 = tpu.memref_squeeze %dma_start3A_89 : memref<1x1x128xi32, #tpu.memory_space<vmem>> -> memref<128xi32, #tpu.memory_space<vmem>>
      %dma_start3A_91 = arith.constant 0 : i32
      %dma_start3A_92 = arith.constant 0 : i32
      %dma_start3A_93 = tpu.memref_slice %arg9[%dma_start3A_91, %dma_start3A_92] : memref<10240x128xf32, #tpu.memory_space<vmem_shared>> -> memref<10240x128xf32, #tpu.memory_space<vmem_shared>>
      tpu.enqueue_indirect_dma source(%arg7 : memref<128x128xf32, #tpu.memory_space<vmem>>) target(%dma_start3A_93 : memref<10240x128xf32, #tpu.memory_space<vmem_shared>>) offsets(%dma_start3A_90 : memref<128xi32, #tpu.memory_space<vmem>>) semaphore(%arg12 : memref<!tpu.dma_semaphore, #tpu.memory_space<semaphore_mem>>) {add = true}
      %add3A_94 = arith.constant 2 : i32
      %add3A_95 = arith.addi %add3A_77, %add3A_94 : i32
      %add3A_96 = arith.addi %select_n3A, %select_n3A_10 : i32
      %lt3A = arith.cmpi slt, %add3A_95, %add3A_96 : i32
      %convert_element_type3A = arith.extui %lt3A : i1 to i32
      %cond3A = arith.constant 0 : i32
      %cond3A_97 = arith.cmpi ne, %convert_element_type3A, %cond3A : i32
      scf.if %cond3A_97 {
        %dma_wait3A_126 = arith.constant 0 : i32
        %dma_wait3A_127 = arith.constant 1 : i32
        %dma_wait3A_128 = arith.constant 0 : i32
        %dma_wait3A_129 = tpu.memref_slice %arg6[%dma_wait3A_126, %dma_wait3A_127, %dma_wait3A_128] : memref<2x2x128xi32, #tpu.memory_space<vmem>> -> memref<1x1x128xi32, #tpu.memory_space<vmem>>
        %dma_wait3A_130 = tpu.memref_squeeze %dma_wait3A_129 : memref<1x1x128xi32, #tpu.memory_space<vmem>> -> memref<128xi32, #tpu.memory_space<vmem>>
        %dma_wait3A_131 = arith.constant 0 : i32
        %dma_wait3A_132 = arith.constant 0 : i32
        %dma_wait3A_133 = tpu.memref_slice %arg9[%dma_wait3A_131, %dma_wait3A_132] : memref<10240x128xf32, #tpu.memory_space<vmem_shared>> -> memref<10240x128xf32, #tpu.memory_space<vmem_shared>>
        tpu.wait_indirect_dma semaphore(%arg12 : memref<!tpu.dma_semaphore, #tpu.memory_space<semaphore_mem>>) src(%arg7 : memref<128x128xf32, #tpu.memory_space<vmem>>) dst(%dma_wait3A_133 : memref<10240x128xf32, #tpu.memory_space<vmem_shared>>)
        %run_scoped3A_134 = arith.constant 0 : i32
        "tpu.region"() ({
          %run_scoped3A_143 = tpu.sem_alloc : memref<!tpu.dma_semaphore, #tpu.memory_space<semaphore_mem>>
          %dma_start3A_144 = arith.constant 0 : i32
          %dma_start3A_145 = arith.constant 0 : i32
          %dma_start3A_146 = tpu.memref_slice %arg6[%run_scoped3A_134, %dma_start3A_144, %dma_start3A_145] : memref<2x2x128xi32, #tpu.memory_space<vmem>> -> memref<1x2x128xi32, #tpu.memory_space<vmem>>
          %dma_start3A_147 = tpu.memref_squeeze %dma_start3A_146 : memref<1x2x128xi32, #tpu.memory_space<vmem>> -> memref<2x128xi32, #tpu.memory_space<vmem>>
          %dma_start3A_148 = arith.constant 0 : i32
          %dma_start3A_149 = arith.constant 0 : i32
          %dma_start3A_150 = tpu.memref_slice %arg3[%add3A_95, %dma_start3A_148, %dma_start3A_149] : memref<2528x2x128xi32, #tpu.memory_space<hbm>> -> memref<1x2x128xi32, #tpu.memory_space<hbm>>
          %dma_start3A_151 = tpu.memref_squeeze %dma_start3A_150 : memref<1x2x128xi32, #tpu.memory_space<hbm>> -> memref<2x128xi32, #tpu.memory_space<hbm>>
          %dma_start3A_152 = arith.constant 0 : i32
          %dma_start3A_153 = arith.constant 0 : i32
          %dma_start3A_154 = tpu.memref_slice %arg6[%run_scoped3A_134, %dma_start3A_152, %dma_start3A_153] : memref<2x2x128xi32, #tpu.memory_space<vmem>> -> memref<1x2x128xi32, #tpu.memory_space<vmem>>
          %dma_start3A_155 = tpu.memref_squeeze %dma_start3A_154 : memref<1x2x128xi32, #tpu.memory_space<vmem>> -> memref<2x128xi32, #tpu.memory_space<vmem>>
          %dma_start3A_156 = arith.constant 0 : i32
          %dma_start3A_157 = arith.constant 0 : i32
          %dma_start3A_158 = tpu.memref_slice %arg3[%add3A_95, %dma_start3A_156, %dma_start3A_157] : memref<2528x2x128xi32, #tpu.memory_space<hbm>> -> memref<1x2x128xi32, #tpu.memory_space<hbm>>
          %dma_start3A_159 = tpu.memref_squeeze %dma_start3A_158 : memref<1x2x128xi32, #tpu.memory_space<hbm>> -> memref<2x128xi32, #tpu.memory_space<hbm>>
          tpu.enqueue_dma source(%dma_start3A_159 : memref<2x128xi32, #tpu.memory_space<hbm>>) target(%dma_start3A_155 : memref<2x128xi32, #tpu.memory_space<vmem>>) target_semaphore(%run_scoped3A_143 : memref<!tpu.dma_semaphore, #tpu.memory_space<semaphore_mem>>)
          %dma_wait3A_160 = arith.constant 0 : i32
          %dma_wait3A_161 = arith.constant 0 : i32
          %dma_wait3A_162 = tpu.memref_slice %arg6[%run_scoped3A_134, %dma_wait3A_160, %dma_wait3A_161] : memref<2x2x128xi32, #tpu.memory_space<vmem>> -> memref<1x2x128xi32, #tpu.memory_space<vmem>>
          %dma_wait3A_163 = tpu.memref_squeeze %dma_wait3A_162 : memref<1x2x128xi32, #tpu.memory_space<vmem>> -> memref<2x128xi32, #tpu.memory_space<vmem>>
          %dma_wait3A_164 = arith.constant 0 : i32
          %dma_wait3A_165 = arith.constant 0 : i32
          %dma_wait3A_166 = tpu.memref_slice %arg3[%add3A_95, %dma_wait3A_164, %dma_wait3A_165] : memref<2528x2x128xi32, #tpu.memory_space<hbm>> -> memref<1x2x128xi32, #tpu.memory_space<hbm>>
          %dma_wait3A_167 = tpu.memref_squeeze %dma_wait3A_166 : memref<1x2x128xi32, #tpu.memory_space<hbm>> -> memref<2x128xi32, #tpu.memory_space<hbm>>
          %dma_wait3A_168 = arith.constant 0 : i32
          %dma_wait3A_169 = arith.constant 0 : i32
          %dma_wait3A_170 = tpu.memref_slice %arg6[%run_scoped3A_134, %dma_wait3A_168, %dma_wait3A_169] : memref<2x2x128xi32, #tpu.memory_space<vmem>> -> memref<1x2x128xi32, #tpu.memory_space<vmem>>
          %dma_wait3A_171 = tpu.memref_squeeze %dma_wait3A_170 : memref<1x2x128xi32, #tpu.memory_space<vmem>> -> memref<2x128xi32, #tpu.memory_space<vmem>>
          %dma_wait3A_172 = arith.constant 0 : i32
          %dma_wait3A_173 = arith.constant 0 : i32
          %dma_wait3A_174 = tpu.memref_slice %arg3[%add3A_95, %dma_wait3A_172, %dma_wait3A_173] : memref<2528x2x128xi32, #tpu.memory_space<hbm>> -> memref<1x2x128xi32, #tpu.memory_space<hbm>>
          %dma_wait3A_175 = tpu.memref_squeeze %dma_wait3A_174 : memref<1x2x128xi32, #tpu.memory_space<hbm>> -> memref<2x128xi32, #tpu.memory_space<hbm>>
          tpu.wait_dma2 semaphore(%run_scoped3A_143 : memref<!tpu.dma_semaphore, #tpu.memory_space<semaphore_mem>>) src(%dma_wait3A_175 : memref<2x128xi32, #tpu.memory_space<hbm>>) dst(%dma_wait3A_171 : memref<2x128xi32, #tpu.memory_space<vmem>>)
          tpu.yield
        }) : () -> ()
        %dma_start3A_135 = arith.constant 0 : i32
        %dma_start3A_136 = arith.constant 0 : i32
        %dma_start3A_137 = arith.constant 0 : i32
        %dma_start3A_138 = tpu.memref_slice %arg6[%dma_start3A_135, %dma_start3A_136, %dma_start3A_137] : memref<2x2x128xi32, #tpu.memory_space<vmem>> -> memref<1x1x128xi32, #tpu.memory_space<vmem>>
        %dma_start3A_139 = tpu.memref_squeeze %dma_start3A_138 : memref<1x1x128xi32, #tpu.memory_space<vmem>> -> memref<128xi32, #tpu.memory_space<vmem>>
        %dma_start3A_140 = arith.constant 0 : i32
        %dma_start3A_141 = arith.constant 0 : i32
        %dma_start3A_142 = tpu.memref_slice %arg2[%dma_start3A_140, %dma_start3A_141] : memref<10240x128xf32, #tpu.memory_space<hbm>> -> memref<10240x128xf32, #tpu.memory_space<hbm>>
        tpu.enqueue_indirect_dma source(%dma_start3A_142 : memref<10240x128xf32, #tpu.memory_space<hbm>>) target(%arg7 : memref<128x128xf32, #tpu.memory_space<vmem>>) offsets(%dma_start3A_139 : memref<128xi32, #tpu.memory_space<vmem>>) semaphore(%arg10 : memref<!tpu.dma_semaphore, #tpu.memory_space<semaphore_mem>>)
      } else {
      }
      %mul3A_98 = arith.constant 2 : i32
      %mul3A_99 = arith.muli %mul3A_98, %while3A_72 : i32
      %add3A_100 = arith.addi %select_n3A, %mul3A_99 : i32
      %add3A_101 = arith.constant 1 : i32
      %add3A_102 = arith.addi %add3A_100, %add3A_101 : i32
      %dma_wait3A_103 = arith.constant 1 : i32
      %dma_wait3A_104 = arith.constant 0 : i32
      %dma_wait3A_105 = arith.constant 0 : i32
      %dma_wait3A_106 = tpu.memref_slice %arg6[%dma_wait3A_103, %dma_wait3A_104, %dma_wait3A_105] : memref<2x2x128xi32, #tpu.memory_space<vmem>> -> memref<1x1x128xi32, #tpu.memory_space<vmem>>
      %dma_wait3A_107 = tpu.memref_squeeze %dma_wait3A_106 : memref<1x1x128xi32, #tpu.memory_space<vmem>> -> memref<128xi32, #tpu.memory_space<vmem>>
      %dma_wait3A_108 = arith.constant 0 : i32
      %dma_wait3A_109 = arith.constant 0 : i32
      %dma_wait3A_110 = tpu.memref_slice %arg2[%dma_wait3A_108, %dma_wait3A_109] : memref<10240x128xf32, #tpu.memory_space<hbm>> -> memref<10240x128xf32, #tpu.memory_space<hbm>>
      tpu.wait_indirect_dma semaphore(%arg11 : memref<!tpu.dma_semaphore, #tpu.memory_space<semaphore_mem>>) src(%dma_wait3A_110 : memref<10240x128xf32, #tpu.memory_space<hbm>>) dst(%arg8 : memref<128x128xf32, #tpu.memory_space<vmem>>)
      %dma_start3A_111 = arith.constant 1 : i32
      %dma_start3A_112 = arith.constant 1 : i32
      %dma_start3A_113 = arith.constant 0 : i32
      %dma_start3A_114 = tpu.memref_slice %arg6[%dma_start3A_111, %dma_start3A_112, %dma_start3A_113] : memref<2x2x128xi32, #tpu.memory_space<vmem>> -> memref<1x1x128xi32, #tpu.memory_space<vmem>>
      %dma_start3A_115 = tpu.memref_squeeze %dma_start3A_114 : memref<1x1x128xi32, #tpu.memory_space<vmem>> -> memref<128xi32, #tpu.memory_space<vmem>>
      %dma_start3A_116 = arith.constant 0 : i32
      %dma_start3A_117 = arith.constant 0 : i32
      %dma_start3A_118 = tpu.memref_slice %arg9[%dma_start3A_116, %dma_start3A_117] : memref<10240x128xf32, #tpu.memory_space<vmem_shared>> -> memref<10240x128xf32, #tpu.memory_space<vmem_shared>>
      tpu.enqueue_indirect_dma source(%arg8 : memref<128x128xf32, #tpu.memory_space<vmem>>) target(%dma_start3A_118 : memref<10240x128xf32, #tpu.memory_space<vmem_shared>>) offsets(%dma_start3A_115 : memref<128xi32, #tpu.memory_space<vmem>>) semaphore(%arg13 : memref<!tpu.dma_semaphore, #tpu.memory_space<semaphore_mem>>) {add = true}
      %add3A_119 = arith.constant 2 : i32
      %add3A_120 = arith.addi %add3A_102, %add3A_119 : i32
      %add3A_121 = arith.addi %select_n3A, %select_n3A_10 : i32
      %lt3A_122 = arith.cmpi slt, %add3A_120, %add3A_121 : i32
      %convert_element_type3A_123 = arith.extui %lt3A_122 : i1 to i32
      %cond3A_124 = arith.constant 0 : i32
      %cond3A_125 = arith.cmpi ne, %convert_element_type3A_123, %cond3A_124 : i32
      scf.if %cond3A_125 {
        %dma_wait3A_126 = arith.constant 1 : i32
        %dma_wait3A_127 = arith.constant 1 : i32
        %dma_wait3A_128 = arith.constant 0 : i32
        %dma_wait3A_129 = tpu.memref_slice %arg6[%dma_wait3A_126, %dma_wait3A_127, %dma_wait3A_128] : memref<2x2x128xi32, #tpu.memory_space<vmem>> -> memref<1x1x128xi32, #tpu.memory_space<vmem>>
        %dma_wait3A_130 = tpu.memref_squeeze %dma_wait3A_129 : memref<1x1x128xi32, #tpu.memory_space<vmem>> -> memref<128xi32, #tpu.memory_space<vmem>>
        %dma_wait3A_131 = arith.constant 0 : i32
        %dma_wait3A_132 = arith.constant 0 : i32
        %dma_wait3A_133 = tpu.memref_slice %arg9[%dma_wait3A_131, %dma_wait3A_132] : memref<10240x128xf32, #tpu.memory_space<vmem_shared>> -> memref<10240x128xf32, #tpu.memory_space<vmem_shared>>
        tpu.wait_indirect_dma semaphore(%arg13 : memref<!tpu.dma_semaphore, #tpu.memory_space<semaphore_mem>>) src(%arg8 : memref<128x128xf32, #tpu.memory_space<vmem>>) dst(%dma_wait3A_133 : memref<10240x128xf32, #tpu.memory_space<vmem_shared>>)
        %run_scoped3A_134 = arith.constant 1 : i32
        "tpu.region"() ({
          %run_scoped3A_143 = tpu.sem_alloc : memref<!tpu.dma_semaphore, #tpu.memory_space<semaphore_mem>>
          %dma_start3A_144 = arith.constant 0 : i32
          %dma_start3A_145 = arith.constant 0 : i32
          %dma_start3A_146 = tpu.memref_slice %arg6[%run_scoped3A_134, %dma_start3A_144, %dma_start3A_145] : memref<2x2x128xi32, #tpu.memory_space<vmem>> -> memref<1x2x128xi32, #tpu.memory_space<vmem>>
          %dma_start3A_147 = tpu.memref_squeeze %dma_start3A_146 : memref<1x2x128xi32, #tpu.memory_space<vmem>> -> memref<2x128xi32, #tpu.memory_space<vmem>>
          %dma_start3A_148 = arith.constant 0 : i32
          %dma_start3A_149 = arith.constant 0 : i32
          %dma_start3A_150 = tpu.memref_slice %arg3[%add3A_120, %dma_start3A_148, %dma_start3A_149] : memref<2528x2x128xi32, #tpu.memory_space<hbm>> -> memref<1x2x128xi32, #tpu.memory_space<hbm>>
          %dma_start3A_151 = tpu.memref_squeeze %dma_start3A_150 : memref<1x2x128xi32, #tpu.memory_space<hbm>> -> memref<2x128xi32, #tpu.memory_space<hbm>>
          %dma_start3A_152 = arith.constant 0 : i32
          %dma_start3A_153 = arith.constant 0 : i32
          %dma_start3A_154 = tpu.memref_slice %arg6[%run_scoped3A_134, %dma_start3A_152, %dma_start3A_153] : memref<2x2x128xi32, #tpu.memory_space<vmem>> -> memref<1x2x128xi32, #tpu.memory_space<vmem>>
          %dma_start3A_155 = tpu.memref_squeeze %dma_start3A_154 : memref<1x2x128xi32, #tpu.memory_space<vmem>> -> memref<2x128xi32, #tpu.memory_space<vmem>>
          %dma_start3A_156 = arith.constant 0 : i32
          %dma_start3A_157 = arith.constant 0 : i32
          %dma_start3A_158 = tpu.memref_slice %arg3[%add3A_120, %dma_start3A_156, %dma_start3A_157] : memref<2528x2x128xi32, #tpu.memory_space<hbm>> -> memref<1x2x128xi32, #tpu.memory_space<hbm>>
          %dma_start3A_159 = tpu.memref_squeeze %dma_start3A_158 : memref<1x2x128xi32, #tpu.memory_space<hbm>> -> memref<2x128xi32, #tpu.memory_space<hbm>>
          tpu.enqueue_dma source(%dma_start3A_159 : memref<2x128xi32, #tpu.memory_space<hbm>>) target(%dma_start3A_155 : memref<2x128xi32, #tpu.memory_space<vmem>>) target_semaphore(%run_scoped3A_143 : memref<!tpu.dma_semaphore, #tpu.memory_space<semaphore_mem>>)
          %dma_wait3A_160 = arith.constant 0 : i32
          %dma_wait3A_161 = arith.constant 0 : i32
          %dma_wait3A_162 = tpu.memref_slice %arg6[%run_scoped3A_134, %dma_wait3A_160, %dma_wait3A_161] : memref<2x2x128xi32, #tpu.memory_space<vmem>> -> memref<1x2x128xi32, #tpu.memory_space<vmem>>
          %dma_wait3A_163 = tpu.memref_squeeze %dma_wait3A_162 : memref<1x2x128xi32, #tpu.memory_space<vmem>> -> memref<2x128xi32, #tpu.memory_space<vmem>>
          %dma_wait3A_164 = arith.constant 0 : i32
          %dma_wait3A_165 = arith.constant 0 : i32
          %dma_wait3A_166 = tpu.memref_slice %arg3[%add3A_120, %dma_wait3A_164, %dma_wait3A_165] : memref<2528x2x128xi32, #tpu.memory_space<hbm>> -> memref<1x2x128xi32, #tpu.memory_space<hbm>>
          %dma_wait3A_167 = tpu.memref_squeeze %dma_wait3A_166 : memref<1x2x128xi32, #tpu.memory_space<hbm>> -> memref<2x128xi32, #tpu.memory_space<hbm>>
          %dma_wait3A_168 = arith.constant 0 : i32
          %dma_wait3A_169 = arith.constant 0 : i32
          %dma_wait3A_170 = tpu.memref_slice %arg6[%run_scoped3A_134, %dma_wait3A_168, %dma_wait3A_169] : memref<2x2x128xi32, #tpu.memory_space<vmem>> -> memref<1x2x128xi32, #tpu.memory_space<vmem>>
          %dma_wait3A_171 = tpu.memref_squeeze %dma_wait3A_170 : memref<1x2x128xi32, #tpu.memory_space<vmem>> -> memref<2x128xi32, #tpu.memory_space<vmem>>
          %dma_wait3A_172 = arith.constant 0 : i32
          %dma_wait3A_173 = arith.constant 0 : i32
          %dma_wait3A_174 = tpu.memref_slice %arg3[%add3A_120, %dma_wait3A_172, %dma_wait3A_173] : memref<2528x2x128xi32, #tpu.memory_space<hbm>> -> memref<1x2x128xi32, #tpu.memory_space<hbm>>
          %dma_wait3A_175 = tpu.memref_squeeze %dma_wait3A_174 : memref<1x2x128xi32, #tpu.memory_space<hbm>> -> memref<2x128xi32, #tpu.memory_space<hbm>>
          tpu.wait_dma2 semaphore(%run_scoped3A_143 : memref<!tpu.dma_semaphore, #tpu.memory_space<semaphore_mem>>) src(%dma_wait3A_175 : memref<2x128xi32, #tpu.memory_space<hbm>>) dst(%dma_wait3A_171 : memref<2x128xi32, #tpu.memory_space<vmem>>)
          tpu.yield
        }) : () -> ()
        %dma_start3A_135 = arith.constant 1 : i32
        %dma_start3A_136 = arith.constant 0 : i32
        %dma_start3A_137 = arith.constant 0 : i32
        %dma_start3A_138 = tpu.memref_slice %arg6[%dma_start3A_135, %dma_start3A_136, %dma_start3A_137] : memref<2x2x128xi32, #tpu.memory_space<vmem>> -> memref<1x1x128xi32, #tpu.memory_space<vmem>>
        %dma_start3A_139 = tpu.memref_squeeze %dma_start3A_138 : memref<1x1x128xi32, #tpu.memory_space<vmem>> -> memref<128xi32, #tpu.memory_space<vmem>>
        %dma_start3A_140 = arith.constant 0 : i32
        %dma_start3A_141 = arith.constant 0 : i32
        %dma_start3A_142 = tpu.memref_slice %arg2[%dma_start3A_140, %dma_start3A_141] : memref<10240x128xf32, #tpu.memory_space<hbm>> -> memref<10240x128xf32, #tpu.memory_space<hbm>>
        tpu.enqueue_indirect_dma source(%dma_start3A_142 : memref<10240x128xf32, #tpu.memory_space<hbm>>) target(%arg8 : memref<128x128xf32, #tpu.memory_space<vmem>>) offsets(%dma_start3A_139 : memref<128xi32, #tpu.memory_space<vmem>>) semaphore(%arg11 : memref<!tpu.dma_semaphore, #tpu.memory_space<semaphore_mem>>)
      } else {
      }
    }
    %while3A_55 = arith.constant 1 : i32
    scf.for %while3A_72 = %while3A_53 to %while3A_49 step %while3A_55  : i32 {
      %mul3A_73 = arith.constant 2 : i32
      %mul3A_74 = arith.muli %mul3A_73, %while3A_72 : i32
      %add3A_75 = arith.addi %select_n3A, %mul3A_74 : i32
      %add3A_76 = arith.constant 0 : i32
      %add3A_77 = arith.addi %add3A_75, %add3A_76 : i32
      %dma_wait3A_78 = arith.constant 0 : i32
      %dma_wait3A_79 = arith.constant 0 : i32
      %dma_wait3A_80 = arith.constant 0 : i32
      %dma_wait3A_81 = tpu.memref_slice %arg6[%dma_wait3A_78, %dma_wait3A_79, %dma_wait3A_80] : memref<2x2x128xi32, #tpu.memory_space<vmem>> -> memref<1x1x128xi32, #tpu.memory_space<vmem>>
      %dma_wait3A_82 = tpu.memref_squeeze %dma_wait3A_81 : memref<1x1x128xi32, #tpu.memory_space<vmem>> -> memref<128xi32, #tpu.memory_space<vmem>>
      %dma_wait3A_83 = arith.constant 0 : i32
      %dma_wait3A_84 = arith.constant 0 : i32
      %dma_wait3A_85 = tpu.memref_slice %arg2[%dma_wait3A_83, %dma_wait3A_84] : memref<10240x128xf32, #tpu.memory_space<hbm>> -> memref<10240x128xf32, #tpu.memory_space<hbm>>
      tpu.wait_indirect_dma semaphore(%arg10 : memref<!tpu.dma_semaphore, #tpu.memory_space<semaphore_mem>>) src(%dma_wait3A_85 : memref<10240x128xf32, #tpu.memory_space<hbm>>) dst(%arg7 : memref<128x128xf32, #tpu.memory_space<vmem>>)
      %dma_start3A_86 = arith.constant 0 : i32
      %dma_start3A_87 = arith.constant 1 : i32
      %dma_start3A_88 = arith.constant 0 : i32
      %dma_start3A_89 = tpu.memref_slice %arg6[%dma_start3A_86, %dma_start3A_87, %dma_start3A_88] : memref<2x2x128xi32, #tpu.memory_space<vmem>> -> memref<1x1x128xi32, #tpu.memory_space<vmem>>
      %dma_start3A_90 = tpu.memref_squeeze %dma_start3A_89 : memref<1x1x128xi32, #tpu.memory_space<vmem>> -> memref<128xi32, #tpu.memory_space<vmem>>
      %dma_start3A_91 = arith.constant 0 : i32
      %dma_start3A_92 = arith.constant 0 : i32
      %dma_start3A_93 = tpu.memref_slice %arg9[%dma_start3A_91, %dma_start3A_92] : memref<10240x128xf32, #tpu.memory_space<vmem_shared>> -> memref<10240x128xf32, #tpu.memory_space<vmem_shared>>
      tpu.enqueue_indirect_dma source(%arg7 : memref<128x128xf32, #tpu.memory_space<vmem>>) target(%dma_start3A_93 : memref<10240x128xf32, #tpu.memory_space<vmem_shared>>) offsets(%dma_start3A_90 : memref<128xi32, #tpu.memory_space<vmem>>) semaphore(%arg12 : memref<!tpu.dma_semaphore, #tpu.memory_space<semaphore_mem>>) {add = true}
      %add3A_94 = arith.constant 2 : i32
      %add3A_95 = arith.addi %add3A_77, %add3A_94 : i32
      %add3A_96 = arith.addi %select_n3A, %select_n3A_10 : i32
      %lt3A = arith.cmpi slt, %add3A_95, %add3A_96 : i32
      %convert_element_type3A = arith.extui %lt3A : i1 to i32
      %cond3A = arith.constant 0 : i32
      %cond3A_97 = arith.cmpi ne, %convert_element_type3A, %cond3A : i32
      scf.if %cond3A_97 {
        %dma_wait3A_126 = arith.constant 0 : i32
        %dma_wait3A_127 = arith.constant 1 : i32
        %dma_wait3A_128 = arith.constant 0 : i32
        %dma_wait3A_129 = tpu.memref_slice %arg6[%dma_wait3A_126, %dma_wait3A_127, %dma_wait3A_128] : memref<2x2x128xi32, #tpu.memory_space<vmem>> -> memref<1x1x128xi32, #tpu.memory_space<vmem>>
        %dma_wait3A_130 = tpu.memref_squeeze %dma_wait3A_129 : memref<1x1x128xi32, #tpu.memory_space<vmem>> -> memref<128xi32, #tpu.memory_space<vmem>>
        %dma_wait3A_131 = arith.constant 0 : i32
        %dma_wait3A_132 = arith.constant 0 : i32
        %dma_wait3A_133 = tpu.memref_slice %arg9[%dma_wait3A_131, %dma_wait3A_132] : memref<10240x128xf32, #tpu.memory_space<vmem_shared>> -> memref<10240x128xf32, #tpu.memory_space<vmem_shared>>
        tpu.wait_indirect_dma semaphore(%arg12 : memref<!tpu.dma_semaphore, #tpu.memory_space<semaphore_mem>>) src(%arg7 : memref<128x128xf32, #tpu.memory_space<vmem>>) dst(%dma_wait3A_133 : memref<10240x128xf32, #tpu.memory_space<vmem_shared>>)
        %run_scoped3A_134 = arith.constant 0 : i32
        "tpu.region"() ({
          %run_scoped3A_143 = tpu.sem_alloc : memref<!tpu.dma_semaphore, #tpu.memory_space<semaphore_mem>>
          %dma_start3A_144 = arith.constant 0 : i32
          %dma_start3A_145 = arith.constant 0 : i32
          %dma_start3A_146 = tpu.memref_slice %arg6[%run_scoped3A_134, %dma_start3A_144, %dma_start3A_145] : memref<2x2x128xi32, #tpu.memory_space<vmem>> -> memref<1x2x128xi32, #tpu.memory_space<vmem>>
          %dma_start3A_147 = tpu.memref_squeeze %dma_start3A_146 : memref<1x2x128xi32, #tpu.memory_space<vmem>> -> memref<2x128xi32, #tpu.memory_space<vmem>>
          %dma_start3A_148 = arith.constant 0 : i32
          %dma_start3A_149 = arith.constant 0 : i32
          %dma_start3A_150 = tpu.memref_slice %arg3[%add3A_95, %dma_start3A_148, %dma_start3A_149] : memref<2528x2x128xi32, #tpu.memory_space<hbm>> -> memref<1x2x128xi32, #tpu.memory_space<hbm>>
          %dma_start3A_151 = tpu.memref_squeeze %dma_start3A_150 : memref<1x2x128xi32, #tpu.memory_space<hbm>> -> memref<2x128xi32, #tpu.memory_space<hbm>>
          %dma_start3A_152 = arith.constant 0 : i32
          %dma_start3A_153 = arith.constant 0 : i32
          %dma_start3A_154 = tpu.memref_slice %arg6[%run_scoped3A_134, %dma_start3A_152, %dma_start3A_153] : memref<2x2x128xi32, #tpu.memory_space<vmem>> -> memref<1x2x128xi32, #tpu.memory_space<vmem>>
          %dma_start3A_155 = tpu.memref_squeeze %dma_start3A_154 : memref<1x2x128xi32, #tpu.memory_space<vmem>> -> memref<2x128xi32, #tpu.memory_space<vmem>>
          %dma_start3A_156 = arith.constant 0 : i32
          %dma_start3A_157 = arith.constant 0 : i32
          %dma_start3A_158 = tpu.memref_slice %arg3[%add3A_95, %dma_start3A_156, %dma_start3A_157] : memref<2528x2x128xi32, #tpu.memory_space<hbm>> -> memref<1x2x128xi32, #tpu.memory_space<hbm>>
          %dma_start3A_159 = tpu.memref_squeeze %dma_start3A_158 : memref<1x2x128xi32, #tpu.memory_space<hbm>> -> memref<2x128xi32, #tpu.memory_space<hbm>>
          tpu.enqueue_dma source(%dma_start3A_159 : memref<2x128xi32, #tpu.memory_space<hbm>>) target(%dma_start3A_155 : memref<2x128xi32, #tpu.memory_space<vmem>>) target_semaphore(%run_scoped3A_143 : memref<!tpu.dma_semaphore, #tpu.memory_space<semaphore_mem>>)
          %dma_wait3A_160 = arith.constant 0 : i32
          %dma_wait3A_161 = arith.constant 0 : i32
          %dma_wait3A_162 = tpu.memref_slice %arg6[%run_scoped3A_134, %dma_wait3A_160, %dma_wait3A_161] : memref<2x2x128xi32, #tpu.memory_space<vmem>> -> memref<1x2x128xi32, #tpu.memory_space<vmem>>
          %dma_wait3A_163 = tpu.memref_squeeze %dma_wait3A_162 : memref<1x2x128xi32, #tpu.memory_space<vmem>> -> memref<2x128xi32, #tpu.memory_space<vmem>>
          %dma_wait3A_164 = arith.constant 0 : i32
          %dma_wait3A_165 = arith.constant 0 : i32
          %dma_wait3A_166 = tpu.memref_slice %arg3[%add3A_95, %dma_wait3A_164, %dma_wait3A_165] : memref<2528x2x128xi32, #tpu.memory_space<hbm>> -> memref<1x2x128xi32, #tpu.memory_space<hbm>>
          %dma_wait3A_167 = tpu.memref_squeeze %dma_wait3A_166 : memref<1x2x128xi32, #tpu.memory_space<hbm>> -> memref<2x128xi32, #tpu.memory_space<hbm>>
          %dma_wait3A_168 = arith.constant 0 : i32
          %dma_wait3A_169 = arith.constant 0 : i32
          %dma_wait3A_170 = tpu.memref_slice %arg6[%run_scoped3A_134, %dma_wait3A_168, %dma_wait3A_169] : memref<2x2x128xi32, #tpu.memory_space<vmem>> -> memref<1x2x128xi32, #tpu.memory_space<vmem>>
          %dma_wait3A_171 = tpu.memref_squeeze %dma_wait3A_170 : memref<1x2x128xi32, #tpu.memory_space<vmem>> -> memref<2x128xi32, #tpu.memory_space<vmem>>
          %dma_wait3A_172 = arith.constant 0 : i32
          %dma_wait3A_173 = arith.constant 0 : i32
          %dma_wait3A_174 = tpu.memref_slice %arg3[%add3A_95, %dma_wait3A_172, %dma_wait3A_173] : memref<2528x2x128xi32, #tpu.memory_space<hbm>> -> memref<1x2x128xi32, #tpu.memory_space<hbm>>
          %dma_wait3A_175 = tpu.memref_squeeze %dma_wait3A_174 : memref<1x2x128xi32, #tpu.memory_space<hbm>> -> memref<2x128xi32, #tpu.memory_space<hbm>>
          tpu.wait_dma2 semaphore(%run_scoped3A_143 : memref<!tpu.dma_semaphore, #tpu.memory_space<semaphore_mem>>) src(%dma_wait3A_175 : memref<2x128xi32, #tpu.memory_space<hbm>>) dst(%dma_wait3A_171 : memref<2x128xi32, #tpu.memory_space<vmem>>)
          tpu.yield
        }) : () -> ()
        %dma_start3A_135 = arith.constant 0 : i32
        %dma_start3A_136 = arith.constant 0 : i32
        %dma_start3A_137 = arith.constant 0 : i32
        %dma_start3A_138 = tpu.memref_slice %arg6[%dma_start3A_135, %dma_start3A_136, %dma_start3A_137] : memref<2x2x128xi32, #tpu.memory_space<vmem>> -> memref<1x1x128xi32, #tpu.memory_space<vmem>>
        %dma_start3A_139 = tpu.memref_squeeze %dma_start3A_138 : memref<1x1x128xi32, #tpu.memory_space<vmem>> -> memref<128xi32, #tpu.memory_space<vmem>>
        %dma_start3A_140 = arith.constant 0 : i32
        %dma_start3A_141 = arith.constant 0 : i32
        %dma_start3A_142 = tpu.memref_slice %arg2[%dma_start3A_140, %dma_start3A_141] : memref<10240x128xf32, #tpu.memory_space<hbm>> -> memref<10240x128xf32, #tpu.memory_space<hbm>>
        tpu.enqueue_indirect_dma source(%dma_start3A_142 : memref<10240x128xf32, #tpu.memory_space<hbm>>) target(%arg7 : memref<128x128xf32, #tpu.memory_space<vmem>>) offsets(%dma_start3A_139 : memref<128xi32, #tpu.memory_space<vmem>>) semaphore(%arg10 : memref<!tpu.dma_semaphore, #tpu.memory_space<semaphore_mem>>)
      } else {
      }
      %mul3A_98 = arith.constant 2 : i32
      %mul3A_99 = arith.muli %mul3A_98, %while3A_72 : i32
      %add3A_100 = arith.addi %select_n3A, %mul3A_99 : i32
      %add3A_101 = arith.constant 1 : i32
      %add3A_102 = arith.addi %add3A_100, %add3A_101 : i32
      %dma_wait3A_103 = arith.constant 1 : i32
      %dma_wait3A_104 = arith.constant 0 : i32
      %dma_wait3A_105 = arith.constant 0 : i32
      %dma_wait3A_106 = tpu.memref_slice %arg6[%dma_wait3A_103, %dma_wait3A_104, %dma_wait3A_105] : memref<2x2x128xi32, #tpu.memory_space<vmem>> -> memref<1x1x128xi32, #tpu.memory_space<vmem>>
      %dma_wait3A_107 = tpu.memref_squeeze %dma_wait3A_106 : memref<1x1x128xi32, #tpu.memory_space<vmem>> -> memref<128xi32, #tpu.memory_space<vmem>>
      %dma_wait3A_108 = arith.constant 0 : i32
      %dma_wait3A_109 = arith.constant 0 : i32
      %dma_wait3A_110 = tpu.memref_slice %arg2[%dma_wait3A_108, %dma_wait3A_109] : memref<10240x128xf32, #tpu.memory_space<hbm>> -> memref<10240x128xf32, #tpu.memory_space<hbm>>
      tpu.wait_indirect_dma semaphore(%arg11 : memref<!tpu.dma_semaphore, #tpu.memory_space<semaphore_mem>>) src(%dma_wait3A_110 : memref<10240x128xf32, #tpu.memory_space<hbm>>) dst(%arg8 : memref<128x128xf32, #tpu.memory_space<vmem>>)
      %dma_start3A_111 = arith.constant 1 : i32
      %dma_start3A_112 = arith.constant 1 : i32
      %dma_start3A_113 = arith.constant 0 : i32
      %dma_start3A_114 = tpu.memref_slice %arg6[%dma_start3A_111, %dma_start3A_112, %dma_start3A_113] : memref<2x2x128xi32, #tpu.memory_space<vmem>> -> memref<1x1x128xi32, #tpu.memory_space<vmem>>
      %dma_start3A_115 = tpu.memref_squeeze %dma_start3A_114 : memref<1x1x128xi32, #tpu.memory_space<vmem>> -> memref<128xi32, #tpu.memory_space<vmem>>
      %dma_start3A_116 = arith.constant 0 : i32
      %dma_start3A_117 = arith.constant 0 : i32
      %dma_start3A_118 = tpu.memref_slice %arg9[%dma_start3A_116, %dma_start3A_117] : memref<10240x128xf32, #tpu.memory_space<vmem_shared>> -> memref<10240x128xf32, #tpu.memory_space<vmem_shared>>
      tpu.enqueue_indirect_dma source(%arg8 : memref<128x128xf32, #tpu.memory_space<vmem>>) target(%dma_start3A_118 : memref<10240x128xf32, #tpu.memory_space<vmem_shared>>) offsets(%dma_start3A_115 : memref<128xi32, #tpu.memory_space<vmem>>) semaphore(%arg13 : memref<!tpu.dma_semaphore, #tpu.memory_space<semaphore_mem>>) {add = true}
      %add3A_119 = arith.constant 2 : i32
      %add3A_120 = arith.addi %add3A_102, %add3A_119 : i32
      %add3A_121 = arith.addi %select_n3A, %select_n3A_10 : i32
      %lt3A_122 = arith.cmpi slt, %add3A_120, %add3A_121 : i32
      %convert_element_type3A_123 = arith.extui %lt3A_122 : i1 to i32
      %cond3A_124 = arith.constant 0 : i32
      %cond3A_125 = arith.cmpi ne, %convert_element_type3A_123, %cond3A_124 : i32
      scf.if %cond3A_125 {
        %dma_wait3A_126 = arith.constant 1 : i32
        %dma_wait3A_127 = arith.constant 1 : i32
        %dma_wait3A_128 = arith.constant 0 : i32
        %dma_wait3A_129 = tpu.memref_slice %arg6[%dma_wait3A_126, %dma_wait3A_127, %dma_wait3A_128] : memref<2x2x128xi32, #tpu.memory_space<vmem>> -> memref<1x1x128xi32, #tpu.memory_space<vmem>>
        %dma_wait3A_130 = tpu.memref_squeeze %dma_wait3A_129 : memref<1x1x128xi32, #tpu.memory_space<vmem>> -> memref<128xi32, #tpu.memory_space<vmem>>
        %dma_wait3A_131 = arith.constant 0 : i32
        %dma_wait3A_132 = arith.constant 0 : i32
        %dma_wait3A_133 = tpu.memref_slice %arg9[%dma_wait3A_131, %dma_wait3A_132] : memref<10240x128xf32, #tpu.memory_space<vmem_shared>> -> memref<10240x128xf32, #tpu.memory_space<vmem_shared>>
        tpu.wait_indirect_dma semaphore(%arg13 : memref<!tpu.dma_semaphore, #tpu.memory_space<semaphore_mem>>) src(%arg8 : memref<128x128xf32, #tpu.memory_space<vmem>>) dst(%dma_wait3A_133 : memref<10240x128xf32, #tpu.memory_space<vmem_shared>>)
        %run_scoped3A_134 = arith.constant 1 : i32
        "tpu.region"() ({
          %run_scoped3A_143 = tpu.sem_alloc : memref<!tpu.dma_semaphore, #tpu.memory_space<semaphore_mem>>
          %dma_start3A_144 = arith.constant 0 : i32
          %dma_start3A_145 = arith.constant 0 : i32
          %dma_start3A_146 = tpu.memref_slice %arg6[%run_scoped3A_134, %dma_start3A_144, %dma_start3A_145] : memref<2x2x128xi32, #tpu.memory_space<vmem>> -> memref<1x2x128xi32, #tpu.memory_space<vmem>>
          %dma_start3A_147 = tpu.memref_squeeze %dma_start3A_146 : memref<1x2x128xi32, #tpu.memory_space<vmem>> -> memref<2x128xi32, #tpu.memory_space<vmem>>
          %dma_start3A_148 = arith.constant 0 : i32
          %dma_start3A_149 = arith.constant 0 : i32
          %dma_start3A_150 = tpu.memref_slice %arg3[%add3A_120, %dma_start3A_148, %dma_start3A_149] : memref<2528x2x128xi32, #tpu.memory_space<hbm>> -> memref<1x2x128xi32, #tpu.memory_space<hbm>>
          %dma_start3A_151 = tpu.memref_squeeze %dma_start3A_150 : memref<1x2x128xi32, #tpu.memory_space<hbm>> -> memref<2x128xi32, #tpu.memory_space<hbm>>
          %dma_start3A_152 = arith.constant 0 : i32
          %dma_start3A_153 = arith.constant 0 : i32
          %dma_start3A_154 = tpu.memref_slice %arg6[%run_scoped3A_134, %dma_start3A_152, %dma_start3A_153] : memref<2x2x128xi32, #tpu.memory_space<vmem>> -> memref<1x2x128xi32, #tpu.memory_space<vmem>>
          %dma_start3A_155 = tpu.memref_squeeze %dma_start3A_154 : memref<1x2x128xi32, #tpu.memory_space<vmem>> -> memref<2x128xi32, #tpu.memory_space<vmem>>
          %dma_start3A_156 = arith.constant 0 : i32
          %dma_start3A_157 = arith.constant 0 : i32
          %dma_start3A_158 = tpu.memref_slice %arg3[%add3A_120, %dma_start3A_156, %dma_start3A_157] : memref<2528x2x128xi32, #tpu.memory_space<hbm>> -> memref<1x2x128xi32, #tpu.memory_space<hbm>>
          %dma_start3A_159 = tpu.memref_squeeze %dma_start3A_158 : memref<1x2x128xi32, #tpu.memory_space<hbm>> -> memref<2x128xi32, #tpu.memory_space<hbm>>
          tpu.enqueue_dma source(%dma_start3A_159 : memref<2x128xi32, #tpu.memory_space<hbm>>) target(%dma_start3A_155 : memref<2x128xi32, #tpu.memory_space<vmem>>) target_semaphore(%run_scoped3A_143 : memref<!tpu.dma_semaphore, #tpu.memory_space<semaphore_mem>>)
          %dma_wait3A_160 = arith.constant 0 : i32
          %dma_wait3A_161 = arith.constant 0 : i32
          %dma_wait3A_162 = tpu.memref_slice %arg6[%run_scoped3A_134, %dma_wait3A_160, %dma_wait3A_161] : memref<2x2x128xi32, #tpu.memory_space<vmem>> -> memref<1x2x128xi32, #tpu.memory_space<vmem>>
          %dma_wait3A_163 = tpu.memref_squeeze %dma_wait3A_162 : memref<1x2x128xi32, #tpu.memory_space<vmem>> -> memref<2x128xi32, #tpu.memory_space<vmem>>
          %dma_wait3A_164 = arith.constant 0 : i32
          %dma_wait3A_165 = arith.constant 0 : i32
          %dma_wait3A_166 = tpu.memref_slice %arg3[%add3A_120, %dma_wait3A_164, %dma_wait3A_165] : memref<2528x2x128xi32, #tpu.memory_space<hbm>> -> memref<1x2x128xi32, #tpu.memory_space<hbm>>
          %dma_wait3A_167 = tpu.memref_squeeze %dma_wait3A_166 : memref<1x2x128xi32, #tpu.memory_space<hbm>> -> memref<2x128xi32, #tpu.memory_space<hbm>>
          %dma_wait3A_168 = arith.constant 0 : i32
          %dma_wait3A_169 = arith.constant 0 : i32
          %dma_wait3A_170 = tpu.memref_slice %arg6[%run_scoped3A_134, %dma_wait3A_168, %dma_wait3A_169] : memref<2x2x128xi32, #tpu.memory_space<vmem>> -> memref<1x2x128xi32, #tpu.memory_space<vmem>>
          %dma_wait3A_171 = tpu.memref_squeeze %dma_wait3A_170 : memref<1x2x128xi32, #tpu.memory_space<vmem>> -> memref<2x128xi32, #tpu.memory_space<vmem>>
          %dma_wait3A_172 = arith.constant 0 : i32
          %dma_wait3A_173 = arith.constant 0 : i32
          %dma_wait3A_174 = tpu.memref_slice %arg3[%add3A_120, %dma_wait3A_172, %dma_wait3A_173] : memref<2528x2x128xi32, #tpu.memory_space<hbm>> -> memref<1x2x128xi32, #tpu.memory_space<hbm>>
          %dma_wait3A_175 = tpu.memref_squeeze %dma_wait3A_174 : memref<1x2x128xi32, #tpu.memory_space<hbm>> -> memref<2x128xi32, #tpu.memory_space<hbm>>
          tpu.wait_dma2 semaphore(%run_scoped3A_143 : memref<!tpu.dma_semaphore, #tpu.memory_space<semaphore_mem>>) src(%dma_wait3A_175 : memref<2x128xi32, #tpu.memory_space<hbm>>) dst(%dma_wait3A_171 : memref<2x128xi32, #tpu.memory_space<vmem>>)
          tpu.yield
        }) : () -> ()
        %dma_start3A_135 = arith.constant 1 : i32
        %dma_start3A_136 = arith.constant 0 : i32
        %dma_start3A_137 = arith.constant 0 : i32
        %dma_start3A_138 = tpu.memref_slice %arg6[%dma_start3A_135, %dma_start3A_136, %dma_start3A_137] : memref<2x2x128xi32, #tpu.memory_space<vmem>> -> memref<1x1x128xi32, #tpu.memory_space<vmem>>
        %dma_start3A_139 = tpu.memref_squeeze %dma_start3A_138 : memref<1x1x128xi32, #tpu.memory_space<vmem>> -> memref<128xi32, #tpu.memory_space<vmem>>
        %dma_start3A_140 = arith.constant 0 : i32
        %dma_start3A_141 = arith.constant 0 : i32
        %dma_start3A_142 = tpu.memref_slice %arg2[%dma_start3A_140, %dma_start3A_141] : memref<10240x128xf32, #tpu.memory_space<hbm>> -> memref<10240x128xf32, #tpu.memory_space<hbm>>
        tpu.enqueue_indirect_dma source(%dma_start3A_142 : memref<10240x128xf32, #tpu.memory_space<hbm>>) target(%arg8 : memref<128x128xf32, #tpu.memory_space<vmem>>) offsets(%dma_start3A_139 : memref<128xi32, #tpu.memory_space<vmem>>) semaphore(%arg11 : memref<!tpu.dma_semaphore, #tpu.memory_space<semaphore_mem>>)
      } else {
      }
    }
    %dma_wait3A = arith.constant 0 : i32
    %dma_wait3A_56 = arith.constant 1 : i32
    %dma_wait3A_57 = arith.constant 0 : i32
    %dma_wait3A_58 = tpu.memref_slice %arg6[%dma_wait3A, %dma_wait3A_56, %dma_wait3A_57] : memref<2x2x128xi32, #tpu.memory_space<vmem>> -> memref<1x1x128xi32, #tpu.memory_space<vmem>>
    %dma_wait3A_59 = tpu.memref_squeeze %dma_wait3A_58 : memref<1x1x128xi32, #tpu.memory_space<vmem>> -> memref<128xi32, #tpu.memory_space<vmem>>
    %dma_wait3A_60 = arith.constant 0 : i32
    %dma_wait3A_61 = arith.constant 0 : i32
    %dma_wait3A_62 = tpu.memref_slice %arg9[%dma_wait3A_60, %dma_wait3A_61] : memref<10240x128xf32, #tpu.memory_space<vmem_shared>> -> memref<10240x128xf32, #tpu.memory_space<vmem_shared>>
    tpu.wait_indirect_dma semaphore(%arg12 : memref<!tpu.dma_semaphore, #tpu.memory_space<semaphore_mem>>) src(%arg7 : memref<128x128xf32, #tpu.memory_space<vmem>>) dst(%dma_wait3A_62 : memref<10240x128xf32, #tpu.memory_space<vmem_shared>>)
    %dma_wait3A_63 = arith.constant 1 : i32
    %dma_wait3A_64 = arith.constant 1 : i32
    %dma_wait3A_65 = arith.constant 0 : i32
    %dma_wait3A_66 = tpu.memref_slice %arg6[%dma_wait3A_63, %dma_wait3A_64, %dma_wait3A_65] : memref<2x2x128xi32, #tpu.memory_space<vmem>> -> memref<1x1x128xi32, #tpu.memory_space<vmem>>
    %dma_wait3A_67 = tpu.memref_squeeze %dma_wait3A_66 : memref<1x1x128xi32, #tpu.memory_space<vmem>> -> memref<128xi32, #tpu.memory_space<vmem>>
    %dma_wait3A_68 = arith.constant 0 : i32
    %dma_wait3A_69 = arith.constant 0 : i32
    %dma_wait3A_70 = tpu.memref_slice %arg9[%dma_wait3A_68, %dma_wait3A_69] : memref<10240x128xf32, #tpu.memory_space<vmem_shared>> -> memref<10240x128xf32, #tpu.memory_space<vmem_shared>>
    tpu.wait_indirect_dma semaphore(%arg13 : memref<!tpu.dma_semaphore, #tpu.memory_space<semaphore_mem>>) src(%arg8 : memref<128x128xf32, #tpu.memory_space<vmem>>) dst(%dma_wait3A_70 : memref<10240x128xf32, #tpu.memory_space<vmem_shared>>)
    %barrier3A_71 = arith.constant 0 : index
    tpu.barrier barrier_id(%barrier3A_71)
    "tpu.region"() ({
      %run_scoped3A_72 = tpu.sem_alloc : memref<!tpu.dma_semaphore, #tpu.memory_space<semaphore_mem>>
      %dma_start3A_73 = arith.constant 0 : i32
      %dma_start3A_74 = tpu.memref_slice %arg5[%arg0, %mul3A_0, %dma_start3A_73] : memref<2x10240x128xf32, #tpu.memory_space<hbm>> -> memref<1x640x128xf32, #tpu.memory_space<hbm>>
      %dma_start3A_75 = tpu.memref_squeeze %dma_start3A_74 : memref<1x640x128xf32, #tpu.memory_space<hbm>> -> memref<640x128xf32, #tpu.memory_space<hbm>>
      %dma_start3A_76 = arith.constant 0 : i32
      %dma_start3A_77 = tpu.memref_slice %arg9[%mul3A_0, %dma_start3A_76] : memref<10240x128xf32, #tpu.memory_space<vmem_shared>> -> memref<640x128xf32, #tpu.memory_space<vmem_shared>>
      tpu.enqueue_dma source(%dma_start3A_77 : memref<640x128xf32, #tpu.memory_space<vmem_shared>>) target(%dma_start3A_75 : memref<640x128xf32, #tpu.memory_space<hbm>>) target_semaphore(%run_scoped3A_72 : memref<!tpu.dma_semaphore, #tpu.memory_space<semaphore_mem>>)
      %dma_wait3A_78 = arith.constant 0 : i32
      %dma_wait3A_79 = tpu.memref_slice %arg5[%arg0, %mul3A_0, %dma_wait3A_78] : memref<2x10240x128xf32, #tpu.memory_space<hbm>> -> memref<1x640x128xf32, #tpu.memory_space<hbm>>
      %dma_wait3A_80 = tpu.memref_squeeze %dma_wait3A_79 : memref<1x640x128xf32, #tpu.memory_space<hbm>> -> memref<640x128xf32, #tpu.memory_space<hbm>>
      %dma_wait3A_81 = arith.constant 0 : i32
      %dma_wait3A_82 = tpu.memref_slice %arg9[%mul3A_0, %dma_wait3A_81] : memref<10240x128xf32, #tpu.memory_space<vmem_shared>> -> memref<640x128xf32, #tpu.memory_space<vmem_shared>>
      tpu.wait_dma2 semaphore(%run_scoped3A_72 : memref<!tpu.dma_semaphore, #tpu.memory_space<semaphore_mem>>) src(%dma_wait3A_82 : memref<640x128xf32, #tpu.memory_space<vmem_shared>>) dst(%dma_wait3A_80 : memref<640x128xf32, #tpu.memory_space<hbm>>)
      tpu.yield
    }) : () -> ()
    return
  }
}

module attributes {stable_mosaic.version = 14 : i64} {
  func.func @_mm_body(%arg0: i32, %arg1: memref<1024x128xf32, #tpu.memory_space<vmem>>, %arg2: memref<128x128xf32, #tpu.memory_space<vmem>>, %arg3: memref<1024x128xf32, #tpu.memory_space<vmem>>) attributes {dimension_semantics = [#tpu.dimension_semantics<arbitrary>], iteration_bounds = array<i64: 10>, scalar_prefetch = 0 : i64, scratch_operands = 0 : i64, tpu.core_type = #tpu.core_type<tc>, window_params = [{transform_indices = @transform_0, window_bounds = array<i64: 1024, 128>}, {pipeline_mode = #tpu.pipeline_mode<synchronous>, transform_indices = @transform_1, window_bounds = array<i64: 128, 128>}, {transform_indices = @transform_2, window_bounds = array<i64: 1024, 128>}]} {
    %get3A = arith.constant 0 : index
    %get3A_0 = arith.constant 0 : index
    %get3A_1 = vector.load %arg1[%get3A, %get3A_0] : memref<1024x128xf32, #tpu.memory_space<vmem>>, vector<1024x128xf32>
    %get3A_2 = arith.constant 0 : index
    %get3A_3 = arith.constant 0 : index
    %get3A_4 = vector.load %arg2[%get3A_2, %get3A_3] : memref<128x128xf32, #tpu.memory_space<vmem>>, vector<128x128xf32>
    %dot_general3A = arith.constant dense<0.000000e+00> : vector<1024x128xf32>
    %dot_general3A_5 = tpu.matmul %get3A_1, %get3A_4, %dot_general3A {dimension_numbers = #tpu.dot_dimension_numbers<[1], [1], [0], [0], [0, 0, 1, 0], [], []>, transpose_lhs_hint = false} : vector<1024x128xf32>, vector<128x128xf32>, vector<1024x128xf32> -> vector<1024x128xf32>
    %swap3A = arith.constant 0 : index
    %swap3A_6 = arith.constant 0 : index
    %swap3A_7 = vector.load %arg3[%swap3A, %swap3A_6] : memref<1024x128xf32, #tpu.memory_space<vmem>>, vector<1024x128xf32>
    tpu.vector_store %arg3[%swap3A, %swap3A_6], %dot_general3A_5 {strides = array<i32>} : memref<1024x128xf32, #tpu.memory_space<vmem>>, vector<1024x128xf32>,
    return
  }
  func.func @transform_0(%arg0: i32) -> (i32, i32) {
    %c0_i32 = arith.constant 0 : i32
    %c0_i32_0 = arith.constant 0 : i32
    return %arg0, %c0_i32 : i32, i32
  }
  func.func @transform_1(%arg0: i32) -> (i32, i32) {
    %c0_i32 = arith.constant 0 : i32
    %c0_i32_0 = arith.constant 0 : i32
    %c0_i32_1 = arith.constant 0 : i32
    return %c0_i32, %c0_i32_0 : i32, i32
  }
  func.func @transform_2(%arg0: i32) -> (i32, i32) {
    %c0_i32 = arith.constant 0 : i32
    %c0_i32_0 = arith.constant 0 : i32
    return %arg0, %c0_i32 : i32, i32
  }
}

module attributes {stable_mosaic.version = 14 : i64} {
  func.func @_mid_body(%arg0: i32, %arg1: memref<2x1024x128xf32, #tpu.memory_space<vmem>>, %arg2: memref<2x1024xf32, #tpu.memory_space<vmem>>, %arg3: memref<1024x128xf32, #tpu.memory_space<vmem>>) attributes {dimension_semantics = [#tpu.dimension_semantics<arbitrary>], iteration_bounds = array<i64: 10>, scalar_prefetch = 0 : i64, scratch_operands = 0 : i64, tpu.core_type = #tpu.core_type<tc>, window_params = [{transform_indices = @transform_0, window_bounds = array<i64: 2, 1024, 128>}, {transform_indices = @transform_1, window_bounds = array<i64: 2, 1024>}, {transform_indices = @transform_2, window_bounds = array<i64: 1024, 128>}]} {
    %get3A = arith.constant 0 : index
    %get3A_0 = arith.constant 0 : index
    %get3A_1 = arith.constant 0 : index
    %get3A_2 = vector.load %arg1[%get3A, %get3A_0, %get3A_1] : memref<2x1024x128xf32, #tpu.memory_space<vmem>>, vector<2x1024x128xf32>
    %get3A_3 = arith.constant 0 : index
    %get3A_4 = arith.constant 0 : index
    %get3A_5 = vector.load %arg2[%get3A_3, %get3A_4] : memref<2x1024xf32, #tpu.memory_space<vmem>>, vector<2x1024xf32>
    %slice3A = vector.extract_strided_slice %get3A_2 {offsets = [0, 0, 0], sizes = [1, 1024, 128], strides = [1, 1, 1]} : vector<2x1024x128xf32> to vector<1x1024x128xf32>
    %squeeze3A = vector.shape_cast %slice3A : vector<1x1024x128xf32> to vector<1024x128xf32>
    %slice3A_6 = vector.extract_strided_slice %get3A_2 {offsets = [1, 0, 0], sizes = [1, 1024, 128], strides = [1, 1, 1]} : vector<2x1024x128xf32> to vector<1x1024x128xf32>
    %squeeze3A_7 = vector.shape_cast %slice3A_6 : vector<1x1024x128xf32> to vector<1024x128xf32>
    %add3A = arith.addf %squeeze3A, %squeeze3A_7 : vector<1024x128xf32>
    %slice3A_8 = vector.extract_strided_slice %get3A_5 {offsets = [0, 0], sizes = [1, 1024], strides = [1, 1]} : vector<2x1024xf32> to vector<1x1024xf32>
    %squeeze3A_9 = vector.shape_cast %slice3A_8 : vector<1x1024xf32> to vector<1024xf32>
    %slice3A_10 = vector.extract_strided_slice %get3A_5 {offsets = [1, 0], sizes = [1, 1024], strides = [1, 1]} : vector<2x1024xf32> to vector<1x1024xf32>
    %squeeze3A_11 = vector.shape_cast %slice3A_10 : vector<1x1024xf32> to vector<1024xf32>
    %add3A_12 = arith.addf %squeeze3A_9, %squeeze3A_11 : vector<1024xf32>
    %gt3A = arith.constant 0.000000e+00 : f32
    %gt3A_13 = vector.broadcast %gt3A : f32 to vector<1024xf32>
    %gt3A_14 = arith.cmpf ogt, %add3A_12, %gt3A_13 : vector<1024xf32>
    %max3A = arith.constant 1.000000e-30 : f32
    %max3A_15 = vector.broadcast %max3A : f32 to vector<1024xf32>
    %max3A_16 = arith.maximumf %add3A_12, %max3A_15 : vector<1024xf32>
    %div3A = arith.constant 1.000000e+00 : f32
    %div3A_17 = vector.broadcast %div3A : f32 to vector<1024xf32>
    %div3A_18 = arith.divf %div3A_17, %max3A_16 : vector<1024xf32>
    %jit3A = arith.constant 0.000000e+00 : f32
    %broadcast_in_dim3A = vector.broadcast %jit3A : f32 to vector<1024xf32>
    %select_n3A = arith.select %gt3A_14, %div3A_18, %broadcast_in_dim3A : vector<1024xi1>, vector<1024xf32>
    %broadcast_in_dim3A_19 = vector.shape_cast %select_n3A : vector<1024xf32> to vector<1024x1xf32>
    %mul3A = vector.broadcast %broadcast_in_dim3A_19 : vector<1024x1xf32> to vector<1024x128xf32>
    %mul3A_20 = arith.mulf %add3A, %mul3A : vector<1024x128xf32>
    %swap3A = arith.constant 0 : index
    %swap3A_21 = arith.constant 0 : index
    %swap3A_22 = vector.load %arg3[%swap3A, %swap3A_21] : memref<1024x128xf32, #tpu.memory_space<vmem>>, vector<1024x128xf32>
    tpu.vector_store %arg3[%swap3A, %swap3A_21], %mul3A_20 {strides = array<i32>} : memref<1024x128xf32, #tpu.memory_space<vmem>>, vector<1024x128xf32>,
    return
  }
  func.func @transform_0(%arg0: i32) -> (i32, i32, i32) {
    %c0_i32 = arith.constant 0 : i32
    %c0_i32_0 = arith.constant 0 : i32
    %c0_i32_1 = arith.constant 0 : i32
    return %c0_i32, %arg0, %c0_i32_0 : i32, i32, i32
  }
  func.func @transform_1(%arg0: i32) -> (i32, i32) {
    %c0_i32 = arith.constant 0 : i32
    %c0_i32_0 = arith.constant 0 : i32
    return %c0_i32, %arg0 : i32, i32
  }
  func.func @transform_2(%arg0: i32) -> (i32, i32) {
    %c0_i32 = arith.constant 0 : i32
    %c0_i32_0 = arith.constant 0 : i32
    return %arg0, %c0_i32 : i32, i32
  }
}

module attributes {stable_mosaic.version = 14 : i64} {
  func.func @_post0_body(%arg0: i32, %arg1: memref<2x1024x128xf32, #tpu.memory_space<vmem>>, %arg2: memref<2x1024xf32, #tpu.memory_space<vmem>>, %arg3: memref<1x128xf32, #tpu.memory_space<vmem>>, %arg4: memref<1024x128xf32, #tpu.memory_space<vmem>>, %arg5: memref<128x128xf32, #tpu.memory_space<vmem>>, %arg6: memref<1024x128xf32, #tpu.memory_space<vmem>>, %arg7: memref<1024x128xf32, #tpu.memory_space<vmem>>, %arg8: memref<1024x128xf32, #tpu.memory_space<vmem>>) attributes {dimension_semantics = [#tpu.dimension_semantics<arbitrary>], iteration_bounds = array<i64: 10>, scalar_prefetch = 0 : i64, scratch_operands = 0 : i64, tpu.core_type = #tpu.core_type<tc>, window_params = [{transform_indices = @transform_0, window_bounds = array<i64: 2, 1024, 128>}, {transform_indices = @transform_1, window_bounds = array<i64: 2, 1024>}, {pipeline_mode = #tpu.pipeline_mode<synchronous>, transform_indices = @transform_2, window_bounds = array<i64: 1, 128>}, {transform_indices = @transform_3, window_bounds = array<i64: 1024, 128>}, {pipeline_mode = #tpu.pipeline_mode<synchronous>, transform_indices = @transform_4, window_bounds = array<i64: 128, 128>}, {transform_indices = @transform_5, window_bounds = array<i64: 1024, 128>}, {transform_indices = @transform_6, window_bounds = array<i64: 1024, 128>}, {transform_indices = @transform_7, window_bounds = array<i64: 1024, 128>}]} {
    %get3A = arith.constant 0 : index
    %get3A_0 = arith.constant 0 : index
    %get3A_1 = arith.constant 0 : index
    %get3A_2 = vector.load %arg1[%get3A, %get3A_0, %get3A_1] : memref<2x1024x128xf32, #tpu.memory_space<vmem>>, vector<2x1024x128xf32>
    %get3A_3 = arith.constant 0 : index
    %get3A_4 = arith.constant 0 : index
    %get3A_5 = vector.load %arg2[%get3A_3, %get3A_4] : memref<2x1024xf32, #tpu.memory_space<vmem>>, vector<2x1024xf32>
    %slice3A = vector.extract_strided_slice %get3A_2 {offsets = [0, 0, 0], sizes = [1, 1024, 128], strides = [1, 1, 1]} : vector<2x1024x128xf32> to vector<1x1024x128xf32>
    %squeeze3A = vector.shape_cast %slice3A : vector<1x1024x128xf32> to vector<1024x128xf32>
    %slice3A_6 = vector.extract_strided_slice %get3A_2 {offsets = [1, 0, 0], sizes = [1, 1024, 128], strides = [1, 1, 1]} : vector<2x1024x128xf32> to vector<1x1024x128xf32>
    %squeeze3A_7 = vector.shape_cast %slice3A_6 : vector<1x1024x128xf32> to vector<1024x128xf32>
    %add3A = arith.addf %squeeze3A, %squeeze3A_7 : vector<1024x128xf32>
    %slice3A_8 = vector.extract_strided_slice %get3A_5 {offsets = [0, 0], sizes = [1, 1024], strides = [1, 1]} : vector<2x1024xf32> to vector<1x1024xf32>
    %squeeze3A_9 = vector.shape_cast %slice3A_8 : vector<1x1024xf32> to vector<1024xf32>
    %slice3A_10 = vector.extract_strided_slice %get3A_5 {offsets = [1, 0], sizes = [1, 1024], strides = [1, 1]} : vector<2x1024xf32> to vector<1x1024xf32>
    %squeeze3A_11 = vector.shape_cast %slice3A_10 : vector<1x1024xf32> to vector<1024xf32>
    %add3A_12 = arith.addf %squeeze3A_9, %squeeze3A_11 : vector<1024xf32>
    %gt3A = arith.constant 0.000000e+00 : f32
    %gt3A_13 = vector.broadcast %gt3A : f32 to vector<1024xf32>
    %gt3A_14 = arith.cmpf ogt, %add3A_12, %gt3A_13 : vector<1024xf32>
    %max3A = arith.constant 1.000000e-30 : f32
    %max3A_15 = vector.broadcast %max3A : f32 to vector<1024xf32>
    %max3A_16 = arith.maximumf %add3A_12, %max3A_15 : vector<1024xf32>
    %div3A = arith.constant 1.000000e+00 : f32
    %div3A_17 = vector.broadcast %div3A : f32 to vector<1024xf32>
    %div3A_18 = arith.divf %div3A_17, %max3A_16 : vector<1024xf32>
    %jit3A = arith.constant 0.000000e+00 : f32
    %broadcast_in_dim3A = vector.broadcast %jit3A : f32 to vector<1024xf32>
    %select_n3A = arith.select %gt3A_14, %div3A_18, %broadcast_in_dim3A : vector<1024xi1>, vector<1024xf32>
    %broadcast_in_dim3A_19 = vector.shape_cast %select_n3A : vector<1024xf32> to vector<1024x1xf32>
    %mul3A = vector.broadcast %broadcast_in_dim3A_19 : vector<1024x1xf32> to vector<1024x128xf32>
    %mul3A_20 = arith.mulf %add3A, %mul3A : vector<1024x128xf32>
    %get3A_21 = arith.constant 0 : index
    %get3A_22 = arith.constant 0 : index
    %get3A_23 = vector.load %arg3[%get3A_21, %get3A_22] : memref<1x128xf32, #tpu.memory_space<vmem>>, vector<1x128xf32>
    %add3A_24 = vector.broadcast %get3A_23 : vector<1x128xf32> to vector<1024x128xf32>
    %add3A_25 = arith.addf %mul3A_20, %add3A_24 : vector<1024x128xf32>
    %gt3A_26 = arith.constant 0.000000e+00 : f32
    %gt3A_27 = vector.broadcast %gt3A_26 : f32 to vector<1024x128xf32>
    %gt3A_28 = arith.cmpf ogt, %add3A_25, %gt3A_27 : vector<1024x128xf32>
    %mul3A_29 = arith.constant 0.00999999977 : f32
    %mul3A_30 = vector.broadcast %mul3A_29 : f32 to vector<1024x128xf32>
    %mul3A_31 = arith.mulf %mul3A_30, %add3A_25 : vector<1024x128xf32>
    %select_n3A_32 = arith.select %gt3A_28, %add3A_25, %mul3A_31 : vector<1024x128xi1>, vector<1024x128xf32>
    %get3A_33 = arith.constant 0 : index
    %get3A_34 = arith.constant 0 : index
    %get3A_35 = vector.load %arg4[%get3A_33, %get3A_34] : memref<1024x128xf32, #tpu.memory_space<vmem>>, vector<1024x128xf32>
    %add3A_36 = arith.addf %select_n3A_32, %get3A_35 : vector<1024x128xf32>
    %swap3A = arith.constant 0 : index
    %swap3A_37 = arith.constant 0 : index
    %swap3A_38 = vector.load %arg6[%swap3A, %swap3A_37] : memref<1024x128xf32, #tpu.memory_space<vmem>>, vector<1024x128xf32>
    tpu.vector_store %arg6[%swap3A, %swap3A_37], %add3A_36 {strides = array<i32>} : memref<1024x128xf32, #tpu.memory_space<vmem>>, vector<1024x128xf32>,
    %get3A_39 = arith.constant 0 : index
    %get3A_40 = arith.constant 0 : index
    %get3A_41 = vector.load %arg4[%get3A_39, %get3A_40] : memref<1024x128xf32, #tpu.memory_space<vmem>>, vector<1024x128xf32>
    %mul3A_42 = arith.constant 5.000000e-01 : f32
    %mul3A_43 = vector.broadcast %mul3A_42 : f32 to vector<1024x128xf32>
    %mul3A_44 = arith.mulf %mul3A_43, %add3A_36 : vector<1024x128xf32>
    %add3A_45 = arith.addf %get3A_41, %mul3A_44 : vector<1024x128xf32>
    %swap3A_46 = arith.constant 0 : index
    %swap3A_47 = arith.constant 0 : index
    %swap3A_48 = vector.load %arg7[%swap3A_46, %swap3A_47] : memref<1024x128xf32, #tpu.memory_space<vmem>>, vector<1024x128xf32>
    tpu.vector_store %arg7[%swap3A_46, %swap3A_47], %add3A_45 {strides = array<i32>} : memref<1024x128xf32, #tpu.memory_space<vmem>>, vector<1024x128xf32>,
    %get3A_49 = arith.constant 0 : index
    %get3A_50 = arith.constant 0 : index
    %get3A_51 = vector.load %arg5[%get3A_49, %get3A_50] : memref<128x128xf32, #tpu.memory_space<vmem>>, vector<128x128xf32>
    %dot_general3A = arith.constant dense<0.000000e+00> : vector<1024x128xf32>
    %dot_general3A_52 = tpu.matmul %add3A_36, %get3A_51, %dot_general3A {dimension_numbers = #tpu.dot_dimension_numbers<[1], [1], [0], [0], [0, 0, 1, 0], [], []>, transpose_lhs_hint = false} : vector<1024x128xf32>, vector<128x128xf32>, vector<1024x128xf32> -> vector<1024x128xf32>
    %swap3A_53 = arith.constant 0 : index
    %swap3A_54 = arith.constant 0 : index
    %swap3A_55 = vector.load %arg8[%swap3A_53, %swap3A_54] : memref<1024x128xf32, #tpu.memory_space<vmem>>, vector<1024x128xf32>
    tpu.vector_store %arg8[%swap3A_53, %swap3A_54], %dot_general3A_52 {strides = array<i32>} : memref<1024x128xf32, #tpu.memory_space<vmem>>, vector<1024x128xf32>,
    return
  }
  func.func @transform_0(%arg0: i32) -> (i32, i32, i32) {
    %c0_i32 = arith.constant 0 : i32
    %c0_i32_0 = arith.constant 0 : i32
    %c0_i32_1 = arith.constant 0 : i32
    return %c0_i32, %arg0, %c0_i32_0 : i32, i32, i32
  }
  func.func @transform_1(%arg0: i32) -> (i32, i32) {
    %c0_i32 = arith.constant 0 : i32
    %c0_i32_0 = arith.constant 0 : i32
    return %c0_i32, %arg0 : i32, i32
  }
  func.func @transform_2(%arg0: i32) -> (i32, i32) {
    %c0_i32 = arith.constant 0 : i32
    %c0_i32_0 = arith.constant 0 : i32
    %c0_i32_1 = arith.constant 0 : i32
    return %c0_i32, %c0_i32_0 : i32, i32
  }
  func.func @transform_3(%arg0: i32) -> (i32, i32) {
    %c0_i32 = arith.constant 0 : i32
    %c0_i32_0 = arith.constant 0 : i32
    return %arg0, %c0_i32 : i32, i32
  }
  func.func @transform_4(%arg0: i32) -> (i32, i32) {
    %c0_i32 = arith.constant 0 : i32
    %c0_i32_0 = arith.constant 0 : i32
    %c0_i32_1 = arith.constant 0 : i32
    return %c0_i32, %c0_i32_0 : i32, i32
  }
  func.func @transform_5(%arg0: i32) -> (i32, i32) {
    %c0_i32 = arith.constant 0 : i32
    %c0_i32_0 = arith.constant 0 : i32
    return %arg0, %c0_i32 : i32, i32
  }
  func.func @transform_6(%arg0: i32) -> (i32, i32) {
    %c0_i32 = arith.constant 0 : i32
    %c0_i32_0 = arith.constant 0 : i32
    return %arg0, %c0_i32 : i32, i32
  }
  func.func @transform_7(%arg0: i32) -> (i32, i32) {
    %c0_i32 = arith.constant 0 : i32
    %c0_i32_0 = arith.constant 0 : i32
    return %arg0, %c0_i32 : i32, i32
  }
}

module attributes {stable_mosaic.version = 14 : i64} {
  func.func @_post1_body(%arg0: i32, %arg1: memref<2x1024x128xf32, #tpu.memory_space<vmem>>, %arg2: memref<2x1024xf32, #tpu.memory_space<vmem>>, %arg3: memref<1x128xf32, #tpu.memory_space<vmem>>, %arg4: memref<1024x128xf32, #tpu.memory_space<vmem>>, %arg5: memref<1024x128xf32, #tpu.memory_space<vmem>>, %arg6: memref<1024x128xf32, #tpu.memory_space<vmem>>) attributes {dimension_semantics = [#tpu.dimension_semantics<arbitrary>], iteration_bounds = array<i64: 10>, scalar_prefetch = 0 : i64, scratch_operands = 0 : i64, tpu.core_type = #tpu.core_type<tc>, window_params = [{transform_indices = @transform_0, window_bounds = array<i64: 2, 1024, 128>}, {transform_indices = @transform_1, window_bounds = array<i64: 2, 1024>}, {pipeline_mode = #tpu.pipeline_mode<synchronous>, transform_indices = @transform_2, window_bounds = array<i64: 1, 128>}, {transform_indices = @transform_3, window_bounds = array<i64: 1024, 128>}, {transform_indices = @transform_4, window_bounds = array<i64: 1024, 128>}, {transform_indices = @transform_5, window_bounds = array<i64: 1024, 128>}]} {
    %get3A = arith.constant 0 : index
    %get3A_0 = arith.constant 0 : index
    %get3A_1 = arith.constant 0 : index
    %get3A_2 = vector.load %arg1[%get3A, %get3A_0, %get3A_1] : memref<2x1024x128xf32, #tpu.memory_space<vmem>>, vector<2x1024x128xf32>
    %get3A_3 = arith.constant 0 : index
    %get3A_4 = arith.constant 0 : index
    %get3A_5 = vector.load %arg2[%get3A_3, %get3A_4] : memref<2x1024xf32, #tpu.memory_space<vmem>>, vector<2x1024xf32>
    %slice3A = vector.extract_strided_slice %get3A_2 {offsets = [0, 0, 0], sizes = [1, 1024, 128], strides = [1, 1, 1]} : vector<2x1024x128xf32> to vector<1x1024x128xf32>
    %squeeze3A = vector.shape_cast %slice3A : vector<1x1024x128xf32> to vector<1024x128xf32>
    %slice3A_6 = vector.extract_strided_slice %get3A_2 {offsets = [1, 0, 0], sizes = [1, 1024, 128], strides = [1, 1, 1]} : vector<2x1024x128xf32> to vector<1x1024x128xf32>
    %squeeze3A_7 = vector.shape_cast %slice3A_6 : vector<1x1024x128xf32> to vector<1024x128xf32>
    %add3A = arith.addf %squeeze3A, %squeeze3A_7 : vector<1024x128xf32>
    %slice3A_8 = vector.extract_strided_slice %get3A_5 {offsets = [0, 0], sizes = [1, 1024], strides = [1, 1]} : vector<2x1024xf32> to vector<1x1024xf32>
    %squeeze3A_9 = vector.shape_cast %slice3A_8 : vector<1x1024xf32> to vector<1024xf32>
    %slice3A_10 = vector.extract_strided_slice %get3A_5 {offsets = [1, 0], sizes = [1, 1024], strides = [1, 1]} : vector<2x1024xf32> to vector<1x1024xf32>
    %squeeze3A_11 = vector.shape_cast %slice3A_10 : vector<1x1024xf32> to vector<1024xf32>
    %add3A_12 = arith.addf %squeeze3A_9, %squeeze3A_11 : vector<1024xf32>
    %gt3A = arith.constant 0.000000e+00 : f32
    %gt3A_13 = vector.broadcast %gt3A : f32 to vector<1024xf32>
    %gt3A_14 = arith.cmpf ogt, %add3A_12, %gt3A_13 : vector<1024xf32>
    %max3A = arith.constant 1.000000e-30 : f32
    %max3A_15 = vector.broadcast %max3A : f32 to vector<1024xf32>
    %max3A_16 = arith.maximumf %add3A_12, %max3A_15 : vector<1024xf32>
    %div3A = arith.constant 1.000000e+00 : f32
    %div3A_17 = vector.broadcast %div3A : f32 to vector<1024xf32>
    %div3A_18 = arith.divf %div3A_17, %max3A_16 : vector<1024xf32>
    %jit3A = arith.constant 0.000000e+00 : f32
    %broadcast_in_dim3A = vector.broadcast %jit3A : f32 to vector<1024xf32>
    %select_n3A = arith.select %gt3A_14, %div3A_18, %broadcast_in_dim3A : vector<1024xi1>, vector<1024xf32>
    %broadcast_in_dim3A_19 = vector.shape_cast %select_n3A : vector<1024xf32> to vector<1024x1xf32>
    %mul3A = vector.broadcast %broadcast_in_dim3A_19 : vector<1024x1xf32> to vector<1024x128xf32>
    %mul3A_20 = arith.mulf %add3A, %mul3A : vector<1024x128xf32>
    %get3A_21 = arith.constant 0 : index
    %get3A_22 = arith.constant 0 : index
    %get3A_23 = vector.load %arg3[%get3A_21, %get3A_22] : memref<1x128xf32, #tpu.memory_space<vmem>>, vector<1x128xf32>
    %add3A_24 = vector.broadcast %get3A_23 : vector<1x128xf32> to vector<1024x128xf32>
    %add3A_25 = arith.addf %mul3A_20, %add3A_24 : vector<1024x128xf32>
    %gt3A_26 = arith.constant 0.000000e+00 : f32
    %gt3A_27 = vector.broadcast %gt3A_26 : f32 to vector<1024x128xf32>
    %gt3A_28 = arith.cmpf ogt, %add3A_25, %gt3A_27 : vector<1024x128xf32>
    %mul3A_29 = arith.constant 0.00999999977 : f32
    %mul3A_30 = vector.broadcast %mul3A_29 : f32 to vector<1024x128xf32>
    %mul3A_31 = arith.mulf %mul3A_30, %add3A_25 : vector<1024x128xf32>
    %select_n3A_32 = arith.select %gt3A_28, %add3A_25, %mul3A_31 : vector<1024x128xi1>, vector<1024x128xf32>
    %get3A_33 = arith.constant 0 : index
    %get3A_34 = arith.constant 0 : index
    %get3A_35 = vector.load %arg4[%get3A_33, %get3A_34] : memref<1024x128xf32, #tpu.memory_space<vmem>>, vector<1024x128xf32>
    %add3A_36 = arith.addf %select_n3A_32, %get3A_35 : vector<1024x128xf32>
    %get3A_37 = arith.constant 0 : index
    %get3A_38 = arith.constant 0 : index
    %get3A_39 = vector.load %arg5[%get3A_37, %get3A_38] : memref<1024x128xf32, #tpu.memory_space<vmem>>, vector<1024x128xf32>
    %mul3A_40 = arith.constant 0.333333343 : f32
    %mul3A_41 = vector.broadcast %mul3A_40 : f32 to vector<1024x128xf32>
    %mul3A_42 = arith.mulf %add3A_36, %mul3A_41 : vector<1024x128xf32>
    %add3A_43 = arith.addf %get3A_39, %mul3A_42 : vector<1024x128xf32>
    %swap3A = arith.constant 0 : index
    %swap3A_44 = arith.constant 0 : index
    %swap3A_45 = vector.load %arg6[%swap3A, %swap3A_44] : memref<1024x128xf32, #tpu.memory_space<vmem>>, vector<1024x128xf32>
    tpu.vector_store %arg6[%swap3A, %swap3A_44], %add3A_43 {strides = array<i32>} : memref<1024x128xf32, #tpu.memory_space<vmem>>, vector<1024x128xf32>,
    return
  }
  func.func @transform_0(%arg0: i32) -> (i32, i32, i32) {
    %c0_i32 = arith.constant 0 : i32
    %c0_i32_0 = arith.constant 0 : i32
    %c0_i32_1 = arith.constant 0 : i32
    return %c0_i32, %arg0, %c0_i32_0 : i32, i32, i32
  }
  func.func @transform_1(%arg0: i32) -> (i32, i32) {
    %c0_i32 = arith.constant 0 : i32
    %c0_i32_0 = arith.constant 0 : i32
    return %c0_i32, %arg0 : i32, i32
  }
  func.func @transform_2(%arg0: i32) -> (i32, i32) {
    %c0_i32 = arith.constant 0 : i32
    %c0_i32_0 = arith.constant 0 : i32
    %c0_i32_1 = arith.constant 0 : i32
    return %c0_i32, %c0_i32_0 : i32, i32
  }
  func.func @transform_3(%arg0: i32) -> (i32, i32) {
    %c0_i32 = arith.constant 0 : i32
    %c0_i32_0 = arith.constant 0 : i32
    return %arg0, %c0_i32 : i32, i32
  }
  func.func @transform_4(%arg0: i32) -> (i32, i32) {
    %c0_i32 = arith.constant 0 : i32
    %c0_i32_0 = arith.constant 0 : i32
    return %arg0, %c0_i32 : i32, i32
  }
  func.func @transform_5(%arg0: i32) -> (i32, i32) {
    %c0_i32 = arith.constant 0 : i32
    %c0_i32_0 = arith.constant 0 : i32
    return %arg0, %c0_i32 : i32, i32
  }
}

</mosaic_0001>

<sc_bundles>
// kernel: kernel.11.cloned.1.call-start
scs
__scs_entry_jumppad:
0x0: {  	(pc) =	sbr.rel $0x88, $3  }
0x1: {  	(tag) =	ssettag $0x0;
	lr =	simm.s32 $0x1  }
0x2: {  	[smem:$0x3F9B] =	sst lr;
	_ =	strace $0xD0000000  }
0x3: {  	_ = 	snop  }
0x4: {  	_ = 	snop  }
0x5: {  	_ = 	snop  }
0x6: {  	_ = 	snop  }
0x7: {  	_ = 	snop  }
__scs_overlays_trampoline_lowered:
0x8: {  	[smem:$0x3FAA] =	sst s0  }
0x9: {  	[smem:$0x3FAB] =	sst s1  }
0xa: {  	[smem:$0x3FAC] =	sst s2  }
0xb: {  	[smem:$0x3FAD] =	sst s3  }
0xc: {  	[smem:$0x3FAE] =	sst s4  }
0xd: {  	[smem:$0x3FAF] =	sst s5  }
0xe: {  	[smem:$0x3FB0] =	sst s6  }
0xf: {  	[smem:$0x3FB1] =	sst s7  }
0x10: {  	[smem:$0x3FB2] =	sst s8  }
0x11: {  	[smem:$0x3FB3] =	sst s9;
	s0 =	simm.s32 @!p0 $0x0  }
0x12: {  	s1 =	sld [smem:$0x3F99];
	s0 =	simm.s32 @p0 $0x1  }
0x13: {  	[smem:$0x3FB4] =	sst s0;
	s0 =	simm.s32 @!p1 $0x0  }
0x14: {  	s2 =	sld [smem:$0x3F98];
	s0 =	simm.s32 @p1 $0x1  }
0x15: {  	[smem:$0x3FB5] =	sst s0;
	s0 =	simm.s32 @!p2 $0x0  }
0x16: {  	s3 =	sld [smem:$0x3FDB];
	s0 =	simm.s32 @p2 $0x1  }
0x17: {  	s4 =	simm.s32 $0x1BF5;
	[smem:$0x3FB7] =	sst s0  }
0x18: {  	s0 =	sld [smem:$0x3F9A];
	_ =	swait.ge [sflag:s4], $0x0  }
0x19: {  	s7 =	sld [smem:$0x3F9B]  }
0x1a: {  	s8 =	sadd.s32 $0xFFFFE003, lr  }
0x1b: {  	s9 =	sadd.s32 $0xFFFFFEF7, lr;
	s5 =	simm.s32 $0xFFFFFFFF;
	p2 =	slt.u32 s8, $0xFFFFF086  }
0x1c: {  	p1 =	slt.u32 s9, $0xF7A;
	s5 =	simm.s32 @!p2 $0x0  }
0x1d: {  	s5 =	simm.s32 @p1 $0x1;
	p0 =	seq.s32 s7, s2  }
0x1e: {  	s7 =	smul.u32 @!p0 $0xF7A, s2;
	p2 =	seq.s32 @!p0 s5, $0x0  }
0x1f: {  	s9 =	smul.u32 $0xF7A, s1;
	s8 =	simm.s32 @!p0 $0x1BF5;
	p2 =	por !p2, p0  }
0x20: {  	[sflag:s8] =	ssyncset.s32 @!p0 $0xFFFFF086;
	s6 =	sadd.s32 @!p0 s3, s7;
	s7 =	simm.s32 @!p0 $0x108  }
0x21: {  	s3 =	sadd.s32 s3, s9;
	s6 =	sadd.s32 @!p0 $0x88, s6;
	s7 =	simm.s32 @p2 $0x1082  }
0x22: {  	[simem:s7], [sflag:s8] =	dma.local @!p0 [hbm:s6], $0xF7A  }
0x23: {  	s9 =	sor.u32 $0xD0000000, s2;
	s6 =	simm.s32 $0x108;
	_ =	swait.ge @!p0 [sflag:s8], $0x0  }
0x24: {  	s3 =	sadd.s32 $0x88, s3;
	s6 =	simm.s32 @!p1 $0x1082;
	[sflag:s4] =	ssyncset.s32 $0xFFFFF086  }
0x25: {  	[simem:s6], [sflag:s4] =	dma.local [hbm:s3], $0xF7A  }
0x26: {  	[smem:$0x3F9B] =	sst s1;
	(tag) =	ssettag s2;
	_ =	strace s9  }
0x27: {  	s1 =	sld [smem:$0x3FAB]  }
0x28: {  	s2 =	sld [smem:$0x3FAC]  }
0x29: {  	s4 =	sld [smem:$0x3FAE]  }
0x2a: {  	p0 =	seq.s32 s5, $0x0;
	s5 =	sld [smem:$0x3FAF]  }
0x2b: {  	s6 =	sld [smem:$0x3FB0]  }
0x2c: {  	s7 =	sld [smem:$0x3FB1]  }
0x2d: {  	s3 =	simm.s32 $0x108;
	s8 =	sld [smem:$0x3FB2]  }
0x2e: {  	s3 =	simm.s32 @!p0 $0x1082;
	s9 =	sld [smem:$0x3FB3]  }
0x2f: {  	lr =	sadd.s32 s0, s3;
	s0 =	sld [smem:$0x3FAA]  }
0x30: {  	s3 =	sld [smem:$0x3FAD]  }
0x31: {  	[smem:$0x3FB6] =	sst s10  }
0x32: {  	s10 =	sld [smem:$0x3FB4];
	_ =	sdelay $0x3  }
0x33: {  	p0 =	seq.s32 s10, $0x1;
	s10 =	sld [smem:$0x3FB6];
	_ =	sdelay $0x3  }
0x34: {  	[smem:$0x3FB6] =	sst s10  }
0x35: {  	s10 =	sld [smem:$0x3FB5];
	_ =	sdelay $0x3  }
0x36: {  	p1 =	seq.s32 s10, $0x1;
	s10 =	sld [smem:$0x3FB6];
	_ =	sdelay $0x3  }
0x37: {  	[smem:$0x3FB6] =	sst s10  }
0x38: {  	s10 =	sld [smem:$0x3FB7]  }
0x39: {  	_ = 	snop;
	(pc) =	sbr.ind lr, $3  }
0x3a: {  	_ = 	snop  }
0x3b: {  	_ = 	snop  }
0x3c: {  	p2 =	seq.s32 s10, $0x1;
	s10 =	sld [smem:$0x3FB6]  }
0x3d: {  	_ =	shalt  }
0x3e: {  	_ =	shalt  }
0x3f: {  	_ =	shalt  }
0x40: {  	_ =	shalt  }
0x41: {  	_ =	shalt  }
0x42: {  	_ =	shalt  }
0x43: {  	_ =	shalt  }
0x44: {  	_ =	shalt  }
0x45: {  	_ =	shalt  }
0x46: {  	_ =	shalt  }
0x47: {  	_ =	shalt  }
0x48: {  	_ =	shalt  }
0x49: {  	_ =	shalt  }
0x4a: {  	_ =	shalt  }
0x4b: {  	_ =	shalt  }
0x4c: {  	_ =	shalt  }
0x4d: {  	_ =	shalt  }
0x4e: {  	_ =	shalt  }
0x4f: {  	_ =	shalt  }
0x50: {  	_ =	shalt  }
0x51: {  	_ =	shalt  }
0x52: {  	_ =	shalt  }
0x53: {  	_ =	shalt  }
0x54: {  	_ =	shalt  }
0x55: {  	_ =	shalt  }
0x56: {  	_ =	shalt  }
0x57: {  	_ =	shalt  }
0x58: {  	_ =	shalt  }
0x59: {  	_ =	shalt  }
0x5a: {  	_ =	shalt  }
0x5b: {  	_ =	shalt  }
0x5c: {  	_ =	shalt  }
0x5d: {  	_ =	shalt  }
0x5e: {  	_ =	shalt  }
0x5f: {  	_ =	shalt  }
0x60: {  	_ =	shalt  }
0x61: {  	_ =	shalt  }
0x62: {  	_ =	shalt  }
0x63: {  	_ =	shalt  }
0x64: {  	_ =	shalt  }
0x65: {  	_ =	shalt  }
0x66: {  	_ =	shalt  }
0x67: {  	_ =	shalt  }
0x68: {  	_ =	shalt  }
0x69: {  	_ =	shalt  }
0x6a: {  	_ =	shalt  }
0x6b: {  	_ =	shalt  }
0x6c: {  	_ =	shalt  }
0x6d: {  	_ =	shalt  }
0x6e: {  	_ =	shalt  }
0x6f: {  	_ =	shalt  }
0x70: {  	_ =	shalt  }
0x71: {  	_ =	shalt  }
0x72: {  	_ =	shalt  }
0x73: {  	_ =	shalt  }
0x74: {  	_ =	shalt  }
0x75: {  	_ =	shalt  }
0x76: {  	_ =	shalt  }
0x77: {  	_ =	shalt  }
0x78: {  	_ =	shalt  }
0x79: {  	_ =	shalt  }
0x7a: {  	_ =	shalt  }
0x7b: {  	_ =	shalt  }
0x7c: {  	_ =	shalt  }
0x7d: {  	_ =	shalt  }
0x7e: {  	_ =	shalt  }
0x7f: {  	_ =	shalt  }
0x80: {  	_ =	shalt  }
0x81: {  	_ =	shalt  }
0x82: {  	_ =	shalt  }
0x83: {  	_ =	shalt  }
0x84: {  	_ =	shalt  }
0x85: {  	_ =	shalt  }
0x86: {  	_ =	shalt  }
0x87: {  	_ =	shalt  }
.Lfunc_end0:
.L_simem_size_0:
called_computation_lowered:
.L_overlay_start_0:
0x88: {  	s2 =	sld [smem:$0x3FD9]  }
0x89: {  	s3 =	sld [smem:$0x3FFE];
	_ =	sdelay $0x1  }
0x8a: {  	s1 =	srdreg.scid  }
0x8b: {  	s0 =	sand.u32 $0x1, s1  }
0x8c: {  	s16 =	sshll.u32 s0, $0xA;
	s2 =	sadd.s32 s3, s2  }
0x8d: {  	s2 =	sadd.s32 s2, s16  }
0x8e: {  	[smem:$0x3FC2] =	sst s2  }
0x8f: {  	_ = 	snop  }
0x90: {  	(tm) =	ssettm $0x1  }
0x91: {  	s17 =	sld [smem:$0x3FFB];
	_ =	sdelay $0x3  }
0x92: {  	_ =	strace s17  }
0x93: {  	s2 =	sld [smem:$0x3FFC];
	_ =	sdelay $0x3  }
0x94: {  	_ =	strace s2  }
0x95: {  	s2 =	sld [smem:$0x3FFD];
	_ =	sdelay $0x3  }
0x96: {  	_ =	strace s2  }
0x97: {  	_ =	strace $0x8FFFFFFF  }
0x98: {  	s18 =	sld [smem:$0x3FDB];
	_ =	sdelay $0x1  }
0x99: {  	s19 =	simm.s32 $_scs_section_size  }
0x9a: {  	s4 =	simm.s32 $_size__tile_overlayer_lowered;
	s5 =	simm.s32 $_tile_overlayer_lowered  }
0x9b: {  	s22 =	simm.s32 $0x1BFF;
	s21 =	sshll.u32 s5, $0x1;
	s2 =	sadd.s32 s19, s18  }
0x9c: {  	s6 =	simm.s32 $0x0;
	s20 =	sshll.u32 s4, $0x1;
	s4 =	sadd.s32 s21, s2  }
0x9d: {  	[timem:s6], [sflag:s22] =	dma.local [hbm:s4], s20  }
0x9e: {  	_ =	swait.ge [sflag:s22], s20  }
0x9f: {  	s3 =	ssub.s32 $0x0, s20;
	[sflag:s22] =	ssyncset.done $0x0  }
0xa0: {  	[sflag:s22] =	ssyncadd.s32 s3;
	_ =	sdelay $0x1  }
0xa1: {  	s23 =	simm.s32 $0x1B8B  }
0xa2: {  	_ =	swait.ge [sflag:s23], $0x1  }
0xa3: {  	[sflag:s23] =	ssyncset.done $0x0  }
0xa4: {  	s25 =	simm.s32 $0x1B8E;
	s24 =	sld [smem:$0x3FFE];
	[sflag:s23] =	ssyncadd.s32 $0xFFFFFFFF  }
0xa5: {  	s26 =	simm.s32 $execute0_lowered;
	[smem:$0x3FD2] =	sst s25  }
0xa6: {  	s4 =	sshll.u32 s26, $0x1;
	_ =	strace $0x80000046;
	[dreg:$0x1] =	wrdreg $0xFFFFFFFF  }
0xa7: {  	s28 =	simm.s32 $_size_execute0_lowered;
	s2 =	sadd.s32 s2, s4;
	[dreg:$0x0] =	wrdreg $0x0  }
0xa8: {  	s4 =	sshll.u32 s28, $0x1;
	[dreg:$0x2] =	wrdreg s2  }
0xa9: {  	[dreg:$0x3] =	wrdreg s4  }
0xaa: {  	[dreg:$0x4] =	wrdreg $0xC0  }
0xab: {  	_ =	task [dreg:s6], $0x5FFFF  }
0xac: {  	[dreg:$0x1] =	wrdreg $0xFFFFFFFF  }
0xad: {  	[dreg:$0x0] =	wrdreg $0x60  }
0xae: {  	[dreg:$0x2] =	wrdreg s24  }
0xaf: {  	[dreg:$0x3] =	wrdreg $0x82800  }
0xb0: {  	[dreg:$0x4] =	wrdreg $0x1C2800  }
0xb1: {  	[dreg:$0x5] =	wrdreg $0x1C5000  }
0xb2: {  	[dreg:$0x6] =	wrdreg $0x9  }
0xb3: {  	_ =	task.clear_ibuf [dreg:s6], $0x7FFFF;
	_ =	strace $0x90000046  }
0xb4: {  	s29 =	simm.s32 $0x9;
	_ =	strace $0x80000048  }
0xb5: {  	_ =	swait.ge [sflag:s29], $0x1  }
0xb6: {  	[sflag:s29] =	ssyncadd.s32 $0xFFFFFFFF  }
0xb7: {  	_ =	strace $0x90000048  }
0xb8: {  	_ =	sfence  }
0xb9: {  	s30 =	sld [smem:$0x0];
	_ =	sdelay $0x2  }
0xba: {  	s31 =	sshll.u32 s1, $0xD;
	s1 =	sshrl.u32 s1, $0x2  }
0xbb: {  	s3 =	sand.u32 $0x4000, s31;
	s1 =	sadd.s32 s1, s30  }
0xbc: {  	s0 =	sor.u32 s3, s0;
	s1 =	sshll.u32 s1, $0x11  }
0xbd: {  	s0 =	sor.u32 s1, s0  }
0xbe: {  	s0 =	sadd.s32 $0x8F2B, s0  }
0xbf: {  	[sflag:s0] =	ssyncadd.remote.s32 $0x1  }
0xc0: {  	_ =	sfence.sel $0xFFFF  }
0xc1: {  	[dreg:$0x0] =	wrdreg $0xFFFFFFFF;
	(pc) =	sbr.abs _section_cstart, $3  }
0xc2: {  	[dreg:$0x1] =	wrdreg $0xFFFFFFFF  }
0xc3: {  	_ =	task.clear_ibuf [dreg:s6], $0x2FFFF;
	_ =	strace $0x9FFFFFFF  }
0xc4: {  	(tm) =	ssettm $0x7FFFFFFF  }
0xc5: {  	_ =	shalt  }
tec
execute0_lowered:
.L_overlay_start_1:
0x0: {  	(tag) =	ssettag $0x1  }
0x1: {  	s0 =	rddreg [dreg:$0x0]  }
0x2: {  	s2 =	rddreg [dreg:$0x1]  }
0x3: {  	s3 =	rddreg [dreg:$0x2]  }
0x4: {  	s4 =	rddreg [dreg:$0x3]  }
0x5: {  	s16 =	stileid.u32;
	s1 =	srdreg.scid  }
0x6: {  	s5 =	simm.s32 $0x0;
	s28 =	simm.s32 $0x200;
	s7 =	smul.u32 $0x1A, s16  }
0x7: {  	s29 =	simm.s32 $0x100;
	s30 =	simm.s32 $0x4200;
	s9 =	smul.u32 $0x84, s16  }
0x8: {  	s31 =	simm.s32 $0x1;
	s1 =	sand.u32 $0x1, s1;
	s12 =	smul.u32 $0x14000, s16  }
0x9: {  	[smem:$0x7FF] =	sst s5;
	s6 =	sadd.s32 $0x16E00, s0;
	s14 =	smul.u32 $0x500, s16  }
0xa: {  	s25 =	sadd.s32 $0x3F200, s0;
	s15 =	sadd.s32 $0x3EE00, s0;
	s17 =	smul.u32 $0x280, s16  }
0xb: {  	s19 =	sshll.u32 s16, $0x6;
	p0 =	seq.s32 s1, $0x0;
	_ =	strace $0x80000047  }
0xc: {  	s11 =	smul.u32 $0x140000, s1;
	[dreg:$0x5] =	wrdreg s25;
	s26 =	sshll.u32 s1, $0x7  }
0xd: {  	[dreg:$0x6] =	wrdreg s15;
	s1 =	ssub.s32 $0x2, s1;
	s15 =	smul.u32 $0x50000, s16  }
0xe: {  	s16 =	simm.s32 $0x8;
	s10 =	sadd.s32 $0x840, s7;
	s20 =	sadd.s32 s17, s3  }
0xf: {  	s21 =	sadd.s32 s17, s4;
	s10 =	smov.u32 @p0 s9;
	s11 =	sadd.s32 s12, s11  }
0x10: {  	s12 =	sor.u32 s26, s14;
	s14 =	sshrl.u32 s1, $0x1;
	[dreg:$0x9] =	wrdreg s20  }
0x11: {  	s18 =	sshrl.u32 s15, $0x2;
	[dreg:$0xa] =	wrdreg s21;
	s8 =	sshll.u32 s10, $0x5  }
0x12: {  	s11 =	sshrl.u32 s11, $0x3;
	s12 =	sshrl.u32 s12, $0x3;
	s1 =	ssub.s32 s1, s14  }
0x13: {  	s13 =	sadd.s32 s8, s0;
	s8 =	sadd.s32 $0x3F000, s0;
	s11 =	sadd.s32 s11, s0  }
0x14: {  	s0 =	sadd.s32 s12, s0;
	s12 =	simm.s32 $0x42;
	s26 =	smax.u32 s1, $0x1  }
0x15: {  	s9 =	sadd.s32 $0x84, s9;
	s12 =	simm.s32 @!p0 $0xD;
	[dreg:$0x10] =	wrdreg s26  }
0x16: {  	s15 =	sadd.s32 $0x85A, s7;
	s22 =	sadd.s32 $0x3200, s13;
	[dreg:$0x7] =	wrdreg s12  }
0x17: {  	s15 =	smov.u32 @p0 s9;
	s23 =	sadd.s32 $0x3220, s13;
	[dreg:$0xb] =	wrdreg s22  }
0x18: {  	s1 =	simm.s32 $0x180;
	s24 =	sadd.s32 $0x41A00, s11;
	[dreg:$0xc] =	wrdreg s23  }
0x19: {  	s25 =	sadd.s32 $0x91A00, s0;
	s0 =	sadd.s32 $0x92400, s0;
	[dreg:$0xd] =	wrdreg s24  }
0x1a: {  	s7 =	sadd.s32 $0x3260, s13;
	s26 =	simm.s32 $0x80;
	[dreg:$0xe] =	wrdreg s25  }
0x1b: {  	s12 =	sadd.s32 s18, s2;
	[dreg:$0xf] =	wrdreg s0;
	s23 =	sadd.s32 $0x3, s10  }
0x1c: {  	s24 =	simm.s32 $0x9;
	s25 =	simm.s32 $0x8200;
	s0 =	simm.s32 $0x2  }
0x1d: {  	[dreg:$0x8] =	wrdreg s12;
	s12 =	sor.u32 $0x1C09, s19;
	s19 =	simm.s32 $0x0  }
.LBB2_1:
0x1e: {  	s9 =	rddreg [dreg:$0x8]  }
0x1f: {  	s22 =	rddreg [dreg:$0x5];
	s20 =	sshrl.u32 s9, $0x3  }
0x20: {  	[spmem:s20], [sflag:s12] =	dma.local [hbm:s22], $0x2800  }
0x21: {  	_ =	swait.ge [sflag:s24], $0x2800  }
0x22: {  	[sflag:s24] =	ssyncset.done $0x0;
	s10 =	rddreg [dreg:$0x9]  }
0x23: {  	[sflag:s24] =	ssyncadd.s32 $0xFFFFD800;
	s21 =	sshrl.u32 s10, $0x3  }
0x24: {  	[spmem:s21], [sflag:s12] =	dma.local [hbm:s8], $0x50  }
0x25: {  	_ =	swait.ge [sflag:s24], $0x50  }
0x26: {  	[sflag:s24] =	ssyncset.done $0x0;
	s11 =	rddreg [dreg:$0xa]  }
0x27: {  	[sflag:s24] =	ssyncadd.s32 $0xFFFFFFB0;
	s10 =	sshrl.u32 s11, $0x3  }
0x28: {  	[spmem:s10], [sflag:s12] =	dma.local [hbm:s8], $0x50  }
0x29: {  	_ =	swait.ge [sflag:s24], $0x50  }
0x2a: {  	[sflag:s24] =	ssyncset.done $0x0  }
0x2b: {  	s13 =	rddreg [dreg:$0x6];
	[sflag:s24] =	ssyncadd.s32 $0xFFFFFFB0  }
0x2c: {  	[tilespmem:s25], [sflag:$0x9] =	stream.linear.gather [hbm4b:s13+s5], $0x80, $0x38;
	[tilespmem:$0x1C780] =	vst v63  }
0x2d: {  	_ =	swait.ge [sflag:s24], $0x80  }
0x2e: {  	[sflag:s24] =	ssyncset.done $0x0  }
0x2f: {  	[sflag:s24] =	ssyncadd.s32 $0xFFFFFF80  }
0x30: {  	[bflag:$0x0] =	sbarrier.arrive $0xFFFF  }
0x31: {  	s14 =	rddreg [dreg:$0xb]  }
0x32: {  	[tilespmem:s5], [sflag:$0x9] =	stream.linear.gather [hbm4b:s14+s5], $0x100, $0x38;
	[tilespmem:$0x1C780] =	vst v63  }
0x33: {  	_ =	swait.ge [sflag:s24], $0x100  }
0x34: {  	[sflag:s24] =	ssyncset.done $0x0  }
0x35: {  	[sflag:s24] =	ssyncadd.s32 $0xFFFFFF00  }
0x36: {  	[tilespmem:s28], [sflag:$0x1] =	stream.indirect.gather [hbm4b:s6+s26], $0x80, s5, s26, $0xb8;
	[tilespmem:$0x1C780] =	vst v63  }
0x37: {  	s17 =	rddreg [dreg:$0xc]  }
0x38: {  	[tilespmem:s29], [sflag:$0x9] =	stream.linear.gather [hbm4b:s17+s5], $0x100, $0x38;
	[tilespmem:$0x1C780] =	vst v63  }
0x39: {  	_ =	swait.ge [sflag:s24], $0x100  }
0x3a: {  	[sflag:s24] =	ssyncset.done $0x0  }
0x3b: {  	[sflag:s24] =	ssyncadd.s32 $0xFFFFFF00  }
0x3c: {  	[tilespmem:s30], [sflag:$0x2] =	stream.indirect.gather [hbm4b:s6+s26], $0x80, s29, s26, $0xb8;
	[tilespmem:$0x1C780] =	vst v63  }
0x3d: {  	_ =	swait.ge [sflag:s31], $0x4000  }
0x3e: {  	[sflag:s31] =	ssyncset.done $0x0  }
0x3f: {  	s18 =	sadd.s32 $0xFFFFFFFF, s23;
	[sflag:s31] =	ssyncadd.s32 $0xFFFFC000  }
0x40: {  	[spmem:s2] =	stream.indirect.scatter.add.f32 [tilespmem:s28], [sflag:$0x3], $0x80, s26, s26, $0xb8;
	[tilespmem:$0x1C780] =	vst v63  }
0x41: {  	p0 =	sge.u32 s18, s15  }
0x42: {  	[spmem:s3] =	stream.indirect.scatter.add.f32 [tilespmem:s25], [sflag:$0x5], $0x1, s5, s26, $0xb8;
	[tilespmem:$0x1C780] =	vst v63  }
0x43: {  	s9 =	simm.s32 @!p0 $0x3  }
0x44: {  	[spmem:s4] =	stream.indirect.scatter.add.f32 [tilespmem:s25], [sflag:$0x7], $0x1, s26, s26, $0xb8;
	[tilespmem:$0x1C780] =	vst v63  }
0x45: {  	_ =	swait.ge @!p0 [sflag:s9], $0x4000  }
0x46: {  	[sflag:s9] =	ssyncset.done @!p0 $0x0  }
0x47: {  	s11 =	simm.s32 @!p0 $0x5;
	[sflag:s9] =	ssyncadd.s32 @!p0 $0xFFFFC000  }
0x48: {  	_ =	swait.ge @!p0 [sflag:s11], $0x80  }
0x49: {  	[sflag:s11] =	ssyncset.done @!p0 $0x0  }
0x4a: {  	s9 =	simm.s32 @!p0 $0x7;
	[sflag:s11] =	ssyncadd.s32 @!p0 $0xFFFFFF80  }
0x4b: {  	_ =	swait.ge @!p0 [sflag:s9], $0x80  }
0x4c: {  	s13 =	simm.s32 @!p0 $0x0;
	[sflag:s9] =	ssyncset.done @!p0 $0x0  }
0x4d: {  	s11 =	sadd.s32 @!p0 $0xFFFFFFE0, s7;
	[sflag:s9] =	ssyncadd.s32 @!p0 $0xFFFFFF80;
	s9 =	simm.s32 @!p0 $0x9  }
0x4e: {  	[tilespmem:s13], [sflag:$0x9] =	stream.linear.gather @!p0 [hbm4b:s11+s13], $0x100, $0x38;
	[tilespmem:$0x1C780] =	vst v63  }
0x4f: {  	_ =	swait.ge @!p0 [sflag:s9], $0x100  }
0x50: {  	[sflag:s9] =	ssyncset.done @!p0 $0x0  }
0x51: {  	s14 =	simm.s32 @!p0 $0x200;
	s11 =	simm.s32 @!p0 $0x80;
	[sflag:s9] =	ssyncadd.s32 @!p0 $0xFFFFFF00  }
0x52: {  	[tilespmem:s14], [sflag:$0x1] =	stream.indirect.gather @!p0 [hbm4b:s6+s11], $0x80, s13, s11, $0xb8;
	[tilespmem:$0x1C780] =	vst v63  }
0x53: {  	_ =	swait.ge [sflag:s0], $0x4000  }
0x54: {  	[sflag:s0] =	ssyncset.done $0x0  }
0x55: {  	[sflag:s0] =	ssyncadd.s32 $0xFFFFC000  }
0x56: {  	[spmem:s2] =	stream.indirect.scatter.add.f32 [tilespmem:s30], [sflag:$0x4], $0x80, s1, s26, $0xb8;
	[tilespmem:$0x1C780] =	vst v63  }
0x57: {  	p1 =	sge.u32 s23, s15  }
0x58: {  	[spmem:s3] =	stream.indirect.scatter.add.f32 [tilespmem:s25], [sflag:$0x6], $0x1, s29, s26, $0xb8;
	[tilespmem:$0x1C780] =	vst v63  }
0x59: {  	s9 =	simm.s32 @!p1 $0x4  }
0x5a: {  	[spmem:s4] =	stream.indirect.scatter.add.f32 [tilespmem:s25], [sflag:$0x8], $0x1, s1, s26, $0xb8;
	[tilespmem:$0x1C780] =	vst v63  }
0x5b: {  	_ =	swait.ge @!p1 [sflag:s9], $0x4000  }
0x5c: {  	[sflag:s9] =	ssyncset.done @!p1 $0x0  }
0x5d: {  	s11 =	simm.s32 @!p1 $0x6;
	[sflag:s9] =	ssyncadd.s32 @!p1 $0xFFFFC000  }
0x5e: {  	_ =	swait.ge @!p1 [sflag:s11], $0x80  }
0x5f: {  	[sflag:s11] =	ssyncset.done @!p1 $0x0  }
0x60: {  	s13 =	simm.s32 @!p1 $0x8;
	[sflag:s11] =	ssyncadd.s32 @!p1 $0xFFFFFF80  }
0x61: {  	_ =	swait.ge @!p1 [sflag:s13], $0x80  }
0x62: {  	s22 =	rddreg [dreg:$0x7]  }
0x63: {  	s17 =	sadd.s32 $0xFFFFFFFF, s22  }
0x64: {  	p0 =	sne.s32 s17, $0x0  }
.Ltmp0:
0x65: {  	s14 =	simm.s32 @!p1 $0x0;
	[sflag:s13] =	ssyncset.done @!p1 $0x0;
	(pc) =	sbr.rel @!p0 .LBB2_3-.Ltmp0, $4  }
0x66: {  	s9 =	simm.s32 @!p1 $0x100;
	s11 =	simm.s32 @!p1 $0x9;
	[sflag:s13] =	ssyncadd.s32 @!p1 $0xFFFFFF80  }
0x67: {  	[tilespmem:s9], [sflag:$0x9] =	stream.linear.gather @!p1 [hbm4b:s7+s14], $0x100, $0x38;
	[tilespmem:$0x1C780] =	vst v63  }
0x68: {  	s18 =	sadd.s32 $0x2, s23;
	s13 =	simm.s32 @!p1 $0x80;
	_ =	swait.ge @!p1 [sflag:s11], $0x100  }
0x69: {  	s22 =	smov.u32 s7;
	s14 =	simm.s32 @!p1 $0x4200;
	[sflag:s11] =	ssyncset.done @!p1 $0x0  }
.LBB2_2:
0x6a: {  	s17 =	sadd.s32 $0xFFFFFFFF, s17;
	[sflag:s11] =	ssyncadd.s32 @!p1 $0xFFFFFF00;
	s22 =	sadd.s32 $0x40, s22  }
0x6b: {  	[tilespmem:s14], [sflag:$0x2] =	stream.indirect.gather @!p1 [hbm4b:s6+s13], $0x80, s9, s13, $0xb8;
	[tilespmem:$0x1C780] =	vst v63  }
0x6c: {  	p0 =	sne.s32 s17, $0x0;
	_ =	swait.ge [sflag:s31], $0x4000  }
0x6d: {  	[sflag:s31] =	ssyncset.done $0x0  }
0x6e: {  	[sflag:s31] =	ssyncadd.s32 $0xFFFFC000  }
0x6f: {  	[spmem:s2] =	stream.indirect.scatter.add.f32 [tilespmem:s28], [sflag:$0x3], $0x80, s26, s26, $0xb8;
	[tilespmem:$0x1C780] =	vst v63  }
0x70: {  	s9 =	sadd.s32 $0xFFFFFFFF, s18  }
0x71: {  	[spmem:s3] =	stream.indirect.scatter.add.f32 [tilespmem:s25], [sflag:$0x5], $0x1, s5, s26, $0xb8;
	[tilespmem:$0x1C780] =	vst v63  }
0x72: {  	p1 =	sge.u32 s9, s15  }
0x73: {  	[spmem:s4] =	stream.indirect.scatter.add.f32 [tilespmem:s25], [sflag:$0x7], $0x1, s26, s26, $0xb8;
	[tilespmem:$0x1C780] =	vst v63  }
0x74: {  	s9 =	simm.s32 @!p1 $0x3  }
0x75: {  	_ =	swait.ge @!p1 [sflag:s9], $0x4000  }
0x76: {  	s11 =	simm.s32 @!p1 $0x5;
	[sflag:s9] =	ssyncset.done @!p1 $0x0  }
0x77: {  	[sflag:s9] =	ssyncadd.s32 @!p1 $0xFFFFC000  }
0x78: {  	_ =	swait.ge @!p1 [sflag:s11], $0x80  }
0x79: {  	s9 =	simm.s32 @!p1 $0x7;
	[sflag:s11] =	ssyncset.done @!p1 $0x0  }
0x7a: {  	[sflag:s11] =	ssyncadd.s32 @!p1 $0xFFFFFF80  }
0x7b: {  	_ =	swait.ge @!p1 [sflag:s9], $0x80  }
0x7c: {  	s13 =	simm.s32 @!p1 $0x0;
	s11 =	sadd.s32 @!p1 $0xFFFFFFE0, s22;
	[sflag:s9] =	ssyncset.done @!p1 $0x0  }
0x7d: {  	[sflag:s9] =	ssyncadd.s32 @!p1 $0xFFFFFF80;
	s9 =	simm.s32 @!p1 $0x9  }
0x7e: {  	[tilespmem:s13], [sflag:$0x9] =	stream.linear.gather @!p1 [hbm4b:s11+s13], $0x100, $0x38;
	[tilespmem:$0x1C780] =	vst v63  }
0x7f: {  	_ =	swait.ge @!p1 [sflag:s9], $0x100  }
0x80: {  	s14 =	simm.s32 @!p1 $0x200;
	s11 =	simm.s32 @!p1 $0x80;
	[sflag:s9] =	ssyncset.done @!p1 $0x0  }
0x81: {  	[sflag:s9] =	ssyncadd.s32 @!p1 $0xFFFFFF00  }
0x82: {  	[tilespmem:s14], [sflag:$0x1] =	stream.indirect.gather @!p1 [hbm4b:s6+s11], $0x80, s13, s11, $0xb8;
	[tilespmem:$0x1C780] =	vst v63  }
0x83: {  	_ =	swait.ge [sflag:s0], $0x4000  }
0x84: {  	[sflag:s0] =	ssyncset.done $0x0  }
0x85: {  	[sflag:s0] =	ssyncadd.s32 $0xFFFFC000  }
0x86: {  	[spmem:s2] =	stream.indirect.scatter.add.f32 [tilespmem:s30], [sflag:$0x4], $0x80, s1, s26, $0xb8;
	[tilespmem:$0x1C780] =	vst v63  }
0x87: {  	p1 =	sge.u32 s18, s15  }
0x88: {  	[spmem:s3] =	stream.indirect.scatter.add.f32 [tilespmem:s25], [sflag:$0x6], $0x1, s29, s26, $0xb8;
	[tilespmem:$0x1C780] =	vst v63  }
0x89: {  	s9 =	simm.s32 @!p1 $0x4  }
0x8a: {  	[spmem:s4] =	stream.indirect.scatter.add.f32 [tilespmem:s25], [sflag:$0x8], $0x1, s1, s26, $0xb8;
	[tilespmem:$0x1C780] =	vst v63  }
0x8b: {  	_ =	swait.ge @!p1 [sflag:s9], $0x4000  }
0x8c: {  	s11 =	simm.s32 @!p1 $0x6;
	[sflag:s9] =	ssyncset.done @!p1 $0x0  }
0x8d: {  	[sflag:s9] =	ssyncadd.s32 @!p1 $0xFFFFC000  }
0x8e: {  	_ =	swait.ge @!p1 [sflag:s11], $0x80  }
0x8f: {  	s13 =	simm.s32 @!p1 $0x8;
	[sflag:s11] =	ssyncset.done @!p1 $0x0  }
0x90: {  	[sflag:s11] =	ssyncadd.s32 @!p1 $0xFFFFFF80  }
0x91: {  	s14 =	simm.s32 @!p1 $0x0;
	_ =	swait.ge @!p1 [sflag:s13], $0x80  }
.Ltmp1:
0x92: {  	s9 =	simm.s32 @!p1 $0x100;
	[sflag:s13] =	ssyncset.done @!p1 $0x0;
	(pc) =	sbr.rel @p0 .LBB2_2-.Ltmp1, $4  }
0x93: {  	s11 =	simm.s32 @!p1 $0x9;
	[sflag:s13] =	ssyncadd.s32 @!p1 $0xFFFFFF80  }
0x94: {  	[tilespmem:s9], [sflag:$0x9] =	stream.linear.gather @!p1 [hbm4b:s22+s14], $0x100, $0x38;
	[tilespmem:$0x1C780] =	vst v63  }
0x95: {  	s18 =	sadd.s32 $0x2, s18;
	_ =	swait.ge @!p1 [sflag:s11], $0x100  }
0x96: {  	s13 =	simm.s32 @!p1 $0x80;
	s14 =	simm.s32 @!p1 $0x4200;
	[sflag:s11] =	ssyncset.done @!p1 $0x0  }
.LBB2_3:
0x97: {  	[sflag:s11] =	ssyncadd.s32 @!p1 $0xFFFFFF00;
	s17 =	simm.s32 $0x3  }
0x98: {  	[tilespmem:s14], [sflag:$0x2] =	stream.indirect.gather @!p1 [hbm4b:s6+s13], $0x80, s9, s13, $0xb8;
	[tilespmem:$0x1C780] =	vst v63  }
0x99: {  	_ =	swait.ge [sflag:s17], $0x4000  }
0x9a: {  	[sflag:s17] =	ssyncset.done $0x0  }
0x9b: {  	s18 =	simm.s32 $0x5;
	[sflag:s17] =	ssyncadd.s32 $0xFFFFC000  }
0x9c: {  	_ =	swait.ge [sflag:s18], $0x80  }
0x9d: {  	[sflag:s18] =	ssyncset.done $0x0  }
0x9e: {  	s22 =	simm.s32 $0x7;
	[sflag:s18] =	ssyncadd.s32 $0xFFFFFF80  }
0x9f: {  	_ =	swait.ge [sflag:s22], $0x80  }
0xa0: {  	[sflag:s22] =	ssyncset.done $0x0  }
0xa1: {  	s11 =	simm.s32 $0x4;
	[sflag:s22] =	ssyncadd.s32 $0xFFFFFF80  }
0xa2: {  	_ =	swait.ge [sflag:s11], $0x4000  }
0xa3: {  	[sflag:s11] =	ssyncset.done $0x0  }
0xa4: {  	s13 =	simm.s32 $0x6;
	[sflag:s11] =	ssyncadd.s32 $0xFFFFC000  }
0xa5: {  	_ =	swait.ge [sflag:s13], $0x80  }
0xa6: {  	[sflag:s13] =	ssyncset.done $0x0  }
0xa7: {  	[sflag:s13] =	ssyncadd.s32 $0xFFFFFF80  }
0xa8: {  	_ =	swait.ge [sflag:s16], $0x80  }
0xa9: {  	[sflag:s16] =	ssyncset.done $0x0  }
0xaa: {  	[sflag:s16] =	ssyncadd.s32 $0xFFFFFF80  }
0xab: {  	[bflag:$0x0] =	sbarrier.arrive $0xFFFF  }
0xac: {  	s14 =	rddreg [dreg:$0xd]  }
0xad: {  	[hbm:s14], [sflag:s12] =	dma.local [spmem:s20], $0x2800  }
0xae: {  	_ =	swait.ge [sflag:s24], $0x2800  }
0xaf: {  	s18 =	simm.s32 $0x20;
	[sflag:s24] =	ssyncset.done $0x0  }
0xb0: {  	s20 =	simm.s32 $0x10;
	s17 =	rddreg [dreg:$0xe];
	[sflag:s24] =	ssyncadd.s32 $0xFFFFD800  }
0xb1: {  	[hbm:s17@s18], [sflag:s12] =	dma.strided [spmem:s21@s20], $0x50, s31, $0x10   }
0xb2: {  	_ =	swait.ge [sflag:s24], $0x50  }
0xb3: {  	[sflag:s24] =	ssyncset.done $0x0  }
0xb4: {  	s21 =	rddreg [dreg:$0xf];
	[sflag:s24] =	ssyncadd.s32 $0xFFFFFFB0  }
0xb5: {  	[hbm:s21@s18], [sflag:s12] =	dma.strided [spmem:s10@s20], $0x50, s31, $0x10   }
0xb6: {  	_ =	swait.ge [sflag:s24], $0x50  }
0xb7: {  	s19 =	sadd.s32 $0x1, s19;
	s22 =	rddreg [dreg:$0x10]  }
0xb8: {  	p0 =	sne.s32 s19, s22  }
.Ltmp2:
0xb9: {  	_ = 	snop;
	(pc) =	sbr.rel @p0 .LBB2_1-.Ltmp2, $3  }
0xba: {  	_ =	sdelay $0x1  }
0xbb: {  	[sflag:s24] =	ssyncset.done $0x0  }
0xbc: {  	[sflag:s24] =	ssyncadd.s32 $0xFFFFFFB0  }
0xbd: {  	_ =	sfence.sel $0x180000  }
0xbe: {  	[bflag:$0x0] =	sbarrier.arrive $0xFFFF  }
0xbf: {  	_ =	strace $0x90000047  }
0xc0: {  	s0 =	stileid.u32;
	[bflag:$0x2] =	sbarrier.arrive $0xFFFF  }
0xc1: {  	p0 =	sne.s32 s0, $0x0;
	s0 =	rddreg [dreg:$0x4]  }
0xc2: {  	s0 =	sadd.s32 @!p0 $0x100000, s0  }
0xc3: {  	[sflag:s0] =	ssyncadd.tile.s32 @!p0 $0x1;
	_ =	shalt  }
.Lfunc_end2:
_tile_overlayer_lowered:
.L_overlay_start_2:
0xc4: {  	(tag) =	ssettag $0x2  }
0xc5: {  	s0 =	rddreg [dreg:$0x0];
	s2 =	stileid.u32  }
0xc6: {  	s1 =	rddreg [dreg:$0x1];
	p0 =	sne.s32 s2, $0x0  }
0xc7: {  	s3 =	rddreg [dreg:$0x2];
	[bflag:$0x3] =	sbarrier.arrive $0xFFFF;
	s2 =	simm.s32 @!p0 $0x1C09  }
0xc8: {  	[timem:s3], [sflag:s2] =	dma.local @!p0 [hbm:s0], s1  }
0xc9: {  	s0 =	simm.s32 @!p0 $0x9  }
0xca: {  	_ =	swait.ge @!p0 [sflag:s0], s1  }
0xcb: {  	s1 =	ssub.s32 @!p0 $0x0, s1;
	[sflag:s0] =	ssyncset.done @!p0 $0x0  }
0xcc: {  	[sflag:s0] =	ssyncadd.s32 @!p0 s1  }
0xcd: {  	[bflag:$0x3] =	sbarrier.arrive $0xFFFF  }
0xce: {  	_ =	shalt  }

// kernel: kernel.14.cloned.1.call-start
scs
__scs_entry_jumppad:
0x0: {  	(pc) =	sbr.rel $0x88, $3  }
0x1: {  	(tag) =	ssettag $0x0;
	lr =	simm.s32 $0x1  }
0x2: {  	[smem:$0x3F9B] =	sst lr;
	_ =	strace $0xD0000000  }
0x3: {  	_ = 	snop  }
0x4: {  	_ = 	snop  }
0x5: {  	_ = 	snop  }
0x6: {  	_ = 	snop  }
0x7: {  	_ = 	snop  }
__scs_overlays_trampoline_lowered:
0x8: {  	[smem:$0x3FAA] =	sst s0  }
0x9: {  	[smem:$0x3FAB] =	sst s1  }
0xa: {  	[smem:$0x3FAC] =	sst s2  }
0xb: {  	[smem:$0x3FAD] =	sst s3  }
0xc: {  	[smem:$0x3FAE] =	sst s4  }
0xd: {  	[smem:$0x3FAF] =	sst s5  }
0xe: {  	[smem:$0x3FB0] =	sst s6  }
0xf: {  	[smem:$0x3FB1] =	sst s7  }
0x10: {  	[smem:$0x3FB2] =	sst s8  }
0x11: {  	[smem:$0x3FB3] =	sst s9;
	s0 =	simm.s32 @!p0 $0x0  }
0x12: {  	s1 =	sld [smem:$0x3F99];
	s0 =	simm.s32 @p0 $0x1  }
0x13: {  	[smem:$0x3FB4] =	sst s0;
	s0 =	simm.s32 @!p1 $0x0  }
0x14: {  	s2 =	sld [smem:$0x3F98];
	s0 =	simm.s32 @p1 $0x1  }
0x15: {  	[smem:$0x3FB5] =	sst s0;
	s0 =	simm.s32 @!p2 $0x0  }
0x16: {  	s3 =	sld [smem:$0x3FDB];
	s0 =	simm.s32 @p2 $0x1  }
0x17: {  	s4 =	simm.s32 $0x1BF5;
	[smem:$0x3FB7] =	sst s0  }
0x18: {  	s0 =	sld [smem:$0x3F9A];
	_ =	swait.ge [sflag:s4], $0x0  }
0x19: {  	s7 =	sld [smem:$0x3F9B]  }
0x1a: {  	s8 =	sadd.s32 $0xFFFFE003, lr  }
0x1b: {  	s9 =	sadd.s32 $0xFFFFFEF7, lr;
	s5 =	simm.s32 $0xFFFFFFFF;
	p2 =	slt.u32 s8, $0xFFFFF086  }
0x1c: {  	p1 =	slt.u32 s9, $0xF7A;
	s5 =	simm.s32 @!p2 $0x0  }
0x1d: {  	s5 =	simm.s32 @p1 $0x1;
	p0 =	seq.s32 s7, s2  }
0x1e: {  	s7 =	smul.u32 @!p0 $0xF7A, s2;
	p2 =	seq.s32 @!p0 s5, $0x0  }
0x1f: {  	s9 =	smul.u32 $0xF7A, s1;
	s8 =	simm.s32 @!p0 $0x1BF5;
	p2 =	por !p2, p0  }
0x20: {  	[sflag:s8] =	ssyncset.s32 @!p0 $0xFFFFF086;
	s6 =	sadd.s32 @!p0 s3, s7;
	s7 =	simm.s32 @!p0 $0x108  }
0x21: {  	s3 =	sadd.s32 s3, s9;
	s6 =	sadd.s32 @!p0 $0x88, s6;
	s7 =	simm.s32 @p2 $0x1082  }
0x22: {  	[simem:s7], [sflag:s8] =	dma.local @!p0 [hbm:s6], $0xF7A  }
0x23: {  	s9 =	sor.u32 $0xD0000000, s2;
	s6 =	simm.s32 $0x108;
	_ =	swait.ge @!p0 [sflag:s8], $0x0  }
0x24: {  	s3 =	sadd.s32 $0x88, s3;
	s6 =	simm.s32 @!p1 $0x1082;
	[sflag:s4] =	ssyncset.s32 $0xFFFFF086  }
0x25: {  	[simem:s6], [sflag:s4] =	dma.local [hbm:s3], $0xF7A  }
0x26: {  	[smem:$0x3F9B] =	sst s1;
	(tag) =	ssettag s2;
	_ =	strace s9  }
0x27: {  	s1 =	sld [smem:$0x3FAB]  }
0x28: {  	s2 =	sld [smem:$0x3FAC]  }
0x29: {  	s4 =	sld [smem:$0x3FAE]  }
0x2a: {  	p0 =	seq.s32 s5, $0x0;
	s5 =	sld [smem:$0x3FAF]  }
0x2b: {  	s6 =	sld [smem:$0x3FB0]  }
0x2c: {  	s7 =	sld [smem:$0x3FB1]  }
0x2d: {  	s3 =	simm.s32 $0x108;
	s8 =	sld [smem:$0x3FB2]  }
0x2e: {  	s3 =	simm.s32 @!p0 $0x1082;
	s9 =	sld [smem:$0x3FB3]  }
0x2f: {  	lr =	sadd.s32 s0, s3;
	s0 =	sld [smem:$0x3FAA]  }
0x30: {  	s3 =	sld [smem:$0x3FAD]  }
0x31: {  	[smem:$0x3FB6] =	sst s10  }
0x32: {  	s10 =	sld [smem:$0x3FB4];
	_ =	sdelay $0x3  }
0x33: {  	p0 =	seq.s32 s10, $0x1;
	s10 =	sld [smem:$0x3FB6];
	_ =	sdelay $0x3  }
0x34: {  	[smem:$0x3FB6] =	sst s10  }
0x35: {  	s10 =	sld [smem:$0x3FB5];
	_ =	sdelay $0x3  }
0x36: {  	p1 =	seq.s32 s10, $0x1;
	s10 =	sld [smem:$0x3FB6];
	_ =	sdelay $0x3  }
0x37: {  	[smem:$0x3FB6] =	sst s10  }
0x38: {  	s10 =	sld [smem:$0x3FB7]  }
0x39: {  	_ = 	snop;
	(pc) =	sbr.ind lr, $3  }
0x3a: {  	_ = 	snop  }
0x3b: {  	_ = 	snop  }
0x3c: {  	p2 =	seq.s32 s10, $0x1;
	s10 =	sld [smem:$0x3FB6]  }
0x3d: {  	_ =	shalt  }
0x3e: {  	_ =	shalt  }
0x3f: {  	_ =	shalt  }
0x40: {  	_ =	shalt  }
0x41: {  	_ =	shalt  }
0x42: {  	_ =	shalt  }
0x43: {  	_ =	shalt  }
0x44: {  	_ =	shalt  }
0x45: {  	_ =	shalt  }
0x46: {  	_ =	shalt  }
0x47: {  	_ =	shalt  }
0x48: {  	_ =	shalt  }
0x49: {  	_ =	shalt  }
0x4a: {  	_ =	shalt  }
0x4b: {  	_ =	shalt  }
0x4c: {  	_ =	shalt  }
0x4d: {  	_ =	shalt  }
0x4e: {  	_ =	shalt  }
0x4f: {  	_ =	shalt  }
0x50: {  	_ =	shalt  }
0x51: {  	_ =	shalt  }
0x52: {  	_ =	shalt  }
0x53: {  	_ =	shalt  }
0x54: {  	_ =	shalt  }
0x55: {  	_ =	shalt  }
0x56: {  	_ =	shalt  }
0x57: {  	_ =	shalt  }
0x58: {  	_ =	shalt  }
0x59: {  	_ =	shalt  }
0x5a: {  	_ =	shalt  }
0x5b: {  	_ =	shalt  }
0x5c: {  	_ =	shalt  }
0x5d: {  	_ =	shalt  }
0x5e: {  	_ =	shalt  }
0x5f: {  	_ =	shalt  }
0x60: {  	_ =	shalt  }
0x61: {  	_ =	shalt  }
0x62: {  	_ =	shalt  }
0x63: {  	_ =	shalt  }
0x64: {  	_ =	shalt  }
0x65: {  	_ =	shalt  }
0x66: {  	_ =	shalt  }
0x67: {  	_ =	shalt  }
0x68: {  	_ =	shalt  }
0x69: {  	_ =	shalt  }
0x6a: {  	_ =	shalt  }
0x6b: {  	_ =	shalt  }
0x6c: {  	_ =	shalt  }
0x6d: {  	_ =	shalt  }
0x6e: {  	_ =	shalt  }
0x6f: {  	_ =	shalt  }
0x70: {  	_ =	shalt  }
0x71: {  	_ =	shalt  }
0x72: {  	_ =	shalt  }
0x73: {  	_ =	shalt  }
0x74: {  	_ =	shalt  }
0x75: {  	_ =	shalt  }
0x76: {  	_ =	shalt  }
0x77: {  	_ =	shalt  }
0x78: {  	_ =	shalt  }
0x79: {  	_ =	shalt  }
0x7a: {  	_ =	shalt  }
0x7b: {  	_ =	shalt  }
0x7c: {  	_ =	shalt  }
0x7d: {  	_ =	shalt  }
0x7e: {  	_ =	shalt  }
0x7f: {  	_ =	shalt  }
0x80: {  	_ =	shalt  }
0x81: {  	_ =	shalt  }
0x82: {  	_ =	shalt  }
0x83: {  	_ =	shalt  }
0x84: {  	_ =	shalt  }
0x85: {  	_ =	shalt  }
0x86: {  	_ =	shalt  }
0x87: {  	_ =	shalt  }
.Lfunc_end0:
.L_simem_size_0:
called_computation.1_lowered:
.L_overlay_start_0:
0x88: {  	s2 =	sld [smem:$0x3FD9]  }
0x89: {  	s3 =	sld [smem:$0x3FFE];
	_ =	sdelay $0x1  }
0x8a: {  	s1 =	srdreg.scid  }
0x8b: {  	s0 =	sand.u32 $0x1, s1  }
0x8c: {  	s17 =	sshll.u32 s0, $0xA;
	s2 =	sadd.s32 s3, s2  }
0x8d: {  	s2 =	sadd.s32 s2, s17  }
0x8e: {  	[smem:$0x3FC2] =	sst s2  }
0x8f: {  	_ = 	snop  }
0x90: {  	s2 =	sld [smem:$0x3FD0];
	(tm) =	ssettm $0x1  }
0x91: {  	s18 =	sld [smem:$0x3FFB];
	_ =	sdelay $0x3  }
0x92: {  	_ =	strace s18  }
0x93: {  	s3 =	sld [smem:$0x3FFC];
	_ =	sdelay $0x3  }
0x94: {  	_ =	strace s3  }
0x95: {  	s3 =	sld [smem:$0x3FFD];
	_ =	sdelay $0x3  }
0x96: {  	_ =	strace s3  }
0x97: {  	_ =	strace $0x8FFFFFFF  }
0x98: {  	s19 =	sld [smem:$0x3FDB];
	_ =	sdelay $0x1  }
0x99: {  	s4 =	simm.s32 $_scs_section_size  }
0x9a: {  	s5 =	simm.s32 $_size__tile_overlayer_lowered;
	s6 =	simm.s32 $_tile_overlayer_lowered  }
0x9b: {  	s22 =	simm.s32 $0x1BFF;
	s21 =	sshll.u32 s6, $0x1;
	s3 =	sadd.s32 s4, s19  }
0x9c: {  	s7 =	simm.s32 $0x0;
	s20 =	sshll.u32 s5, $0x1;
	s5 =	sadd.s32 s21, s3  }
0x9d: {  	[timem:s7], [sflag:s22] =	dma.local [hbm:s5], s20  }
0x9e: {  	_ =	swait.ge [sflag:s22], s20  }
0x9f: {  	s4 =	ssub.s32 $0x0, s20;
	[sflag:s22] =	ssyncset.done $0x0  }
0xa0: {  	[sflag:s22] =	ssyncadd.s32 s4;
	_ =	sdelay $0x1  }
0xa1: {  	s23 =	simm.s32 $0x1B8B  }
0xa2: {  	_ =	swait.ge [sflag:s23], $0x1  }
0xa3: {  	[sflag:s23] =	ssyncset.done $0x0  }
0xa4: {  	s25 =	simm.s32 $0x1B8E;
	s24 =	sld [smem:$0x3FFE];
	[sflag:s23] =	ssyncadd.s32 $0xFFFFFFFF  }
0xa5: {  	s26 =	simm.s32 $execute0_lowered;
	[smem:$0x3FD2] =	sst s25  }
0xa6: {  	s5 =	sshll.u32 s26, $0x1;
	_ =	strace $0x80000049;
	[dreg:$0x1] =	wrdreg $0xFFFFFFFF  }
0xa7: {  	s28 =	simm.s32 $_size_execute0_lowered;
	s3 =	sadd.s32 s3, s5;
	[dreg:$0x0] =	wrdreg $0x0  }
0xa8: {  	s5 =	sshll.u32 s28, $0x1;
	[dreg:$0x2] =	wrdreg s3  }
0xa9: {  	[dreg:$0x3] =	wrdreg s5  }
0xaa: {  	[dreg:$0x4] =	wrdreg $0xC0  }
0xab: {  	_ =	task [dreg:s7], $0x5FFFF  }
0xac: {  	[dreg:$0x1] =	wrdreg $0xFFFFFFFF  }
0xad: {  	[dreg:$0x0] =	wrdreg $0x60  }
0xae: {  	[dreg:$0x2] =	wrdreg s24  }
0xaf: {  	[dreg:$0x3] =	wrdreg s2  }
0xb0: {  	[dreg:$0x4] =	wrdreg $0x82000  }
0xb1: {  	[dreg:$0x5] =	wrdreg $0x9  }
0xb2: {  	_ =	task.clear_ibuf [dreg:s7], $0x6FFFF;
	_ =	strace $0x90000049  }
0xb3: {  	s29 =	simm.s32 $0x9;
	_ =	strace $0x8000004B  }
0xb4: {  	_ =	swait.ge [sflag:s29], $0x1  }
0xb5: {  	[sflag:s29] =	ssyncadd.s32 $0xFFFFFFFF  }
0xb6: {  	_ =	strace $0x9000004B  }
0xb7: {  	_ =	sfence  }
0xb8: {  	s30 =	sld [smem:$0x0];
	_ =	sdelay $0x2  }
0xb9: {  	s31 =	sshll.u32 s1, $0xD;
	s1 =	sshrl.u32 s1, $0x2  }
0xba: {  	s3 =	sand.u32 $0x4000, s31;
	s1 =	sadd.s32 s1, s30  }
0xbb: {  	s0 =	sor.u32 s3, s0;
	s1 =	sshll.u32 s1, $0x11  }
0xbc: {  	s0 =	sor.u32 s1, s0  }
0xbd: {  	s0 =	sadd.s32 $0x8F2B, s0  }
0xbe: {  	[sflag:s0] =	ssyncadd.remote.s32 $0x1  }
0xbf: {  	_ =	sfence.sel $0xFFFF  }
0xc0: {  	[dreg:$0x0] =	wrdreg $0xFFFFFFFF;
	(pc) =	sbr.abs _section_cstart, $3  }
0xc1: {  	[dreg:$0x1] =	wrdreg $0xFFFFFFFF  }
0xc2: {  	_ =	task.clear_ibuf [dreg:s7], $0x2FFFF;
	_ =	strace $0x9FFFFFFF  }
0xc3: {  	(tm) =	ssettm $0x7FFFFFFF  }
tec
execute0_lowered:
.L_overlay_start_1:
0x0: {  	(tag) =	ssettag $0x1  }
0x1: {  	s0 =	rddreg [dreg:$0x0]  }
0x2: {  	s2 =	rddreg [dreg:$0x1]  }
0x3: {  	s1 =	rddreg [dreg:$0x2]  }
0x4: {  	s3 =	srdreg.scid;
	s11 =	stileid.u32;
	s16 =	simm.s32 $0x5  }
0x5: {  	s17 =	simm.s32 $0x80;
	s18 =	simm.s32 $0x200;
	s19 =	simm.s32 $0x100  }
0x6: {  	s20 =	simm.s32 $0x4200;
	s21 =	simm.s32 $0x1;
	s7 =	smul.u32 $0x14000, s11  }
0x7: {  	s22 =	simm.s32 $0x2;
	s23 =	simm.s32 $0x180;
	s9 =	smul.u32 $0x1A, s11  }
0x8: {  	s24 =	simm.s32 $0x3;
	s5 =	sand.u32 $0x1, s3;
	s10 =	smul.u32 $0x84, s11  }
0x9: {  	s3 =	simm.s32 $0x0;
	s4 =	sadd.s32 $0x16E00, s0;
	s28 =	smul.u32 $0x50000, s11  }
0xa: {  	s8 =	sadd.s32 $0x3F200, s0;
	s30 =	sshll.u32 s11, $0x6;
	s6 =	smul.u32 $0x140000, s5  }
0xb: {  	[smem:$0x7FF] =	sst s3;
	s25 =	ssub.s32 $0x2, s5;
	p0 =	seq.s32 s5, $0x0  }
0xc: {  	_ =	strace $0x8000004A;
	[dreg:$0x4] =	wrdreg s8;
	s26 =	sshrl.u32 s25, $0x1  }
0xd: {  	s5 =	sadd.s32 $0x840, s9;
	s29 =	sshrl.u32 s28, $0x2;
	s9 =	sadd.s32 $0x85A, s9  }
0xe: {  	s6 =	sadd.s32 s7, s6;
	s12 =	ssub.s32 s25, s26;
	s5 =	smov.u32 @p0 s10  }
0xf: {  	s15 =	sadd.s32 s29, s1;
	s7 =	sor.u32 $0x1C05, s30;
	s25 =	simm.s32 $0x4  }
0x10: {  	s26 =	simm.s32 $0x0;
	s6 =	sshrl.u32 s6, $0x3;
	s31 =	sshll.u32 s5, $0x5  }
0x11: {  	s12 =	smax.u32 s12, $0x1;
	s14 =	sadd.s32 $0x3, s5;
	s15 =	sshrl.u32 s15, $0x3  }
0x12: {  	s0 =	sadd.s32 s6, s0;
	s6 =	simm.s32 $0x42;
	s8 =	sadd.s32 s2, s31  }
0x13: {  	s2 =	sadd.s32 $0x84, s10;
	s6 =	simm.s32 @!p0 $0xD;
	s10 =	sadd.s32 $0x20, s8  }
0x14: {  	s9 =	smov.u32 @p0 s2;
	s11 =	sadd.s32 $0x41A00, s0;
	s13 =	sadd.s32 $0x60, s8  }
.LBB2_1:
0x15: {  	s0 =	rddreg [dreg:$0x4]  }
0x16: {  	[spmem:s15], [sflag:s7] =	dma.local [hbm:s0], $0x2800  }
0x17: {  	_ =	swait.ge [sflag:s16], $0x2800  }
0x18: {  	[sflag:s16] =	ssyncset.done $0x0  }
0x19: {  	[sflag:s16] =	ssyncadd.s32 $0xFFFFD800  }
0x1a: {  	[bflag:$0x0] =	sbarrier.arrive $0xFFFF  }
0x1b: {  	[tilespmem:s3], [sflag:$0x5] =	stream.linear.gather [hbm4b:s8+s3], $0x100, $0x38;
	[tilespmem:$0x1C200] =	vst v63  }
0x1c: {  	_ =	swait.ge [sflag:s16], $0x100  }
0x1d: {  	[sflag:s16] =	ssyncset.done $0x0  }
0x1e: {  	[sflag:s16] =	ssyncadd.s32 $0xFFFFFF00  }
0x1f: {  	[tilespmem:s18], [sflag:$0x1] =	stream.indirect.gather [hbm4b:s4+s17], $0x80, s3, s17, $0xb8;
	[tilespmem:$0x1C200] =	vst v63  }
0x20: {  	_ = 	snop  }
0x21: {  	[tilespmem:s19], [sflag:$0x5] =	stream.linear.gather [hbm4b:s10+s3], $0x100, $0x38;
	[tilespmem:$0x1C200] =	vst v63  }
0x22: {  	_ =	swait.ge [sflag:s16], $0x100  }
0x23: {  	[sflag:s16] =	ssyncset.done $0x0  }
0x24: {  	[sflag:s16] =	ssyncadd.s32 $0xFFFFFF00  }
0x25: {  	[tilespmem:s20], [sflag:$0x2] =	stream.indirect.gather [hbm4b:s4+s17], $0x80, s19, s17, $0xb8;
	[tilespmem:$0x1C200] =	vst v63  }
0x26: {  	s5 =	sadd.s32 $0xFFFFFFFF, s14;
	_ =	swait.ge [sflag:s21], $0x4000  }
0x27: {  	p0 =	sge.u32 s5, s9;
	[sflag:s21] =	ssyncset.done $0x0  }
0x28: {  	s0 =	simm.s32 @!p0 $0x3;
	[sflag:s21] =	ssyncadd.s32 $0xFFFFC000  }
0x29: {  	[spmem:s1] =	stream.indirect.scatter.add.f32 [tilespmem:s18], [sflag:$0x3], $0x80, s17, s17, $0xb8;
	[tilespmem:$0x1C200] =	vst v63  }
0x2a: {  	_ =	swait.ge @!p0 [sflag:s0], $0x4000  }
0x2b: {  	s2 =	sadd.s32 @!p0 $0xFFFFFFE0, s13;
	[sflag:s0] =	ssyncset.done @!p0 $0x0  }
0x2c: {  	s5 =	simm.s32 @!p0 $0x0;
	[sflag:s0] =	ssyncadd.s32 @!p0 $0xFFFFC000;
	s0 =	simm.s32 @!p0 $0x5  }
0x2d: {  	[tilespmem:s5], [sflag:$0x5] =	stream.linear.gather @!p0 [hbm4b:s2+s5], $0x100, $0x38;
	[tilespmem:$0x1C200] =	vst v63  }
0x2e: {  	_ =	swait.ge @!p0 [sflag:s0], $0x100  }
0x2f: {  	[sflag:s0] =	ssyncset.done @!p0 $0x0  }
0x30: {  	s28 =	simm.s32 @!p0 $0x200;
	s2 =	simm.s32 @!p0 $0x80;
	[sflag:s0] =	ssyncadd.s32 @!p0 $0xFFFFFF00  }
0x31: {  	[tilespmem:s28], [sflag:$0x1] =	stream.indirect.gather @!p0 [hbm4b:s4+s2], $0x80, s5, s2, $0xb8;
	[tilespmem:$0x1C200] =	vst v63  }
0x32: {  	_ =	swait.ge [sflag:s22], $0x4000  }
0x33: {  	p1 =	sge.u32 s14, s9;
	[sflag:s22] =	ssyncset.done $0x0  }
0x34: {  	s0 =	simm.s32 @!p1 $0x4;
	s28 =	sadd.s32 $0xFFFFFFFF, s6;
	[sflag:s22] =	ssyncadd.s32 $0xFFFFC000  }
0x35: {  	[spmem:s1] =	stream.indirect.scatter.add.f32 [tilespmem:s20], [sflag:$0x4], $0x80, s23, s17, $0xb8;
	[tilespmem:$0x1C200] =	vst v63  }
0x36: {  	p0 =	sne.s32 s28, $0x0;
	_ =	swait.ge @!p1 [sflag:s0], $0x4000  }
.Ltmp0:
0x37: {  	s31 =	simm.s32 @!p1 $0x100;
	[sflag:s0] =	ssyncset.done @!p1 $0x0;
	(pc) =	sbr.rel @!p0 .LBB2_3-.Ltmp0, $4  }
0x38: {  	s2 =	simm.s32 @!p1 $0x0;
	[sflag:s0] =	ssyncadd.s32 @!p1 $0xFFFFC000;
	s0 =	simm.s32 @!p1 $0x5  }
0x39: {  	[tilespmem:s31], [sflag:$0x5] =	stream.linear.gather @!p1 [hbm4b:s13+s2], $0x100, $0x38;
	[tilespmem:$0x1C200] =	vst v63  }
0x3a: {  	s29 =	sadd.s32 $0x2, s14;
	s30 =	smov.u32 s13;
	_ =	swait.ge @!p1 [sflag:s0], $0x100  }
0x3b: {  	s5 =	simm.s32 @!p1 $0x4200;
	s2 =	simm.s32 @!p1 $0x80;
	[sflag:s0] =	ssyncset.done @!p1 $0x0  }
.LBB2_2:
0x3c: {  	s28 =	sadd.s32 $0xFFFFFFFF, s28;
	[sflag:s0] =	ssyncadd.s32 @!p1 $0xFFFFFF00;
	s30 =	sadd.s32 $0x40, s30  }
0x3d: {  	[tilespmem:s5], [sflag:$0x2] =	stream.indirect.gather @!p1 [hbm4b:s4+s2], $0x80, s31, s2, $0xb8;
	[tilespmem:$0x1C200] =	vst v63  }
0x3e: {  	s0 =	sadd.s32 $0xFFFFFFFF, s29;
	p0 =	sne.s32 s28, $0x0;
	_ =	swait.ge [sflag:s21], $0x4000  }
0x3f: {  	p1 =	sge.u32 s0, s9;
	[sflag:s21] =	ssyncset.done $0x0  }
0x40: {  	s0 =	simm.s32 @!p1 $0x3;
	[sflag:s21] =	ssyncadd.s32 $0xFFFFC000  }
0x41: {  	[spmem:s1] =	stream.indirect.scatter.add.f32 [tilespmem:s18], [sflag:$0x3], $0x80, s17, s17, $0xb8;
	[tilespmem:$0x1C200] =	vst v63  }
0x42: {  	_ =	swait.ge @!p1 [sflag:s0], $0x4000  }
0x43: {  	s2 =	sadd.s32 @!p1 $0xFFFFFFE0, s30;
	s5 =	simm.s32 @!p1 $0x0;
	[sflag:s0] =	ssyncset.done @!p1 $0x0  }
0x44: {  	[sflag:s0] =	ssyncadd.s32 @!p1 $0xFFFFC000;
	s0 =	simm.s32 @!p1 $0x5  }
0x45: {  	[tilespmem:s5], [sflag:$0x5] =	stream.linear.gather @!p1 [hbm4b:s2+s5], $0x100, $0x38;
	[tilespmem:$0x1C200] =	vst v63  }
0x46: {  	_ =	swait.ge @!p1 [sflag:s0], $0x100  }
0x47: {  	s31 =	simm.s32 @!p1 $0x200;
	s2 =	simm.s32 @!p1 $0x80;
	[sflag:s0] =	ssyncset.done @!p1 $0x0  }
0x48: {  	[sflag:s0] =	ssyncadd.s32 @!p1 $0xFFFFFF00  }
0x49: {  	[tilespmem:s31], [sflag:$0x1] =	stream.indirect.gather @!p1 [hbm4b:s4+s2], $0x80, s5, s2, $0xb8;
	[tilespmem:$0x1C200] =	vst v63  }
0x4a: {  	_ =	swait.ge [sflag:s22], $0x4000  }
0x4b: {  	p1 =	sge.u32 s29, s9;
	[sflag:s22] =	ssyncset.done $0x0  }
0x4c: {  	s0 =	simm.s32 @!p1 $0x4;
	[sflag:s22] =	ssyncadd.s32 $0xFFFFC000  }
0x4d: {  	[spmem:s1] =	stream.indirect.scatter.add.f32 [tilespmem:s20], [sflag:$0x4], $0x80, s23, s17, $0xb8;
	[tilespmem:$0x1C200] =	vst v63  }
0x4e: {  	s31 =	simm.s32 @!p1 $0x100;
	_ =	swait.ge @!p1 [sflag:s0], $0x4000  }
.Ltmp1:
0x4f: {  	s2 =	simm.s32 @!p1 $0x0;
	[sflag:s0] =	ssyncset.done @!p1 $0x0;
	(pc) =	sbr.rel @p0 .LBB2_2-.Ltmp1, $4  }
0x50: {  	[sflag:s0] =	ssyncadd.s32 @!p1 $0xFFFFC000;
	s0 =	simm.s32 @!p1 $0x5  }
0x51: {  	[tilespmem:s31], [sflag:$0x5] =	stream.linear.gather @!p1 [hbm4b:s30+s2], $0x100, $0x38;
	[tilespmem:$0x1C200] =	vst v63  }
0x52: {  	s29 =	sadd.s32 $0x2, s29;
	_ =	swait.ge @!p1 [sflag:s0], $0x100  }
0x53: {  	s5 =	simm.s32 @!p1 $0x4200;
	s2 =	simm.s32 @!p1 $0x80;
	[sflag:s0] =	ssyncset.done @!p1 $0x0  }
.LBB2_3:
0x54: {  	[sflag:s0] =	ssyncadd.s32 @!p1 $0xFFFFFF00  }
0x55: {  	[tilespmem:s5], [sflag:$0x2] =	stream.indirect.gather @!p1 [hbm4b:s4+s2], $0x80, s31, s2, $0xb8;
	[tilespmem:$0x1C200] =	vst v63  }
0x56: {  	_ =	swait.ge [sflag:s24], $0x4000  }
0x57: {  	[sflag:s24] =	ssyncset.done $0x0  }
0x58: {  	[sflag:s24] =	ssyncadd.s32 $0xFFFFC000  }
0x59: {  	_ =	swait.ge [sflag:s25], $0x4000  }
0x5a: {  	s26 =	sadd.s32 $0x1, s26;
	[sflag:s25] =	ssyncset.done $0x0  }
0x5b: {  	p0 =	sne.s32 s26, s12;
	[sflag:s25] =	ssyncadd.s32 $0xFFFFC000  }
.Ltmp2:
0x5c: {  	[bflag:$0x0] =	sbarrier.arrive $0xFFFF;
	(pc) =	sbr.rel @p0 .LBB2_1-.Ltmp2, $4  }
0x5d: {  	[hbm:s11], [sflag:s7] =	dma.local [spmem:s15], $0x2800  }
0x5e: {  	_ =	swait.ge [sflag:s16], $0x2800  }
0x5f: {  	[sflag:s16] =	ssyncset.done $0x0  }
0x60: {  	[sflag:s16] =	ssyncadd.s32 $0xFFFFD800  }
0x61: {  	_ =	sfence.sel $0x180000  }
0x62: {  	[bflag:$0x0] =	sbarrier.arrive $0xFFFF  }
0x63: {  	_ =	strace $0x9000004A  }
0x64: {  	s0 =	stileid.u32;
	[bflag:$0x2] =	sbarrier.arrive $0xFFFF  }
0x65: {  	p0 =	sne.s32 s0, $0x0;
	s0 =	rddreg [dreg:$0x3]  }
0x66: {  	s0 =	sadd.s32 @!p0 $0x100000, s0  }
0x67: {  	[sflag:s0] =	ssyncadd.tile.s32 @!p0 $0x1;
	_ =	shalt  }
.Lfunc_end2:
_tile_overlayer_lowered:
.L_overlay_start_2:
0x68: {  	(tag) =	ssettag $0x2  }
0x69: {  	s0 =	rddreg [dreg:$0x0];
	s2 =	stileid.u32  }
0x6a: {  	s1 =	rddreg [dreg:$0x1];
	p0 =	sne.s32 s2, $0x0  }
0x6b: {  	s3 =	rddreg [dreg:$0x2];
	[bflag:$0x3] =	sbarrier.arrive $0xFFFF;
	s2 =	simm.s32 @!p0 $0x1C05  }
0x6c: {  	[timem:s3], [sflag:s2] =	dma.local @!p0 [hbm:s0], s1  }
0x6d: {  	s0 =	simm.s32 @!p0 $0x5  }
0x6e: {  	_ =	swait.ge @!p0 [sflag:s0], s1  }
0x6f: {  	s1 =	ssub.s32 @!p0 $0x0, s1;
	[sflag:s0] =	ssyncset.done @!p0 $0x0  }
0x70: {  	[sflag:s0] =	ssyncadd.s32 @!p0 s1  }
0x71: {  	[bflag:$0x3] =	sbarrier.arrive $0xFFFF  }
0x72: {  	_ =	shalt  }

// kernel: kernel.17.cloned.1.call-start
scs
__scs_entry_jumppad:
0x0: {  	(pc) =	sbr.rel $0x88, $3  }
0x1: {  	(tag) =	ssettag $0x0;
	lr =	simm.s32 $0x1  }
0x2: {  	[smem:$0x3F9B] =	sst lr;
	_ =	strace $0xD0000000  }
0x3: {  	_ = 	snop  }
0x4: {  	_ = 	snop  }
0x5: {  	_ = 	snop  }
0x6: {  	_ = 	snop  }
0x7: {  	_ = 	snop  }
__scs_overlays_trampoline_lowered:
0x8: {  	[smem:$0x3FAA] =	sst s0  }
0x9: {  	[smem:$0x3FAB] =	sst s1  }
0xa: {  	[smem:$0x3FAC] =	sst s2  }
0xb: {  	[smem:$0x3FAD] =	sst s3  }
0xc: {  	[smem:$0x3FAE] =	sst s4  }
0xd: {  	[smem:$0x3FAF] =	sst s5  }
0xe: {  	[smem:$0x3FB0] =	sst s6  }
0xf: {  	[smem:$0x3FB1] =	sst s7  }
0x10: {  	[smem:$0x3FB2] =	sst s8  }
0x11: {  	[smem:$0x3FB3] =	sst s9;
	s0 =	simm.s32 @!p0 $0x0  }
0x12: {  	s1 =	sld [smem:$0x3F99];
	s0 =	simm.s32 @p0 $0x1  }
0x13: {  	[smem:$0x3FB4] =	sst s0;
	s0 =	simm.s32 @!p1 $0x0  }
0x14: {  	s2 =	sld [smem:$0x3F98];
	s0 =	simm.s32 @p1 $0x1  }
0x15: {  	[smem:$0x3FB5] =	sst s0;
	s0 =	simm.s32 @!p2 $0x0  }
0x16: {  	s3 =	sld [smem:$0x3FDB];
	s0 =	simm.s32 @p2 $0x1  }
0x17: {  	s4 =	simm.s32 $0x1BF5;
	[smem:$0x3FB7] =	sst s0  }
0x18: {  	s0 =	sld [smem:$0x3F9A];
	_ =	swait.ge [sflag:s4], $0x0  }
0x19: {  	s7 =	sld [smem:$0x3F9B]  }
0x1a: {  	s8 =	sadd.s32 $0xFFFFE003, lr  }
0x1b: {  	s9 =	sadd.s32 $0xFFFFFEF7, lr;
	s5 =	simm.s32 $0xFFFFFFFF;
	p2 =	slt.u32 s8, $0xFFFFF086  }
0x1c: {  	p1 =	slt.u32 s9, $0xF7A;
	s5 =	simm.s32 @!p2 $0x0  }
0x1d: {  	s5 =	simm.s32 @p1 $0x1;
	p0 =	seq.s32 s7, s2  }
0x1e: {  	s7 =	smul.u32 @!p0 $0xF7A, s2;
	p2 =	seq.s32 @!p0 s5, $0x0  }
0x1f: {  	s9 =	smul.u32 $0xF7A, s1;
	s8 =	simm.s32 @!p0 $0x1BF5;
	p2 =	por !p2, p0  }
0x20: {  	[sflag:s8] =	ssyncset.s32 @!p0 $0xFFFFF086;
	s6 =	sadd.s32 @!p0 s3, s7;
	s7 =	simm.s32 @!p0 $0x108  }
0x21: {  	s3 =	sadd.s32 s3, s9;
	s6 =	sadd.s32 @!p0 $0x88, s6;
	s7 =	simm.s32 @p2 $0x1082  }
0x22: {  	[simem:s7], [sflag:s8] =	dma.local @!p0 [hbm:s6], $0xF7A  }
0x23: {  	s9 =	sor.u32 $0xD0000000, s2;
	s6 =	simm.s32 $0x108;
	_ =	swait.ge @!p0 [sflag:s8], $0x0  }
0x24: {  	s3 =	sadd.s32 $0x88, s3;
	s6 =	simm.s32 @!p1 $0x1082;
	[sflag:s4] =	ssyncset.s32 $0xFFFFF086  }
0x25: {  	[simem:s6], [sflag:s4] =	dma.local [hbm:s3], $0xF7A  }
0x26: {  	[smem:$0x3F9B] =	sst s1;
	(tag) =	ssettag s2;
	_ =	strace s9  }
0x27: {  	s1 =	sld [smem:$0x3FAB]  }
0x28: {  	s2 =	sld [smem:$0x3FAC]  }
0x29: {  	s4 =	sld [smem:$0x3FAE]  }
0x2a: {  	p0 =	seq.s32 s5, $0x0;
	s5 =	sld [smem:$0x3FAF]  }
0x2b: {  	s6 =	sld [smem:$0x3FB0]  }
0x2c: {  	s7 =	sld [smem:$0x3FB1]  }
0x2d: {  	s3 =	simm.s32 $0x108;
	s8 =	sld [smem:$0x3FB2]  }
0x2e: {  	s3 =	simm.s32 @!p0 $0x1082;
	s9 =	sld [smem:$0x3FB3]  }
0x2f: {  	lr =	sadd.s32 s0, s3;
	s0 =	sld [smem:$0x3FAA]  }
0x30: {  	s3 =	sld [smem:$0x3FAD]  }
0x31: {  	[smem:$0x3FB6] =	sst s10  }
0x32: {  	s10 =	sld [smem:$0x3FB4];
	_ =	sdelay $0x3  }
0x33: {  	p0 =	seq.s32 s10, $0x1;
	s10 =	sld [smem:$0x3FB6];
	_ =	sdelay $0x3  }
0x34: {  	[smem:$0x3FB6] =	sst s10  }
0x35: {  	s10 =	sld [smem:$0x3FB5];
	_ =	sdelay $0x3  }
0x36: {  	p1 =	seq.s32 s10, $0x1;
	s10 =	sld [smem:$0x3FB6];
	_ =	sdelay $0x3  }
0x37: {  	[smem:$0x3FB6] =	sst s10  }
0x38: {  	s10 =	sld [smem:$0x3FB7]  }
0x39: {  	_ = 	snop;
	(pc) =	sbr.ind lr, $3  }
0x3a: {  	_ = 	snop  }
0x3b: {  	_ = 	snop  }
0x3c: {  	p2 =	seq.s32 s10, $0x1;
	s10 =	sld [smem:$0x3FB6]  }
0x3d: {  	_ =	shalt  }
0x3e: {  	_ =	shalt  }
0x3f: {  	_ =	shalt  }
0x40: {  	_ =	shalt  }
0x41: {  	_ =	shalt  }
0x42: {  	_ =	shalt  }
0x43: {  	_ =	shalt  }
0x44: {  	_ =	shalt  }
0x45: {  	_ =	shalt  }
0x46: {  	_ =	shalt  }
0x47: {  	_ =	shalt  }
0x48: {  	_ =	shalt  }
0x49: {  	_ =	shalt  }
0x4a: {  	_ =	shalt  }
0x4b: {  	_ =	shalt  }
0x4c: {  	_ =	shalt  }
0x4d: {  	_ =	shalt  }
0x4e: {  	_ =	shalt  }
0x4f: {  	_ =	shalt  }
0x50: {  	_ =	shalt  }
0x51: {  	_ =	shalt  }
0x52: {  	_ =	shalt  }
0x53: {  	_ =	shalt  }
0x54: {  	_ =	shalt  }
0x55: {  	_ =	shalt  }
0x56: {  	_ =	shalt  }
0x57: {  	_ =	shalt  }
0x58: {  	_ =	shalt  }
0x59: {  	_ =	shalt  }
0x5a: {  	_ =	shalt  }
0x5b: {  	_ =	shalt  }
0x5c: {  	_ =	shalt  }
0x5d: {  	_ =	shalt  }
0x5e: {  	_ =	shalt  }
0x5f: {  	_ =	shalt  }
0x60: {  	_ =	shalt  }
0x61: {  	_ =	shalt  }
0x62: {  	_ =	shalt  }
0x63: {  	_ =	shalt  }
0x64: {  	_ =	shalt  }
0x65: {  	_ =	shalt  }
0x66: {  	_ =	shalt  }
0x67: {  	_ =	shalt  }
0x68: {  	_ =	shalt  }
0x69: {  	_ =	shalt  }
0x6a: {  	_ =	shalt  }
0x6b: {  	_ =	shalt  }
0x6c: {  	_ =	shalt  }
0x6d: {  	_ =	shalt  }
0x6e: {  	_ =	shalt  }
0x6f: {  	_ =	shalt  }
0x70: {  	_ =	shalt  }
0x71: {  	_ =	shalt  }
0x72: {  	_ =	shalt  }
0x73: {  	_ =	shalt  }
0x74: {  	_ =	shalt  }
0x75: {  	_ =	shalt  }
0x76: {  	_ =	shalt  }
0x77: {  	_ =	shalt  }
0x78: {  	_ =	shalt  }
0x79: {  	_ =	shalt  }
0x7a: {  	_ =	shalt  }
0x7b: {  	_ =	shalt  }
0x7c: {  	_ =	shalt  }
0x7d: {  	_ =	shalt  }
0x7e: {  	_ =	shalt  }
0x7f: {  	_ =	shalt  }
0x80: {  	_ =	shalt  }
0x81: {  	_ =	shalt  }
0x82: {  	_ =	shalt  }
0x83: {  	_ =	shalt  }
0x84: {  	_ =	shalt  }
0x85: {  	_ =	shalt  }
0x86: {  	_ =	shalt  }
0x87: {  	_ =	shalt  }
.Lfunc_end0:
.L_simem_size_0:
called_computation.2_lowered:
.L_overlay_start_0:
0x88: {  	s2 =	sld [smem:$0x3FD9]  }
0x89: {  	s3 =	sld [smem:$0x3FFE];
	_ =	sdelay $0x1  }
0x8a: {  	s1 =	srdreg.scid  }
0x8b: {  	s0 =	sand.u32 $0x1, s1  }
0x8c: {  	s16 =	sshll.u32 s0, $0xA;
	s2 =	sadd.s32 s3, s2  }
0x8d: {  	s2 =	sadd.s32 s2, s16  }
0x8e: {  	[smem:$0x3FC2] =	sst s2  }
0x8f: {  	_ = 	snop  }
0x90: {  	(tm) =	ssettm $0x1  }
0x91: {  	s17 =	sld [smem:$0x3FFB];
	_ =	sdelay $0x3  }
0x92: {  	_ =	strace s17  }
0x93: {  	s2 =	sld [smem:$0x3FFC];
	_ =	sdelay $0x3  }
0x94: {  	_ =	strace s2  }
0x95: {  	s2 =	sld [smem:$0x3FFD];
	_ =	sdelay $0x3  }
0x96: {  	_ =	strace s2  }
0x97: {  	_ =	strace $0x8FFFFFFF  }
0x98: {  	s18 =	sld [smem:$0x3FDB];
	_ =	sdelay $0x1  }
0x99: {  	s19 =	simm.s32 $_scs_section_size  }
0x9a: {  	s4 =	simm.s32 $_size__tile_overlayer_lowered;
	s5 =	simm.s32 $_tile_overlayer_lowered  }
0x9b: {  	s22 =	simm.s32 $0x1BFF;
	s21 =	sshll.u32 s5, $0x1;
	s2 =	sadd.s32 s19, s18  }
0x9c: {  	s6 =	simm.s32 $0x0;
	s20 =	sshll.u32 s4, $0x1;
	s4 =	sadd.s32 s21, s2  }
0x9d: {  	[timem:s6], [sflag:s22] =	dma.local [hbm:s4], s20  }
0x9e: {  	_ =	swait.ge [sflag:s22], s20  }
0x9f: {  	s3 =	ssub.s32 $0x0, s20;
	[sflag:s22] =	ssyncset.done $0x0  }
0xa0: {  	[sflag:s22] =	ssyncadd.s32 s3;
	_ =	sdelay $0x1  }
0xa1: {  	s23 =	simm.s32 $0x1B8B  }
0xa2: {  	_ =	swait.ge [sflag:s23], $0x1  }
0xa3: {  	[sflag:s23] =	ssyncset.done $0x0  }
0xa4: {  	s25 =	simm.s32 $0x1B8E;
	s24 =	sld [smem:$0x3FFE];
	[sflag:s23] =	ssyncadd.s32 $0xFFFFFFFF  }
0xa5: {  	s26 =	simm.s32 $execute0_lowered;
	[smem:$0x3FD2] =	sst s25  }
0xa6: {  	s4 =	sshll.u32 s26, $0x1;
	_ =	strace $0x8000004C;
	[dreg:$0x1] =	wrdreg $0xFFFFFFFF  }
0xa7: {  	s28 =	simm.s32 $_size_execute0_lowered;
	s2 =	sadd.s32 s2, s4;
	[dreg:$0x0] =	wrdreg $0x0  }
0xa8: {  	s4 =	sshll.u32 s28, $0x1;
	[dreg:$0x2] =	wrdreg s2  }
0xa9: {  	[dreg:$0x3] =	wrdreg s4  }
0xaa: {  	[dreg:$0x4] =	wrdreg $0xC0  }
0xab: {  	_ =	task [dreg:s6], $0x5FFFF  }
0xac: {  	[dreg:$0x1] =	wrdreg $0xFFFFFFFF  }
0xad: {  	[dreg:$0x0] =	wrdreg $0x60  }
0xae: {  	[dreg:$0x2] =	wrdreg s24  }
0xaf: {  	[dreg:$0x3] =	wrdreg $0x82000  }
0xb0: {  	[dreg:$0x4] =	wrdreg $0x9  }
0xb1: {  	_ =	task.clear_ibuf [dreg:s6], $0x5FFFF;
	_ =	strace $0x9000004C  }
0xb2: {  	s29 =	simm.s32 $0x9;
	_ =	strace $0x8000004E  }
0xb3: {  	_ =	swait.ge [sflag:s29], $0x1  }
0xb4: {  	[sflag:s29] =	ssyncadd.s32 $0xFFFFFFFF  }
0xb5: {  	_ =	strace $0x9000004E  }
0xb6: {  	_ =	sfence  }
0xb7: {  	s30 =	sld [smem:$0x0];
	_ =	sdelay $0x2  }
0xb8: {  	s31 =	sshll.u32 s1, $0xD;
	s1 =	sshrl.u32 s1, $0x2  }
0xb9: {  	s3 =	sand.u32 $0x4000, s31;
	s1 =	sadd.s32 s1, s30  }
0xba: {  	s0 =	sor.u32 s3, s0;
	s1 =	sshll.u32 s1, $0x11  }
0xbb: {  	s0 =	sor.u32 s1, s0  }
0xbc: {  	s0 =	sadd.s32 $0x8F2B, s0  }
0xbd: {  	[sflag:s0] =	ssyncadd.remote.s32 $0x1  }
0xbe: {  	_ =	sfence.sel $0xFFFF  }
0xbf: {  	[dreg:$0x0] =	wrdreg $0xFFFFFFFF;
	(pc) =	sbr.abs _section_cstart, $3  }
0xc0: {  	[dreg:$0x1] =	wrdreg $0xFFFFFFFF  }
0xc1: {  	_ =	task.clear_ibuf [dreg:s6], $0x2FFFF;
	_ =	strace $0x9FFFFFFF  }
0xc2: {  	(tm) =	ssettm $0x7FFFFFFF  }
0xc3: {  	_ =	shalt  }
tec
execute0_lowered:
.L_overlay_start_1:
0x0: {  	(tag) =	ssettag $0x1  }
0x1: {  	s0 =	rddreg [dreg:$0x0]  }
0x2: {  	s2 =	rddreg [dreg:$0x1];
	s10 =	stileid.u32  }
0x3: {  	s3 =	simm.s32 $0x0;
	s1 =	srdreg.scid;
	s16 =	simm.s32 $0x5  }
0x4: {  	s17 =	simm.s32 $0x80;
	s18 =	simm.s32 $0x200;
	s19 =	simm.s32 $0x100  }
0x5: {  	s20 =	simm.s32 $0x4200;
	s21 =	simm.s32 $0x1;
	s22 =	simm.s32 $0x2  }
0x6: {  	s23 =	simm.s32 $0x180;
	s24 =	simm.s32 $0x3;
	s5 =	smul.u32 $0x1A, s10  }
0x7: {  	s25 =	simm.s32 $0x4;
	s26 =	simm.s32 $0x0;
	s9 =	smul.u32 $0x84, s10  }
0x8: {  	[smem:$0x7FF] =	sst s3;
	s1 =	sand.u32 $0x1, s1;
	s7 =	smul.u32 $0x14000, s10  }
0x9: {  	s4 =	sadd.s32 $0x16E00, s0;
	s29 =	smul.u32 $0x50000, s10;
	s11 =	sadd.s32 $0x3F200, s0  }
0xa: {  	s31 =	sshll.u32 s10, $0x6;
	p0 =	seq.s32 s1, $0x0;
	s6 =	smul.u32 $0x140000, s1  }
0xb: {  	_ =	strace $0x8000004D;
	s1 =	ssub.s32 $0x2, s1;
	[dreg:$0x3] =	wrdreg s11  }
0xc: {  	s14 =	sadd.s32 $0x840, s5;
	s28 =	sshrl.u32 s1, $0x1;
	s30 =	sshrl.u32 s29, $0x2  }
0xd: {  	s11 =	sadd.s32 $0x84, s9;
	s14 =	smov.u32 @p0 s9;
	s6 =	sadd.s32 s7, s6  }
0xe: {  	s1 =	ssub.s32 s1, s28;
	s15 =	sadd.s32 s30, s2;
	s7 =	sor.u32 $0x1C05, s31  }
0xf: {  	s9 =	sadd.s32 $0x85A, s5;
	s8 =	sshll.u32 s14, $0x5;
	s6 =	sshrl.u32 s6, $0x3  }
0x10: {  	s9 =	smov.u32 @p0 s11;
	s12 =	smax.u32 s1, $0x1;
	s14 =	sadd.s32 $0x3, s14  }
0x11: {  	s13 =	sadd.s32 s8, s0;
	s0 =	sadd.s32 s6, s0;
	s6 =	simm.s32 $0x42  }
0x12: {  	s15 =	sshrl.u32 s15, $0x3;
	s6 =	simm.s32 @!p0 $0xD;
	s8 =	sadd.s32 $0x3200, s13  }
0x13: {  	s10 =	sadd.s32 $0x3220, s13;
	s11 =	sadd.s32 $0x41A00, s0;
	s13 =	sadd.s32 $0x3260, s13  }
.LBB2_1:
0x14: {  	s0 =	rddreg [dreg:$0x3]  }
0x15: {  	[spmem:s15], [sflag:s7] =	dma.local [hbm:s0], $0x2800  }
0x16: {  	_ =	swait.ge [sflag:s16], $0x2800  }
0x17: {  	[sflag:s16] =	ssyncset.done $0x0  }
0x18: {  	[sflag:s16] =	ssyncadd.s32 $0xFFFFD800  }
0x19: {  	[bflag:$0x0] =	sbarrier.arrive $0xFFFF  }
0x1a: {  	[tilespmem:s3], [sflag:$0x5] =	stream.linear.gather [hbm4b:s8+s3], $0x100, $0x38;
	[tilespmem:$0x1C200] =	vst v63  }
0x1b: {  	_ =	swait.ge [sflag:s16], $0x100  }
0x1c: {  	[sflag:s16] =	ssyncset.done $0x0  }
0x1d: {  	[sflag:s16] =	ssyncadd.s32 $0xFFFFFF00  }
0x1e: {  	[tilespmem:s18], [sflag:$0x1] =	stream.indirect.gather [hbm4b:s4+s17], $0x80, s3, s17, $0xb8;
	[tilespmem:$0x1C200] =	vst v63  }
0x1f: {  	_ = 	snop  }
0x20: {  	[tilespmem:s19], [sflag:$0x5] =	stream.linear.gather [hbm4b:s10+s3], $0x100, $0x38;
	[tilespmem:$0x1C200] =	vst v63  }
0x21: {  	_ =	swait.ge [sflag:s16], $0x100  }
0x22: {  	[sflag:s16] =	ssyncset.done $0x0  }
0x23: {  	[sflag:s16] =	ssyncadd.s32 $0xFFFFFF00  }
0x24: {  	[tilespmem:s20], [sflag:$0x2] =	stream.indirect.gather [hbm4b:s4+s17], $0x80, s19, s17, $0xb8;
	[tilespmem:$0x1C200] =	vst v63  }
0x25: {  	s5 =	sadd.s32 $0xFFFFFFFF, s14;
	_ =	swait.ge [sflag:s21], $0x4000  }
0x26: {  	p0 =	sge.u32 s5, s9;
	[sflag:s21] =	ssyncset.done $0x0  }
0x27: {  	s0 =	simm.s32 @!p0 $0x3;
	[sflag:s21] =	ssyncadd.s32 $0xFFFFC000  }
0x28: {  	[spmem:s2] =	stream.indirect.scatter.add.f32 [tilespmem:s18], [sflag:$0x3], $0x80, s17, s17, $0xb8;
	[tilespmem:$0x1C200] =	vst v63  }
0x29: {  	_ =	swait.ge @!p0 [sflag:s0], $0x4000  }
0x2a: {  	s1 =	sadd.s32 @!p0 $0xFFFFFFE0, s13;
	[sflag:s0] =	ssyncset.done @!p0 $0x0  }
0x2b: {  	s5 =	simm.s32 @!p0 $0x0;
	[sflag:s0] =	ssyncadd.s32 @!p0 $0xFFFFC000;
	s0 =	simm.s32 @!p0 $0x5  }
0x2c: {  	[tilespmem:s5], [sflag:$0x5] =	stream.linear.gather @!p0 [hbm4b:s1+s5], $0x100, $0x38;
	[tilespmem:$0x1C200] =	vst v63  }
0x2d: {  	_ =	swait.ge @!p0 [sflag:s0], $0x100  }
0x2e: {  	[sflag:s0] =	ssyncset.done @!p0 $0x0  }
0x2f: {  	s28 =	simm.s32 @!p0 $0x200;
	s1 =	simm.s32 @!p0 $0x80;
	[sflag:s0] =	ssyncadd.s32 @!p0 $0xFFFFFF00  }
0x30: {  	[tilespmem:s28], [sflag:$0x1] =	stream.indirect.gather @!p0 [hbm4b:s4+s1], $0x80, s5, s1, $0xb8;
	[tilespmem:$0x1C200] =	vst v63  }
0x31: {  	_ =	swait.ge [sflag:s22], $0x4000  }
0x32: {  	p1 =	sge.u32 s14, s9;
	[sflag:s22] =	ssyncset.done $0x0  }
0x33: {  	s0 =	simm.s32 @!p1 $0x4;
	s28 =	sadd.s32 $0xFFFFFFFF, s6;
	[sflag:s22] =	ssyncadd.s32 $0xFFFFC000  }
0x34: {  	[spmem:s2] =	stream.indirect.scatter.add.f32 [tilespmem:s20], [sflag:$0x4], $0x80, s23, s17, $0xb8;
	[tilespmem:$0x1C200] =	vst v63  }
0x35: {  	p0 =	sne.s32 s28, $0x0;
	_ =	swait.ge @!p1 [sflag:s0], $0x4000  }
.Ltmp0:
0x36: {  	s31 =	simm.s32 @!p1 $0x100;
	[sflag:s0] =	ssyncset.done @!p1 $0x0;
	(pc) =	sbr.rel @!p0 .LBB2_3-.Ltmp0, $4  }
0x37: {  	s1 =	simm.s32 @!p1 $0x0;
	[sflag:s0] =	ssyncadd.s32 @!p1 $0xFFFFC000;
	s0 =	simm.s32 @!p1 $0x5  }
0x38: {  	[tilespmem:s31], [sflag:$0x5] =	stream.linear.gather @!p1 [hbm4b:s13+s1], $0x100, $0x38;
	[tilespmem:$0x1C200] =	vst v63  }
0x39: {  	s29 =	sadd.s32 $0x2, s14;
	s30 =	smov.u32 s13;
	_ =	swait.ge @!p1 [sflag:s0], $0x100  }
0x3a: {  	s5 =	simm.s32 @!p1 $0x4200;
	s1 =	simm.s32 @!p1 $0x80;
	[sflag:s0] =	ssyncset.done @!p1 $0x0  }
.LBB2_2:
0x3b: {  	s28 =	sadd.s32 $0xFFFFFFFF, s28;
	[sflag:s0] =	ssyncadd.s32 @!p1 $0xFFFFFF00;
	s30 =	sadd.s32 $0x40, s30  }
0x3c: {  	[tilespmem:s5], [sflag:$0x2] =	stream.indirect.gather @!p1 [hbm4b:s4+s1], $0x80, s31, s1, $0xb8;
	[tilespmem:$0x1C200] =	vst v63  }
0x3d: {  	s0 =	sadd.s32 $0xFFFFFFFF, s29;
	p0 =	sne.s32 s28, $0x0;
	_ =	swait.ge [sflag:s21], $0x4000  }
0x3e: {  	p1 =	sge.u32 s0, s9;
	[sflag:s21] =	ssyncset.done $0x0  }
0x3f: {  	s0 =	simm.s32 @!p1 $0x3;
	[sflag:s21] =	ssyncadd.s32 $0xFFFFC000  }
0x40: {  	[spmem:s2] =	stream.indirect.scatter.add.f32 [tilespmem:s18], [sflag:$0x3], $0x80, s17, s17, $0xb8;
	[tilespmem:$0x1C200] =	vst v63  }
0x41: {  	_ =	swait.ge @!p1 [sflag:s0], $0x4000  }
0x42: {  	s1 =	sadd.s32 @!p1 $0xFFFFFFE0, s30;
	s5 =	simm.s32 @!p1 $0x0;
	[sflag:s0] =	ssyncset.done @!p1 $0x0  }
0x43: {  	[sflag:s0] =	ssyncadd.s32 @!p1 $0xFFFFC000;
	s0 =	simm.s32 @!p1 $0x5  }
0x44: {  	[tilespmem:s5], [sflag:$0x5] =	stream.linear.gather @!p1 [hbm4b:s1+s5], $0x100, $0x38;
	[tilespmem:$0x1C200] =	vst v63  }
0x45: {  	_ =	swait.ge @!p1 [sflag:s0], $0x100  }
0x46: {  	s31 =	simm.s32 @!p1 $0x200;
	s1 =	simm.s32 @!p1 $0x80;
	[sflag:s0] =	ssyncset.done @!p1 $0x0  }
0x47: {  	[sflag:s0] =	ssyncadd.s32 @!p1 $0xFFFFFF00  }
0x48: {  	[tilespmem:s31], [sflag:$0x1] =	stream.indirect.gather @!p1 [hbm4b:s4+s1], $0x80, s5, s1, $0xb8;
	[tilespmem:$0x1C200] =	vst v63  }
0x49: {  	_ =	swait.ge [sflag:s22], $0x4000  }
0x4a: {  	p1 =	sge.u32 s29, s9;
	[sflag:s22] =	ssyncset.done $0x0  }
0x4b: {  	s0 =	simm.s32 @!p1 $0x4;
	[sflag:s22] =	ssyncadd.s32 $0xFFFFC000  }
0x4c: {  	[spmem:s2] =	stream.indirect.scatter.add.f32 [tilespmem:s20], [sflag:$0x4], $0x80, s23, s17, $0xb8;
	[tilespmem:$0x1C200] =	vst v63  }
0x4d: {  	s31 =	simm.s32 @!p1 $0x100;
	_ =	swait.ge @!p1 [sflag:s0], $0x4000  }
.Ltmp1:
0x4e: {  	s1 =	simm.s32 @!p1 $0x0;
	[sflag:s0] =	ssyncset.done @!p1 $0x0;
	(pc) =	sbr.rel @p0 .LBB2_2-.Ltmp1, $4  }
0x4f: {  	[sflag:s0] =	ssyncadd.s32 @!p1 $0xFFFFC000;
	s0 =	simm.s32 @!p1 $0x5  }
0x50: {  	[tilespmem:s31], [sflag:$0x5] =	stream.linear.gather @!p1 [hbm4b:s30+s1], $0x100, $0x38;
	[tilespmem:$0x1C200] =	vst v63  }
0x51: {  	s29 =	sadd.s32 $0x2, s29;
	_ =	swait.ge @!p1 [sflag:s0], $0x100  }
0x52: {  	s5 =	simm.s32 @!p1 $0x4200;
	s1 =	simm.s32 @!p1 $0x80;
	[sflag:s0] =	ssyncset.done @!p1 $0x0  }
.LBB2_3:
0x53: {  	[sflag:s0] =	ssyncadd.s32 @!p1 $0xFFFFFF00  }
0x54: {  	[tilespmem:s5], [sflag:$0x2] =	stream.indirect.gather @!p1 [hbm4b:s4+s1], $0x80, s31, s1, $0xb8;
	[tilespmem:$0x1C200] =	vst v63  }
0x55: {  	_ =	swait.ge [sflag:s24], $0x4000  }
0x56: {  	[sflag:s24] =	ssyncset.done $0x0  }
0x57: {  	[sflag:s24] =	ssyncadd.s32 $0xFFFFC000  }
0x58: {  	_ =	swait.ge [sflag:s25], $0x4000  }
0x59: {  	s26 =	sadd.s32 $0x1, s26;
	[sflag:s25] =	ssyncset.done $0x0  }
0x5a: {  	p0 =	sne.s32 s26, s12;
	[sflag:s25] =	ssyncadd.s32 $0xFFFFC000  }
.Ltmp2:
0x5b: {  	[bflag:$0x0] =	sbarrier.arrive $0xFFFF;
	(pc) =	sbr.rel @p0 .LBB2_1-.Ltmp2, $4  }
0x5c: {  	[hbm:s11], [sflag:s7] =	dma.local [spmem:s15], $0x2800  }
0x5d: {  	_ =	swait.ge [sflag:s16], $0x2800  }
0x5e: {  	[sflag:s16] =	ssyncset.done $0x0  }
0x5f: {  	[sflag:s16] =	ssyncadd.s32 $0xFFFFD800  }
0x60: {  	_ =	sfence.sel $0x180000  }
0x61: {  	[bflag:$0x0] =	sbarrier.arrive $0xFFFF  }
0x62: {  	_ =	strace $0x9000004D  }
0x63: {  	s0 =	stileid.u32;
	[bflag:$0x2] =	sbarrier.arrive $0xFFFF  }
0x64: {  	p0 =	sne.s32 s0, $0x0;
	s0 =	rddreg [dreg:$0x2]  }
0x65: {  	s0 =	sadd.s32 @!p0 $0x100000, s0  }
0x66: {  	[sflag:s0] =	ssyncadd.tile.s32 @!p0 $0x1;
	_ =	shalt  }
.Lfunc_end2:
_tile_overlayer_lowered:
.L_overlay_start_2:
0x67: {  	(tag) =	ssettag $0x2  }
0x68: {  	s0 =	rddreg [dreg:$0x0];
	s2 =	stileid.u32  }
0x69: {  	s1 =	rddreg [dreg:$0x1];
	p0 =	sne.s32 s2, $0x0  }
0x6a: {  	s3 =	rddreg [dreg:$0x2];
	[bflag:$0x3] =	sbarrier.arrive $0xFFFF;
	s2 =	simm.s32 @!p0 $0x1C05  }
0x6b: {  	[timem:s3], [sflag:s2] =	dma.local @!p0 [hbm:s0], s1  }
0x6c: {  	s0 =	simm.s32 @!p0 $0x5  }
0x6d: {  	_ =	swait.ge @!p0 [sflag:s0], s1  }
0x6e: {  	s1 =	ssub.s32 @!p0 $0x0, s1;
	[sflag:s0] =	ssyncset.done @!p0 $0x0  }
0x6f: {  	[sflag:s0] =	ssyncadd.s32 @!p0 s1  }
0x70: {  	[bflag:$0x3] =	sbarrier.arrive $0xFFFF  }
0x71: {  	_ =	shalt  }

// kernel: kernel.20.cloned.1.call-start
scs
__scs_entry_jumppad:
0x0: {  	(pc) =	sbr.rel $0x88, $3  }
0x1: {  	(tag) =	ssettag $0x0;
	lr =	simm.s32 $0x1  }
0x2: {  	[smem:$0x3F9B] =	sst lr;
	_ =	strace $0xD0000000  }
0x3: {  	_ = 	snop  }
0x4: {  	_ = 	snop  }
0x5: {  	_ = 	snop  }
0x6: {  	_ = 	snop  }
0x7: {  	_ = 	snop  }
__scs_overlays_trampoline_lowered:
0x8: {  	[smem:$0x3FAA] =	sst s0  }
0x9: {  	[smem:$0x3FAB] =	sst s1  }
0xa: {  	[smem:$0x3FAC] =	sst s2  }
0xb: {  	[smem:$0x3FAD] =	sst s3  }
0xc: {  	[smem:$0x3FAE] =	sst s4  }
0xd: {  	[smem:$0x3FAF] =	sst s5  }
0xe: {  	[smem:$0x3FB0] =	sst s6  }
0xf: {  	[smem:$0x3FB1] =	sst s7  }
0x10: {  	[smem:$0x3FB2] =	sst s8  }
0x11: {  	[smem:$0x3FB3] =	sst s9;
	s0 =	simm.s32 @!p0 $0x0  }
0x12: {  	s1 =	sld [smem:$0x3F99];
	s0 =	simm.s32 @p0 $0x1  }
0x13: {  	[smem:$0x3FB4] =	sst s0;
	s0 =	simm.s32 @!p1 $0x0  }
0x14: {  	s2 =	sld [smem:$0x3F98];
	s0 =	simm.s32 @p1 $0x1  }
0x15: {  	[smem:$0x3FB5] =	sst s0;
	s0 =	simm.s32 @!p2 $0x0  }
0x16: {  	s3 =	sld [smem:$0x3FDB];
	s0 =	simm.s32 @p2 $0x1  }
0x17: {  	s4 =	simm.s32 $0x1BF5;
	[smem:$0x3FB7] =	sst s0  }
0x18: {  	s0 =	sld [smem:$0x3F9A];
	_ =	swait.ge [sflag:s4], $0x0  }
0x19: {  	s7 =	sld [smem:$0x3F9B]  }
0x1a: {  	s8 =	sadd.s32 $0xFFFFE003, lr  }
0x1b: {  	s9 =	sadd.s32 $0xFFFFFEF7, lr;
	s5 =	simm.s32 $0xFFFFFFFF;
	p2 =	slt.u32 s8, $0xFFFFF086  }
0x1c: {  	p1 =	slt.u32 s9, $0xF7A;
	s5 =	simm.s32 @!p2 $0x0  }
0x1d: {  	s5 =	simm.s32 @p1 $0x1;
	p0 =	seq.s32 s7, s2  }
0x1e: {  	s7 =	smul.u32 @!p0 $0xF7A, s2;
	p2 =	seq.s32 @!p0 s5, $0x0  }
0x1f: {  	s9 =	smul.u32 $0xF7A, s1;
	s8 =	simm.s32 @!p0 $0x1BF5;
	p2 =	por !p2, p0  }
0x20: {  	[sflag:s8] =	ssyncset.s32 @!p0 $0xFFFFF086;
	s6 =	sadd.s32 @!p0 s3, s7;
	s7 =	simm.s32 @!p0 $0x108  }
0x21: {  	s3 =	sadd.s32 s3, s9;
	s6 =	sadd.s32 @!p0 $0x88, s6;
	s7 =	simm.s32 @p2 $0x1082  }
0x22: {  	[simem:s7], [sflag:s8] =	dma.local @!p0 [hbm:s6], $0xF7A  }
0x23: {  	s9 =	sor.u32 $0xD0000000, s2;
	s6 =	simm.s32 $0x108;
	_ =	swait.ge @!p0 [sflag:s8], $0x0  }
0x24: {  	s3 =	sadd.s32 $0x88, s3;
	s6 =	simm.s32 @!p1 $0x1082;
	[sflag:s4] =	ssyncset.s32 $0xFFFFF086  }
0x25: {  	[simem:s6], [sflag:s4] =	dma.local [hbm:s3], $0xF7A  }
0x26: {  	[smem:$0x3F9B] =	sst s1;
	(tag) =	ssettag s2;
	_ =	strace s9  }
0x27: {  	s1 =	sld [smem:$0x3FAB]  }
0x28: {  	s2 =	sld [smem:$0x3FAC]  }
0x29: {  	s4 =	sld [smem:$0x3FAE]  }
0x2a: {  	p0 =	seq.s32 s5, $0x0;
	s5 =	sld [smem:$0x3FAF]  }
0x2b: {  	s6 =	sld [smem:$0x3FB0]  }
0x2c: {  	s7 =	sld [smem:$0x3FB1]  }
0x2d: {  	s3 =	simm.s32 $0x108;
	s8 =	sld [smem:$0x3FB2]  }
0x2e: {  	s3 =	simm.s32 @!p0 $0x1082;
	s9 =	sld [smem:$0x3FB3]  }
0x2f: {  	lr =	sadd.s32 s0, s3;
	s0 =	sld [smem:$0x3FAA]  }
0x30: {  	s3 =	sld [smem:$0x3FAD]  }
0x31: {  	[smem:$0x3FB6] =	sst s10  }
0x32: {  	s10 =	sld [smem:$0x3FB4];
	_ =	sdelay $0x3  }
0x33: {  	p0 =	seq.s32 s10, $0x1;
	s10 =	sld [smem:$0x3FB6];
	_ =	sdelay $0x3  }
0x34: {  	[smem:$0x3FB6] =	sst s10  }
0x35: {  	s10 =	sld [smem:$0x3FB5];
	_ =	sdelay $0x3  }
0x36: {  	p1 =	seq.s32 s10, $0x1;
	s10 =	sld [smem:$0x3FB6];
	_ =	sdelay $0x3  }
0x37: {  	[smem:$0x3FB6] =	sst s10  }
0x38: {  	s10 =	sld [smem:$0x3FB7]  }
0x39: {  	_ = 	snop;
	(pc) =	sbr.ind lr, $3  }
0x3a: {  	_ = 	snop  }
0x3b: {  	_ = 	snop  }
0x3c: {  	p2 =	seq.s32 s10, $0x1;
	s10 =	sld [smem:$0x3FB6]  }
0x3d: {  	_ =	shalt  }
0x3e: {  	_ =	shalt  }
0x3f: {  	_ =	shalt  }
0x40: {  	_ =	shalt  }
0x41: {  	_ =	shalt  }
0x42: {  	_ =	shalt  }
0x43: {  	_ =	shalt  }
0x44: {  	_ =	shalt  }
0x45: {  	_ =	shalt  }
0x46: {  	_ =	shalt  }
0x47: {  	_ =	shalt  }
0x48: {  	_ =	shalt  }
0x49: {  	_ =	shalt  }
0x4a: {  	_ =	shalt  }
0x4b: {  	_ =	shalt  }
0x4c: {  	_ =	shalt  }
0x4d: {  	_ =	shalt  }
0x4e: {  	_ =	shalt  }
0x4f: {  	_ =	shalt  }
0x50: {  	_ =	shalt  }
0x51: {  	_ =	shalt  }
0x52: {  	_ =	shalt  }
0x53: {  	_ =	shalt  }
0x54: {  	_ =	shalt  }
0x55: {  	_ =	shalt  }
0x56: {  	_ =	shalt  }
0x57: {  	_ =	shalt  }
0x58: {  	_ =	shalt  }
0x59: {  	_ =	shalt  }
0x5a: {  	_ =	shalt  }
0x5b: {  	_ =	shalt  }
0x5c: {  	_ =	shalt  }
0x5d: {  	_ =	shalt  }
0x5e: {  	_ =	shalt  }
0x5f: {  	_ =	shalt  }
0x60: {  	_ =	shalt  }
0x61: {  	_ =	shalt  }
0x62: {  	_ =	shalt  }
0x63: {  	_ =	shalt  }
0x64: {  	_ =	shalt  }
0x65: {  	_ =	shalt  }
0x66: {  	_ =	shalt  }
0x67: {  	_ =	shalt  }
0x68: {  	_ =	shalt  }
0x69: {  	_ =	shalt  }
0x6a: {  	_ =	shalt  }
0x6b: {  	_ =	shalt  }
0x6c: {  	_ =	shalt  }
0x6d: {  	_ =	shalt  }
0x6e: {  	_ =	shalt  }
0x6f: {  	_ =	shalt  }
0x70: {  	_ =	shalt  }
0x71: {  	_ =	shalt  }
0x72: {  	_ =	shalt  }
0x73: {  	_ =	shalt  }
0x74: {  	_ =	shalt  }
0x75: {  	_ =	shalt  }
0x76: {  	_ =	shalt  }
0x77: {  	_ =	shalt  }
0x78: {  	_ =	shalt  }
0x79: {  	_ =	shalt  }
0x7a: {  	_ =	shalt  }
0x7b: {  	_ =	shalt  }
0x7c: {  	_ =	shalt  }
0x7d: {  	_ =	shalt  }
0x7e: {  	_ =	shalt  }
0x7f: {  	_ =	shalt  }
0x80: {  	_ =	shalt  }
0x81: {  	_ =	shalt  }
0x82: {  	_ =	shalt  }
0x83: {  	_ =	shalt  }
0x84: {  	_ =	shalt  }
0x85: {  	_ =	shalt  }
0x86: {  	_ =	shalt  }
0x87: {  	_ =	shalt  }
.Lfunc_end0:
.L_simem_size_0:
called_computation.3_lowered:
.L_overlay_start_0:
0x88: {  	s2 =	sld [smem:$0x3FD9]  }
0x89: {  	s3 =	sld [smem:$0x3FFE];
	_ =	sdelay $0x1  }
0x8a: {  	s1 =	srdreg.scid  }
0x8b: {  	s0 =	sand.u32 $0x1, s1  }
0x8c: {  	s17 =	sshll.u32 s0, $0xA;
	s2 =	sadd.s32 s3, s2  }
0x8d: {  	s2 =	sadd.s32 s2, s17  }
0x8e: {  	[smem:$0x3FC2] =	sst s2  }
0x8f: {  	_ = 	snop  }
0x90: {  	s2 =	sld [smem:$0x3FD0];
	(tm) =	ssettm $0x1  }
0x91: {  	s18 =	sld [smem:$0x3FFB];
	_ =	sdelay $0x3  }
0x92: {  	_ =	strace s18  }
0x93: {  	s3 =	sld [smem:$0x3FFC];
	_ =	sdelay $0x3  }
0x94: {  	_ =	strace s3  }
0x95: {  	s3 =	sld [smem:$0x3FFD];
	_ =	sdelay $0x3  }
0x96: {  	_ =	strace s3  }
0x97: {  	_ =	strace $0x8FFFFFFF  }
0x98: {  	s19 =	sld [smem:$0x3FDB];
	_ =	sdelay $0x1  }
0x99: {  	s4 =	simm.s32 $_scs_section_size  }
0x9a: {  	s5 =	simm.s32 $_size__tile_overlayer_lowered;
	s6 =	simm.s32 $_tile_overlayer_lowered  }
0x9b: {  	s22 =	simm.s32 $0x1BFF;
	s21 =	sshll.u32 s6, $0x1;
	s3 =	sadd.s32 s4, s19  }
0x9c: {  	s7 =	simm.s32 $0x0;
	s20 =	sshll.u32 s5, $0x1;
	s5 =	sadd.s32 s21, s3  }
0x9d: {  	[timem:s7], [sflag:s22] =	dma.local [hbm:s5], s20  }
0x9e: {  	_ =	swait.ge [sflag:s22], s20  }
0x9f: {  	s4 =	ssub.s32 $0x0, s20;
	[sflag:s22] =	ssyncset.done $0x0  }
0xa0: {  	[sflag:s22] =	ssyncadd.s32 s4;
	_ =	sdelay $0x1  }
0xa1: {  	s23 =	simm.s32 $0x1B8B  }
0xa2: {  	_ =	swait.ge [sflag:s23], $0x1  }
0xa3: {  	[sflag:s23] =	ssyncset.done $0x0  }
0xa4: {  	s25 =	simm.s32 $0x1B8E;
	s24 =	sld [smem:$0x3FFE];
	[sflag:s23] =	ssyncadd.s32 $0xFFFFFFFF  }
0xa5: {  	s26 =	simm.s32 $execute0_lowered;
	[smem:$0x3FD2] =	sst s25  }
0xa6: {  	s5 =	sshll.u32 s26, $0x1;
	_ =	strace $0x8000004F;
	[dreg:$0x1] =	wrdreg $0xFFFFFFFF  }
0xa7: {  	s28 =	simm.s32 $_size_execute0_lowered;
	s3 =	sadd.s32 s3, s5;
	[dreg:$0x0] =	wrdreg $0x0  }
0xa8: {  	s5 =	sshll.u32 s28, $0x1;
	[dreg:$0x2] =	wrdreg s3  }
0xa9: {  	[dreg:$0x3] =	wrdreg s5  }
0xaa: {  	[dreg:$0x4] =	wrdreg $0xC0  }
0xab: {  	_ =	task [dreg:s7], $0x5FFFF  }
0xac: {  	[dreg:$0x1] =	wrdreg $0xFFFFFFFF  }
0xad: {  	[dreg:$0x0] =	wrdreg $0x60  }
0xae: {  	[dreg:$0x2] =	wrdreg s24  }
0xaf: {  	[dreg:$0x3] =	wrdreg s2  }
0xb0: {  	[dreg:$0x4] =	wrdreg $0x82000  }
0xb1: {  	[dreg:$0x5] =	wrdreg $0x9  }
0xb2: {  	_ =	task.clear_ibuf [dreg:s7], $0x6FFFF;
	_ =	strace $0x9000004F  }
0xb3: {  	s29 =	simm.s32 $0x9;
	_ =	strace $0x80000051  }
0xb4: {  	_ =	swait.ge [sflag:s29], $0x1  }
0xb5: {  	[sflag:s29] =	ssyncadd.s32 $0xFFFFFFFF  }
0xb6: {  	_ =	strace $0x90000051  }
0xb7: {  	_ =	sfence  }
0xb8: {  	s30 =	sld [smem:$0x0];
	_ =	sdelay $0x2  }
0xb9: {  	s31 =	sshll.u32 s1, $0xD;
	s1 =	sshrl.u32 s1, $0x2  }
0xba: {  	s3 =	sand.u32 $0x4000, s31;
	s1 =	sadd.s32 s1, s30  }
0xbb: {  	s0 =	sor.u32 s3, s0;
	s1 =	sshll.u32 s1, $0x11  }
0xbc: {  	s0 =	sor.u32 s1, s0  }
0xbd: {  	s0 =	sadd.s32 $0x8F2B, s0  }
0xbe: {  	[sflag:s0] =	ssyncadd.remote.s32 $0x1  }
0xbf: {  	_ =	sfence.sel $0xFFFF  }
0xc0: {  	[dreg:$0x0] =	wrdreg $0xFFFFFFFF;
	(pc) =	sbr.abs _section_cstart, $3  }
0xc1: {  	[dreg:$0x1] =	wrdreg $0xFFFFFFFF  }
0xc2: {  	_ =	task.clear_ibuf [dreg:s7], $0x2FFFF;
	_ =	strace $0x9FFFFFFF  }
0xc3: {  	(tm) =	ssettm $0x7FFFFFFF  }
tec
execute0_lowered:
.L_overlay_start_1:
0x0: {  	(tag) =	ssettag $0x1  }
0x1: {  	s0 =	rddreg [dreg:$0x0]  }
0x2: {  	s2 =	rddreg [dreg:$0x1]  }
0x3: {  	s1 =	rddreg [dreg:$0x2]  }
0x4: {  	s3 =	srdreg.scid;
	s11 =	stileid.u32;
	s16 =	simm.s32 $0x5  }
0x5: {  	s17 =	simm.s32 $0x80;
	s18 =	simm.s32 $0x200;
	s19 =	simm.s32 $0x100  }
0x6: {  	s20 =	simm.s32 $0x4200;
	s21 =	simm.s32 $0x1;
	s7 =	smul.u32 $0x14000, s11  }
0x7: {  	s22 =	simm.s32 $0x2;
	s23 =	simm.s32 $0x180;
	s9 =	smul.u32 $0x1A, s11  }
0x8: {  	s24 =	simm.s32 $0x3;
	s5 =	sand.u32 $0x1, s3;
	s10 =	smul.u32 $0x84, s11  }
0x9: {  	s3 =	simm.s32 $0x0;
	s4 =	sadd.s32 $0x3200, s0;
	s28 =	smul.u32 $0x50000, s11  }
0xa: {  	s8 =	sadd.s32 $0x3F200, s0;
	s30 =	sshll.u32 s11, $0x6;
	s6 =	smul.u32 $0x140000, s5  }
0xb: {  	[smem:$0x7FF] =	sst s3;
	s25 =	ssub.s32 $0x2, s5;
	p0 =	seq.s32 s5, $0x0  }
0xc: {  	_ =	strace $0x80000050;
	[dreg:$0x4] =	wrdreg s8;
	s26 =	sshrl.u32 s25, $0x1  }
0xd: {  	s5 =	sadd.s32 $0x840, s9;
	s29 =	sshrl.u32 s28, $0x2;
	s9 =	sadd.s32 $0x85A, s9  }
0xe: {  	s6 =	sadd.s32 s7, s6;
	s12 =	ssub.s32 s25, s26;
	s5 =	smov.u32 @p0 s10  }
0xf: {  	s15 =	sadd.s32 s29, s1;
	s7 =	sor.u32 $0x1C05, s30;
	s25 =	simm.s32 $0x4  }
0x10: {  	s26 =	simm.s32 $0x0;
	s6 =	sshrl.u32 s6, $0x3;
	s31 =	sshll.u32 s5, $0x5  }
0x11: {  	s12 =	smax.u32 s12, $0x1;
	s14 =	sadd.s32 $0x3, s5;
	s15 =	sshrl.u32 s15, $0x3  }
0x12: {  	s0 =	sadd.s32 s6, s0;
	s6 =	simm.s32 $0x42;
	s8 =	sadd.s32 s2, s31  }
0x13: {  	s2 =	sadd.s32 $0x84, s10;
	s6 =	simm.s32 @!p0 $0xD;
	s10 =	sadd.s32 $0x20, s8  }
0x14: {  	s9 =	smov.u32 @p0 s2;
	s11 =	sadd.s32 $0x41A00, s0;
	s13 =	sadd.s32 $0x60, s8  }
.LBB2_1:
0x15: {  	s0 =	rddreg [dreg:$0x4]  }
0x16: {  	[spmem:s15], [sflag:s7] =	dma.local [hbm:s0], $0x2800  }
0x17: {  	_ =	swait.ge [sflag:s16], $0x2800  }
0x18: {  	[sflag:s16] =	ssyncset.done $0x0  }
0x19: {  	[sflag:s16] =	ssyncadd.s32 $0xFFFFD800  }
0x1a: {  	[bflag:$0x0] =	sbarrier.arrive $0xFFFF  }
0x1b: {  	[tilespmem:s3], [sflag:$0x5] =	stream.linear.gather [hbm4b:s8+s3], $0x100, $0x38;
	[tilespmem:$0x1C200] =	vst v63  }
0x1c: {  	_ =	swait.ge [sflag:s16], $0x100  }
0x1d: {  	[sflag:s16] =	ssyncset.done $0x0  }
0x1e: {  	[sflag:s16] =	ssyncadd.s32 $0xFFFFFF00  }
0x1f: {  	[tilespmem:s18], [sflag:$0x1] =	stream.indirect.gather [hbm4b:s4+s17], $0x80, s3, s17, $0xb8;
	[tilespmem:$0x1C200] =	vst v63  }
0x20: {  	_ = 	snop  }
0x21: {  	[tilespmem:s19], [sflag:$0x5] =	stream.linear.gather [hbm4b:s10+s3], $0x100, $0x38;
	[tilespmem:$0x1C200] =	vst v63  }
0x22: {  	_ =	swait.ge [sflag:s16], $0x100  }
0x23: {  	[sflag:s16] =	ssyncset.done $0x0  }
0x24: {  	[sflag:s16] =	ssyncadd.s32 $0xFFFFFF00  }
0x25: {  	[tilespmem:s20], [sflag:$0x2] =	stream.indirect.gather [hbm4b:s4+s17], $0x80, s19, s17, $0xb8;
	[tilespmem:$0x1C200] =	vst v63  }
0x26: {  	s5 =	sadd.s32 $0xFFFFFFFF, s14;
	_ =	swait.ge [sflag:s21], $0x4000  }
0x27: {  	p0 =	sge.u32 s5, s9;
	[sflag:s21] =	ssyncset.done $0x0  }
0x28: {  	s0 =	simm.s32 @!p0 $0x3;
	[sflag:s21] =	ssyncadd.s32 $0xFFFFC000  }
0x29: {  	[spmem:s1] =	stream.indirect.scatter.add.f32 [tilespmem:s18], [sflag:$0x3], $0x80, s17, s17, $0xb8;
	[tilespmem:$0x1C200] =	vst v63  }
0x2a: {  	_ =	swait.ge @!p0 [sflag:s0], $0x4000  }
0x2b: {  	s2 =	sadd.s32 @!p0 $0xFFFFFFE0, s13;
	[sflag:s0] =	ssyncset.done @!p0 $0x0  }
0x2c: {  	s5 =	simm.s32 @!p0 $0x0;
	[sflag:s0] =	ssyncadd.s32 @!p0 $0xFFFFC000;
	s0 =	simm.s32 @!p0 $0x5  }
0x2d: {  	[tilespmem:s5], [sflag:$0x5] =	stream.linear.gather @!p0 [hbm4b:s2+s5], $0x100, $0x38;
	[tilespmem:$0x1C200] =	vst v63  }
0x2e: {  	_ =	swait.ge @!p0 [sflag:s0], $0x100  }
0x2f: {  	[sflag:s0] =	ssyncset.done @!p0 $0x0  }
0x30: {  	s28 =	simm.s32 @!p0 $0x200;
	s2 =	simm.s32 @!p0 $0x80;
	[sflag:s0] =	ssyncadd.s32 @!p0 $0xFFFFFF00  }
0x31: {  	[tilespmem:s28], [sflag:$0x1] =	stream.indirect.gather @!p0 [hbm4b:s4+s2], $0x80, s5, s2, $0xb8;
	[tilespmem:$0x1C200] =	vst v63  }
0x32: {  	_ =	swait.ge [sflag:s22], $0x4000  }
0x33: {  	p1 =	sge.u32 s14, s9;
	[sflag:s22] =	ssyncset.done $0x0  }
0x34: {  	s0 =	simm.s32 @!p1 $0x4;
	s28 =	sadd.s32 $0xFFFFFFFF, s6;
	[sflag:s22] =	ssyncadd.s32 $0xFFFFC000  }
0x35: {  	[spmem:s1] =	stream.indirect.scatter.add.f32 [tilespmem:s20], [sflag:$0x4], $0x80, s23, s17, $0xb8;
	[tilespmem:$0x1C200] =	vst v63  }
0x36: {  	p0 =	sne.s32 s28, $0x0;
	_ =	swait.ge @!p1 [sflag:s0], $0x4000  }
.Ltmp0:
0x37: {  	s31 =	simm.s32 @!p1 $0x100;
	[sflag:s0] =	ssyncset.done @!p1 $0x0;
	(pc) =	sbr.rel @!p0 .LBB2_3-.Ltmp0, $4  }
0x38: {  	s2 =	simm.s32 @!p1 $0x0;
	[sflag:s0] =	ssyncadd.s32 @!p1 $0xFFFFC000;
	s0 =	simm.s32 @!p1 $0x5  }
0x39: {  	[tilespmem:s31], [sflag:$0x5] =	stream.linear.gather @!p1 [hbm4b:s13+s2], $0x100, $0x38;
	[tilespmem:$0x1C200] =	vst v63  }
0x3a: {  	s29 =	sadd.s32 $0x2, s14;
	s30 =	smov.u32 s13;
	_ =	swait.ge @!p1 [sflag:s0], $0x100  }
0x3b: {  	s5 =	simm.s32 @!p1 $0x4200;
	s2 =	simm.s32 @!p1 $0x80;
	[sflag:s0] =	ssyncset.done @!p1 $0x0  }
.LBB2_2:
0x3c: {  	s28 =	sadd.s32 $0xFFFFFFFF, s28;
	[sflag:s0] =	ssyncadd.s32 @!p1 $0xFFFFFF00;
	s30 =	sadd.s32 $0x40, s30  }
0x3d: {  	[tilespmem:s5], [sflag:$0x2] =	stream.indirect.gather @!p1 [hbm4b:s4+s2], $0x80, s31, s2, $0xb8;
	[tilespmem:$0x1C200] =	vst v63  }
0x3e: {  	s0 =	sadd.s32 $0xFFFFFFFF, s29;
	p0 =	sne.s32 s28, $0x0;
	_ =	swait.ge [sflag:s21], $0x4000  }
0x3f: {  	p1 =	sge.u32 s0, s9;
	[sflag:s21] =	ssyncset.done $0x0  }
0x40: {  	s0 =	simm.s32 @!p1 $0x3;
	[sflag:s21] =	ssyncadd.s32 $0xFFFFC000  }
0x41: {  	[spmem:s1] =	stream.indirect.scatter.add.f32 [tilespmem:s18], [sflag:$0x3], $0x80, s17, s17, $0xb8;
	[tilespmem:$0x1C200] =	vst v63  }
0x42: {  	_ =	swait.ge @!p1 [sflag:s0], $0x4000  }
0x43: {  	s2 =	sadd.s32 @!p1 $0xFFFFFFE0, s30;
	s5 =	simm.s32 @!p1 $0x0;
	[sflag:s0] =	ssyncset.done @!p1 $0x0  }
0x44: {  	[sflag:s0] =	ssyncadd.s32 @!p1 $0xFFFFC000;
	s0 =	simm.s32 @!p1 $0x5  }
0x45: {  	[tilespmem:s5], [sflag:$0x5] =	stream.linear.gather @!p1 [hbm4b:s2+s5], $0x100, $0x38;
	[tilespmem:$0x1C200] =	vst v63  }
0x46: {  	_ =	swait.ge @!p1 [sflag:s0], $0x100  }
0x47: {  	s31 =	simm.s32 @!p1 $0x200;
	s2 =	simm.s32 @!p1 $0x80;
	[sflag:s0] =	ssyncset.done @!p1 $0x0  }
0x48: {  	[sflag:s0] =	ssyncadd.s32 @!p1 $0xFFFFFF00  }
0x49: {  	[tilespmem:s31], [sflag:$0x1] =	stream.indirect.gather @!p1 [hbm4b:s4+s2], $0x80, s5, s2, $0xb8;
	[tilespmem:$0x1C200] =	vst v63  }
0x4a: {  	_ =	swait.ge [sflag:s22], $0x4000  }
0x4b: {  	p1 =	sge.u32 s29, s9;
	[sflag:s22] =	ssyncset.done $0x0  }
0x4c: {  	s0 =	simm.s32 @!p1 $0x4;
	[sflag:s22] =	ssyncadd.s32 $0xFFFFC000  }
0x4d: {  	[spmem:s1] =	stream.indirect.scatter.add.f32 [tilespmem:s20], [sflag:$0x4], $0x80, s23, s17, $0xb8;
	[tilespmem:$0x1C200] =	vst v63  }
0x4e: {  	s31 =	simm.s32 @!p1 $0x100;
	_ =	swait.ge @!p1 [sflag:s0], $0x4000  }
.Ltmp1:
0x4f: {  	s2 =	simm.s32 @!p1 $0x0;
	[sflag:s0] =	ssyncset.done @!p1 $0x0;
	(pc) =	sbr.rel @p0 .LBB2_2-.Ltmp1, $4  }
0x50: {  	[sflag:s0] =	ssyncadd.s32 @!p1 $0xFFFFC000;
	s0 =	simm.s32 @!p1 $0x5  }
0x51: {  	[tilespmem:s31], [sflag:$0x5] =	stream.linear.gather @!p1 [hbm4b:s30+s2], $0x100, $0x38;
	[tilespmem:$0x1C200] =	vst v63  }
0x52: {  	s29 =	sadd.s32 $0x2, s29;
	_ =	swait.ge @!p1 [sflag:s0], $0x100  }
0x53: {  	s5 =	simm.s32 @!p1 $0x4200;
	s2 =	simm.s32 @!p1 $0x80;
	[sflag:s0] =	ssyncset.done @!p1 $0x0  }
.LBB2_3:
0x54: {  	[sflag:s0] =	ssyncadd.s32 @!p1 $0xFFFFFF00  }
0x55: {  	[tilespmem:s5], [sflag:$0x2] =	stream.indirect.gather @!p1 [hbm4b:s4+s2], $0x80, s31, s2, $0xb8;
	[tilespmem:$0x1C200] =	vst v63  }
0x56: {  	_ =	swait.ge [sflag:s24], $0x4000  }
0x57: {  	[sflag:s24] =	ssyncset.done $0x0  }
0x58: {  	[sflag:s24] =	ssyncadd.s32 $0xFFFFC000  }
0x59: {  	_ =	swait.ge [sflag:s25], $0x4000  }
0x5a: {  	s26 =	sadd.s32 $0x1, s26;
	[sflag:s25] =	ssyncset.done $0x0  }
0x5b: {  	p0 =	sne.s32 s26, s12;
	[sflag:s25] =	ssyncadd.s32 $0xFFFFC000  }
.Ltmp2:
0x5c: {  	[bflag:$0x0] =	sbarrier.arrive $0xFFFF;
	(pc) =	sbr.rel @p0 .LBB2_1-.Ltmp2, $4  }
0x5d: {  	[hbm:s11], [sflag:s7] =	dma.local [spmem:s15], $0x2800  }
0x5e: {  	_ =	swait.ge [sflag:s16], $0x2800  }
0x5f: {  	[sflag:s16] =	ssyncset.done $0x0  }
0x60: {  	[sflag:s16] =	ssyncadd.s32 $0xFFFFD800  }
0x61: {  	_ =	sfence.sel $0x180000  }
0x62: {  	[bflag:$0x0] =	sbarrier.arrive $0xFFFF  }
0x63: {  	_ =	strace $0x90000050  }
0x64: {  	s0 =	stileid.u32;
	[bflag:$0x2] =	sbarrier.arrive $0xFFFF  }
0x65: {  	p0 =	sne.s32 s0, $0x0;
	s0 =	rddreg [dreg:$0x3]  }
0x66: {  	s0 =	sadd.s32 @!p0 $0x100000, s0  }
0x67: {  	[sflag:s0] =	ssyncadd.tile.s32 @!p0 $0x1;
	_ =	shalt  }
.Lfunc_end2:
_tile_overlayer_lowered:
.L_overlay_start_2:
0x68: {  	(tag) =	ssettag $0x2  }
0x69: {  	s0 =	rddreg [dreg:$0x0];
	s2 =	stileid.u32  }
0x6a: {  	s1 =	rddreg [dreg:$0x1];
	p0 =	sne.s32 s2, $0x0  }
0x6b: {  	s3 =	rddreg [dreg:$0x2];
	[bflag:$0x3] =	sbarrier.arrive $0xFFFF;
	s2 =	simm.s32 @!p0 $0x1C05  }
0x6c: {  	[timem:s3], [sflag:s2] =	dma.local @!p0 [hbm:s0], s1  }
0x6d: {  	s0 =	simm.s32 @!p0 $0x5  }
0x6e: {  	_ =	swait.ge @!p0 [sflag:s0], s1  }
0x6f: {  	s1 =	ssub.s32 @!p0 $0x0, s1;
	[sflag:s0] =	ssyncset.done @!p0 $0x0  }
0x70: {  	[sflag:s0] =	ssyncadd.s32 @!p0 s1  }
0x71: {  	[bflag:$0x3] =	sbarrier.arrive $0xFFFF  }
0x72: {  	_ =	shalt  }

</sc_bundles>
